<compile_context>
chip_gen: v7x
topology: tpu7x:2x2x1
jax: 0.10.2.dev20260603
libtpu: 0.0.44.dev20260713+nightly
codegen_flags: <defaults>
</compile_context>

<pallas_src>
import functools

import numpy as np
import jax
import jax.numpy as jnp
from jax import lax
from jax.experimental import pallas as pl
from jax.experimental.pallas import tpu as pltpu
from jax.experimental.pallas import tpu_sc as plsc

N_NODES = 10000
HID = 128
NC = 2
NS = 16
LANES = 128
CHUNK = 80
IDX_ROWS = 8
EDGE_BLK = IDX_ROWS * CHUNK
ACC_ROWS = 10240
ROWS_PER_TILE = ACC_ROWS // NS


def _prelu(x, a):
    return jnp.where(x >= 0, x, a * x)



DEG_PANEL = ACC_ROWS // 8


def _seg_body(nblk, with_deg, table, src_i, dst_i, z128, *refs):
    if with_deg:
        (out, deg_out, acc, dacc, srcv, dstv, rowsa, rowsb, rowsc,
         ones1, dstage, sema, semb, semc, semd, seme,
         semf, semg, semh) = refs
    else:
        (out, acc, srcv, dstv, rowsa, rowsb, rowsc,
         sema, semb, semc, semd, seme, semf, semg, semh) = refs
    c = lax.axis_index("c")
    s = lax.axis_index("s")
    row0 = s * ROWS_PER_TILE
    nchunk = ROWS_PER_TILE // CHUNK
    pltpu.sync_copy(z128, rowsa)
    zdescs = [pltpu.async_copy(rowsa, acc.at[pl.ds(row0 + t * CHUNK, CHUNK)],
                               semc)
              for t in range(nchunk)]
    if with_deg:
        zero16 = jnp.zeros((16,), jnp.float32)
        for i in range(ROWS_PER_TILE // 16):
            dstage[pl.ds(i * 16, 16)] = zero16
        pltpu.sync_copy(dstage, dacc.at[pl.ds(row0, ROWS_PER_TILE)])
        one16 = jnp.ones((16,), jnp.float32)
        for i in range(CHUNK // 16):
            ones1[pl.ds(i * 16, 16)] = one16
    for d in zdescs:
        d.wait()
    plsc.subcore_barrier()

    idx_row_base = (c * NS + s) * (nblk * IDX_ROWS)
    bufs = (rowsa, rowsb, rowsc)
    sems = (sema, semb, seme)
    npair = nblk // 2

    def idx_load(blk, p):
        r = idx_row_base + blk * IDX_ROWS
        return (pltpu.async_copy(src_i.at[pl.ds(r, IDX_ROWS)], srcv.at[p],
                                 semc),
                pltpu.async_copy(dst_i.at[pl.ds(r, IDX_ROWS)], dstv.at[p],
                                 semd))

    idx_load(0, 0)

    ssems = (semf, semg, semh)

    def process(p):
        descs = [None] * IDX_ROWS
        sdescs = [None] * IDX_ROWS
        descs[0] = pltpu.async_copy(table.at[srcv.at[p, 0]], bufs[0], sems[0])
        descs[1] = pltpu.async_copy(table.at[srcv.at[p, 1]], bufs[1], sems[1])
        for j in range(IDX_ROWS):
            if j + 2 < IDX_ROWS:
                if j >= 1:
                    sdescs[j - 1].wait()
                descs[j + 2] = pltpu.async_copy(
                    table.at[srcv.at[p, j + 2]], bufs[(j + 2) % 3],
                    sems[(j + 2) % 3])
            descs[j].wait()
            sdescs[j] = pltpu.async_copy(bufs[j % 3], acc.at[dstv.at[p, j]],
                                         ssems[j % 3], add=True)
            if with_deg:
                pltpu.sync_copy(ones1, dacc.at[dstv.at[p, j]], add=True)
        for j in range(max(IDX_ROWS - 3, 1), IDX_ROWS):
            sdescs[j].wait()

    def idx_drain(p):
        pltpu.make_async_copy(src_i.at[pl.ds(0, IDX_ROWS)], srcv.at[p],
                              semc).wait()
        pltpu.make_async_copy(dst_i.at[pl.ds(0, IDX_ROWS)], dstv.at[p],
                              semd).wait()

    @pl.loop(0, npair)
    def _outer(bb):
        b0 = bb * 2
        idx_load(b0 + 1, 1)
        idx_drain(0)
        process(0)
        idx_load(b0 + 2, 0)
        idx_drain(1)
        process(1)

    idx_drain(0)
    plsc.subcore_barrier()
    base = c * ACC_ROWS + row0
    loads = [None] * nchunk
    outs = [None] * nchunk
    loads[0] = pltpu.async_copy(acc.at[pl.ds(row0, CHUNK)], rowsa, sema)
    for t in range(nchunk):
        bt = bufs[t % 2]
        if t + 1 < nchunk:
            if t >= 1:
                outs[t - 1].wait()
            loads[t + 1] = pltpu.async_copy(
                acc.at[pl.ds(row0 + (t + 1) * CHUNK, CHUNK)],
                bufs[(t + 1) % 2], sems[(t + 1) % 2])
        loads[t].wait()
        outs[t] = pltpu.async_copy(bt, out.at[pl.ds(base + t * CHUNK, CHUNK)],
                                   semc if t % 2 == 0 else semd)
    outs[nchunk - 2].wait()
    outs[nchunk - 1].wait()
    if with_deg:
        pltpu.sync_copy(dacc.at[pl.ds(row0, ROWS_PER_TILE)], dstage)
        pltpu.sync_copy(dstage, deg_out.at[pl.ds(base, ROWS_PER_TILE)])


def _make_seg_kernel(n_edges_pad, with_deg):
    nblk = n_edges_pad // (NC * NS * EDGE_BLK)
    mesh = plsc.VectorSubcoreMesh(core_axis_name="c", subcore_axis_name="s")
    outs = [jax.ShapeDtypeStruct((NC * ACC_ROWS, HID), jnp.float32)]
    scratch = [
        pltpu.VMEM_SHARED((ACC_ROWS, HID), jnp.float32),
    ]
    if with_deg:
        outs.append(jax.ShapeDtypeStruct((NC * ACC_ROWS,), jnp.float32))
        scratch.append(pltpu.VMEM_SHARED((ACC_ROWS,), jnp.float32))
    scratch += [
        pltpu.VMEM((2, IDX_ROWS, CHUNK), jnp.int32),
        pltpu.VMEM((2, IDX_ROWS, CHUNK), jnp.int32),
        pltpu.VMEM((CHUNK, HID), jnp.float32),
        pltpu.VMEM((CHUNK, HID), jnp.float32),
        pltpu.VMEM((CHUNK, HID), jnp.float32),
    ]
    if with_deg:
        scratch += [
            pltpu.VMEM((CHUNK,), jnp.float32),
            pltpu.VMEM((ROWS_PER_TILE,), jnp.float32),
        ]
    scratch += [pltpu.SemaphoreType.DMA] * 8
    return pl.kernel(
        functools.partial(_seg_body, nblk, with_deg),
        out_type=tuple(outs) if with_deg else outs[0],
        mesh=mesh,
        scratch_types=scratch,
    )



def _stage_a_body(x, wf, ba, wt, bt, w1, b1, wr, br, a, g1, r):
    av = a[0, 0]
    e = _prelu(jnp.dot(x[...], wf[...], preferred_element_type=jnp.float32)
               + ba[...], av)
    h0 = _prelu(jnp.dot(e, wt[...], preferred_element_type=jnp.float32)
                + bt[...], av)
    g1[...] = jnp.dot(h0, w1[...], preferred_element_type=jnp.float32) + b1[...]
    r[...] = jnp.dot(h0, wr[...], preferred_element_type=jnp.float32) + br[...]


def _stage_b_body(sp, dp, w2, b2, g2):
    ssum = sp[0] + sp[1]
    deg = jnp.maximum(dp[0] + dp[1], 1.0)
    h = jnp.maximum(ssum / deg, 0.0)
    g2[...] = jnp.dot(h, w2[...], preferred_element_type=jnp.float32) + b2[...]


def _stage_c_body(sp, dp, r, wp1, bp1, wp2, bp2, out):
    ssum = sp[0] + sp[1]
    deg = jnp.maximum(dp[0] + dp[1], 1.0)
    h2 = jnp.maximum(ssum / deg, 0.0)
    t = h2 + r[...]
    p = jnp.maximum(jnp.dot(t, wp1[...], preferred_element_type=jnp.float32)
                    + bp1[...], 0.0)
    out[...] = jnp.dot(p, wp2[...], preferred_element_type=jnp.float32) + bp2[...]


def _full(shape):
    return pl.BlockSpec(shape, lambda i: tuple(0 for _ in shape))


def kernel(x, edge_index, edge_type, W_des, b_des, W_num, b_num, W_cat, b_cat,
           W_tot, b_tot, a_emb, W1, b1, W2, b2, Wr, br, Wp1, bp1, Wp2, bp2):
    del edge_type
    f32 = jnp.float32
    n = x.shape[0]
    k = x.shape[1]

    num_idx = np.array([4, 6, 7, 8, 10, 11, 12, 13, 14, 15])
    cat_idx = np.array([1, 2, 3, 5, 9, 16, 17, 18, 19, 20])
    ktop = k - 768
    m_num = np.zeros((ktop, 10), np.float32)
    m_num[num_idx, np.arange(10)] = 1.0
    m_cat = np.zeros((ktop, 10), np.float32)
    m_cat[cat_idx, np.arange(10)] = 1.0
    top = jnp.concatenate(
        [jnp.zeros((ktop, 96), f32), jnp.asarray(m_num) @ W_num,
         jnp.asarray(m_cat) @ W_cat], axis=1)
    bot = jnp.concatenate([W_des, jnp.zeros((768, 32), f32)], axis=1)
    wf = jnp.concatenate([top, bot], axis=0)
    ba = jnp.concatenate([b_des, b_num, b_cat]).reshape(1, HID)

    bm = 1000
    grid = (n // bm,)
    row_spec = pl.BlockSpec((bm, HID), lambda i: (i, 0))
    g1, r = pl.pallas_call(
        _stage_a_body,
        grid=grid,
        in_specs=[pl.BlockSpec((bm, k), lambda i: (i, 0)),
                  _full((k, HID)), _full((1, HID)),
                  _full((HID, HID)), _full((1, HID)),
                  _full((HID, HID)), _full((1, HID)),
                  _full((HID, HID)), _full((1, HID)),
                  _full((1, 1))],
        out_specs=[row_spec, row_spec],
        out_shape=[jax.ShapeDtypeStruct((n, HID), f32),
                   jax.ShapeDtypeStruct((n, HID), f32)],
    )(x, wf, ba, W_tot, b_tot.reshape(1, HID), W1, b1.reshape(1, HID),
      Wr, br.reshape(1, HID), a_emb.reshape(1, 1))

    src = edge_index[0]
    dst = edge_index[1]
    n_edges = src.shape[0]
    epad = ((n_edges + NC * NS * EDGE_BLK - 1) // (NC * NS * EDGE_BLK)
            * (NC * NS * EDGE_BLK))
    npad = epad - n_edges
    extra = IDX_ROWS * CHUNK
    pad_i = np.arange(npad + extra, dtype=np.int32)
    pad_src = jnp.asarray(pad_i % N_NODES)
    pad_dst = jnp.asarray(N_NODES + pad_i % (ACC_ROWS - N_NODES))
    src_p = jnp.concatenate([src, pad_src]).reshape(-1, CHUNK)
    dst_p = jnp.concatenate([dst, pad_dst]).reshape(-1, CHUNK)

    z128 = jnp.zeros((CHUNK, HID), f32)

    s1, deg1 = _make_seg_kernel(epad, True)(g1, src_p, dst_p, z128)
    s1 = s1.reshape(NC, ACC_ROWS, HID)
    deg1 = deg1.reshape(NC, ACC_ROWS, 1)

    bm2 = 1024
    grid2 = (ACC_ROWS // bm2,)
    g2 = pl.pallas_call(
        _stage_b_body,
        grid=grid2,
        in_specs=[pl.BlockSpec((NC, bm2, HID), lambda i: (0, i, 0)),
                  pl.BlockSpec((NC, bm2, 1), lambda i: (0, i, 0)),
                  _full((HID, HID)), _full((1, HID))],
        out_specs=pl.BlockSpec((bm2, HID), lambda i: (i, 0)),
        out_shape=jax.ShapeDtypeStruct((ACC_ROWS, HID), f32),
    )(s1, deg1, W2, b2.reshape(1, HID))

    s2 = _make_seg_kernel(epad, False)(g2, src_p, dst_p, z128)
    s2 = s2.reshape(NC, ACC_ROWS, HID)

    wp2 = jnp.zeros((HID, HID), f32).at[:, :2].set(Wp2)
    bp2p = jnp.zeros((1, HID), f32).at[0, :2].set(bp2)
    out = pl.pallas_call(
        _stage_c_body,
        grid=grid,
        in_specs=[pl.BlockSpec((NC, bm, HID), lambda i: (0, i, 0)),
                  pl.BlockSpec((NC, bm, 1), lambda i: (0, i, 0)),
                  row_spec,
                  _full((HID, HID)), _full((1, HID)),
                  _full((HID, HID)), _full((1, HID))],
        out_specs=row_spec,
        out_shape=jax.ShapeDtypeStruct((n, HID), f32),
    )(s2, deg1, r, Wp1, bp1.reshape(1, HID), wp2, bp2p)

    return out[:, :2]

# --- scband reference (transcript-rebuilt; emitter-appended) ---
"""Pipeline reference for scband-gnn-model-47562467835953 (READ-ONLY COPY).

The authoritative reference and input builder live on the scoring server;
editing this copy changes nothing except your own understanding.
"""

import jax, jax.numpy as jnp
import numpy as np

N_NODES = 10000
N_EDGES = 640000
HID = 128


def _kaiming(k, fan_in, shape):
    return jax.random.normal(k, shape, dtype=jnp.float32) * jnp.sqrt(2.0 / fan_in)


def setup_inputs(seed: int = 0) -> dict:
    key = jax.random.key(seed)
    ks = jax.random.split(key, 16)
    inp = {}
    inp["x"] = jax.random.normal(ks[0], (N_NODES, 789), dtype=jnp.float32)
    inp["edge_index"] = jax.random.randint(ks[1], (2, N_EDGES), 0, N_NODES, dtype=jnp.int32)
    inp["edge_type"] = jax.random.randint(ks[2], (N_EDGES,), 0, 7, dtype=jnp.int32)
    # NodeFeatureEmbeddingLayerMGTAB params (hidden_dim=128)
    inp["W_des"] = _kaiming(ks[3], 768, (768, 96))
    inp["b_des"] = jnp.zeros((96,), jnp.float32)
    inp["W_num"] = _kaiming(ks[4], 10, (10, 16))
    inp["b_num"] = jnp.zeros((16,), jnp.float32)
    inp["W_cat"] = _kaiming(ks[5], 10, (10, 16))
    inp["b_cat"] = jnp.zeros((16,), jnp.float32)
    inp["W_tot"] = _kaiming(ks[6], HID, (HID, HID))
    inp["b_tot"] = jnp.zeros((HID,), jnp.float32)
    inp["a_emb"] = jnp.array(0.25, dtype=jnp.float32)  # shared PReLU param
    # two gcn-mean conv layers (128 -> 128)
    inp["W1"] = _kaiming(ks[7], HID, (HID, HID))
    inp["b1"] = jnp.zeros((HID,), jnp.float32)
    inp["W2"] = _kaiming(ks[8], HID, (HID, HID))
    inp["b2"] = jnp.zeros((HID,), jnp.float32)
    # residual linear 128 -> 128
    inp["Wr"] = _kaiming(ks[9], HID, (HID, HID))
    inp["br"] = jnp.zeros((HID,), jnp.float32)
    # projection head 128 -> 128 -> 2
    inp["Wp1"] = _kaiming(ks[10], HID, (HID, HID))
    inp["bp1"] = jnp.zeros((HID,), jnp.float32)
    inp["Wp2"] = _kaiming(ks[11], HID, (HID, 2))
    inp["bp2"] = jnp.zeros((2,), jnp.float32)
    return inp


def _prelu(x, a):
    return jnp.where(x >= 0, x, a * x)


def reference(x, edge_index, edge_type, W_des, b_des, W_num, b_num, W_cat, b_cat,
              W_tot, b_tot, a_emb, W1, b1, W2, b2, Wr, br, Wp1, bp1, Wp2, bp2):
    num_idx = jnp.array([4, 6, 7, 8, 10, 11, 12, 13, 14, 15])
    cat_idx = jnp.array([1, 2, 3, 5, 9, 16, 17, 18, 19, 20])
    # NodeFeatureEmbeddingLayerMGTAB (dropout is identity in eval)
    d = _prelu(x[:, -768:] @ W_des + b_des, a_emb)
    n = _prelu(x[:, num_idx] @ W_num + b_num, a_emb)
    c = _prelu(x[:, cat_idx] @ W_cat + b_cat, a_emb)
    h = jnp.concatenate([d, n, c], axis=1)
    h = _prelu(h @ W_tot + b_tot, a_emb)
    residual = h
    src = edge_index[0]
    dst = edge_index[1]
    n_nodes = x.shape[0]
    deg = jax.ops.segment_sum(jnp.ones((src.shape[0],), jnp.float32), dst, num_segments=n_nodes)
    deg = jnp.clip(deg, 1.0, None)
    for (W, b) in ((W1, b1), (W2, b2)):
        msg = (h @ W + b)[src]  # gather source features after linear
        h = jax.ops.segment_sum(msg, dst, num_segments=n_nodes) / deg[:, None]  # scatter-mean
        h = jax.nn.relu(h)
    residual = residual @ Wr + br
    h = h + residual
    h = jax.nn.relu(h @ Wp1 + bp1) @ Wp2 + bp2
    return h

if __name__ == "__main__":
    import jax
    _d = setup_inputs()
    print(jax.jit(kernel)(*tuple(_d.values())))

</pallas_src>

<mosaic_0001>
#map = affine_map<(d0, d1) -> (0, 0)>
#map1 = affine_map<(d0, d1) -> (0)>
module attributes {stable_mosaic.version = 14 : i64} {
  func.func @_seg_body(%arg0: i32, %arg1: i32, %arg2: memref<10000x128xf32, #tpu.memory_space<hbm>>, %arg3: memref<8200x80xi32, #tpu.memory_space<hbm>>, %arg4: memref<8200x80xi32, #tpu.memory_space<hbm>>, %arg5: memref<80x128xf32, #tpu.memory_space<hbm>>, %arg6: memref<20480x128xf32, #tpu.memory_space<hbm>>, %arg7: memref<20480xf32, #tpu.memory_space<hbm>>, %arg8: memref<10240x128xf32, #tpu.memory_space<vmem_shared>>, %arg9: memref<10240xf32, #tpu.memory_space<vmem_shared>>, %arg10: memref<2x8x80xi32, #tpu.memory_space<vmem>>, %arg11: memref<2x8x80xi32, #tpu.memory_space<vmem>>, %arg12: memref<80x128xf32, #tpu.memory_space<vmem>>, %arg13: memref<80x128xf32, #tpu.memory_space<vmem>>, %arg14: memref<80x128xf32, #tpu.memory_space<vmem>>, %arg15: memref<80xf32, #tpu.memory_space<vmem>>, %arg16: memref<640xf32, #tpu.memory_space<vmem>>, %arg17: memref<!tpu.dma_semaphore, #tpu.memory_space<semaphore_mem>>, %arg18: memref<!tpu.dma_semaphore, #tpu.memory_space<semaphore_mem>>, %arg19: memref<!tpu.dma_semaphore, #tpu.memory_space<semaphore_mem>>, %arg20: memref<!tpu.dma_semaphore, #tpu.memory_space<semaphore_mem>>, %arg21: memref<!tpu.dma_semaphore, #tpu.memory_space<semaphore_mem>>, %arg22: memref<!tpu.dma_semaphore, #tpu.memory_space<semaphore_mem>>, %arg23: memref<!tpu.dma_semaphore, #tpu.memory_space<semaphore_mem>>, %arg24: memref<!tpu.dma_semaphore, #tpu.memory_space<semaphore_mem>>) attributes {dimension_semantics = [#tpu.dimension_semantics<core_parallel>, #tpu.dimension_semantics<subcore_parallel>], iteration_bounds = array<i64: 2, 16>, scalar_prefetch = 0 : i64, scratch_operands = 17 : i64, tpu.core_type = #tpu.core_type<sc_vector_subcore>, window_params = [{transform_indices = #map}, {transform_indices = #map}, {transform_indices = #map}, {transform_indices = #map}, {transform_indices = #map}, {transform_indices = #map1}]} {
    %mul3A = arith.constant 640 : i32
    %mul3A_0 = arith.muli %arg1, %mul3A : i32
    "tpu.region"() ({
      %run_scoped3A = tpu.sem_alloc : memref<!tpu.dma_semaphore, #tpu.memory_space<semaphore_mem>>
      tpu.enqueue_dma source(%arg5 : memref<80x128xf32, #tpu.memory_space<hbm>>) target(%arg12 : memref<80x128xf32, #tpu.memory_space<vmem>>) target_semaphore(%run_scoped3A : memref<!tpu.dma_semaphore, #tpu.memory_space<semaphore_mem>>)
      tpu.wait_dma2 semaphore(%run_scoped3A : memref<!tpu.dma_semaphore, #tpu.memory_space<semaphore_mem>>) src(%arg5 : memref<80x128xf32, #tpu.memory_space<hbm>>) dst(%arg12 : memref<80x128xf32, #tpu.memory_space<vmem>>)
      tpu.yield
    }) : () -> ()
    %add3A = arith.constant 0 : i32
    %add3A_1 = arith.addi %mul3A_0, %add3A : i32
    %dma_start3A = arith.constant 0 : i32
    %dma_start3A_2 = tpu.memref_slice %arg8[%add3A_1, %dma_start3A] : memref<10240x128xf32, #tpu.memory_space<vmem_shared>> -> memref<80x128xf32, #tpu.memory_space<vmem_shared>>
    %dma_start3A_3 = arith.constant 0 : i32
    %dma_start3A_4 = tpu.memref_slice %arg8[%add3A_1, %dma_start3A_3] : memref<10240x128xf32, #tpu.memory_space<vmem_shared>> -> memref<80x128xf32, #tpu.memory_space<vmem_shared>>
    tpu.enqueue_dma source(%arg12 : memref<80x128xf32, #tpu.memory_space<vmem>>) target(%dma_start3A_4 : memref<80x128xf32, #tpu.memory_space<vmem_shared>>) target_semaphore(%arg19 : memref<!tpu.dma_semaphore, #tpu.memory_space<semaphore_mem>>)
    %add3A_5 = arith.constant 80 : i32
    %add3A_6 = arith.addi %mul3A_0, %add3A_5 : i32
    %dma_start3A_7 = arith.constant 0 : i32
    %dma_start3A_8 = tpu.memref_slice %arg8[%add3A_6, %dma_start3A_7] : memref<10240x128xf32, #tpu.memory_space<vmem_shared>> -> memref<80x128xf32, #tpu.memory_space<vmem_shared>>
    %dma_start3A_9 = arith.constant 0 : i32
    %dma_start3A_10 = tpu.memref_slice %arg8[%add3A_6, %dma_start3A_9] : memref<10240x128xf32, #tpu.memory_space<vmem_shared>> -> memref<80x128xf32, #tpu.memory_space<vmem_shared>>
    tpu.enqueue_dma source(%arg12 : memref<80x128xf32, #tpu.memory_space<vmem>>) target(%dma_start3A_10 : memref<80x128xf32, #tpu.memory_space<vmem_shared>>) target_semaphore(%arg19 : memref<!tpu.dma_semaphore, #tpu.memory_space<semaphore_mem>>)
    %add3A_11 = arith.constant 160 : i32
    %add3A_12 = arith.addi %mul3A_0, %add3A_11 : i32
    %dma_start3A_13 = arith.constant 0 : i32
    %dma_start3A_14 = tpu.memref_slice %arg8[%add3A_12, %dma_start3A_13] : memref<10240x128xf32, #tpu.memory_space<vmem_shared>> -> memref<80x128xf32, #tpu.memory_space<vmem_shared>>
    %dma_start3A_15 = arith.constant 0 : i32
    %dma_start3A_16 = tpu.memref_slice %arg8[%add3A_12, %dma_start3A_15] : memref<10240x128xf32, #tpu.memory_space<vmem_shared>> -> memref<80x128xf32, #tpu.memory_space<vmem_shared>>
    tpu.enqueue_dma source(%arg12 : memref<80x128xf32, #tpu.memory_space<vmem>>) target(%dma_start3A_16 : memref<80x128xf32, #tpu.memory_space<vmem_shared>>) target_semaphore(%arg19 : memref<!tpu.dma_semaphore, #tpu.memory_space<semaphore_mem>>)
    %add3A_17 = arith.constant 240 : i32
    %add3A_18 = arith.addi %mul3A_0, %add3A_17 : i32
    %dma_start3A_19 = arith.constant 0 : i32
    %dma_start3A_20 = tpu.memref_slice %arg8[%add3A_18, %dma_start3A_19] : memref<10240x128xf32, #tpu.memory_space<vmem_shared>> -> memref<80x128xf32, #tpu.memory_space<vmem_shared>>
    %dma_start3A_21 = arith.constant 0 : i32
    %dma_start3A_22 = tpu.memref_slice %arg8[%add3A_18, %dma_start3A_21] : memref<10240x128xf32, #tpu.memory_space<vmem_shared>> -> memref<80x128xf32, #tpu.memory_space<vmem_shared>>
    tpu.enqueue_dma source(%arg12 : memref<80x128xf32, #tpu.memory_space<vmem>>) target(%dma_start3A_22 : memref<80x128xf32, #tpu.memory_space<vmem_shared>>) target_semaphore(%arg19 : memref<!tpu.dma_semaphore, #tpu.memory_space<semaphore_mem>>)
    %add3A_23 = arith.constant 320 : i32
    %add3A_24 = arith.addi %mul3A_0, %add3A_23 : i32
    %dma_start3A_25 = arith.constant 0 : i32
    %dma_start3A_26 = tpu.memref_slice %arg8[%add3A_24, %dma_start3A_25] : memref<10240x128xf32, #tpu.memory_space<vmem_shared>> -> memref<80x128xf32, #tpu.memory_space<vmem_shared>>
    %dma_start3A_27 = arith.constant 0 : i32
    %dma_start3A_28 = tpu.memref_slice %arg8[%add3A_24, %dma_start3A_27] : memref<10240x128xf32, #tpu.memory_space<vmem_shared>> -> memref<80x128xf32, #tpu.memory_space<vmem_shared>>
    tpu.enqueue_dma source(%arg12 : memref<80x128xf32, #tpu.memory_space<vmem>>) target(%dma_start3A_28 : memref<80x128xf32, #tpu.memory_space<vmem_shared>>) target_semaphore(%arg19 : memref<!tpu.dma_semaphore, #tpu.memory_space<semaphore_mem>>)
    %add3A_29 = arith.constant 400 : i32
    %add3A_30 = arith.addi %mul3A_0, %add3A_29 : i32
    %dma_start3A_31 = arith.constant 0 : i32
    %dma_start3A_32 = tpu.memref_slice %arg8[%add3A_30, %dma_start3A_31] : memref<10240x128xf32, #tpu.memory_space<vmem_shared>> -> memref<80x128xf32, #tpu.memory_space<vmem_shared>>
    %dma_start3A_33 = arith.constant 0 : i32
    %dma_start3A_34 = tpu.memref_slice %arg8[%add3A_30, %dma_start3A_33] : memref<10240x128xf32, #tpu.memory_space<vmem_shared>> -> memref<80x128xf32, #tpu.memory_space<vmem_shared>>
    tpu.enqueue_dma source(%arg12 : memref<80x128xf32, #tpu.memory_space<vmem>>) target(%dma_start3A_34 : memref<80x128xf32, #tpu.memory_space<vmem_shared>>) target_semaphore(%arg19 : memref<!tpu.dma_semaphore, #tpu.memory_space<semaphore_mem>>)
    %add3A_35 = arith.constant 480 : i32
    %add3A_36 = arith.addi %mul3A_0, %add3A_35 : i32
    %dma_start3A_37 = arith.constant 0 : i32
    %dma_start3A_38 = tpu.memref_slice %arg8[%add3A_36, %dma_start3A_37] : memref<10240x128xf32, #tpu.memory_space<vmem_shared>> -> memref<80x128xf32, #tpu.memory_space<vmem_shared>>
    %dma_start3A_39 = arith.constant 0 : i32
    %dma_start3A_40 = tpu.memref_slice %arg8[%add3A_36, %dma_start3A_39] : memref<10240x128xf32, #tpu.memory_space<vmem_shared>> -> memref<80x128xf32, #tpu.memory_space<vmem_shared>>
    tpu.enqueue_dma source(%arg12 : memref<80x128xf32, #tpu.memory_space<vmem>>) target(%dma_start3A_40 : memref<80x128xf32, #tpu.memory_space<vmem_shared>>) target_semaphore(%arg19 : memref<!tpu.dma_semaphore, #tpu.memory_space<semaphore_mem>>)
    %add3A_41 = arith.constant 560 : i32
    %add3A_42 = arith.addi %mul3A_0, %add3A_41 : i32
    %dma_start3A_43 = arith.constant 0 : i32
    %dma_start3A_44 = tpu.memref_slice %arg8[%add3A_42, %dma_start3A_43] : memref<10240x128xf32, #tpu.memory_space<vmem_shared>> -> memref<80x128xf32, #tpu.memory_space<vmem_shared>>
    %dma_start3A_45 = arith.constant 0 : i32
    %dma_start3A_46 = tpu.memref_slice %arg8[%add3A_42, %dma_start3A_45] : memref<10240x128xf32, #tpu.memory_space<vmem_shared>> -> memref<80x128xf32, #tpu.memory_space<vmem_shared>>
    tpu.enqueue_dma source(%arg12 : memref<80x128xf32, #tpu.memory_space<vmem>>) target(%dma_start3A_46 : memref<80x128xf32, #tpu.memory_space<vmem_shared>>) target_semaphore(%arg19 : memref<!tpu.dma_semaphore, #tpu.memory_space<semaphore_mem>>)
    %broadcast_in_dim3A = arith.constant 0.000000e+00 : f32
    %broadcast_in_dim3A_47 = vector.broadcast %broadcast_in_dim3A : f32 to vector<16xf32>
    %swap3A = arith.constant 0 : index
    %swap3A_48 = tpu.vector_load %arg16[%swap3A] {strides = array<i32>} : memref<640xf32, #tpu.memory_space<vmem>>, vector<16xf32>,
    %swap3A_49 = vector.shape_cast %swap3A_48 : vector<16xf32> to vector<16xf32>
    %swap3A_50 = vector.shape_cast %broadcast_in_dim3A_47 : vector<16xf32> to vector<16xf32>
    tpu.vector_store %arg16[%swap3A], %swap3A_50 {strides = array<i32>} : memref<640xf32, #tpu.memory_space<vmem>>, vector<16xf32>,
    %swap3A_51 = arith.constant 16 : index
    %swap3A_52 = tpu.vector_load %arg16[%swap3A_51] {strides = array<i32>} : memref<640xf32, #tpu.memory_space<vmem>>, vector<16xf32>,
    %swap3A_53 = vector.shape_cast %swap3A_52 : vector<16xf32> to vector<16xf32>
    %swap3A_54 = vector.shape_cast %broadcast_in_dim3A_47 : vector<16xf32> to vector<16xf32>
    tpu.vector_store %arg16[%swap3A_51], %swap3A_54 {strides = array<i32>} : memref<640xf32, #tpu.memory_space<vmem>>, vector<16xf32>,
    %swap3A_55 = arith.constant 32 : index
    %swap3A_56 = tpu.vector_load %arg16[%swap3A_55] {strides = array<i32>} : memref<640xf32, #tpu.memory_space<vmem>>, vector<16xf32>,
    %swap3A_57 = vector.shape_cast %swap3A_56 : vector<16xf32> to vector<16xf32>
    %swap3A_58 = vector.shape_cast %broadcast_in_dim3A_47 : vector<16xf32> to vector<16xf32>
    tpu.vector_store %arg16[%swap3A_55], %swap3A_58 {strides = array<i32>} : memref<640xf32, #tpu.memory_space<vmem>>, vector<16xf32>,
    %swap3A_59 = arith.constant 48 : index
    %swap3A_60 = tpu.vector_load %arg16[%swap3A_59] {strides = array<i32>} : memref<640xf32, #tpu.memory_space<vmem>>, vector<16xf32>,
    %swap3A_61 = vector.shape_cast %swap3A_60 : vector<16xf32> to vector<16xf32>
    %swap3A_62 = vector.shape_cast %broadcast_in_dim3A_47 : vector<16xf32> to vector<16xf32>
    tpu.vector_store %arg16[%swap3A_59], %swap3A_62 {strides = array<i32>} : memref<640xf32, #tpu.memory_space<vmem>>, vector<16xf32>,
    %swap3A_63 = arith.constant 64 : index
    %swap3A_64 = tpu.vector_load %arg16[%swap3A_63] {strides = array<i32>} : memref<640xf32, #tpu.memory_space<vmem>>, vector<16xf32>,
    %swap3A_65 = vector.shape_cast %swap3A_64 : vector<16xf32> to vector<16xf32>
    %swap3A_66 = vector.shape_cast %broadcast_in_dim3A_47 : vector<16xf32> to vector<16xf32>
    tpu.vector_store %arg16[%swap3A_63], %swap3A_66 {strides = array<i32>} : memref<640xf32, #tpu.memory_space<vmem>>, vector<16xf32>,
    %swap3A_67 = arith.constant 80 : index
    %swap3A_68 = tpu.vector_load %arg16[%swap3A_67] {strides = array<i32>} : memref<640xf32, #tpu.memory_space<vmem>>, vector<16xf32>,
    %swap3A_69 = vector.shape_cast %swap3A_68 : vector<16xf32> to vector<16xf32>
    %swap3A_70 = vector.shape_cast %broadcast_in_dim3A_47 : vector<16xf32> to vector<16xf32>
    tpu.vector_store %arg16[%swap3A_67], %swap3A_70 {strides = array<i32>} : memref<640xf32, #tpu.memory_space<vmem>>, vector<16xf32>,
    %swap3A_71 = arith.constant 96 : index
    %swap3A_72 = tpu.vector_load %arg16[%swap3A_71] {strides = array<i32>} : memref<640xf32, #tpu.memory_space<vmem>>, vector<16xf32>,
    %swap3A_73 = vector.shape_cast %swap3A_72 : vector<16xf32> to vector<16xf32>
    %swap3A_74 = vector.shape_cast %broadcast_in_dim3A_47 : vector<16xf32> to vector<16xf32>
    tpu.vector_store %arg16[%swap3A_71], %swap3A_74 {strides = array<i32>} : memref<640xf32, #tpu.memory_space<vmem>>, vector<16xf32>,
    %swap3A_75 = arith.constant 112 : index
    %swap3A_76 = tpu.vector_load %arg16[%swap3A_75] {strides = array<i32>} : memref<640xf32, #tpu.memory_space<vmem>>, vector<16xf32>,
    %swap3A_77 = vector.shape_cast %swap3A_76 : vector<16xf32> to vector<16xf32>
    %swap3A_78 = vector.shape_cast %broadcast_in_dim3A_47 : vector<16xf32> to vector<16xf32>
    tpu.vector_store %arg16[%swap3A_75], %swap3A_78 {strides = array<i32>} : memref<640xf32, #tpu.memory_space<vmem>>, vector<16xf32>,
    %swap3A_79 = arith.constant 128 : index
    %swap3A_80 = tpu.vector_load %arg16[%swap3A_79] {strides = array<i32>} : memref<640xf32, #tpu.memory_space<vmem>>, vector<16xf32>,
    %swap3A_81 = vector.shape_cast %swap3A_80 : vector<16xf32> to vector<16xf32>
    %swap3A_82 = vector.shape_cast %broadcast_in_dim3A_47 : vector<16xf32> to vector<16xf32>
    tpu.vector_store %arg16[%swap3A_79], %swap3A_82 {strides = array<i32>} : memref<640xf32, #tpu.memory_space<vmem>>, vector<16xf32>,
    %swap3A_83 = arith.constant 144 : index
    %swap3A_84 = tpu.vector_load %arg16[%swap3A_83] {strides = array<i32>} : memref<640xf32, #tpu.memory_space<vmem>>, vector<16xf32>,
    %swap3A_85 = vector.shape_cast %swap3A_84 : vector<16xf32> to vector<16xf32>
    %swap3A_86 = vector.shape_cast %broadcast_in_dim3A_47 : vector<16xf32> to vector<16xf32>
    tpu.vector_store %arg16[%swap3A_83], %swap3A_86 {strides = array<i32>} : memref<640xf32, #tpu.memory_space<vmem>>, vector<16xf32>,
    %swap3A_87 = arith.constant 160 : index
    %swap3A_88 = tpu.vector_load %arg16[%swap3A_87] {strides = array<i32>} : memref<640xf32, #tpu.memory_space<vmem>>, vector<16xf32>,
    %swap3A_89 = vector.shape_cast %swap3A_88 : vector<16xf32> to vector<16xf32>
    %swap3A_90 = vector.shape_cast %broadcast_in_dim3A_47 : vector<16xf32> to vector<16xf32>
    tpu.vector_store %arg16[%swap3A_87], %swap3A_90 {strides = array<i32>} : memref<640xf32, #tpu.memory_space<vmem>>, vector<16xf32>,
    %swap3A_91 = arith.constant 176 : index
    %swap3A_92 = tpu.vector_load %arg16[%swap3A_91] {strides = array<i32>} : memref<640xf32, #tpu.memory_space<vmem>>, vector<16xf32>,
    %swap3A_93 = vector.shape_cast %swap3A_92 : vector<16xf32> to vector<16xf32>
    %swap3A_94 = vector.shape_cast %broadcast_in_dim3A_47 : vector<16xf32> to vector<16xf32>
    tpu.vector_store %arg16[%swap3A_91], %swap3A_94 {strides = array<i32>} : memref<640xf32, #tpu.memory_space<vmem>>, vector<16xf32>,
    %swap3A_95 = arith.constant 192 : index
    %swap3A_96 = tpu.vector_load %arg16[%swap3A_95] {strides = array<i32>} : memref<640xf32, #tpu.memory_space<vmem>>, vector<16xf32>,
    %swap3A_97 = vector.shape_cast %swap3A_96 : vector<16xf32> to vector<16xf32>
    %swap3A_98 = vector.shape_cast %broadcast_in_dim3A_47 : vector<16xf32> to vector<16xf32>
    tpu.vector_store %arg16[%swap3A_95], %swap3A_98 {strides = array<i32>} : memref<640xf32, #tpu.memory_space<vmem>>, vector<16xf32>,
    %swap3A_99 = arith.constant 208 : index
    %swap3A_100 = tpu.vector_load %arg16[%swap3A_99] {strides = array<i32>} : memref<640xf32, #tpu.memory_space<vmem>>, vector<16xf32>,
    %swap3A_101 = vector.shape_cast %swap3A_100 : vector<16xf32> to vector<16xf32>
    %swap3A_102 = vector.shape_cast %broadcast_in_dim3A_47 : vector<16xf32> to vector<16xf32>
    tpu.vector_store %arg16[%swap3A_99], %swap3A_102 {strides = array<i32>} : memref<640xf32, #tpu.memory_space<vmem>>, vector<16xf32>,
    %swap3A_103 = arith.constant 224 : index
    %swap3A_104 = tpu.vector_load %arg16[%swap3A_103] {strides = array<i32>} : memref<640xf32, #tpu.memory_space<vmem>>, vector<16xf32>,
    %swap3A_105 = vector.shape_cast %swap3A_104 : vector<16xf32> to vector<16xf32>
    %swap3A_106 = vector.shape_cast %broadcast_in_dim3A_47 : vector<16xf32> to vector<16xf32>
    tpu.vector_store %arg16[%swap3A_103], %swap3A_106 {strides = array<i32>} : memref<640xf32, #tpu.memory_space<vmem>>, vector<16xf32>,
    %swap3A_107 = arith.constant 240 : index
    %swap3A_108 = tpu.vector_load %arg16[%swap3A_107] {strides = array<i32>} : memref<640xf32, #tpu.memory_space<vmem>>, vector<16xf32>,
    %swap3A_109 = vector.shape_cast %swap3A_108 : vector<16xf32> to vector<16xf32>
    %swap3A_110 = vector.shape_cast %broadcast_in_dim3A_47 : vector<16xf32> to vector<16xf32>
    tpu.vector_store %arg16[%swap3A_107], %swap3A_110 {strides = array<i32>} : memref<640xf32, #tpu.memory_space<vmem>>, vector<16xf32>,
    %swap3A_111 = arith.constant 256 : index
    %swap3A_112 = tpu.vector_load %arg16[%swap3A_111] {strides = array<i32>} : memref<640xf32, #tpu.memory_space<vmem>>, vector<16xf32>,
    %swap3A_113 = vector.shape_cast %swap3A_112 : vector<16xf32> to vector<16xf32>
    %swap3A_114 = vector.shape_cast %broadcast_in_dim3A_47 : vector<16xf32> to vector<16xf32>
    tpu.vector_store %arg16[%swap3A_111], %swap3A_114 {strides = array<i32>} : memref<640xf32, #tpu.memory_space<vmem>>, vector<16xf32>,
    %swap3A_115 = arith.constant 272 : index
    %swap3A_116 = tpu.vector_load %arg16[%swap3A_115] {strides = array<i32>} : memref<640xf32, #tpu.memory_space<vmem>>, vector<16xf32>,
    %swap3A_117 = vector.shape_cast %swap3A_116 : vector<16xf32> to vector<16xf32>
    %swap3A_118 = vector.shape_cast %broadcast_in_dim3A_47 : vector<16xf32> to vector<16xf32>
    tpu.vector_store %arg16[%swap3A_115], %swap3A_118 {strides = array<i32>} : memref<640xf32, #tpu.memory_space<vmem>>, vector<16xf32>,
    %swap3A_119 = arith.constant 288 : index
    %swap3A_120 = tpu.vector_load %arg16[%swap3A_119] {strides = array<i32>} : memref<640xf32, #tpu.memory_space<vmem>>, vector<16xf32>,
    %swap3A_121 = vector.shape_cast %swap3A_120 : vector<16xf32> to vector<16xf32>
    %swap3A_122 = vector.shape_cast %broadcast_in_dim3A_47 : vector<16xf32> to vector<16xf32>
    tpu.vector_store %arg16[%swap3A_119], %swap3A_122 {strides = array<i32>} : memref<640xf32, #tpu.memory_space<vmem>>, vector<16xf32>,
    %swap3A_123 = arith.constant 304 : index
    %swap3A_124 = tpu.vector_load %arg16[%swap3A_123] {strides = array<i32>} : memref<640xf32, #tpu.memory_space<vmem>>, vector<16xf32>,
    %swap3A_125 = vector.shape_cast %swap3A_124 : vector<16xf32> to vector<16xf32>
    %swap3A_126 = vector.shape_cast %broadcast_in_dim3A_47 : vector<16xf32> to vector<16xf32>
    tpu.vector_store %arg16[%swap3A_123], %swap3A_126 {strides = array<i32>} : memref<640xf32, #tpu.memory_space<vmem>>, vector<16xf32>,
    %swap3A_127 = arith.constant 320 : index
    %swap3A_128 = tpu.vector_load %arg16[%swap3A_127] {strides = array<i32>} : memref<640xf32, #tpu.memory_space<vmem>>, vector<16xf32>,
    %swap3A_129 = vector.shape_cast %swap3A_128 : vector<16xf32> to vector<16xf32>
    %swap3A_130 = vector.shape_cast %broadcast_in_dim3A_47 : vector<16xf32> to vector<16xf32>
    tpu.vector_store %arg16[%swap3A_127], %swap3A_130 {strides = array<i32>} : memref<640xf32, #tpu.memory_space<vmem>>, vector<16xf32>,
    %swap3A_131 = arith.constant 336 : index
    %swap3A_132 = tpu.vector_load %arg16[%swap3A_131] {strides = array<i32>} : memref<640xf32, #tpu.memory_space<vmem>>, vector<16xf32>,
    %swap3A_133 = vector.shape_cast %swap3A_132 : vector<16xf32> to vector<16xf32>
    %swap3A_134 = vector.shape_cast %broadcast_in_dim3A_47 : vector<16xf32> to vector<16xf32>
    tpu.vector_store %arg16[%swap3A_131], %swap3A_134 {strides = array<i32>} : memref<640xf32, #tpu.memory_space<vmem>>, vector<16xf32>,
    %swap3A_135 = arith.constant 352 : index
    %swap3A_136 = tpu.vector_load %arg16[%swap3A_135] {strides = array<i32>} : memref<640xf32, #tpu.memory_space<vmem>>, vector<16xf32>,
    %swap3A_137 = vector.shape_cast %swap3A_136 : vector<16xf32> to vector<16xf32>
    %swap3A_138 = vector.shape_cast %broadcast_in_dim3A_47 : vector<16xf32> to vector<16xf32>
    tpu.vector_store %arg16[%swap3A_135], %swap3A_138 {strides = array<i32>} : memref<640xf32, #tpu.memory_space<vmem>>, vector<16xf32>,
    %swap3A_139 = arith.constant 368 : index
    %swap3A_140 = tpu.vector_load %arg16[%swap3A_139] {strides = array<i32>} : memref<640xf32, #tpu.memory_space<vmem>>, vector<16xf32>,
    %swap3A_141 = vector.shape_cast %swap3A_140 : vector<16xf32> to vector<16xf32>
    %swap3A_142 = vector.shape_cast %broadcast_in_dim3A_47 : vector<16xf32> to vector<16xf32>
    tpu.vector_store %arg16[%swap3A_139], %swap3A_142 {strides = array<i32>} : memref<640xf32, #tpu.memory_space<vmem>>, vector<16xf32>,
    %swap3A_143 = arith.constant 384 : index
    %swap3A_144 = tpu.vector_load %arg16[%swap3A_143] {strides = array<i32>} : memref<640xf32, #tpu.memory_space<vmem>>, vector<16xf32>,
    %swap3A_145 = vector.shape_cast %swap3A_144 : vector<16xf32> to vector<16xf32>
    %swap3A_146 = vector.shape_cast %broadcast_in_dim3A_47 : vector<16xf32> to vector<16xf32>
    tpu.vector_store %arg16[%swap3A_143], %swap3A_146 {strides = array<i32>} : memref<640xf32, #tpu.memory_space<vmem>>, vector<16xf32>,
    %swap3A_147 = arith.constant 400 : index
    %swap3A_148 = tpu.vector_load %arg16[%swap3A_147] {strides = array<i32>} : memref<640xf32, #tpu.memory_space<vmem>>, vector<16xf32>,
    %swap3A_149 = vector.shape_cast %swap3A_148 : vector<16xf32> to vector<16xf32>
    %swap3A_150 = vector.shape_cast %broadcast_in_dim3A_47 : vector<16xf32> to vector<16xf32>
    tpu.vector_store %arg16[%swap3A_147], %swap3A_150 {strides = array<i32>} : memref<640xf32, #tpu.memory_space<vmem>>, vector<16xf32>,
    %swap3A_151 = arith.constant 416 : index
    %swap3A_152 = tpu.vector_load %arg16[%swap3A_151] {strides = array<i32>} : memref<640xf32, #tpu.memory_space<vmem>>, vector<16xf32>,
    %swap3A_153 = vector.shape_cast %swap3A_152 : vector<16xf32> to vector<16xf32>
    %swap3A_154 = vector.shape_cast %broadcast_in_dim3A_47 : vector<16xf32> to vector<16xf32>
    tpu.vector_store %arg16[%swap3A_151], %swap3A_154 {strides = array<i32>} : memref<640xf32, #tpu.memory_space<vmem>>, vector<16xf32>,
    %swap3A_155 = arith.constant 432 : index
    %swap3A_156 = tpu.vector_load %arg16[%swap3A_155] {strides = array<i32>} : memref<640xf32, #tpu.memory_space<vmem>>, vector<16xf32>,
    %swap3A_157 = vector.shape_cast %swap3A_156 : vector<16xf32> to vector<16xf32>
    %swap3A_158 = vector.shape_cast %broadcast_in_dim3A_47 : vector<16xf32> to vector<16xf32>
    tpu.vector_store %arg16[%swap3A_155], %swap3A_158 {strides = array<i32>} : memref<640xf32, #tpu.memory_space<vmem>>, vector<16xf32>,
    %swap3A_159 = arith.constant 448 : index
    %swap3A_160 = tpu.vector_load %arg16[%swap3A_159] {strides = array<i32>} : memref<640xf32, #tpu.memory_space<vmem>>, vector<16xf32>,
    %swap3A_161 = vector.shape_cast %swap3A_160 : vector<16xf32> to vector<16xf32>
    %swap3A_162 = vector.shape_cast %broadcast_in_dim3A_47 : vector<16xf32> to vector<16xf32>
    tpu.vector_store %arg16[%swap3A_159], %swap3A_162 {strides = array<i32>} : memref<640xf32, #tpu.memory_space<vmem>>, vector<16xf32>,
    %swap3A_163 = arith.constant 464 : index
    %swap3A_164 = tpu.vector_load %arg16[%swap3A_163] {strides = array<i32>} : memref<640xf32, #tpu.memory_space<vmem>>, vector<16xf32>,
    %swap3A_165 = vector.shape_cast %swap3A_164 : vector<16xf32> to vector<16xf32>
    %swap3A_166 = vector.shape_cast %broadcast_in_dim3A_47 : vector<16xf32> to vector<16xf32>
    tpu.vector_store %arg16[%swap3A_163], %swap3A_166 {strides = array<i32>} : memref<640xf32, #tpu.memory_space<vmem>>, vector<16xf32>,
    %swap3A_167 = arith.constant 480 : index
    %swap3A_168 = tpu.vector_load %arg16[%swap3A_167] {strides = array<i32>} : memref<640xf32, #tpu.memory_space<vmem>>, vector<16xf32>,
    %swap3A_169 = vector.shape_cast %swap3A_168 : vector<16xf32> to vector<16xf32>
    %swap3A_170 = vector.shape_cast %broadcast_in_dim3A_47 : vector<16xf32> to vector<16xf32>
    tpu.vector_store %arg16[%swap3A_167], %swap3A_170 {strides = array<i32>} : memref<640xf32, #tpu.memory_space<vmem>>, vector<16xf32>,
    %swap3A_171 = arith.constant 496 : index
    %swap3A_172 = tpu.vector_load %arg16[%swap3A_171] {strides = array<i32>} : memref<640xf32, #tpu.memory_space<vmem>>, vector<16xf32>,
    %swap3A_173 = vector.shape_cast %swap3A_172 : vector<16xf32> to vector<16xf32>
    %swap3A_174 = vector.shape_cast %broadcast_in_dim3A_47 : vector<16xf32> to vector<16xf32>
    tpu.vector_store %arg16[%swap3A_171], %swap3A_174 {strides = array<i32>} : memref<640xf32, #tpu.memory_space<vmem>>, vector<16xf32>,
    %swap3A_175 = arith.constant 512 : index
    %swap3A_176 = tpu.vector_load %arg16[%swap3A_175] {strides = array<i32>} : memref<640xf32, #tpu.memory_space<vmem>>, vector<16xf32>,
    %swap3A_177 = vector.shape_cast %swap3A_176 : vector<16xf32> to vector<16xf32>
    %swap3A_178 = vector.shape_cast %broadcast_in_dim3A_47 : vector<16xf32> to vector<16xf32>
    tpu.vector_store %arg16[%swap3A_175], %swap3A_178 {strides = array<i32>} : memref<640xf32, #tpu.memory_space<vmem>>, vector<16xf32>,
    %swap3A_179 = arith.constant 528 : index
    %swap3A_180 = tpu.vector_load %arg16[%swap3A_179] {strides = array<i32>} : memref<640xf32, #tpu.memory_space<vmem>>, vector<16xf32>,
    %swap3A_181 = vector.shape_cast %swap3A_180 : vector<16xf32> to vector<16xf32>
    %swap3A_182 = vector.shape_cast %broadcast_in_dim3A_47 : vector<16xf32> to vector<16xf32>
    tpu.vector_store %arg16[%swap3A_179], %swap3A_182 {strides = array<i32>} : memref<640xf32, #tpu.memory_space<vmem>>, vector<16xf32>,
    %swap3A_183 = arith.constant 544 : index
    %swap3A_184 = tpu.vector_load %arg16[%swap3A_183] {strides = array<i32>} : memref<640xf32, #tpu.memory_space<vmem>>, vector<16xf32>,
    %swap3A_185 = vector.shape_cast %swap3A_184 : vector<16xf32> to vector<16xf32>
    %swap3A_186 = vector.shape_cast %broadcast_in_dim3A_47 : vector<16xf32> to vector<16xf32>
    tpu.vector_store %arg16[%swap3A_183], %swap3A_186 {strides = array<i32>} : memref<640xf32, #tpu.memory_space<vmem>>, vector<16xf32>,
    %swap3A_187 = arith.constant 560 : index
    %swap3A_188 = tpu.vector_load %arg16[%swap3A_187] {strides = array<i32>} : memref<640xf32, #tpu.memory_space<vmem>>, vector<16xf32>,
    %swap3A_189 = vector.shape_cast %swap3A_188 : vector<16xf32> to vector<16xf32>
    %swap3A_190 = vector.shape_cast %broadcast_in_dim3A_47 : vector<16xf32> to vector<16xf32>
    tpu.vector_store %arg16[%swap3A_187], %swap3A_190 {strides = array<i32>} : memref<640xf32, #tpu.memory_space<vmem>>, vector<16xf32>,
    %swap3A_191 = arith.constant 576 : index
    %swap3A_192 = tpu.vector_load %arg16[%swap3A_191] {strides = array<i32>} : memref<640xf32, #tpu.memory_space<vmem>>, vector<16xf32>,
    %swap3A_193 = vector.shape_cast %swap3A_192 : vector<16xf32> to vector<16xf32>
    %swap3A_194 = vector.shape_cast %broadcast_in_dim3A_47 : vector<16xf32> to vector<16xf32>
    tpu.vector_store %arg16[%swap3A_191], %swap3A_194 {strides = array<i32>} : memref<640xf32, #tpu.memory_space<vmem>>, vector<16xf32>,
    %swap3A_195 = arith.constant 592 : index
    %swap3A_196 = tpu.vector_load %arg16[%swap3A_195] {strides = array<i32>} : memref<640xf32, #tpu.memory_space<vmem>>, vector<16xf32>,
    %swap3A_197 = vector.shape_cast %swap3A_196 : vector<16xf32> to vector<16xf32>
    %swap3A_198 = vector.shape_cast %broadcast_in_dim3A_47 : vector<16xf32> to vector<16xf32>
    tpu.vector_store %arg16[%swap3A_195], %swap3A_198 {strides = array<i32>} : memref<640xf32, #tpu.memory_space<vmem>>, vector<16xf32>,
    %swap3A_199 = arith.constant 608 : index
    %swap3A_200 = tpu.vector_load %arg16[%swap3A_199] {strides = array<i32>} : memref<640xf32, #tpu.memory_space<vmem>>, vector<16xf32>,
    %swap3A_201 = vector.shape_cast %swap3A_200 : vector<16xf32> to vector<16xf32>
    %swap3A_202 = vector.shape_cast %broadcast_in_dim3A_47 : vector<16xf32> to vector<16xf32>
    tpu.vector_store %arg16[%swap3A_199], %swap3A_202 {strides = array<i32>} : memref<640xf32, #tpu.memory_space<vmem>>, vector<16xf32>,
    %swap3A_203 = arith.constant 624 : index
    %swap3A_204 = tpu.vector_load %arg16[%swap3A_203] {strides = array<i32>} : memref<640xf32, #tpu.memory_space<vmem>>, vector<16xf32>,
    %swap3A_205 = vector.shape_cast %swap3A_204 : vector<16xf32> to vector<16xf32>
    %swap3A_206 = vector.shape_cast %broadcast_in_dim3A_47 : vector<16xf32> to vector<16xf32>
    tpu.vector_store %arg16[%swap3A_203], %swap3A_206 {strides = array<i32>} : memref<640xf32, #tpu.memory_space<vmem>>, vector<16xf32>,
    "tpu.region"() ({
      %run_scoped3A = tpu.sem_alloc : memref<!tpu.dma_semaphore, #tpu.memory_space<semaphore_mem>>
      %dma_start3A_489 = tpu.memref_slice %arg9[%mul3A_0] : memref<10240xf32, #tpu.memory_space<vmem_shared>> -> memref<640xf32, #tpu.memory_space<vmem_shared>>
      %dma_start3A_490 = tpu.memref_slice %arg9[%mul3A_0] : memref<10240xf32, #tpu.memory_space<vmem_shared>> -> memref<640xf32, #tpu.memory_space<vmem_shared>>
      tpu.enqueue_dma source(%arg16 : memref<640xf32, #tpu.memory_space<vmem>>) target(%dma_start3A_490 : memref<640xf32, #tpu.memory_space<vmem_shared>>) target_semaphore(%run_scoped3A : memref<!tpu.dma_semaphore, #tpu.memory_space<semaphore_mem>>)
      %dma_wait3A_491 = tpu.memref_slice %arg9[%mul3A_0] : memref<10240xf32, #tpu.memory_space<vmem_shared>> -> memref<640xf32, #tpu.memory_space<vmem_shared>>
      %dma_wait3A_492 = tpu.memref_slice %arg9[%mul3A_0] : memref<10240xf32, #tpu.memory_space<vmem_shared>> -> memref<640xf32, #tpu.memory_space<vmem_shared>>
      tpu.wait_dma2 semaphore(%run_scoped3A : memref<!tpu.dma_semaphore, #tpu.memory_space<semaphore_mem>>) src(%arg16 : memref<640xf32, #tpu.memory_space<vmem>>) dst(%dma_wait3A_492 : memref<640xf32, #tpu.memory_space<vmem_shared>>)
      tpu.yield
    }) : () -> ()
    %broadcast_in_dim3A_207 = arith.constant 1.000000e+00 : f32
    %broadcast_in_dim3A_208 = vector.broadcast %broadcast_in_dim3A_207 : f32 to vector<16xf32>
    %swap3A_209 = arith.constant 0 : index
    %swap3A_210 = tpu.vector_load %arg15[%swap3A_209] {strides = array<i32>} : memref<80xf32, #tpu.memory_space<vmem>>, vector<16xf32>,
    %swap3A_211 = vector.shape_cast %swap3A_210 : vector<16xf32> to vector<16xf32>
    %swap3A_212 = vector.shape_cast %broadcast_in_dim3A_208 : vector<16xf32> to vector<16xf32>
    tpu.vector_store %arg15[%swap3A_209], %swap3A_212 {strides = array<i32>} : memref<80xf32, #tpu.memory_space<vmem>>, vector<16xf32>,
    %swap3A_213 = arith.constant 16 : index
    %swap3A_214 = tpu.vector_load %arg15[%swap3A_213] {strides = array<i32>} : memref<80xf32, #tpu.memory_space<vmem>>, vector<16xf32>,
    %swap3A_215 = vector.shape_cast %swap3A_214 : vector<16xf32> to vector<16xf32>
    %swap3A_216 = vector.shape_cast %broadcast_in_dim3A_208 : vector<16xf32> to vector<16xf32>
    tpu.vector_store %arg15[%swap3A_213], %swap3A_216 {strides = array<i32>} : memref<80xf32, #tpu.memory_space<vmem>>, vector<16xf32>,
    %swap3A_217 = arith.constant 32 : index
    %swap3A_218 = tpu.vector_load %arg15[%swap3A_217] {strides = array<i32>} : memref<80xf32, #tpu.memory_space<vmem>>, vector<16xf32>,
    %swap3A_219 = vector.shape_cast %swap3A_218 : vector<16xf32> to vector<16xf32>
    %swap3A_220 = vector.shape_cast %broadcast_in_dim3A_208 : vector<16xf32> to vector<16xf32>
    tpu.vector_store %arg15[%swap3A_217], %swap3A_220 {strides = array<i32>} : memref<80xf32, #tpu.memory_space<vmem>>, vector<16xf32>,
    %swap3A_221 = arith.constant 48 : index
    %swap3A_222 = tpu.vector_load %arg15[%swap3A_221] {strides = array<i32>} : memref<80xf32, #tpu.memory_space<vmem>>, vector<16xf32>,
    %swap3A_223 = vector.shape_cast %swap3A_222 : vector<16xf32> to vector<16xf32>
    %swap3A_224 = vector.shape_cast %broadcast_in_dim3A_208 : vector<16xf32> to vector<16xf32>
    tpu.vector_store %arg15[%swap3A_221], %swap3A_224 {strides = array<i32>} : memref<80xf32, #tpu.memory_space<vmem>>, vector<16xf32>,
    %swap3A_225 = arith.constant 64 : index
    %swap3A_226 = tpu.vector_load %arg15[%swap3A_225] {strides = array<i32>} : memref<80xf32, #tpu.memory_space<vmem>>, vector<16xf32>,
    %swap3A_227 = vector.shape_cast %swap3A_226 : vector<16xf32> to vector<16xf32>
    %swap3A_228 = vector.shape_cast %broadcast_in_dim3A_208 : vector<16xf32> to vector<16xf32>
    tpu.vector_store %arg15[%swap3A_225], %swap3A_228 {strides = array<i32>} : memref<80xf32, #tpu.memory_space<vmem>>, vector<16xf32>,
    %dma_wait3A = arith.constant 0 : i32
    %dma_wait3A_229 = tpu.memref_slice %arg8[%add3A_1, %dma_wait3A] : memref<10240x128xf32, #tpu.memory_space<vmem_shared>> -> memref<80x128xf32, #tpu.memory_space<vmem_shared>>
    %dma_wait3A_230 = arith.constant 0 : i32
    %dma_wait3A_231 = tpu.memref_slice %arg8[%add3A_1, %dma_wait3A_230] : memref<10240x128xf32, #tpu.memory_space<vmem_shared>> -> memref<80x128xf32, #tpu.memory_space<vmem_shared>>
    tpu.wait_dma2 semaphore(%arg19 : memref<!tpu.dma_semaphore, #tpu.memory_space<semaphore_mem>>) src(%arg12 : memref<80x128xf32, #tpu.memory_space<vmem>>) dst(%dma_wait3A_231 : memref<80x128xf32, #tpu.memory_space<vmem_shared>>)
    %dma_wait3A_232 = arith.constant 0 : i32
    %dma_wait3A_233 = tpu.memref_slice %arg8[%add3A_6, %dma_wait3A_232] : memref<10240x128xf32, #tpu.memory_space<vmem_shared>> -> memref<80x128xf32, #tpu.memory_space<vmem_shared>>
    %dma_wait3A_234 = arith.constant 0 : i32
    %dma_wait3A_235 = tpu.memref_slice %arg8[%add3A_6, %dma_wait3A_234] : memref<10240x128xf32, #tpu.memory_space<vmem_shared>> -> memref<80x128xf32, #tpu.memory_space<vmem_shared>>
    tpu.wait_dma2 semaphore(%arg19 : memref<!tpu.dma_semaphore, #tpu.memory_space<semaphore_mem>>) src(%arg12 : memref<80x128xf32, #tpu.memory_space<vmem>>) dst(%dma_wait3A_235 : memref<80x128xf32, #tpu.memory_space<vmem_shared>>)
    %dma_wait3A_236 = arith.constant 0 : i32
    %dma_wait3A_237 = tpu.memref_slice %arg8[%add3A_12, %dma_wait3A_236] : memref<10240x128xf32, #tpu.memory_space<vmem_shared>> -> memref<80x128xf32, #tpu.memory_space<vmem_shared>>
    %dma_wait3A_238 = arith.constant 0 : i32
    %dma_wait3A_239 = tpu.memref_slice %arg8[%add3A_12, %dma_wait3A_238] : memref<10240x128xf32, #tpu.memory_space<vmem_shared>> -> memref<80x128xf32, #tpu.memory_space<vmem_shared>>
    tpu.wait_dma2 semaphore(%arg19 : memref<!tpu.dma_semaphore, #tpu.memory_space<semaphore_mem>>) src(%arg12 : memref<80x128xf32, #tpu.memory_space<vmem>>) dst(%dma_wait3A_239 : memref<80x128xf32, #tpu.memory_space<vmem_shared>>)
    %dma_wait3A_240 = arith.constant 0 : i32
    %dma_wait3A_241 = tpu.memref_slice %arg8[%add3A_18, %dma_wait3A_240] : memref<10240x128xf32, #tpu.memory_space<vmem_shared>> -> memref<80x128xf32, #tpu.memory_space<vmem_shared>>
    %dma_wait3A_242 = arith.constant 0 : i32
    %dma_wait3A_243 = tpu.memref_slice %arg8[%add3A_18, %dma_wait3A_242] : memref<10240x128xf32, #tpu.memory_space<vmem_shared>> -> memref<80x128xf32, #tpu.memory_space<vmem_shared>>
    tpu.wait_dma2 semaphore(%arg19 : memref<!tpu.dma_semaphore, #tpu.memory_space<semaphore_mem>>) src(%arg12 : memref<80x128xf32, #tpu.memory_space<vmem>>) dst(%dma_wait3A_243 : memref<80x128xf32, #tpu.memory_space<vmem_shared>>)
    %dma_wait3A_244 = arith.constant 0 : i32
    %dma_wait3A_245 = tpu.memref_slice %arg8[%add3A_24, %dma_wait3A_244] : memref<10240x128xf32, #tpu.memory_space<vmem_shared>> -> memref<80x128xf32, #tpu.memory_space<vmem_shared>>
    %dma_wait3A_246 = arith.constant 0 : i32
    %dma_wait3A_247 = tpu.memref_slice %arg8[%add3A_24, %dma_wait3A_246] : memref<10240x128xf32, #tpu.memory_space<vmem_shared>> -> memref<80x128xf32, #tpu.memory_space<vmem_shared>>
    tpu.wait_dma2 semaphore(%arg19 : memref<!tpu.dma_semaphore, #tpu.memory_space<semaphore_mem>>) src(%arg12 : memref<80x128xf32, #tpu.memory_space<vmem>>) dst(%dma_wait3A_247 : memref<80x128xf32, #tpu.memory_space<vmem_shared>>)
    %dma_wait3A_248 = arith.constant 0 : i32
    %dma_wait3A_249 = tpu.memref_slice %arg8[%add3A_30, %dma_wait3A_248] : memref<10240x128xf32, #tpu.memory_space<vmem_shared>> -> memref<80x128xf32, #tpu.memory_space<vmem_shared>>
    %dma_wait3A_250 = arith.constant 0 : i32
    %dma_wait3A_251 = tpu.memref_slice %arg8[%add3A_30, %dma_wait3A_250] : memref<10240x128xf32, #tpu.memory_space<vmem_shared>> -> memref<80x128xf32, #tpu.memory_space<vmem_shared>>
    tpu.wait_dma2 semaphore(%arg19 : memref<!tpu.dma_semaphore, #tpu.memory_space<semaphore_mem>>) src(%arg12 : memref<80x128xf32, #tpu.memory_space<vmem>>) dst(%dma_wait3A_251 : memref<80x128xf32, #tpu.memory_space<vmem_shared>>)
    %dma_wait3A_252 = arith.constant 0 : i32
    %dma_wait3A_253 = tpu.memref_slice %arg8[%add3A_36, %dma_wait3A_252] : memref<10240x128xf32, #tpu.memory_space<vmem_shared>> -> memref<80x128xf32, #tpu.memory_space<vmem_shared>>
    %dma_wait3A_254 = arith.constant 0 : i32
    %dma_wait3A_255 = tpu.memref_slice %arg8[%add3A_36, %dma_wait3A_254] : memref<10240x128xf32, #tpu.memory_space<vmem_shared>> -> memref<80x128xf32, #tpu.memory_space<vmem_shared>>
    tpu.wait_dma2 semaphore(%arg19 : memref<!tpu.dma_semaphore, #tpu.memory_space<semaphore_mem>>) src(%arg12 : memref<80x128xf32, #tpu.memory_space<vmem>>) dst(%dma_wait3A_255 : memref<80x128xf32, #tpu.memory_space<vmem_shared>>)
    %dma_wait3A_256 = arith.constant 0 : i32
    %dma_wait3A_257 = tpu.memref_slice %arg8[%add3A_42, %dma_wait3A_256] : memref<10240x128xf32, #tpu.memory_space<vmem_shared>> -> memref<80x128xf32, #tpu.memory_space<vmem_shared>>
    %dma_wait3A_258 = arith.constant 0 : i32
    %dma_wait3A_259 = tpu.memref_slice %arg8[%add3A_42, %dma_wait3A_258] : memref<10240x128xf32, #tpu.memory_space<vmem_shared>> -> memref<80x128xf32, #tpu.memory_space<vmem_shared>>
    tpu.wait_dma2 semaphore(%arg19 : memref<!tpu.dma_semaphore, #tpu.memory_space<semaphore_mem>>) src(%arg12 : memref<80x128xf32, #tpu.memory_space<vmem>>) dst(%dma_wait3A_259 : memref<80x128xf32, #tpu.memory_space<vmem_shared>>)
    %barrier3A = arith.constant 0 : index
    tpu.barrier barrier_id(%barrier3A)
    %mul3A_260 = arith.constant 16 : i32
    %mul3A_261 = arith.muli %arg0, %mul3A_260 : i32
    %add3A_262 = arith.addi %mul3A_261, %arg1 : i32
    %mul3A_263 = arith.constant 256 : i32
    %mul3A_264 = arith.muli %add3A_262, %mul3A_263 : i32
    %add3A_265 = arith.constant 0 : i32
    %add3A_266 = arith.addi %mul3A_264, %add3A_265 : i32
    %dma_start3A_267 = arith.constant 0 : i32
    %dma_start3A_268 = arith.constant 0 : i32
    %dma_start3A_269 = arith.constant 0 : i32
    %dma_start3A_270 = tpu.memref_slice %arg10[%dma_start3A_267, %dma_start3A_268, %dma_start3A_269] : memref<2x8x80xi32, #tpu.memory_space<vmem>> -> memref<1x8x80xi32, #tpu.memory_space<vmem>>
    %dma_start3A_271 = tpu.memref_squeeze %dma_start3A_270 : memref<1x8x80xi32, #tpu.memory_space<vmem>> -> memref<8x80xi32, #tpu.memory_space<vmem>>
    %dma_start3A_272 = arith.constant 0 : i32
    %dma_start3A_273 = tpu.memref_slice %arg3[%add3A_266, %dma_start3A_272] : memref<8200x80xi32, #tpu.memory_space<hbm>> -> memref<8x80xi32, #tpu.memory_space<hbm>>
    %dma_start3A_274 = arith.constant 0 : i32
    %dma_start3A_275 = arith.constant 0 : i32
    %dma_start3A_276 = tpu.memref_slice %arg10[%dma_start3A_267, %dma_start3A_274, %dma_start3A_275] : memref<2x8x80xi32, #tpu.memory_space<vmem>> -> memref<1x8x80xi32, #tpu.memory_space<vmem>>
    %dma_start3A_277 = tpu.memref_squeeze %dma_start3A_276 : memref<1x8x80xi32, #tpu.memory_space<vmem>> -> memref<8x80xi32, #tpu.memory_space<vmem>>
    %dma_start3A_278 = arith.constant 0 : i32
    %dma_start3A_279 = tpu.memref_slice %arg3[%add3A_266, %dma_start3A_278] : memref<8200x80xi32, #tpu.memory_space<hbm>> -> memref<8x80xi32, #tpu.memory_space<hbm>>
    tpu.enqueue_dma source(%dma_start3A_279 : memref<8x80xi32, #tpu.memory_space<hbm>>) target(%dma_start3A_277 : memref<8x80xi32, #tpu.memory_space<vmem>>) target_semaphore(%arg19 : memref<!tpu.dma_semaphore, #tpu.memory_space<semaphore_mem>>)
    %dma_start3A_280 = arith.constant 0 : i32
    %dma_start3A_281 = arith.constant 0 : i32
    %dma_start3A_282 = arith.constant 0 : i32
    %dma_start3A_283 = tpu.memref_slice %arg11[%dma_start3A_280, %dma_start3A_281, %dma_start3A_282] : memref<2x8x80xi32, #tpu.memory_space<vmem>> -> memref<1x8x80xi32, #tpu.memory_space<vmem>>
    %dma_start3A_284 = tpu.memref_squeeze %dma_start3A_283 : memref<1x8x80xi32, #tpu.memory_space<vmem>> -> memref<8x80xi32, #tpu.memory_space<vmem>>
    %dma_start3A_285 = arith.constant 0 : i32
    %dma_start3A_286 = tpu.memref_slice %arg4[%add3A_266, %dma_start3A_285] : memref<8200x80xi32, #tpu.memory_space<hbm>> -> memref<8x80xi32, #tpu.memory_space<hbm>>
    %dma_start3A_287 = arith.constant 0 : i32
    %dma_start3A_288 = arith.constant 0 : i32
    %dma_start3A_289 = tpu.memref_slice %arg11[%dma_start3A_280, %dma_start3A_287, %dma_start3A_288] : memref<2x8x80xi32, #tpu.memory_space<vmem>> -> memref<1x8x80xi32, #tpu.memory_space<vmem>>
    %dma_start3A_290 = tpu.memref_squeeze %dma_start3A_289 : memref<1x8x80xi32, #tpu.memory_space<vmem>> -> memref<8x80xi32, #tpu.memory_space<vmem>>
    %dma_start3A_291 = arith.constant 0 : i32
    %dma_start3A_292 = tpu.memref_slice %arg4[%add3A_266, %dma_start3A_291] : memref<8200x80xi32, #tpu.memory_space<hbm>> -> memref<8x80xi32, #tpu.memory_space<hbm>>
    tpu.enqueue_dma source(%dma_start3A_292 : memref<8x80xi32, #tpu.memory_space<hbm>>) target(%dma_start3A_290 : memref<8x80xi32, #tpu.memory_space<vmem>>) target_semaphore(%arg20 : memref<!tpu.dma_semaphore, #tpu.memory_space<semaphore_mem>>)
    %scan3A = arith.constant 0 : i32
    %scan3A_293 = arith.constant 16 : i32
    %scan3A_294 = arith.addi %scan3A, %scan3A_293 : i32
    %scan3A_295 = arith.constant 1 : i32
    scf.for %scan3A_489 = %scan3A to %scan3A_294 step %scan3A_295  : i32 {
      %mul3A_490 = arith.constant 1 : i32
      %mul3A_491 = arith.muli %scan3A_489, %mul3A_490 : i32
      %add3A_492 = arith.constant 0 : i32
      %add3A_493 = arith.addi %add3A_492, %mul3A_491 : i32
      %mul3A_494 = arith.constant 2 : i32
      %mul3A_495 = arith.muli %add3A_493, %mul3A_494 : i32
      %add3A_496 = arith.constant 1 : i32
      %add3A_497 = arith.addi %mul3A_495, %add3A_496 : i32
      %mul3A_498 = arith.constant 8 : i32
      %mul3A_499 = arith.muli %add3A_497, %mul3A_498 : i32
      %add3A_500 = arith.addi %mul3A_264, %mul3A_499 : i32
      %dma_start3A_501 = arith.constant 1 : i32
      %dma_start3A_502 = arith.constant 0 : i32
      %dma_start3A_503 = arith.constant 0 : i32
      %dma_start3A_504 = tpu.memref_slice %arg10[%dma_start3A_501, %dma_start3A_502, %dma_start3A_503] : memref<2x8x80xi32, #tpu.memory_space<vmem>> -> memref<1x8x80xi32, #tpu.memory_space<vmem>>
      %dma_start3A_505 = tpu.memref_squeeze %dma_start3A_504 : memref<1x8x80xi32, #tpu.memory_space<vmem>> -> memref<8x80xi32, #tpu.memory_space<vmem>>
      %dma_start3A_506 = arith.constant 0 : i32
      %dma_start3A_507 = tpu.memref_slice %arg3[%add3A_500, %dma_start3A_506] : memref<8200x80xi32, #tpu.memory_space<hbm>> -> memref<8x80xi32, #tpu.memory_space<hbm>>
      %dma_start3A_508 = arith.constant 0 : i32
      %dma_start3A_509 = arith.constant 0 : i32
      %dma_start3A_510 = tpu.memref_slice %arg10[%dma_start3A_501, %dma_start3A_508, %dma_start3A_509] : memref<2x8x80xi32, #tpu.memory_space<vmem>> -> memref<1x8x80xi32, #tpu.memory_space<vmem>>
      %dma_start3A_511 = tpu.memref_squeeze %dma_start3A_510 : memref<1x8x80xi32, #tpu.memory_space<vmem>> -> memref<8x80xi32, #tpu.memory_space<vmem>>
      %dma_start3A_512 = arith.constant 0 : i32
      %dma_start3A_513 = tpu.memref_slice %arg3[%add3A_500, %dma_start3A_512] : memref<8200x80xi32, #tpu.memory_space<hbm>> -> memref<8x80xi32, #tpu.memory_space<hbm>>
      tpu.enqueue_dma source(%dma_start3A_513 : memref<8x80xi32, #tpu.memory_space<hbm>>) target(%dma_start3A_511 : memref<8x80xi32, #tpu.memory_space<vmem>>) target_semaphore(%arg19 : memref<!tpu.dma_semaphore, #tpu.memory_space<semaphore_mem>>)
      %dma_start3A_514 = arith.constant 1 : i32
      %dma_start3A_515 = arith.constant 0 : i32
      %dma_start3A_516 = arith.constant 0 : i32
      %dma_start3A_517 = tpu.memref_slice %arg11[%dma_start3A_514, %dma_start3A_515, %dma_start3A_516] : memref<2x8x80xi32, #tpu.memory_space<vmem>> -> memref<1x8x80xi32, #tpu.memory_space<vmem>>
      %dma_start3A_518 = tpu.memref_squeeze %dma_start3A_517 : memref<1x8x80xi32, #tpu.memory_space<vmem>> -> memref<8x80xi32, #tpu.memory_space<vmem>>
      %dma_start3A_519 = arith.constant 0 : i32
      %dma_start3A_520 = tpu.memref_slice %arg4[%add3A_500, %dma_start3A_519] : memref<8200x80xi32, #tpu.memory_space<hbm>> -> memref<8x80xi32, #tpu.memory_space<hbm>>
      %dma_start3A_521 = arith.constant 0 : i32
      %dma_start3A_522 = arith.constant 0 : i32
      %dma_start3A_523 = tpu.memref_slice %arg11[%dma_start3A_514, %dma_start3A_521, %dma_start3A_522] : memref<2x8x80xi32, #tpu.memory_space<vmem>> -> memref<1x8x80xi32, #tpu.memory_space<vmem>>
      %dma_start3A_524 = tpu.memref_squeeze %dma_start3A_523 : memref<1x8x80xi32, #tpu.memory_space<vmem>> -> memref<8x80xi32, #tpu.memory_space<vmem>>
      %dma_start3A_525 = arith.constant 0 : i32
      %dma_start3A_526 = tpu.memref_slice %arg4[%add3A_500, %dma_start3A_525] : memref<8200x80xi32, #tpu.memory_space<hbm>> -> memref<8x80xi32, #tpu.memory_space<hbm>>
      tpu.enqueue_dma source(%dma_start3A_526 : memref<8x80xi32, #tpu.memory_space<hbm>>) target(%dma_start3A_524 : memref<8x80xi32, #tpu.memory_space<vmem>>) target_semaphore(%arg20 : memref<!tpu.dma_semaphore, #tpu.memory_space<semaphore_mem>>)
      %dma_wait3A_527 = arith.constant 0 : i32
      %dma_wait3A_528 = arith.constant 0 : i32
      %dma_wait3A_529 = arith.constant 0 : i32
      %dma_wait3A_530 = tpu.memref_slice %arg10[%dma_wait3A_527, %dma_wait3A_528, %dma_wait3A_529] : memref<2x8x80xi32, #tpu.memory_space<vmem>> -> memref<1x8x80xi32, #tpu.memory_space<vmem>>
      %dma_wait3A_531 = tpu.memref_squeeze %dma_wait3A_530 : memref<1x8x80xi32, #tpu.memory_space<vmem>> -> memref<8x80xi32, #tpu.memory_space<vmem>>
      %dma_wait3A_532 = arith.constant 0 : i32
      %dma_wait3A_533 = arith.constant 0 : i32
      %dma_wait3A_534 = tpu.memref_slice %arg3[%dma_wait3A_532, %dma_wait3A_533] : memref<8200x80xi32, #tpu.memory_space<hbm>> -> memref<8x80xi32, #tpu.memory_space<hbm>>
      %dma_wait3A_535 = arith.constant 0 : i32
      %dma_wait3A_536 = arith.constant 0 : i32
      %dma_wait3A_537 = tpu.memref_slice %arg10[%dma_wait3A_527, %dma_wait3A_535, %dma_wait3A_536] : memref<2x8x80xi32, #tpu.memory_space<vmem>> -> memref<1x8x80xi32, #tpu.memory_space<vmem>>
      %dma_wait3A_538 = tpu.memref_squeeze %dma_wait3A_537 : memref<1x8x80xi32, #tpu.memory_space<vmem>> -> memref<8x80xi32, #tpu.memory_space<vmem>>
      %dma_wait3A_539 = arith.constant 0 : i32
      %dma_wait3A_540 = arith.constant 0 : i32
      %dma_wait3A_541 = tpu.memref_slice %arg3[%dma_wait3A_539, %dma_wait3A_540] : memref<8200x80xi32, #tpu.memory_space<hbm>> -> memref<8x80xi32, #tpu.memory_space<hbm>>
      tpu.wait_dma2 semaphore(%arg19 : memref<!tpu.dma_semaphore, #tpu.memory_space<semaphore_mem>>) src(%dma_wait3A_541 : memref<8x80xi32, #tpu.memory_space<hbm>>) dst(%dma_wait3A_538 : memref<8x80xi32, #tpu.memory_space<vmem>>)
      %dma_wait3A_542 = arith.constant 0 : i32
      %dma_wait3A_543 = arith.constant 0 : i32
      %dma_wait3A_544 = arith.constant 0 : i32
      %dma_wait3A_545 = tpu.memref_slice %arg11[%dma_wait3A_542, %dma_wait3A_543, %dma_wait3A_544] : memref<2x8x80xi32, #tpu.memory_space<vmem>> -> memref<1x8x80xi32, #tpu.memory_space<vmem>>
      %dma_wait3A_546 = tpu.memref_squeeze %dma_wait3A_545 : memref<1x8x80xi32, #tpu.memory_space<vmem>> -> memref<8x80xi32, #tpu.memory_space<vmem>>
      %dma_wait3A_547 = arith.constant 0 : i32
      %dma_wait3A_548 = arith.constant 0 : i32
      %dma_wait3A_549 = tpu.memref_slice %arg4[%dma_wait3A_547, %dma_wait3A_548] : memref<8200x80xi32, #tpu.memory_space<hbm>> -> memref<8x80xi32, #tpu.memory_space<hbm>>
      %dma_wait3A_550 = arith.constant 0 : i32
      %dma_wait3A_551 = arith.constant 0 : i32
      %dma_wait3A_552 = tpu.memref_slice %arg11[%dma_wait3A_542, %dma_wait3A_550, %dma_wait3A_551] : memref<2x8x80xi32, #tpu.memory_space<vmem>> -> memref<1x8x80xi32, #tpu.memory_space<vmem>>
      %dma_wait3A_553 = tpu.memref_squeeze %dma_wait3A_552 : memref<1x8x80xi32, #tpu.memory_space<vmem>> -> memref<8x80xi32, #tpu.memory_space<vmem>>
      %dma_wait3A_554 = arith.constant 0 : i32
      %dma_wait3A_555 = arith.constant 0 : i32
      %dma_wait3A_556 = tpu.memref_slice %arg4[%dma_wait3A_554, %dma_wait3A_555] : memref<8200x80xi32, #tpu.memory_space<hbm>> -> memref<8x80xi32, #tpu.memory_space<hbm>>
      tpu.wait_dma2 semaphore(%arg20 : memref<!tpu.dma_semaphore, #tpu.memory_space<semaphore_mem>>) src(%dma_wait3A_556 : memref<8x80xi32, #tpu.memory_space<hbm>>) dst(%dma_wait3A_553 : memref<8x80xi32, #tpu.memory_space<vmem>>)
      %dma_start3A_557 = arith.constant 0 : i32
      %dma_start3A_558 = arith.constant 0 : i32
      %dma_start3A_559 = arith.constant 0 : i32
      %dma_start3A_560 = tpu.memref_slice %arg10[%dma_start3A_557, %dma_start3A_558, %dma_start3A_559] : memref<2x8x80xi32, #tpu.memory_space<vmem>> -> memref<1x1x80xi32, #tpu.memory_space<vmem>>
      %dma_start3A_561 = tpu.memref_squeeze %dma_start3A_560 : memref<1x1x80xi32, #tpu.memory_space<vmem>> -> memref<80xi32, #tpu.memory_space<vmem>>
      %dma_start3A_562 = arith.constant 0 : i32
      %dma_start3A_563 = arith.constant 0 : i32
      %dma_start3A_564 = tpu.memref_slice %arg2[%dma_start3A_562, %dma_start3A_563] : memref<10000x128xf32, #tpu.memory_space<hbm>> -> memref<10000x128xf32, #tpu.memory_space<hbm>>
      tpu.enqueue_indirect_dma source(%dma_start3A_564 : memref<10000x128xf32, #tpu.memory_space<hbm>>) target(%arg12 : memref<80x128xf32, #tpu.memory_space<vmem>>) offsets(%dma_start3A_561 : memref<80xi32, #tpu.memory_space<vmem>>) semaphore(%arg17 : memref<!tpu.dma_semaphore, #tpu.memory_space<semaphore_mem>>)
      %dma_start3A_565 = arith.constant 0 : i32
      %dma_start3A_566 = arith.constant 1 : i32
      %dma_start3A_567 = arith.constant 0 : i32
      %dma_start3A_568 = tpu.memref_slice %arg10[%dma_start3A_565, %dma_start3A_566, %dma_start3A_567] : memref<2x8x80xi32, #tpu.memory_space<vmem>> -> memref<1x1x80xi32, #tpu.memory_space<vmem>>
      %dma_start3A_569 = tpu.memref_squeeze %dma_start3A_568 : memref<1x1x80xi32, #tpu.memory_space<vmem>> -> memref<80xi32, #tpu.memory_space<vmem>>
      %dma_start3A_570 = arith.constant 0 : i32
      %dma_start3A_571 = arith.constant 0 : i32
      %dma_start3A_572 = tpu.memref_slice %arg2[%dma_start3A_570, %dma_start3A_571] : memref<10000x128xf32, #tpu.memory_space<hbm>> -> memref<10000x128xf32, #tpu.memory_space<hbm>>
      tpu.enqueue_indirect_dma source(%dma_start3A_572 : memref<10000x128xf32, #tpu.memory_space<hbm>>) target(%arg13 : memref<80x128xf32, #tpu.memory_space<vmem>>) offsets(%dma_start3A_569 : memref<80xi32, #tpu.memory_space<vmem>>) semaphore(%arg18 : memref<!tpu.dma_semaphore, #tpu.memory_space<semaphore_mem>>)
      %dma_start3A_573 = arith.constant 0 : i32
      %dma_start3A_574 = arith.constant 2 : i32
      %dma_start3A_575 = arith.constant 0 : i32
      %dma_start3A_576 = tpu.memref_slice %arg10[%dma_start3A_573, %dma_start3A_574, %dma_start3A_575] : memref<2x8x80xi32, #tpu.memory_space<vmem>> -> memref<1x1x80xi32, #tpu.memory_space<vmem>>
      %dma_start3A_577 = tpu.memref_squeeze %dma_start3A_576 : memref<1x1x80xi32, #tpu.memory_space<vmem>> -> memref<80xi32, #tpu.memory_space<vmem>>
      %dma_start3A_578 = arith.constant 0 : i32
      %dma_start3A_579 = arith.constant 0 : i32
      %dma_start3A_580 = tpu.memref_slice %arg2[%dma_start3A_578, %dma_start3A_579] : memref<10000x128xf32, #tpu.memory_space<hbm>> -> memref<10000x128xf32, #tpu.memory_space<hbm>>
      tpu.enqueue_indirect_dma source(%dma_start3A_580 : memref<10000x128xf32, #tpu.memory_space<hbm>>) target(%arg14 : memref<80x128xf32, #tpu.memory_space<vmem>>) offsets(%dma_start3A_577 : memref<80xi32, #tpu.memory_space<vmem>>) semaphore(%arg21 : memref<!tpu.dma_semaphore, #tpu.memory_space<semaphore_mem>>)
      %dma_wait3A_581 = arith.constant 0 : i32
      %dma_wait3A_582 = arith.constant 0 : i32
      %dma_wait3A_583 = arith.constant 0 : i32
      %dma_wait3A_584 = tpu.memref_slice %arg10[%dma_wait3A_581, %dma_wait3A_582, %dma_wait3A_583] : memref<2x8x80xi32, #tpu.memory_space<vmem>> -> memref<1x1x80xi32, #tpu.memory_space<vmem>>
      %dma_wait3A_585 = tpu.memref_squeeze %dma_wait3A_584 : memref<1x1x80xi32, #tpu.memory_space<vmem>> -> memref<80xi32, #tpu.memory_space<vmem>>
      %dma_wait3A_586 = arith.constant 0 : i32
      %dma_wait3A_587 = arith.constant 0 : i32
      %dma_wait3A_588 = tpu.memref_slice %arg2[%dma_wait3A_586, %dma_wait3A_587] : memref<10000x128xf32, #tpu.memory_space<hbm>> -> memref<10000x128xf32, #tpu.memory_space<hbm>>
      tpu.wait_indirect_dma semaphore(%arg17 : memref<!tpu.dma_semaphore, #tpu.memory_space<semaphore_mem>>) src(%dma_wait3A_588 : memref<10000x128xf32, #tpu.memory_space<hbm>>) dst(%arg12 : memref<80x128xf32, #tpu.memory_space<vmem>>)
      %dma_start3A_589 = arith.constant 0 : i32
      %dma_start3A_590 = arith.constant 0 : i32
      %dma_start3A_591 = arith.constant 0 : i32
      %dma_start3A_592 = tpu.memref_slice %arg11[%dma_start3A_589, %dma_start3A_590, %dma_start3A_591] : memref<2x8x80xi32, #tpu.memory_space<vmem>> -> memref<1x1x80xi32, #tpu.memory_space<vmem>>
      %dma_start3A_593 = tpu.memref_squeeze %dma_start3A_592 : memref<1x1x80xi32, #tpu.memory_space<vmem>> -> memref<80xi32, #tpu.memory_space<vmem>>
      %dma_start3A_594 = arith.constant 0 : i32
      %dma_start3A_595 = arith.constant 0 : i32
      %dma_start3A_596 = tpu.memref_slice %arg8[%dma_start3A_594, %dma_start3A_595] : memref<10240x128xf32, #tpu.memory_space<vmem_shared>> -> memref<10240x128xf32, #tpu.memory_space<vmem_shared>>
      tpu.enqueue_indirect_dma source(%arg12 : memref<80x128xf32, #tpu.memory_space<vmem>>) target(%dma_start3A_596 : memref<10240x128xf32, #tpu.memory_space<vmem_shared>>) offsets(%dma_start3A_593 : memref<80xi32, #tpu.memory_space<vmem>>) semaphore(%arg22 : memref<!tpu.dma_semaphore, #tpu.memory_space<semaphore_mem>>) {add = true}
      %run_scoped3A = arith.constant 0 : i32
      %run_scoped3A_597 = arith.constant 0 : i32
      "tpu.region"() ({
        %run_scoped3A_1161 = tpu.sem_alloc : memref<!tpu.dma_semaphore, #tpu.memory_space<semaphore_mem>>
        %dma_start3A_1162 = arith.constant 0 : i32
        %dma_start3A_1163 = tpu.memref_slice %arg11[%run_scoped3A, %run_scoped3A_597, %dma_start3A_1162] : memref<2x8x80xi32, #tpu.memory_space<vmem>> -> memref<1x1x80xi32, #tpu.memory_space<vmem>>
        %dma_start3A_1164 = tpu.memref_squeeze %dma_start3A_1163 : memref<1x1x80xi32, #tpu.memory_space<vmem>> -> memref<80xi32, #tpu.memory_space<vmem>>
        %dma_start3A_1165 = arith.constant 0 : i32
        %dma_start3A_1166 = tpu.memref_slice %arg9[%dma_start3A_1165] : memref<10240xf32, #tpu.memory_space<vmem_shared>> -> memref<10240xf32, #tpu.memory_space<vmem_shared>>
        tpu.enqueue_indirect_dma source(%arg15 : memref<80xf32, #tpu.memory_space<vmem>>) target(%dma_start3A_1166 : memref<10240xf32, #tpu.memory_space<vmem_shared>>) offsets(%dma_start3A_1164 : memref<80xi32, #tpu.memory_space<vmem>>) semaphore(%run_scoped3A_1161 : memref<!tpu.dma_semaphore, #tpu.memory_space<semaphore_mem>>) {add = true}
        %dma_wait3A_1167 = arith.constant 0 : i32
        %dma_wait3A_1168 = tpu.memref_slice %arg11[%run_scoped3A, %run_scoped3A_597, %dma_wait3A_1167] : memref<2x8x80xi32, #tpu.memory_space<vmem>> -> memref<1x1x80xi32, #tpu.memory_space<vmem>>
        %dma_wait3A_1169 = tpu.memref_squeeze %dma_wait3A_1168 : memref<1x1x80xi32, #tpu.memory_space<vmem>> -> memref<80xi32, #tpu.memory_space<vmem>>
        %dma_wait3A_1170 = arith.constant 0 : i32
        %dma_wait3A_1171 = tpu.memref_slice %arg9[%dma_wait3A_1170] : memref<10240xf32, #tpu.memory_space<vmem_shared>> -> memref<10240xf32, #tpu.memory_space<vmem_shared>>
        tpu.wait_indirect_dma semaphore(%run_scoped3A_1161 : memref<!tpu.dma_semaphore, #tpu.memory_space<semaphore_mem>>) src(%arg15 : memref<80xf32, #tpu.memory_space<vmem>>) dst(%dma_wait3A_1171 : memref<10240xf32, #tpu.memory_space<vmem_shared>>)
        tpu.yield
      }) : () -> ()
      %dma_wait3A_598 = arith.constant 0 : i32
      %dma_wait3A_599 = arith.constant 0 : i32
      %dma_wait3A_600 = arith.constant 0 : i32
      %dma_wait3A_601 = tpu.memref_slice %arg11[%dma_wait3A_598, %dma_wait3A_599, %dma_wait3A_600] : memref<2x8x80xi32, #tpu.memory_space<vmem>> -> memref<1x1x80xi32, #tpu.memory_space<vmem>>
      %dma_wait3A_602 = tpu.memref_squeeze %dma_wait3A_601 : memref<1x1x80xi32, #tpu.memory_space<vmem>> -> memref<80xi32, #tpu.memory_space<vmem>>
      %dma_wait3A_603 = arith.constant 0 : i32
      %dma_wait3A_604 = arith.constant 0 : i32
      %dma_wait3A_605 = tpu.memref_slice %arg8[%dma_wait3A_603, %dma_wait3A_604] : memref<10240x128xf32, #tpu.memory_space<vmem_shared>> -> memref<10240x128xf32, #tpu.memory_space<vmem_shared>>
      tpu.wait_indirect_dma semaphore(%arg22 : memref<!tpu.dma_semaphore, #tpu.memory_space<semaphore_mem>>) src(%arg12 : memref<80x128xf32, #tpu.memory_space<vmem>>) dst(%dma_wait3A_605 : memref<10240x128xf32, #tpu.memory_space<vmem_shared>>)
      %dma_start3A_606 = arith.constant 0 : i32
      %dma_start3A_607 = arith.constant 3 : i32
      %dma_start3A_608 = arith.constant 0 : i32
      %dma_start3A_609 = tpu.memref_slice %arg10[%dma_start3A_606, %dma_start3A_607, %dma_start3A_608] : memref<2x8x80xi32, #tpu.memory_space<vmem>> -> memref<1x1x80xi32, #tpu.memory_space<vmem>>
      %dma_start3A_610 = tpu.memref_squeeze %dma_start3A_609 : memref<1x1x80xi32, #tpu.memory_space<vmem>> -> memref<80xi32, #tpu.memory_space<vmem>>
      %dma_start3A_611 = arith.constant 0 : i32
      %dma_start3A_612 = arith.constant 0 : i32
      %dma_start3A_613 = tpu.memref_slice %arg2[%dma_start3A_611, %dma_start3A_612] : memref<10000x128xf32, #tpu.memory_space<hbm>> -> memref<10000x128xf32, #tpu.memory_space<hbm>>
      tpu.enqueue_indirect_dma source(%dma_start3A_613 : memref<10000x128xf32, #tpu.memory_space<hbm>>) target(%arg12 : memref<80x128xf32, #tpu.memory_space<vmem>>) offsets(%dma_start3A_610 : memref<80xi32, #tpu.memory_space<vmem>>) semaphore(%arg17 : memref<!tpu.dma_semaphore, #tpu.memory_space<semaphore_mem>>)
      %dma_wait3A_614 = arith.constant 0 : i32
      %dma_wait3A_615 = arith.constant 1 : i32
      %dma_wait3A_616 = arith.constant 0 : i32
      %dma_wait3A_617 = tpu.memref_slice %arg10[%dma_wait3A_614, %dma_wait3A_615, %dma_wait3A_616] : memref<2x8x80xi32, #tpu.memory_space<vmem>> -> memref<1x1x80xi32, #tpu.memory_space<vmem>>
      %dma_wait3A_618 = tpu.memref_squeeze %dma_wait3A_617 : memref<1x1x80xi32, #tpu.memory_space<vmem>> -> memref<80xi32, #tpu.memory_space<vmem>>
      %dma_wait3A_619 = arith.constant 0 : i32
      %dma_wait3A_620 = arith.constant 0 : i32
      %dma_wait3A_621 = tpu.memref_slice %arg2[%dma_wait3A_619, %dma_wait3A_620] : memref<10000x128xf32, #tpu.memory_space<hbm>> -> memref<10000x128xf32, #tpu.memory_space<hbm>>
      tpu.wait_indirect_dma semaphore(%arg18 : memref<!tpu.dma_semaphore, #tpu.memory_space<semaphore_mem>>) src(%dma_wait3A_621 : memref<10000x128xf32, #tpu.memory_space<hbm>>) dst(%arg13 : memref<80x128xf32, #tpu.memory_space<vmem>>)
      %dma_start3A_622 = arith.constant 0 : i32
      %dma_start3A_623 = arith.constant 1 : i32
      %dma_start3A_624 = arith.constant 0 : i32
      %dma_start3A_625 = tpu.memref_slice %arg11[%dma_start3A_622, %dma_start3A_623, %dma_start3A_624] : memref<2x8x80xi32, #tpu.memory_space<vmem>> -> memref<1x1x80xi32, #tpu.memory_space<vmem>>
      %dma_start3A_626 = tpu.memref_squeeze %dma_start3A_625 : memref<1x1x80xi32, #tpu.memory_space<vmem>> -> memref<80xi32, #tpu.memory_space<vmem>>
      %dma_start3A_627 = arith.constant 0 : i32
      %dma_start3A_628 = arith.constant 0 : i32
      %dma_start3A_629 = tpu.memref_slice %arg8[%dma_start3A_627, %dma_start3A_628] : memref<10240x128xf32, #tpu.memory_space<vmem_shared>> -> memref<10240x128xf32, #tpu.memory_space<vmem_shared>>
      tpu.enqueue_indirect_dma source(%arg13 : memref<80x128xf32, #tpu.memory_space<vmem>>) target(%dma_start3A_629 : memref<10240x128xf32, #tpu.memory_space<vmem_shared>>) offsets(%dma_start3A_626 : memref<80xi32, #tpu.memory_space<vmem>>) semaphore(%arg23 : memref<!tpu.dma_semaphore, #tpu.memory_space<semaphore_mem>>) {add = true}
      %run_scoped3A_630 = arith.constant 0 : i32
      %run_scoped3A_631 = arith.constant 1 : i32
      "tpu.region"() ({
        %run_scoped3A_1161 = tpu.sem_alloc : memref<!tpu.dma_semaphore, #tpu.memory_space<semaphore_mem>>
        %dma_start3A_1162 = arith.constant 0 : i32
        %dma_start3A_1163 = tpu.memref_slice %arg11[%run_scoped3A_630, %run_scoped3A_631, %dma_start3A_1162] : memref<2x8x80xi32, #tpu.memory_space<vmem>> -> memref<1x1x80xi32, #tpu.memory_space<vmem>>
        %dma_start3A_1164 = tpu.memref_squeeze %dma_start3A_1163 : memref<1x1x80xi32, #tpu.memory_space<vmem>> -> memref<80xi32, #tpu.memory_space<vmem>>
        %dma_start3A_1165 = arith.constant 0 : i32
        %dma_start3A_1166 = tpu.memref_slice %arg9[%dma_start3A_1165] : memref<10240xf32, #tpu.memory_space<vmem_shared>> -> memref<10240xf32, #tpu.memory_space<vmem_shared>>
        tpu.enqueue_indirect_dma source(%arg15 : memref<80xf32, #tpu.memory_space<vmem>>) target(%dma_start3A_1166 : memref<10240xf32, #tpu.memory_space<vmem_shared>>) offsets(%dma_start3A_1164 : memref<80xi32, #tpu.memory_space<vmem>>) semaphore(%run_scoped3A_1161 : memref<!tpu.dma_semaphore, #tpu.memory_space<semaphore_mem>>) {add = true}
        %dma_wait3A_1167 = arith.constant 0 : i32
        %dma_wait3A_1168 = tpu.memref_slice %arg11[%run_scoped3A_630, %run_scoped3A_631, %dma_wait3A_1167] : memref<2x8x80xi32, #tpu.memory_space<vmem>> -> memref<1x1x80xi32, #tpu.memory_space<vmem>>
        %dma_wait3A_1169 = tpu.memref_squeeze %dma_wait3A_1168 : memref<1x1x80xi32, #tpu.memory_space<vmem>> -> memref<80xi32, #tpu.memory_space<vmem>>
        %dma_wait3A_1170 = arith.constant 0 : i32
        %dma_wait3A_1171 = tpu.memref_slice %arg9[%dma_wait3A_1170] : memref<10240xf32, #tpu.memory_space<vmem_shared>> -> memref<10240xf32, #tpu.memory_space<vmem_shared>>
        tpu.wait_indirect_dma semaphore(%run_scoped3A_1161 : memref<!tpu.dma_semaphore, #tpu.memory_space<semaphore_mem>>) src(%arg15 : memref<80xf32, #tpu.memory_space<vmem>>) dst(%dma_wait3A_1171 : memref<10240xf32, #tpu.memory_space<vmem_shared>>)
        tpu.yield
      }) : () -> ()
      %dma_wait3A_632 = arith.constant 0 : i32
      %dma_wait3A_633 = arith.constant 1 : i32
      %dma_wait3A_634 = arith.constant 0 : i32
      %dma_wait3A_635 = tpu.memref_slice %arg11[%dma_wait3A_632, %dma_wait3A_633, %dma_wait3A_634] : memref<2x8x80xi32, #tpu.memory_space<vmem>> -> memref<1x1x80xi32, #tpu.memory_space<vmem>>
      %dma_wait3A_636 = tpu.memref_squeeze %dma_wait3A_635 : memref<1x1x80xi32, #tpu.memory_space<vmem>> -> memref<80xi32, #tpu.memory_space<vmem>>
      %dma_wait3A_637 = arith.constant 0 : i32
      %dma_wait3A_638 = arith.constant 0 : i32
      %dma_wait3A_639 = tpu.memref_slice %arg8[%dma_wait3A_637, %dma_wait3A_638] : memref<10240x128xf32, #tpu.memory_space<vmem_shared>> -> memref<10240x128xf32, #tpu.memory_space<vmem_shared>>
      tpu.wait_indirect_dma semaphore(%arg23 : memref<!tpu.dma_semaphore, #tpu.memory_space<semaphore_mem>>) src(%arg13 : memref<80x128xf32, #tpu.memory_space<vmem>>) dst(%dma_wait3A_639 : memref<10240x128xf32, #tpu.memory_space<vmem_shared>>)
      %dma_start3A_640 = arith.constant 0 : i32
      %dma_start3A_641 = arith.constant 4 : i32
      %dma_start3A_642 = arith.constant 0 : i32
      %dma_start3A_643 = tpu.memref_slice %arg10[%dma_start3A_640, %dma_start3A_641, %dma_start3A_642] : memref<2x8x80xi32, #tpu.memory_space<vmem>> -> memref<1x1x80xi32, #tpu.memory_space<vmem>>
      %dma_start3A_644 = tpu.memref_squeeze %dma_start3A_643 : memref<1x1x80xi32, #tpu.memory_space<vmem>> -> memref<80xi32, #tpu.memory_space<vmem>>
      %dma_start3A_645 = arith.constant 0 : i32
      %dma_start3A_646 = arith.constant 0 : i32
      %dma_start3A_647 = tpu.memref_slice %arg2[%dma_start3A_645, %dma_start3A_646] : memref<10000x128xf32, #tpu.memory_space<hbm>> -> memref<10000x128xf32, #tpu.memory_space<hbm>>
      tpu.enqueue_indirect_dma source(%dma_start3A_647 : memref<10000x128xf32, #tpu.memory_space<hbm>>) target(%arg13 : memref<80x128xf32, #tpu.memory_space<vmem>>) offsets(%dma_start3A_644 : memref<80xi32, #tpu.memory_space<vmem>>) semaphore(%arg18 : memref<!tpu.dma_semaphore, #tpu.memory_space<semaphore_mem>>)
      %dma_wait3A_648 = arith.constant 0 : i32
      %dma_wait3A_649 = arith.constant 2 : i32
      %dma_wait3A_650 = arith.constant 0 : i32
      %dma_wait3A_651 = tpu.memref_slice %arg10[%dma_wait3A_648, %dma_wait3A_649, %dma_wait3A_650] : memref<2x8x80xi32, #tpu.memory_space<vmem>> -> memref<1x1x80xi32, #tpu.memory_space<vmem>>
      %dma_wait3A_652 = tpu.memref_squeeze %dma_wait3A_651 : memref<1x1x80xi32, #tpu.memory_space<vmem>> -> memref<80xi32, #tpu.memory_space<vmem>>
      %dma_wait3A_653 = arith.constant 0 : i32
      %dma_wait3A_654 = arith.constant 0 : i32
      %dma_wait3A_655 = tpu.memref_slice %arg2[%dma_wait3A_653, %dma_wait3A_654] : memref<10000x128xf32, #tpu.memory_space<hbm>> -> memref<10000x128xf32, #tpu.memory_space<hbm>>
      tpu.wait_indirect_dma semaphore(%arg21 : memref<!tpu.dma_semaphore, #tpu.memory_space<semaphore_mem>>) src(%dma_wait3A_655 : memref<10000x128xf32, #tpu.memory_space<hbm>>) dst(%arg14 : memref<80x128xf32, #tpu.memory_space<vmem>>)
      %dma_start3A_656 = arith.constant 0 : i32
      %dma_start3A_657 = arith.constant 2 : i32
      %dma_start3A_658 = arith.constant 0 : i32
      %dma_start3A_659 = tpu.memref_slice %arg11[%dma_start3A_656, %dma_start3A_657, %dma_start3A_658] : memref<2x8x80xi32, #tpu.memory_space<vmem>> -> memref<1x1x80xi32, #tpu.memory_space<vmem>>
      %dma_start3A_660 = tpu.memref_squeeze %dma_start3A_659 : memref<1x1x80xi32, #tpu.memory_space<vmem>> -> memref<80xi32, #tpu.memory_space<vmem>>
      %dma_start3A_661 = arith.constant 0 : i32
      %dma_start3A_662 = arith.constant 0 : i32
      %dma_start3A_663 = tpu.memref_slice %arg8[%dma_start3A_661, %dma_start3A_662] : memref<10240x128xf32, #tpu.memory_space<vmem_shared>> -> memref<10240x128xf32, #tpu.memory_space<vmem_shared>>
      tpu.enqueue_indirect_dma source(%arg14 : memref<80x128xf32, #tpu.memory_space<vmem>>) target(%dma_start3A_663 : memref<10240x128xf32, #tpu.memory_space<vmem_shared>>) offsets(%dma_start3A_660 : memref<80xi32, #tpu.memory_space<vmem>>) semaphore(%arg24 : memref<!tpu.dma_semaphore, #tpu.memory_space<semaphore_mem>>) {add = true}
      %run_scoped3A_664 = arith.constant 0 : i32
      %run_scoped3A_665 = arith.constant 2 : i32
      "tpu.region"() ({
        %run_scoped3A_1161 = tpu.sem_alloc : memref<!tpu.dma_semaphore, #tpu.memory_space<semaphore_mem>>
        %dma_start3A_1162 = arith.constant 0 : i32
        %dma_start3A_1163 = tpu.memref_slice %arg11[%run_scoped3A_664, %run_scoped3A_665, %dma_start3A_1162] : memref<2x8x80xi32, #tpu.memory_space<vmem>> -> memref<1x1x80xi32, #tpu.memory_space<vmem>>
        %dma_start3A_1164 = tpu.memref_squeeze %dma_start3A_1163 : memref<1x1x80xi32, #tpu.memory_space<vmem>> -> memref<80xi32, #tpu.memory_space<vmem>>
        %dma_start3A_1165 = arith.constant 0 : i32
        %dma_start3A_1166 = tpu.memref_slice %arg9[%dma_start3A_1165] : memref<10240xf32, #tpu.memory_space<vmem_shared>> -> memref<10240xf32, #tpu.memory_space<vmem_shared>>
        tpu.enqueue_indirect_dma source(%arg15 : memref<80xf32, #tpu.memory_space<vmem>>) target(%dma_start3A_1166 : memref<10240xf32, #tpu.memory_space<vmem_shared>>) offsets(%dma_start3A_1164 : memref<80xi32, #tpu.memory_space<vmem>>) semaphore(%run_scoped3A_1161 : memref<!tpu.dma_semaphore, #tpu.memory_space<semaphore_mem>>) {add = true}
        %dma_wait3A_1167 = arith.constant 0 : i32
        %dma_wait3A_1168 = tpu.memref_slice %arg11[%run_scoped3A_664, %run_scoped3A_665, %dma_wait3A_1167] : memref<2x8x80xi32, #tpu.memory_space<vmem>> -> memref<1x1x80xi32, #tpu.memory_space<vmem>>
        %dma_wait3A_1169 = tpu.memref_squeeze %dma_wait3A_1168 : memref<1x1x80xi32, #tpu.memory_space<vmem>> -> memref<80xi32, #tpu.memory_space<vmem>>
        %dma_wait3A_1170 = arith.constant 0 : i32
        %dma_wait3A_1171 = tpu.memref_slice %arg9[%dma_wait3A_1170] : memref<10240xf32, #tpu.memory_space<vmem_shared>> -> memref<10240xf32, #tpu.memory_space<vmem_shared>>
        tpu.wait_indirect_dma semaphore(%run_scoped3A_1161 : memref<!tpu.dma_semaphore, #tpu.memory_space<semaphore_mem>>) src(%arg15 : memref<80xf32, #tpu.memory_space<vmem>>) dst(%dma_wait3A_1171 : memref<10240xf32, #tpu.memory_space<vmem_shared>>)
        tpu.yield
      }) : () -> ()
      %dma_wait3A_666 = arith.constant 0 : i32
      %dma_wait3A_667 = arith.constant 2 : i32
      %dma_wait3A_668 = arith.constant 0 : i32
      %dma_wait3A_669 = tpu.memref_slice %arg11[%dma_wait3A_666, %dma_wait3A_667, %dma_wait3A_668] : memref<2x8x80xi32, #tpu.memory_space<vmem>> -> memref<1x1x80xi32, #tpu.memory_space<vmem>>
      %dma_wait3A_670 = tpu.memref_squeeze %dma_wait3A_669 : memref<1x1x80xi32, #tpu.memory_space<vmem>> -> memref<80xi32, #tpu.memory_space<vmem>>
      %dma_wait3A_671 = arith.constant 0 : i32
      %dma_wait3A_672 = arith.constant 0 : i32
      %dma_wait3A_673 = tpu.memref_slice %arg8[%dma_wait3A_671, %dma_wait3A_672] : memref<10240x128xf32, #tpu.memory_space<vmem_shared>> -> memref<10240x128xf32, #tpu.memory_space<vmem_shared>>
      tpu.wait_indirect_dma semaphore(%arg24 : memref<!tpu.dma_semaphore, #tpu.memory_space<semaphore_mem>>) src(%arg14 : memref<80x128xf32, #tpu.memory_space<vmem>>) dst(%dma_wait3A_673 : memref<10240x128xf32, #tpu.memory_space<vmem_shared>>)
      %dma_start3A_674 = arith.constant 0 : i32
      %dma_start3A_675 = arith.constant 5 : i32
      %dma_start3A_676 = arith.constant 0 : i32
      %dma_start3A_677 = tpu.memref_slice %arg10[%dma_start3A_674, %dma_start3A_675, %dma_start3A_676] : memref<2x8x80xi32, #tpu.memory_space<vmem>> -> memref<1x1x80xi32, #tpu.memory_space<vmem>>
      %dma_start3A_678 = tpu.memref_squeeze %dma_start3A_677 : memref<1x1x80xi32, #tpu.memory_space<vmem>> -> memref<80xi32, #tpu.memory_space<vmem>>
      %dma_start3A_679 = arith.constant 0 : i32
      %dma_start3A_680 = arith.constant 0 : i32
      %dma_start3A_681 = tpu.memref_slice %arg2[%dma_start3A_679, %dma_start3A_680] : memref<10000x128xf32, #tpu.memory_space<hbm>> -> memref<10000x128xf32, #tpu.memory_space<hbm>>
      tpu.enqueue_indirect_dma source(%dma_start3A_681 : memref<10000x128xf32, #tpu.memory_space<hbm>>) target(%arg14 : memref<80x128xf32, #tpu.memory_space<vmem>>) offsets(%dma_start3A_678 : memref<80xi32, #tpu.memory_space<vmem>>) semaphore(%arg21 : memref<!tpu.dma_semaphore, #tpu.memory_space<semaphore_mem>>)
      %dma_wait3A_682 = arith.constant 0 : i32
      %dma_wait3A_683 = arith.constant 3 : i32
      %dma_wait3A_684 = arith.constant 0 : i32
      %dma_wait3A_685 = tpu.memref_slice %arg10[%dma_wait3A_682, %dma_wait3A_683, %dma_wait3A_684] : memref<2x8x80xi32, #tpu.memory_space<vmem>> -> memref<1x1x80xi32, #tpu.memory_space<vmem>>
      %dma_wait3A_686 = tpu.memref_squeeze %dma_wait3A_685 : memref<1x1x80xi32, #tpu.memory_space<vmem>> -> memref<80xi32, #tpu.memory_space<vmem>>
      %dma_wait3A_687 = arith.constant 0 : i32
      %dma_wait3A_688 = arith.constant 0 : i32
      %dma_wait3A_689 = tpu.memref_slice %arg2[%dma_wait3A_687, %dma_wait3A_688] : memref<10000x128xf32, #tpu.memory_space<hbm>> -> memref<10000x128xf32, #tpu.memory_space<hbm>>
      tpu.wait_indirect_dma semaphore(%arg17 : memref<!tpu.dma_semaphore, #tpu.memory_space<semaphore_mem>>) src(%dma_wait3A_689 : memref<10000x128xf32, #tpu.memory_space<hbm>>) dst(%arg12 : memref<80x128xf32, #tpu.memory_space<vmem>>)
      %dma_start3A_690 = arith.constant 0 : i32
      %dma_start3A_691 = arith.constant 3 : i32
      %dma_start3A_692 = arith.constant 0 : i32
      %dma_start3A_693 = tpu.memref_slice %arg11[%dma_start3A_690, %dma_start3A_691, %dma_start3A_692] : memref<2x8x80xi32, #tpu.memory_space<vmem>> -> memref<1x1x80xi32, #tpu.memory_space<vmem>>
      %dma_start3A_694 = tpu.memref_squeeze %dma_start3A_693 : memref<1x1x80xi32, #tpu.memory_space<vmem>> -> memref<80xi32, #tpu.memory_space<vmem>>
      %dma_start3A_695 = arith.constant 0 : i32
      %dma_start3A_696 = arith.constant 0 : i32
      %dma_start3A_697 = tpu.memref_slice %arg8[%dma_start3A_695, %dma_start3A_696] : memref<10240x128xf32, #tpu.memory_space<vmem_shared>> -> memref<10240x128xf32, #tpu.memory_space<vmem_shared>>
      tpu.enqueue_indirect_dma source(%arg12 : memref<80x128xf32, #tpu.memory_space<vmem>>) target(%dma_start3A_697 : memref<10240x128xf32, #tpu.memory_space<vmem_shared>>) offsets(%dma_start3A_694 : memref<80xi32, #tpu.memory_space<vmem>>) semaphore(%arg22 : memref<!tpu.dma_semaphore, #tpu.memory_space<semaphore_mem>>) {add = true}
      %run_scoped3A_698 = arith.constant 0 : i32
      %run_scoped3A_699 = arith.constant 3 : i32
      "tpu.region"() ({
        %run_scoped3A_1161 = tpu.sem_alloc : memref<!tpu.dma_semaphore, #tpu.memory_space<semaphore_mem>>
        %dma_start3A_1162 = arith.constant 0 : i32
        %dma_start3A_1163 = tpu.memref_slice %arg11[%run_scoped3A_698, %run_scoped3A_699, %dma_start3A_1162] : memref<2x8x80xi32, #tpu.memory_space<vmem>> -> memref<1x1x80xi32, #tpu.memory_space<vmem>>
        %dma_start3A_1164 = tpu.memref_squeeze %dma_start3A_1163 : memref<1x1x80xi32, #tpu.memory_space<vmem>> -> memref<80xi32, #tpu.memory_space<vmem>>
        %dma_start3A_1165 = arith.constant 0 : i32
        %dma_start3A_1166 = tpu.memref_slice %arg9[%dma_start3A_1165] : memref<10240xf32, #tpu.memory_space<vmem_shared>> -> memref<10240xf32, #tpu.memory_space<vmem_shared>>
        tpu.enqueue_indirect_dma source(%arg15 : memref<80xf32, #tpu.memory_space<vmem>>) target(%dma_start3A_1166 : memref<10240xf32, #tpu.memory_space<vmem_shared>>) offsets(%dma_start3A_1164 : memref<80xi32, #tpu.memory_space<vmem>>) semaphore(%run_scoped3A_1161 : memref<!tpu.dma_semaphore, #tpu.memory_space<semaphore_mem>>) {add = true}
        %dma_wait3A_1167 = arith.constant 0 : i32
        %dma_wait3A_1168 = tpu.memref_slice %arg11[%run_scoped3A_698, %run_scoped3A_699, %dma_wait3A_1167] : memref<2x8x80xi32, #tpu.memory_space<vmem>> -> memref<1x1x80xi32, #tpu.memory_space<vmem>>
        %dma_wait3A_1169 = tpu.memref_squeeze %dma_wait3A_1168 : memref<1x1x80xi32, #tpu.memory_space<vmem>> -> memref<80xi32, #tpu.memory_space<vmem>>
        %dma_wait3A_1170 = arith.constant 0 : i32
        %dma_wait3A_1171 = tpu.memref_slice %arg9[%dma_wait3A_1170] : memref<10240xf32, #tpu.memory_space<vmem_shared>> -> memref<10240xf32, #tpu.memory_space<vmem_shared>>
        tpu.wait_indirect_dma semaphore(%run_scoped3A_1161 : memref<!tpu.dma_semaphore, #tpu.memory_space<semaphore_mem>>) src(%arg15 : memref<80xf32, #tpu.memory_space<vmem>>) dst(%dma_wait3A_1171 : memref<10240xf32, #tpu.memory_space<vmem_shared>>)
        tpu.yield
      }) : () -> ()
      %dma_wait3A_700 = arith.constant 0 : i32
      %dma_wait3A_701 = arith.constant 3 : i32
      %dma_wait3A_702 = arith.constant 0 : i32
      %dma_wait3A_703 = tpu.memref_slice %arg11[%dma_wait3A_700, %dma_wait3A_701, %dma_wait3A_702] : memref<2x8x80xi32, #tpu.memory_space<vmem>> -> memref<1x1x80xi32, #tpu.memory_space<vmem>>
      %dma_wait3A_704 = tpu.memref_squeeze %dma_wait3A_703 : memref<1x1x80xi32, #tpu.memory_space<vmem>> -> memref<80xi32, #tpu.memory_space<vmem>>
      %dma_wait3A_705 = arith.constant 0 : i32
      %dma_wait3A_706 = arith.constant 0 : i32
      %dma_wait3A_707 = tpu.memref_slice %arg8[%dma_wait3A_705, %dma_wait3A_706] : memref<10240x128xf32, #tpu.memory_space<vmem_shared>> -> memref<10240x128xf32, #tpu.memory_space<vmem_shared>>
      tpu.wait_indirect_dma semaphore(%arg22 : memref<!tpu.dma_semaphore, #tpu.memory_space<semaphore_mem>>) src(%arg12 : memref<80x128xf32, #tpu.memory_space<vmem>>) dst(%dma_wait3A_707 : memref<10240x128xf32, #tpu.memory_space<vmem_shared>>)
      %dma_start3A_708 = arith.constant 0 : i32
      %dma_start3A_709 = arith.constant 6 : i32
      %dma_start3A_710 = arith.constant 0 : i32
      %dma_start3A_711 = tpu.memref_slice %arg10[%dma_start3A_708, %dma_start3A_709, %dma_start3A_710] : memref<2x8x80xi32, #tpu.memory_space<vmem>> -> memref<1x1x80xi32, #tpu.memory_space<vmem>>
      %dma_start3A_712 = tpu.memref_squeeze %dma_start3A_711 : memref<1x1x80xi32, #tpu.memory_space<vmem>> -> memref<80xi32, #tpu.memory_space<vmem>>
      %dma_start3A_713 = arith.constant 0 : i32
      %dma_start3A_714 = arith.constant 0 : i32
      %dma_start3A_715 = tpu.memref_slice %arg2[%dma_start3A_713, %dma_start3A_714] : memref<10000x128xf32, #tpu.memory_space<hbm>> -> memref<10000x128xf32, #tpu.memory_space<hbm>>
      tpu.enqueue_indirect_dma source(%dma_start3A_715 : memref<10000x128xf32, #tpu.memory_space<hbm>>) target(%arg12 : memref<80x128xf32, #tpu.memory_space<vmem>>) offsets(%dma_start3A_712 : memref<80xi32, #tpu.memory_space<vmem>>) semaphore(%arg17 : memref<!tpu.dma_semaphore, #tpu.memory_space<semaphore_mem>>)
      %dma_wait3A_716 = arith.constant 0 : i32
      %dma_wait3A_717 = arith.constant 4 : i32
      %dma_wait3A_718 = arith.constant 0 : i32
      %dma_wait3A_719 = tpu.memref_slice %arg10[%dma_wait3A_716, %dma_wait3A_717, %dma_wait3A_718] : memref<2x8x80xi32, #tpu.memory_space<vmem>> -> memref<1x1x80xi32, #tpu.memory_space<vmem>>
      %dma_wait3A_720 = tpu.memref_squeeze %dma_wait3A_719 : memref<1x1x80xi32, #tpu.memory_space<vmem>> -> memref<80xi32, #tpu.memory_space<vmem>>
      %dma_wait3A_721 = arith.constant 0 : i32
      %dma_wait3A_722 = arith.constant 0 : i32
      %dma_wait3A_723 = tpu.memref_slice %arg2[%dma_wait3A_721, %dma_wait3A_722] : memref<10000x128xf32, #tpu.memory_space<hbm>> -> memref<10000x128xf32, #tpu.memory_space<hbm>>
      tpu.wait_indirect_dma semaphore(%arg18 : memref<!tpu.dma_semaphore, #tpu.memory_space<semaphore_mem>>) src(%dma_wait3A_723 : memref<10000x128xf32, #tpu.memory_space<hbm>>) dst(%arg13 : memref<80x128xf32, #tpu.memory_space<vmem>>)
      %dma_start3A_724 = arith.constant 0 : i32
      %dma_start3A_725 = arith.constant 4 : i32
      %dma_start3A_726 = arith.constant 0 : i32
      %dma_start3A_727 = tpu.memref_slice %arg11[%dma_start3A_724, %dma_start3A_725, %dma_start3A_726] : memref<2x8x80xi32, #tpu.memory_space<vmem>> -> memref<1x1x80xi32, #tpu.memory_space<vmem>>
      %dma_start3A_728 = tpu.memref_squeeze %dma_start3A_727 : memref<1x1x80xi32, #tpu.memory_space<vmem>> -> memref<80xi32, #tpu.memory_space<vmem>>
      %dma_start3A_729 = arith.constant 0 : i32
      %dma_start3A_730 = arith.constant 0 : i32
      %dma_start3A_731 = tpu.memref_slice %arg8[%dma_start3A_729, %dma_start3A_730] : memref<10240x128xf32, #tpu.memory_space<vmem_shared>> -> memref<10240x128xf32, #tpu.memory_space<vmem_shared>>
      tpu.enqueue_indirect_dma source(%arg13 : memref<80x128xf32, #tpu.memory_space<vmem>>) target(%dma_start3A_731 : memref<10240x128xf32, #tpu.memory_space<vmem_shared>>) offsets(%dma_start3A_728 : memref<80xi32, #tpu.memory_space<vmem>>) semaphore(%arg23 : memref<!tpu.dma_semaphore, #tpu.memory_space<semaphore_mem>>) {add = true}
      %run_scoped3A_732 = arith.constant 0 : i32
      %run_scoped3A_733 = arith.constant 4 : i32
      "tpu.region"() ({
        %run_scoped3A_1161 = tpu.sem_alloc : memref<!tpu.dma_semaphore, #tpu.memory_space<semaphore_mem>>
        %dma_start3A_1162 = arith.constant 0 : i32
        %dma_start3A_1163 = tpu.memref_slice %arg11[%run_scoped3A_732, %run_scoped3A_733, %dma_start3A_1162] : memref<2x8x80xi32, #tpu.memory_space<vmem>> -> memref<1x1x80xi32, #tpu.memory_space<vmem>>
        %dma_start3A_1164 = tpu.memref_squeeze %dma_start3A_1163 : memref<1x1x80xi32, #tpu.memory_space<vmem>> -> memref<80xi32, #tpu.memory_space<vmem>>
        %dma_start3A_1165 = arith.constant 0 : i32
        %dma_start3A_1166 = tpu.memref_slice %arg9[%dma_start3A_1165] : memref<10240xf32, #tpu.memory_space<vmem_shared>> -> memref<10240xf32, #tpu.memory_space<vmem_shared>>
        tpu.enqueue_indirect_dma source(%arg15 : memref<80xf32, #tpu.memory_space<vmem>>) target(%dma_start3A_1166 : memref<10240xf32, #tpu.memory_space<vmem_shared>>) offsets(%dma_start3A_1164 : memref<80xi32, #tpu.memory_space<vmem>>) semaphore(%run_scoped3A_1161 : memref<!tpu.dma_semaphore, #tpu.memory_space<semaphore_mem>>) {add = true}
        %dma_wait3A_1167 = arith.constant 0 : i32
        %dma_wait3A_1168 = tpu.memref_slice %arg11[%run_scoped3A_732, %run_scoped3A_733, %dma_wait3A_1167] : memref<2x8x80xi32, #tpu.memory_space<vmem>> -> memref<1x1x80xi32, #tpu.memory_space<vmem>>
        %dma_wait3A_1169 = tpu.memref_squeeze %dma_wait3A_1168 : memref<1x1x80xi32, #tpu.memory_space<vmem>> -> memref<80xi32, #tpu.memory_space<vmem>>
        %dma_wait3A_1170 = arith.constant 0 : i32
        %dma_wait3A_1171 = tpu.memref_slice %arg9[%dma_wait3A_1170] : memref<10240xf32, #tpu.memory_space<vmem_shared>> -> memref<10240xf32, #tpu.memory_space<vmem_shared>>
        tpu.wait_indirect_dma semaphore(%run_scoped3A_1161 : memref<!tpu.dma_semaphore, #tpu.memory_space<semaphore_mem>>) src(%arg15 : memref<80xf32, #tpu.memory_space<vmem>>) dst(%dma_wait3A_1171 : memref<10240xf32, #tpu.memory_space<vmem_shared>>)
        tpu.yield
      }) : () -> ()
      %dma_wait3A_734 = arith.constant 0 : i32
      %dma_wait3A_735 = arith.constant 4 : i32
      %dma_wait3A_736 = arith.constant 0 : i32
      %dma_wait3A_737 = tpu.memref_slice %arg11[%dma_wait3A_734, %dma_wait3A_735, %dma_wait3A_736] : memref<2x8x80xi32, #tpu.memory_space<vmem>> -> memref<1x1x80xi32, #tpu.memory_space<vmem>>
      %dma_wait3A_738 = tpu.memref_squeeze %dma_wait3A_737 : memref<1x1x80xi32, #tpu.memory_space<vmem>> -> memref<80xi32, #tpu.memory_space<vmem>>
      %dma_wait3A_739 = arith.constant 0 : i32
      %dma_wait3A_740 = arith.constant 0 : i32
      %dma_wait3A_741 = tpu.memref_slice %arg8[%dma_wait3A_739, %dma_wait3A_740] : memref<10240x128xf32, #tpu.memory_space<vmem_shared>> -> memref<10240x128xf32, #tpu.memory_space<vmem_shared>>
      tpu.wait_indirect_dma semaphore(%arg23 : memref<!tpu.dma_semaphore, #tpu.memory_space<semaphore_mem>>) src(%arg13 : memref<80x128xf32, #tpu.memory_space<vmem>>) dst(%dma_wait3A_741 : memref<10240x128xf32, #tpu.memory_space<vmem_shared>>)
      %dma_start3A_742 = arith.constant 0 : i32
      %dma_start3A_743 = arith.constant 7 : i32
      %dma_start3A_744 = arith.constant 0 : i32
      %dma_start3A_745 = tpu.memref_slice %arg10[%dma_start3A_742, %dma_start3A_743, %dma_start3A_744] : memref<2x8x80xi32, #tpu.memory_space<vmem>> -> memref<1x1x80xi32, #tpu.memory_space<vmem>>
      %dma_start3A_746 = tpu.memref_squeeze %dma_start3A_745 : memref<1x1x80xi32, #tpu.memory_space<vmem>> -> memref<80xi32, #tpu.memory_space<vmem>>
      %dma_start3A_747 = arith.constant 0 : i32
      %dma_start3A_748 = arith.constant 0 : i32
      %dma_start3A_749 = tpu.memref_slice %arg2[%dma_start3A_747, %dma_start3A_748] : memref<10000x128xf32, #tpu.memory_space<hbm>> -> memref<10000x128xf32, #tpu.memory_space<hbm>>
      tpu.enqueue_indirect_dma source(%dma_start3A_749 : memref<10000x128xf32, #tpu.memory_space<hbm>>) target(%arg13 : memref<80x128xf32, #tpu.memory_space<vmem>>) offsets(%dma_start3A_746 : memref<80xi32, #tpu.memory_space<vmem>>) semaphore(%arg18 : memref<!tpu.dma_semaphore, #tpu.memory_space<semaphore_mem>>)
      %dma_wait3A_750 = arith.constant 0 : i32
      %dma_wait3A_751 = arith.constant 5 : i32
      %dma_wait3A_752 = arith.constant 0 : i32
      %dma_wait3A_753 = tpu.memref_slice %arg10[%dma_wait3A_750, %dma_wait3A_751, %dma_wait3A_752] : memref<2x8x80xi32, #tpu.memory_space<vmem>> -> memref<1x1x80xi32, #tpu.memory_space<vmem>>
      %dma_wait3A_754 = tpu.memref_squeeze %dma_wait3A_753 : memref<1x1x80xi32, #tpu.memory_space<vmem>> -> memref<80xi32, #tpu.memory_space<vmem>>
      %dma_wait3A_755 = arith.constant 0 : i32
      %dma_wait3A_756 = arith.constant 0 : i32
      %dma_wait3A_757 = tpu.memref_slice %arg2[%dma_wait3A_755, %dma_wait3A_756] : memref<10000x128xf32, #tpu.memory_space<hbm>> -> memref<10000x128xf32, #tpu.memory_space<hbm>>
      tpu.wait_indirect_dma semaphore(%arg21 : memref<!tpu.dma_semaphore, #tpu.memory_space<semaphore_mem>>) src(%dma_wait3A_757 : memref<10000x128xf32, #tpu.memory_space<hbm>>) dst(%arg14 : memref<80x128xf32, #tpu.memory_space<vmem>>)
      %dma_start3A_758 = arith.constant 0 : i32
      %dma_start3A_759 = arith.constant 5 : i32
      %dma_start3A_760 = arith.constant 0 : i32
      %dma_start3A_761 = tpu.memref_slice %arg11[%dma_start3A_758, %dma_start3A_759, %dma_start3A_760] : memref<2x8x80xi32, #tpu.memory_space<vmem>> -> memref<1x1x80xi32, #tpu.memory_space<vmem>>
      %dma_start3A_762 = tpu.memref_squeeze %dma_start3A_761 : memref<1x1x80xi32, #tpu.memory_space<vmem>> -> memref<80xi32, #tpu.memory_space<vmem>>
      %dma_start3A_763 = arith.constant 0 : i32
      %dma_start3A_764 = arith.constant 0 : i32
      %dma_start3A_765 = tpu.memref_slice %arg8[%dma_start3A_763, %dma_start3A_764] : memref<10240x128xf32, #tpu.memory_space<vmem_shared>> -> memref<10240x128xf32, #tpu.memory_space<vmem_shared>>
      tpu.enqueue_indirect_dma source(%arg14 : memref<80x128xf32, #tpu.memory_space<vmem>>) target(%dma_start3A_765 : memref<10240x128xf32, #tpu.memory_space<vmem_shared>>) offsets(%dma_start3A_762 : memref<80xi32, #tpu.memory_space<vmem>>) semaphore(%arg24 : memref<!tpu.dma_semaphore, #tpu.memory_space<semaphore_mem>>) {add = true}
      %run_scoped3A_766 = arith.constant 0 : i32
      %run_scoped3A_767 = arith.constant 5 : i32
      "tpu.region"() ({
        %run_scoped3A_1161 = tpu.sem_alloc : memref<!tpu.dma_semaphore, #tpu.memory_space<semaphore_mem>>
        %dma_start3A_1162 = arith.constant 0 : i32
        %dma_start3A_1163 = tpu.memref_slice %arg11[%run_scoped3A_766, %run_scoped3A_767, %dma_start3A_1162] : memref<2x8x80xi32, #tpu.memory_space<vmem>> -> memref<1x1x80xi32, #tpu.memory_space<vmem>>
        %dma_start3A_1164 = tpu.memref_squeeze %dma_start3A_1163 : memref<1x1x80xi32, #tpu.memory_space<vmem>> -> memref<80xi32, #tpu.memory_space<vmem>>
        %dma_start3A_1165 = arith.constant 0 : i32
        %dma_start3A_1166 = tpu.memref_slice %arg9[%dma_start3A_1165] : memref<10240xf32, #tpu.memory_space<vmem_shared>> -> memref<10240xf32, #tpu.memory_space<vmem_shared>>
        tpu.enqueue_indirect_dma source(%arg15 : memref<80xf32, #tpu.memory_space<vmem>>) target(%dma_start3A_1166 : memref<10240xf32, #tpu.memory_space<vmem_shared>>) offsets(%dma_start3A_1164 : memref<80xi32, #tpu.memory_space<vmem>>) semaphore(%run_scoped3A_1161 : memref<!tpu.dma_semaphore, #tpu.memory_space<semaphore_mem>>) {add = true}
        %dma_wait3A_1167 = arith.constant 0 : i32
        %dma_wait3A_1168 = tpu.memref_slice %arg11[%run_scoped3A_766, %run_scoped3A_767, %dma_wait3A_1167] : memref<2x8x80xi32, #tpu.memory_space<vmem>> -> memref<1x1x80xi32, #tpu.memory_space<vmem>>
        %dma_wait3A_1169 = tpu.memref_squeeze %dma_wait3A_1168 : memref<1x1x80xi32, #tpu.memory_space<vmem>> -> memref<80xi32, #tpu.memory_space<vmem>>
        %dma_wait3A_1170 = arith.constant 0 : i32
        %dma_wait3A_1171 = tpu.memref_slice %arg9[%dma_wait3A_1170] : memref<10240xf32, #tpu.memory_space<vmem_shared>> -> memref<10240xf32, #tpu.memory_space<vmem_shared>>
        tpu.wait_indirect_dma semaphore(%run_scoped3A_1161 : memref<!tpu.dma_semaphore, #tpu.memory_space<semaphore_mem>>) src(%arg15 : memref<80xf32, #tpu.memory_space<vmem>>) dst(%dma_wait3A_1171 : memref<10240xf32, #tpu.memory_space<vmem_shared>>)
        tpu.yield
      }) : () -> ()
      %dma_wait3A_768 = arith.constant 0 : i32
      %dma_wait3A_769 = arith.constant 6 : i32
      %dma_wait3A_770 = arith.constant 0 : i32
      %dma_wait3A_771 = tpu.memref_slice %arg10[%dma_wait3A_768, %dma_wait3A_769, %dma_wait3A_770] : memref<2x8x80xi32, #tpu.memory_space<vmem>> -> memref<1x1x80xi32, #tpu.memory_space<vmem>>
      %dma_wait3A_772 = tpu.memref_squeeze %dma_wait3A_771 : memref<1x1x80xi32, #tpu.memory_space<vmem>> -> memref<80xi32, #tpu.memory_space<vmem>>
      %dma_wait3A_773 = arith.constant 0 : i32
      %dma_wait3A_774 = arith.constant 0 : i32
      %dma_wait3A_775 = tpu.memref_slice %arg2[%dma_wait3A_773, %dma_wait3A_774] : memref<10000x128xf32, #tpu.memory_space<hbm>> -> memref<10000x128xf32, #tpu.memory_space<hbm>>
      tpu.wait_indirect_dma semaphore(%arg17 : memref<!tpu.dma_semaphore, #tpu.memory_space<semaphore_mem>>) src(%dma_wait3A_775 : memref<10000x128xf32, #tpu.memory_space<hbm>>) dst(%arg12 : memref<80x128xf32, #tpu.memory_space<vmem>>)
      %dma_start3A_776 = arith.constant 0 : i32
      %dma_start3A_777 = arith.constant 6 : i32
      %dma_start3A_778 = arith.constant 0 : i32
      %dma_start3A_779 = tpu.memref_slice %arg11[%dma_start3A_776, %dma_start3A_777, %dma_start3A_778] : memref<2x8x80xi32, #tpu.memory_space<vmem>> -> memref<1x1x80xi32, #tpu.memory_space<vmem>>
      %dma_start3A_780 = tpu.memref_squeeze %dma_start3A_779 : memref<1x1x80xi32, #tpu.memory_space<vmem>> -> memref<80xi32, #tpu.memory_space<vmem>>
      %dma_start3A_781 = arith.constant 0 : i32
      %dma_start3A_782 = arith.constant 0 : i32
      %dma_start3A_783 = tpu.memref_slice %arg8[%dma_start3A_781, %dma_start3A_782] : memref<10240x128xf32, #tpu.memory_space<vmem_shared>> -> memref<10240x128xf32, #tpu.memory_space<vmem_shared>>
      tpu.enqueue_indirect_dma source(%arg12 : memref<80x128xf32, #tpu.memory_space<vmem>>) target(%dma_start3A_783 : memref<10240x128xf32, #tpu.memory_space<vmem_shared>>) offsets(%dma_start3A_780 : memref<80xi32, #tpu.memory_space<vmem>>) semaphore(%arg22 : memref<!tpu.dma_semaphore, #tpu.memory_space<semaphore_mem>>) {add = true}
      %run_scoped3A_784 = arith.constant 0 : i32
      %run_scoped3A_785 = arith.constant 6 : i32
      "tpu.region"() ({
        %run_scoped3A_1161 = tpu.sem_alloc : memref<!tpu.dma_semaphore, #tpu.memory_space<semaphore_mem>>
        %dma_start3A_1162 = arith.constant 0 : i32
        %dma_start3A_1163 = tpu.memref_slice %arg11[%run_scoped3A_784, %run_scoped3A_785, %dma_start3A_1162] : memref<2x8x80xi32, #tpu.memory_space<vmem>> -> memref<1x1x80xi32, #tpu.memory_space<vmem>>
        %dma_start3A_1164 = tpu.memref_squeeze %dma_start3A_1163 : memref<1x1x80xi32, #tpu.memory_space<vmem>> -> memref<80xi32, #tpu.memory_space<vmem>>
        %dma_start3A_1165 = arith.constant 0 : i32
        %dma_start3A_1166 = tpu.memref_slice %arg9[%dma_start3A_1165] : memref<10240xf32, #tpu.memory_space<vmem_shared>> -> memref<10240xf32, #tpu.memory_space<vmem_shared>>
        tpu.enqueue_indirect_dma source(%arg15 : memref<80xf32, #tpu.memory_space<vmem>>) target(%dma_start3A_1166 : memref<10240xf32, #tpu.memory_space<vmem_shared>>) offsets(%dma_start3A_1164 : memref<80xi32, #tpu.memory_space<vmem>>) semaphore(%run_scoped3A_1161 : memref<!tpu.dma_semaphore, #tpu.memory_space<semaphore_mem>>) {add = true}
        %dma_wait3A_1167 = arith.constant 0 : i32
        %dma_wait3A_1168 = tpu.memref_slice %arg11[%run_scoped3A_784, %run_scoped3A_785, %dma_wait3A_1167] : memref<2x8x80xi32, #tpu.memory_space<vmem>> -> memref<1x1x80xi32, #tpu.memory_space<vmem>>
        %dma_wait3A_1169 = tpu.memref_squeeze %dma_wait3A_1168 : memref<1x1x80xi32, #tpu.memory_space<vmem>> -> memref<80xi32, #tpu.memory_space<vmem>>
        %dma_wait3A_1170 = arith.constant 0 : i32
        %dma_wait3A_1171 = tpu.memref_slice %arg9[%dma_wait3A_1170] : memref<10240xf32, #tpu.memory_space<vmem_shared>> -> memref<10240xf32, #tpu.memory_space<vmem_shared>>
        tpu.wait_indirect_dma semaphore(%run_scoped3A_1161 : memref<!tpu.dma_semaphore, #tpu.memory_space<semaphore_mem>>) src(%arg15 : memref<80xf32, #tpu.memory_space<vmem>>) dst(%dma_wait3A_1171 : memref<10240xf32, #tpu.memory_space<vmem_shared>>)
        tpu.yield
      }) : () -> ()
      %dma_wait3A_786 = arith.constant 0 : i32
      %dma_wait3A_787 = arith.constant 7 : i32
      %dma_wait3A_788 = arith.constant 0 : i32
      %dma_wait3A_789 = tpu.memref_slice %arg10[%dma_wait3A_786, %dma_wait3A_787, %dma_wait3A_788] : memref<2x8x80xi32, #tpu.memory_space<vmem>> -> memref<1x1x80xi32, #tpu.memory_space<vmem>>
      %dma_wait3A_790 = tpu.memref_squeeze %dma_wait3A_789 : memref<1x1x80xi32, #tpu.memory_space<vmem>> -> memref<80xi32, #tpu.memory_space<vmem>>
      %dma_wait3A_791 = arith.constant 0 : i32
      %dma_wait3A_792 = arith.constant 0 : i32
      %dma_wait3A_793 = tpu.memref_slice %arg2[%dma_wait3A_791, %dma_wait3A_792] : memref<10000x128xf32, #tpu.memory_space<hbm>> -> memref<10000x128xf32, #tpu.memory_space<hbm>>
      tpu.wait_indirect_dma semaphore(%arg18 : memref<!tpu.dma_semaphore, #tpu.memory_space<semaphore_mem>>) src(%dma_wait3A_793 : memref<10000x128xf32, #tpu.memory_space<hbm>>) dst(%arg13 : memref<80x128xf32, #tpu.memory_space<vmem>>)
      %dma_start3A_794 = arith.constant 0 : i32
      %dma_start3A_795 = arith.constant 7 : i32
      %dma_start3A_796 = arith.constant 0 : i32
      %dma_start3A_797 = tpu.memref_slice %arg11[%dma_start3A_794, %dma_start3A_795, %dma_start3A_796] : memref<2x8x80xi32, #tpu.memory_space<vmem>> -> memref<1x1x80xi32, #tpu.memory_space<vmem>>
      %dma_start3A_798 = tpu.memref_squeeze %dma_start3A_797 : memref<1x1x80xi32, #tpu.memory_space<vmem>> -> memref<80xi32, #tpu.memory_space<vmem>>
      %dma_start3A_799 = arith.constant 0 : i32
      %dma_start3A_800 = arith.constant 0 : i32
      %dma_start3A_801 = tpu.memref_slice %arg8[%dma_start3A_799, %dma_start3A_800] : memref<10240x128xf32, #tpu.memory_space<vmem_shared>> -> memref<10240x128xf32, #tpu.memory_space<vmem_shared>>
      tpu.enqueue_indirect_dma source(%arg13 : memref<80x128xf32, #tpu.memory_space<vmem>>) target(%dma_start3A_801 : memref<10240x128xf32, #tpu.memory_space<vmem_shared>>) offsets(%dma_start3A_798 : memref<80xi32, #tpu.memory_space<vmem>>) semaphore(%arg23 : memref<!tpu.dma_semaphore, #tpu.memory_space<semaphore_mem>>) {add = true}
      %run_scoped3A_802 = arith.constant 0 : i32
      %run_scoped3A_803 = arith.constant 7 : i32
      "tpu.region"() ({
        %run_scoped3A_1161 = tpu.sem_alloc : memref<!tpu.dma_semaphore, #tpu.memory_space<semaphore_mem>>
        %dma_start3A_1162 = arith.constant 0 : i32
        %dma_start3A_1163 = tpu.memref_slice %arg11[%run_scoped3A_802, %run_scoped3A_803, %dma_start3A_1162] : memref<2x8x80xi32, #tpu.memory_space<vmem>> -> memref<1x1x80xi32, #tpu.memory_space<vmem>>
        %dma_start3A_1164 = tpu.memref_squeeze %dma_start3A_1163 : memref<1x1x80xi32, #tpu.memory_space<vmem>> -> memref<80xi32, #tpu.memory_space<vmem>>
        %dma_start3A_1165 = arith.constant 0 : i32
        %dma_start3A_1166 = tpu.memref_slice %arg9[%dma_start3A_1165] : memref<10240xf32, #tpu.memory_space<vmem_shared>> -> memref<10240xf32, #tpu.memory_space<vmem_shared>>
        tpu.enqueue_indirect_dma source(%arg15 : memref<80xf32, #tpu.memory_space<vmem>>) target(%dma_start3A_1166 : memref<10240xf32, #tpu.memory_space<vmem_shared>>) offsets(%dma_start3A_1164 : memref<80xi32, #tpu.memory_space<vmem>>) semaphore(%run_scoped3A_1161 : memref<!tpu.dma_semaphore, #tpu.memory_space<semaphore_mem>>) {add = true}
        %dma_wait3A_1167 = arith.constant 0 : i32
        %dma_wait3A_1168 = tpu.memref_slice %arg11[%run_scoped3A_802, %run_scoped3A_803, %dma_wait3A_1167] : memref<2x8x80xi32, #tpu.memory_space<vmem>> -> memref<1x1x80xi32, #tpu.memory_space<vmem>>
        %dma_wait3A_1169 = tpu.memref_squeeze %dma_wait3A_1168 : memref<1x1x80xi32, #tpu.memory_space<vmem>> -> memref<80xi32, #tpu.memory_space<vmem>>
        %dma_wait3A_1170 = arith.constant 0 : i32
        %dma_wait3A_1171 = tpu.memref_slice %arg9[%dma_wait3A_1170] : memref<10240xf32, #tpu.memory_space<vmem_shared>> -> memref<10240xf32, #tpu.memory_space<vmem_shared>>
        tpu.wait_indirect_dma semaphore(%run_scoped3A_1161 : memref<!tpu.dma_semaphore, #tpu.memory_space<semaphore_mem>>) src(%arg15 : memref<80xf32, #tpu.memory_space<vmem>>) dst(%dma_wait3A_1171 : memref<10240xf32, #tpu.memory_space<vmem_shared>>)
        tpu.yield
      }) : () -> ()
      %dma_wait3A_804 = arith.constant 0 : i32
      %dma_wait3A_805 = arith.constant 5 : i32
      %dma_wait3A_806 = arith.constant 0 : i32
      %dma_wait3A_807 = tpu.memref_slice %arg11[%dma_wait3A_804, %dma_wait3A_805, %dma_wait3A_806] : memref<2x8x80xi32, #tpu.memory_space<vmem>> -> memref<1x1x80xi32, #tpu.memory_space<vmem>>
      %dma_wait3A_808 = tpu.memref_squeeze %dma_wait3A_807 : memref<1x1x80xi32, #tpu.memory_space<vmem>> -> memref<80xi32, #tpu.memory_space<vmem>>
      %dma_wait3A_809 = arith.constant 0 : i32
      %dma_wait3A_810 = arith.constant 0 : i32
      %dma_wait3A_811 = tpu.memref_slice %arg8[%dma_wait3A_809, %dma_wait3A_810] : memref<10240x128xf32, #tpu.memory_space<vmem_shared>> -> memref<10240x128xf32, #tpu.memory_space<vmem_shared>>
      tpu.wait_indirect_dma semaphore(%arg24 : memref<!tpu.dma_semaphore, #tpu.memory_space<semaphore_mem>>) src(%arg14 : memref<80x128xf32, #tpu.memory_space<vmem>>) dst(%dma_wait3A_811 : memref<10240x128xf32, #tpu.memory_space<vmem_shared>>)
      %dma_wait3A_812 = arith.constant 0 : i32
      %dma_wait3A_813 = arith.constant 6 : i32
      %dma_wait3A_814 = arith.constant 0 : i32
      %dma_wait3A_815 = tpu.memref_slice %arg11[%dma_wait3A_812, %dma_wait3A_813, %dma_wait3A_814] : memref<2x8x80xi32, #tpu.memory_space<vmem>> -> memref<1x1x80xi32, #tpu.memory_space<vmem>>
      %dma_wait3A_816 = tpu.memref_squeeze %dma_wait3A_815 : memref<1x1x80xi32, #tpu.memory_space<vmem>> -> memref<80xi32, #tpu.memory_space<vmem>>
      %dma_wait3A_817 = arith.constant 0 : i32
      %dma_wait3A_818 = arith.constant 0 : i32
      %dma_wait3A_819 = tpu.memref_slice %arg8[%dma_wait3A_817, %dma_wait3A_818] : memref<10240x128xf32, #tpu.memory_space<vmem_shared>> -> memref<10240x128xf32, #tpu.memory_space<vmem_shared>>
      tpu.wait_indirect_dma semaphore(%arg22 : memref<!tpu.dma_semaphore, #tpu.memory_space<semaphore_mem>>) src(%arg12 : memref<80x128xf32, #tpu.memory_space<vmem>>) dst(%dma_wait3A_819 : memref<10240x128xf32, #tpu.memory_space<vmem_shared>>)
      %dma_wait3A_820 = arith.constant 0 : i32
      %dma_wait3A_821 = arith.constant 7 : i32
      %dma_wait3A_822 = arith.constant 0 : i32
      %dma_wait3A_823 = tpu.memref_slice %arg11[%dma_wait3A_820, %dma_wait3A_821, %dma_wait3A_822] : memref<2x8x80xi32, #tpu.memory_space<vmem>> -> memref<1x1x80xi32, #tpu.memory_space<vmem>>
      %dma_wait3A_824 = tpu.memref_squeeze %dma_wait3A_823 : memref<1x1x80xi32, #tpu.memory_space<vmem>> -> memref<80xi32, #tpu.memory_space<vmem>>
      %dma_wait3A_825 = arith.constant 0 : i32
      %dma_wait3A_826 = arith.constant 0 : i32
      %dma_wait3A_827 = tpu.memref_slice %arg8[%dma_wait3A_825, %dma_wait3A_826] : memref<10240x128xf32, #tpu.memory_space<vmem_shared>> -> memref<10240x128xf32, #tpu.memory_space<vmem_shared>>
      tpu.wait_indirect_dma semaphore(%arg23 : memref<!tpu.dma_semaphore, #tpu.memory_space<semaphore_mem>>) src(%arg13 : memref<80x128xf32, #tpu.memory_space<vmem>>) dst(%dma_wait3A_827 : memref<10240x128xf32, #tpu.memory_space<vmem_shared>>)
      %add3A_828 = arith.constant 2 : i32
      %add3A_829 = arith.addi %mul3A_495, %add3A_828 : i32
      %mul3A_830 = arith.constant 8 : i32
      %mul3A_831 = arith.muli %add3A_829, %mul3A_830 : i32
      %add3A_832 = arith.addi %mul3A_264, %mul3A_831 : i32
      %dma_start3A_833 = arith.constant 0 : i32
      %dma_start3A_834 = arith.constant 0 : i32
      %dma_start3A_835 = arith.constant 0 : i32
      %dma_start3A_836 = tpu.memref_slice %arg10[%dma_start3A_833, %dma_start3A_834, %dma_start3A_835] : memref<2x8x80xi32, #tpu.memory_space<vmem>> -> memref<1x8x80xi32, #tpu.memory_space<vmem>>
      %dma_start3A_837 = tpu.memref_squeeze %dma_start3A_836 : memref<1x8x80xi32, #tpu.memory_space<vmem>> -> memref<8x80xi32, #tpu.memory_space<vmem>>
      %dma_start3A_838 = arith.constant 0 : i32
      %dma_start3A_839 = tpu.memref_slice %arg3[%add3A_832, %dma_start3A_838] : memref<8200x80xi32, #tpu.memory_space<hbm>> -> memref<8x80xi32, #tpu.memory_space<hbm>>
      %dma_start3A_840 = arith.constant 0 : i32
      %dma_start3A_841 = arith.constant 0 : i32
      %dma_start3A_842 = tpu.memref_slice %arg10[%dma_start3A_833, %dma_start3A_840, %dma_start3A_841] : memref<2x8x80xi32, #tpu.memory_space<vmem>> -> memref<1x8x80xi32, #tpu.memory_space<vmem>>
      %dma_start3A_843 = tpu.memref_squeeze %dma_start3A_842 : memref<1x8x80xi32, #tpu.memory_space<vmem>> -> memref<8x80xi32, #tpu.memory_space<vmem>>
      %dma_start3A_844 = arith.constant 0 : i32
      %dma_start3A_845 = tpu.memref_slice %arg3[%add3A_832, %dma_start3A_844] : memref<8200x80xi32, #tpu.memory_space<hbm>> -> memref<8x80xi32, #tpu.memory_space<hbm>>
      tpu.enqueue_dma source(%dma_start3A_845 : memref<8x80xi32, #tpu.memory_space<hbm>>) target(%dma_start3A_843 : memref<8x80xi32, #tpu.memory_space<vmem>>) target_semaphore(%arg19 : memref<!tpu.dma_semaphore, #tpu.memory_space<semaphore_mem>>)
      %dma_start3A_846 = arith.constant 0 : i32
      %dma_start3A_847 = arith.constant 0 : i32
      %dma_start3A_848 = arith.constant 0 : i32
      %dma_start3A_849 = tpu.memref_slice %arg11[%dma_start3A_846, %dma_start3A_847, %dma_start3A_848] : memref<2x8x80xi32, #tpu.memory_space<vmem>> -> memref<1x8x80xi32, #tpu.memory_space<vmem>>
      %dma_start3A_850 = tpu.memref_squeeze %dma_start3A_849 : memref<1x8x80xi32, #tpu.memory_space<vmem>> -> memref<8x80xi32, #tpu.memory_space<vmem>>
      %dma_start3A_851 = arith.constant 0 : i32
      %dma_start3A_852 = tpu.memref_slice %arg4[%add3A_832, %dma_start3A_851] : memref<8200x80xi32, #tpu.memory_space<hbm>> -> memref<8x80xi32, #tpu.memory_space<hbm>>
      %dma_start3A_853 = arith.constant 0 : i32
      %dma_start3A_854 = arith.constant 0 : i32
      %dma_start3A_855 = tpu.memref_slice %arg11[%dma_start3A_846, %dma_start3A_853, %dma_start3A_854] : memref<2x8x80xi32, #tpu.memory_space<vmem>> -> memref<1x8x80xi32, #tpu.memory_space<vmem>>
      %dma_start3A_856 = tpu.memref_squeeze %dma_start3A_855 : memref<1x8x80xi32, #tpu.memory_space<vmem>> -> memref<8x80xi32, #tpu.memory_space<vmem>>
      %dma_start3A_857 = arith.constant 0 : i32
      %dma_start3A_858 = tpu.memref_slice %arg4[%add3A_832, %dma_start3A_857] : memref<8200x80xi32, #tpu.memory_space<hbm>> -> memref<8x80xi32, #tpu.memory_space<hbm>>
      tpu.enqueue_dma source(%dma_start3A_858 : memref<8x80xi32, #tpu.memory_space<hbm>>) target(%dma_start3A_856 : memref<8x80xi32, #tpu.memory_space<vmem>>) target_semaphore(%arg20 : memref<!tpu.dma_semaphore, #tpu.memory_space<semaphore_mem>>)
      %dma_wait3A_859 = arith.constant 1 : i32
      %dma_wait3A_860 = arith.constant 0 : i32
      %dma_wait3A_861 = arith.constant 0 : i32
      %dma_wait3A_862 = tpu.memref_slice %arg10[%dma_wait3A_859, %dma_wait3A_860, %dma_wait3A_861] : memref<2x8x80xi32, #tpu.memory_space<vmem>> -> memref<1x8x80xi32, #tpu.memory_space<vmem>>
      %dma_wait3A_863 = tpu.memref_squeeze %dma_wait3A_862 : memref<1x8x80xi32, #tpu.memory_space<vmem>> -> memref<8x80xi32, #tpu.memory_space<vmem>>
      %dma_wait3A_864 = arith.constant 0 : i32
      %dma_wait3A_865 = arith.constant 0 : i32
      %dma_wait3A_866 = tpu.memref_slice %arg3[%dma_wait3A_864, %dma_wait3A_865] : memref<8200x80xi32, #tpu.memory_space<hbm>> -> memref<8x80xi32, #tpu.memory_space<hbm>>
      %dma_wait3A_867 = arith.constant 0 : i32
      %dma_wait3A_868 = arith.constant 0 : i32
      %dma_wait3A_869 = tpu.memref_slice %arg10[%dma_wait3A_859, %dma_wait3A_867, %dma_wait3A_868] : memref<2x8x80xi32, #tpu.memory_space<vmem>> -> memref<1x8x80xi32, #tpu.memory_space<vmem>>
      %dma_wait3A_870 = tpu.memref_squeeze %dma_wait3A_869 : memref<1x8x80xi32, #tpu.memory_space<vmem>> -> memref<8x80xi32, #tpu.memory_space<vmem>>
      %dma_wait3A_871 = arith.constant 0 : i32
      %dma_wait3A_872 = arith.constant 0 : i32
      %dma_wait3A_873 = tpu.memref_slice %arg3[%dma_wait3A_871, %dma_wait3A_872] : memref<8200x80xi32, #tpu.memory_space<hbm>> -> memref<8x80xi32, #tpu.memory_space<hbm>>
      tpu.wait_dma2 semaphore(%arg19 : memref<!tpu.dma_semaphore, #tpu.memory_space<semaphore_mem>>) src(%dma_wait3A_873 : memref<8x80xi32, #tpu.memory_space<hbm>>) dst(%dma_wait3A_870 : memref<8x80xi32, #tpu.memory_space<vmem>>)
      %dma_wait3A_874 = arith.constant 1 : i32
      %dma_wait3A_875 = arith.constant 0 : i32
      %dma_wait3A_876 = arith.constant 0 : i32
      %dma_wait3A_877 = tpu.memref_slice %arg11[%dma_wait3A_874, %dma_wait3A_875, %dma_wait3A_876] : memref<2x8x80xi32, #tpu.memory_space<vmem>> -> memref<1x8x80xi32, #tpu.memory_space<vmem>>
      %dma_wait3A_878 = tpu.memref_squeeze %dma_wait3A_877 : memref<1x8x80xi32, #tpu.memory_space<vmem>> -> memref<8x80xi32, #tpu.memory_space<vmem>>
      %dma_wait3A_879 = arith.constant 0 : i32
      %dma_wait3A_880 = arith.constant 0 : i32
      %dma_wait3A_881 = tpu.memref_slice %arg4[%dma_wait3A_879, %dma_wait3A_880] : memref<8200x80xi32, #tpu.memory_space<hbm>> -> memref<8x80xi32, #tpu.memory_space<hbm>>
      %dma_wait3A_882 = arith.constant 0 : i32
      %dma_wait3A_883 = arith.constant 0 : i32
      %dma_wait3A_884 = tpu.memref_slice %arg11[%dma_wait3A_874, %dma_wait3A_882, %dma_wait3A_883] : memref<2x8x80xi32, #tpu.memory_space<vmem>> -> memref<1x8x80xi32, #tpu.memory_space<vmem>>
      %dma_wait3A_885 = tpu.memref_squeeze %dma_wait3A_884 : memref<1x8x80xi32, #tpu.memory_space<vmem>> -> memref<8x80xi32, #tpu.memory_space<vmem>>
      %dma_wait3A_886 = arith.constant 0 : i32
      %dma_wait3A_887 = arith.constant 0 : i32
      %dma_wait3A_888 = tpu.memref_slice %arg4[%dma_wait3A_886, %dma_wait3A_887] : memref<8200x80xi32, #tpu.memory_space<hbm>> -> memref<8x80xi32, #tpu.memory_space<hbm>>
      tpu.wait_dma2 semaphore(%arg20 : memref<!tpu.dma_semaphore, #tpu.memory_space<semaphore_mem>>) src(%dma_wait3A_888 : memref<8x80xi32, #tpu.memory_space<hbm>>) dst(%dma_wait3A_885 : memref<8x80xi32, #tpu.memory_space<vmem>>)
      %dma_start3A_889 = arith.constant 1 : i32
      %dma_start3A_890 = arith.constant 0 : i32
      %dma_start3A_891 = arith.constant 0 : i32
      %dma_start3A_892 = tpu.memref_slice %arg10[%dma_start3A_889, %dma_start3A_890, %dma_start3A_891] : memref<2x8x80xi32, #tpu.memory_space<vmem>> -> memref<1x1x80xi32, #tpu.memory_space<vmem>>
      %dma_start3A_893 = tpu.memref_squeeze %dma_start3A_892 : memref<1x1x80xi32, #tpu.memory_space<vmem>> -> memref<80xi32, #tpu.memory_space<vmem>>
      %dma_start3A_894 = arith.constant 0 : i32
      %dma_start3A_895 = arith.constant 0 : i32
      %dma_start3A_896 = tpu.memref_slice %arg2[%dma_start3A_894, %dma_start3A_895] : memref<10000x128xf32, #tpu.memory_space<hbm>> -> memref<10000x128xf32, #tpu.memory_space<hbm>>
      tpu.enqueue_indirect_dma source(%dma_start3A_896 : memref<10000x128xf32, #tpu.memory_space<hbm>>) target(%arg12 : memref<80x128xf32, #tpu.memory_space<vmem>>) offsets(%dma_start3A_893 : memref<80xi32, #tpu.memory_space<vmem>>) semaphore(%arg17 : memref<!tpu.dma_semaphore, #tpu.memory_space<semaphore_mem>>)
      %dma_start3A_897 = arith.constant 1 : i32
      %dma_start3A_898 = arith.constant 1 : i32
      %dma_start3A_899 = arith.constant 0 : i32
      %dma_start3A_900 = tpu.memref_slice %arg10[%dma_start3A_897, %dma_start3A_898, %dma_start3A_899] : memref<2x8x80xi32, #tpu.memory_space<vmem>> -> memref<1x1x80xi32, #tpu.memory_space<vmem>>
      %dma_start3A_901 = tpu.memref_squeeze %dma_start3A_900 : memref<1x1x80xi32, #tpu.memory_space<vmem>> -> memref<80xi32, #tpu.memory_space<vmem>>
      %dma_start3A_902 = arith.constant 0 : i32
      %dma_start3A_903 = arith.constant 0 : i32
      %dma_start3A_904 = tpu.memref_slice %arg2[%dma_start3A_902, %dma_start3A_903] : memref<10000x128xf32, #tpu.memory_space<hbm>> -> memref<10000x128xf32, #tpu.memory_space<hbm>>
      tpu.enqueue_indirect_dma source(%dma_start3A_904 : memref<10000x128xf32, #tpu.memory_space<hbm>>) target(%arg13 : memref<80x128xf32, #tpu.memory_space<vmem>>) offsets(%dma_start3A_901 : memref<80xi32, #tpu.memory_space<vmem>>) semaphore(%arg18 : memref<!tpu.dma_semaphore, #tpu.memory_space<semaphore_mem>>)
      %dma_start3A_905 = arith.constant 1 : i32
      %dma_start3A_906 = arith.constant 2 : i32
      %dma_start3A_907 = arith.constant 0 : i32
      %dma_start3A_908 = tpu.memref_slice %arg10[%dma_start3A_905, %dma_start3A_906, %dma_start3A_907] : memref<2x8x80xi32, #tpu.memory_space<vmem>> -> memref<1x1x80xi32, #tpu.memory_space<vmem>>
      %dma_start3A_909 = tpu.memref_squeeze %dma_start3A_908 : memref<1x1x80xi32, #tpu.memory_space<vmem>> -> memref<80xi32, #tpu.memory_space<vmem>>
      %dma_start3A_910 = arith.constant 0 : i32
      %dma_start3A_911 = arith.constant 0 : i32
      %dma_start3A_912 = tpu.memref_slice %arg2[%dma_start3A_910, %dma_start3A_911] : memref<10000x128xf32, #tpu.memory_space<hbm>> -> memref<10000x128xf32, #tpu.memory_space<hbm>>
      tpu.enqueue_indirect_dma source(%dma_start3A_912 : memref<10000x128xf32, #tpu.memory_space<hbm>>) target(%arg14 : memref<80x128xf32, #tpu.memory_space<vmem>>) offsets(%dma_start3A_909 : memref<80xi32, #tpu.memory_space<vmem>>) semaphore(%arg21 : memref<!tpu.dma_semaphore, #tpu.memory_space<semaphore_mem>>)
      %dma_wait3A_913 = arith.constant 1 : i32
      %dma_wait3A_914 = arith.constant 0 : i32
      %dma_wait3A_915 = arith.constant 0 : i32
      %dma_wait3A_916 = tpu.memref_slice %arg10[%dma_wait3A_913, %dma_wait3A_914, %dma_wait3A_915] : memref<2x8x80xi32, #tpu.memory_space<vmem>> -> memref<1x1x80xi32, #tpu.memory_space<vmem>>
      %dma_wait3A_917 = tpu.memref_squeeze %dma_wait3A_916 : memref<1x1x80xi32, #tpu.memory_space<vmem>> -> memref<80xi32, #tpu.memory_space<vmem>>
      %dma_wait3A_918 = arith.constant 0 : i32
      %dma_wait3A_919 = arith.constant 0 : i32
      %dma_wait3A_920 = tpu.memref_slice %arg2[%dma_wait3A_918, %dma_wait3A_919] : memref<10000x128xf32, #tpu.memory_space<hbm>> -> memref<10000x128xf32, #tpu.memory_space<hbm>>
      tpu.wait_indirect_dma semaphore(%arg17 : memref<!tpu.dma_semaphore, #tpu.memory_space<semaphore_mem>>) src(%dma_wait3A_920 : memref<10000x128xf32, #tpu.memory_space<hbm>>) dst(%arg12 : memref<80x128xf32, #tpu.memory_space<vmem>>)
      %dma_start3A_921 = arith.constant 1 : i32
      %dma_start3A_922 = arith.constant 0 : i32
      %dma_start3A_923 = arith.constant 0 : i32
      %dma_start3A_924 = tpu.memref_slice %arg11[%dma_start3A_921, %dma_start3A_922, %dma_start3A_923] : memref<2x8x80xi32, #tpu.memory_space<vmem>> -> memref<1x1x80xi32, #tpu.memory_space<vmem>>
      %dma_start3A_925 = tpu.memref_squeeze %dma_start3A_924 : memref<1x1x80xi32, #tpu.memory_space<vmem>> -> memref<80xi32, #tpu.memory_space<vmem>>
      %dma_start3A_926 = arith.constant 0 : i32
      %dma_start3A_927 = arith.constant 0 : i32
      %dma_start3A_928 = tpu.memref_slice %arg8[%dma_start3A_926, %dma_start3A_927] : memref<10240x128xf32, #tpu.memory_space<vmem_shared>> -> memref<10240x128xf32, #tpu.memory_space<vmem_shared>>
      tpu.enqueue_indirect_dma source(%arg12 : memref<80x128xf32, #tpu.memory_space<vmem>>) target(%dma_start3A_928 : memref<10240x128xf32, #tpu.memory_space<vmem_shared>>) offsets(%dma_start3A_925 : memref<80xi32, #tpu.memory_space<vmem>>) semaphore(%arg22 : memref<!tpu.dma_semaphore, #tpu.memory_space<semaphore_mem>>) {add = true}
      %run_scoped3A_929 = arith.constant 1 : i32
      %run_scoped3A_930 = arith.constant 0 : i32
      "tpu.region"() ({
        %run_scoped3A_1161 = tpu.sem_alloc : memref<!tpu.dma_semaphore, #tpu.memory_space<semaphore_mem>>
        %dma_start3A_1162 = arith.constant 0 : i32
        %dma_start3A_1163 = tpu.memref_slice %arg11[%run_scoped3A_929, %run_scoped3A_930, %dma_start3A_1162] : memref<2x8x80xi32, #tpu.memory_space<vmem>> -> memref<1x1x80xi32, #tpu.memory_space<vmem>>
        %dma_start3A_1164 = tpu.memref_squeeze %dma_start3A_1163 : memref<1x1x80xi32, #tpu.memory_space<vmem>> -> memref<80xi32, #tpu.memory_space<vmem>>
        %dma_start3A_1165 = arith.constant 0 : i32
        %dma_start3A_1166 = tpu.memref_slice %arg9[%dma_start3A_1165] : memref<10240xf32, #tpu.memory_space<vmem_shared>> -> memref<10240xf32, #tpu.memory_space<vmem_shared>>
        tpu.enqueue_indirect_dma source(%arg15 : memref<80xf32, #tpu.memory_space<vmem>>) target(%dma_start3A_1166 : memref<10240xf32, #tpu.memory_space<vmem_shared>>) offsets(%dma_start3A_1164 : memref<80xi32, #tpu.memory_space<vmem>>) semaphore(%run_scoped3A_1161 : memref<!tpu.dma_semaphore, #tpu.memory_space<semaphore_mem>>) {add = true}
        %dma_wait3A_1167 = arith.constant 0 : i32
        %dma_wait3A_1168 = tpu.memref_slice %arg11[%run_scoped3A_929, %run_scoped3A_930, %dma_wait3A_1167] : memref<2x8x80xi32, #tpu.memory_space<vmem>> -> memref<1x1x80xi32, #tpu.memory_space<vmem>>
        %dma_wait3A_1169 = tpu.memref_squeeze %dma_wait3A_1168 : memref<1x1x80xi32, #tpu.memory_space<vmem>> -> memref<80xi32, #tpu.memory_space<vmem>>
        %dma_wait3A_1170 = arith.constant 0 : i32
        %dma_wait3A_1171 = tpu.memref_slice %arg9[%dma_wait3A_1170] : memref<10240xf32, #tpu.memory_space<vmem_shared>> -> memref<10240xf32, #tpu.memory_space<vmem_shared>>
        tpu.wait_indirect_dma semaphore(%run_scoped3A_1161 : memref<!tpu.dma_semaphore, #tpu.memory_space<semaphore_mem>>) src(%arg15 : memref<80xf32, #tpu.memory_space<vmem>>) dst(%dma_wait3A_1171 : memref<10240xf32, #tpu.memory_space<vmem_shared>>)
        tpu.yield
      }) : () -> ()
      %dma_wait3A_931 = arith.constant 1 : i32
      %dma_wait3A_932 = arith.constant 0 : i32
      %dma_wait3A_933 = arith.constant 0 : i32
      %dma_wait3A_934 = tpu.memref_slice %arg11[%dma_wait3A_931, %dma_wait3A_932, %dma_wait3A_933] : memref<2x8x80xi32, #tpu.memory_space<vmem>> -> memref<1x1x80xi32, #tpu.memory_space<vmem>>
      %dma_wait3A_935 = tpu.memref_squeeze %dma_wait3A_934 : memref<1x1x80xi32, #tpu.memory_space<vmem>> -> memref<80xi32, #tpu.memory_space<vmem>>
      %dma_wait3A_936 = arith.constant 0 : i32
      %dma_wait3A_937 = arith.constant 0 : i32
      %dma_wait3A_938 = tpu.memref_slice %arg8[%dma_wait3A_936, %dma_wait3A_937] : memref<10240x128xf32, #tpu.memory_space<vmem_shared>> -> memref<10240x128xf32, #tpu.memory_space<vmem_shared>>
      tpu.wait_indirect_dma semaphore(%arg22 : memref<!tpu.dma_semaphore, #tpu.memory_space<semaphore_mem>>) src(%arg12 : memref<80x128xf32, #tpu.memory_space<vmem>>) dst(%dma_wait3A_938 : memref<10240x128xf32, #tpu.memory_space<vmem_shared>>)
      %dma_start3A_939 = arith.constant 1 : i32
      %dma_start3A_940 = arith.constant 3 : i32
      %dma_start3A_941 = arith.constant 0 : i32
      %dma_start3A_942 = tpu.memref_slice %arg10[%dma_start3A_939, %dma_start3A_940, %dma_start3A_941] : memref<2x8x80xi32, #tpu.memory_space<vmem>> -> memref<1x1x80xi32, #tpu.memory_space<vmem>>
      %dma_start3A_943 = tpu.memref_squeeze %dma_start3A_942 : memref<1x1x80xi32, #tpu.memory_space<vmem>> -> memref<80xi32, #tpu.memory_space<vmem>>
      %dma_start3A_944 = arith.constant 0 : i32
      %dma_start3A_945 = arith.constant 0 : i32
      %dma_start3A_946 = tpu.memref_slice %arg2[%dma_start3A_944, %dma_start3A_945] : memref<10000x128xf32, #tpu.memory_space<hbm>> -> memref<10000x128xf32, #tpu.memory_space<hbm>>
      tpu.enqueue_indirect_dma source(%dma_start3A_946 : memref<10000x128xf32, #tpu.memory_space<hbm>>) target(%arg12 : memref<80x128xf32, #tpu.memory_space<vmem>>) offsets(%dma_start3A_943 : memref<80xi32, #tpu.memory_space<vmem>>) semaphore(%arg17 : memref<!tpu.dma_semaphore, #tpu.memory_space<semaphore_mem>>)
      %dma_wait3A_947 = arith.constant 1 : i32
      %dma_wait3A_948 = arith.constant 1 : i32
      %dma_wait3A_949 = arith.constant 0 : i32
      %dma_wait3A_950 = tpu.memref_slice %arg10[%dma_wait3A_947, %dma_wait3A_948, %dma_wait3A_949] : memref<2x8x80xi32, #tpu.memory_space<vmem>> -> memref<1x1x80xi32, #tpu.memory_space<vmem>>
      %dma_wait3A_951 = tpu.memref_squeeze %dma_wait3A_950 : memref<1x1x80xi32, #tpu.memory_space<vmem>> -> memref<80xi32, #tpu.memory_space<vmem>>
      %dma_wait3A_952 = arith.constant 0 : i32
      %dma_wait3A_953 = arith.constant 0 : i32
      %dma_wait3A_954 = tpu.memref_slice %arg2[%dma_wait3A_952, %dma_wait3A_953] : memref<10000x128xf32, #tpu.memory_space<hbm>> -> memref<10000x128xf32, #tpu.memory_space<hbm>>
      tpu.wait_indirect_dma semaphore(%arg18 : memref<!tpu.dma_semaphore, #tpu.memory_space<semaphore_mem>>) src(%dma_wait3A_954 : memref<10000x128xf32, #tpu.memory_space<hbm>>) dst(%arg13 : memref<80x128xf32, #tpu.memory_space<vmem>>)
      %dma_start3A_955 = arith.constant 1 : i32
      %dma_start3A_956 = arith.constant 1 : i32
      %dma_start3A_957 = arith.constant 0 : i32
      %dma_start3A_958 = tpu.memref_slice %arg11[%dma_start3A_955, %dma_start3A_956, %dma_start3A_957] : memref<2x8x80xi32, #tpu.memory_space<vmem>> -> memref<1x1x80xi32, #tpu.memory_space<vmem>>
      %dma_start3A_959 = tpu.memref_squeeze %dma_start3A_958 : memref<1x1x80xi32, #tpu.memory_space<vmem>> -> memref<80xi32, #tpu.memory_space<vmem>>
      %dma_start3A_960 = arith.constant 0 : i32
      %dma_start3A_961 = arith.constant 0 : i32
      %dma_start3A_962 = tpu.memref_slice %arg8[%dma_start3A_960, %dma_start3A_961] : memref<10240x128xf32, #tpu.memory_space<vmem_shared>> -> memref<10240x128xf32, #tpu.memory_space<vmem_shared>>
      tpu.enqueue_indirect_dma source(%arg13 : memref<80x128xf32, #tpu.memory_space<vmem>>) target(%dma_start3A_962 : memref<10240x128xf32, #tpu.memory_space<vmem_shared>>) offsets(%dma_start3A_959 : memref<80xi32, #tpu.memory_space<vmem>>) semaphore(%arg23 : memref<!tpu.dma_semaphore, #tpu.memory_space<semaphore_mem>>) {add = true}
      %run_scoped3A_963 = arith.constant 1 : i32
      %run_scoped3A_964 = arith.constant 1 : i32
      "tpu.region"() ({
        %run_scoped3A_1161 = tpu.sem_alloc : memref<!tpu.dma_semaphore, #tpu.memory_space<semaphore_mem>>
        %dma_start3A_1162 = arith.constant 0 : i32
        %dma_start3A_1163 = tpu.memref_slice %arg11[%run_scoped3A_963, %run_scoped3A_964, %dma_start3A_1162] : memref<2x8x80xi32, #tpu.memory_space<vmem>> -> memref<1x1x80xi32, #tpu.memory_space<vmem>>
        %dma_start3A_1164 = tpu.memref_squeeze %dma_start3A_1163 : memref<1x1x80xi32, #tpu.memory_space<vmem>> -> memref<80xi32, #tpu.memory_space<vmem>>
        %dma_start3A_1165 = arith.constant 0 : i32
        %dma_start3A_1166 = tpu.memref_slice %arg9[%dma_start3A_1165] : memref<10240xf32, #tpu.memory_space<vmem_shared>> -> memref<10240xf32, #tpu.memory_space<vmem_shared>>
        tpu.enqueue_indirect_dma source(%arg15 : memref<80xf32, #tpu.memory_space<vmem>>) target(%dma_start3A_1166 : memref<10240xf32, #tpu.memory_space<vmem_shared>>) offsets(%dma_start3A_1164 : memref<80xi32, #tpu.memory_space<vmem>>) semaphore(%run_scoped3A_1161 : memref<!tpu.dma_semaphore, #tpu.memory_space<semaphore_mem>>) {add = true}
        %dma_wait3A_1167 = arith.constant 0 : i32
        %dma_wait3A_1168 = tpu.memref_slice %arg11[%run_scoped3A_963, %run_scoped3A_964, %dma_wait3A_1167] : memref<2x8x80xi32, #tpu.memory_space<vmem>> -> memref<1x1x80xi32, #tpu.memory_space<vmem>>
        %dma_wait3A_1169 = tpu.memref_squeeze %dma_wait3A_1168 : memref<1x1x80xi32, #tpu.memory_space<vmem>> -> memref<80xi32, #tpu.memory_space<vmem>>
        %dma_wait3A_1170 = arith.constant 0 : i32
        %dma_wait3A_1171 = tpu.memref_slice %arg9[%dma_wait3A_1170] : memref<10240xf32, #tpu.memory_space<vmem_shared>> -> memref<10240xf32, #tpu.memory_space<vmem_shared>>
        tpu.wait_indirect_dma semaphore(%run_scoped3A_1161 : memref<!tpu.dma_semaphore, #tpu.memory_space<semaphore_mem>>) src(%arg15 : memref<80xf32, #tpu.memory_space<vmem>>) dst(%dma_wait3A_1171 : memref<10240xf32, #tpu.memory_space<vmem_shared>>)
        tpu.yield
      }) : () -> ()
      %dma_wait3A_965 = arith.constant 1 : i32
      %dma_wait3A_966 = arith.constant 1 : i32
      %dma_wait3A_967 = arith.constant 0 : i32
      %dma_wait3A_968 = tpu.memref_slice %arg11[%dma_wait3A_965, %dma_wait3A_966, %dma_wait3A_967] : memref<2x8x80xi32, #tpu.memory_space<vmem>> -> memref<1x1x80xi32, #tpu.memory_space<vmem>>
      %dma_wait3A_969 = tpu.memref_squeeze %dma_wait3A_968 : memref<1x1x80xi32, #tpu.memory_space<vmem>> -> memref<80xi32, #tpu.memory_space<vmem>>
      %dma_wait3A_970 = arith.constant 0 : i32
      %dma_wait3A_971 = arith.constant 0 : i32
      %dma_wait3A_972 = tpu.memref_slice %arg8[%dma_wait3A_970, %dma_wait3A_971] : memref<10240x128xf32, #tpu.memory_space<vmem_shared>> -> memref<10240x128xf32, #tpu.memory_space<vmem_shared>>
      tpu.wait_indirect_dma semaphore(%arg23 : memref<!tpu.dma_semaphore, #tpu.memory_space<semaphore_mem>>) src(%arg13 : memref<80x128xf32, #tpu.memory_space<vmem>>) dst(%dma_wait3A_972 : memref<10240x128xf32, #tpu.memory_space<vmem_shared>>)
      %dma_start3A_973 = arith.constant 1 : i32
      %dma_start3A_974 = arith.constant 4 : i32
      %dma_start3A_975 = arith.constant 0 : i32
      %dma_start3A_976 = tpu.memref_slice %arg10[%dma_start3A_973, %dma_start3A_974, %dma_start3A_975] : memref<2x8x80xi32, #tpu.memory_space<vmem>> -> memref<1x1x80xi32, #tpu.memory_space<vmem>>
      %dma_start3A_977 = tpu.memref_squeeze %dma_start3A_976 : memref<1x1x80xi32, #tpu.memory_space<vmem>> -> memref<80xi32, #tpu.memory_space<vmem>>
      %dma_start3A_978 = arith.constant 0 : i32
      %dma_start3A_979 = arith.constant 0 : i32
      %dma_start3A_980 = tpu.memref_slice %arg2[%dma_start3A_978, %dma_start3A_979] : memref<10000x128xf32, #tpu.memory_space<hbm>> -> memref<10000x128xf32, #tpu.memory_space<hbm>>
      tpu.enqueue_indirect_dma source(%dma_start3A_980 : memref<10000x128xf32, #tpu.memory_space<hbm>>) target(%arg13 : memref<80x128xf32, #tpu.memory_space<vmem>>) offsets(%dma_start3A_977 : memref<80xi32, #tpu.memory_space<vmem>>) semaphore(%arg18 : memref<!tpu.dma_semaphore, #tpu.memory_space<semaphore_mem>>)
      %dma_wait3A_981 = arith.constant 1 : i32
      %dma_wait3A_982 = arith.constant 2 : i32
      %dma_wait3A_983 = arith.constant 0 : i32
      %dma_wait3A_984 = tpu.memref_slice %arg10[%dma_wait3A_981, %dma_wait3A_982, %dma_wait3A_983] : memref<2x8x80xi32, #tpu.memory_space<vmem>> -> memref<1x1x80xi32, #tpu.memory_space<vmem>>
      %dma_wait3A_985 = tpu.memref_squeeze %dma_wait3A_984 : memref<1x1x80xi32, #tpu.memory_space<vmem>> -> memref<80xi32, #tpu.memory_space<vmem>>
      %dma_wait3A_986 = arith.constant 0 : i32
      %dma_wait3A_987 = arith.constant 0 : i32
      %dma_wait3A_988 = tpu.memref_slice %arg2[%dma_wait3A_986, %dma_wait3A_987] : memref<10000x128xf32, #tpu.memory_space<hbm>> -> memref<10000x128xf32, #tpu.memory_space<hbm>>
      tpu.wait_indirect_dma semaphore(%arg21 : memref<!tpu.dma_semaphore, #tpu.memory_space<semaphore_mem>>) src(%dma_wait3A_988 : memref<10000x128xf32, #tpu.memory_space<hbm>>) dst(%arg14 : memref<80x128xf32, #tpu.memory_space<vmem>>)
      %dma_start3A_989 = arith.constant 1 : i32
      %dma_start3A_990 = arith.constant 2 : i32
      %dma_start3A_991 = arith.constant 0 : i32
      %dma_start3A_992 = tpu.memref_slice %arg11[%dma_start3A_989, %dma_start3A_990, %dma_start3A_991] : memref<2x8x80xi32, #tpu.memory_space<vmem>> -> memref<1x1x80xi32, #tpu.memory_space<vmem>>
      %dma_start3A_993 = tpu.memref_squeeze %dma_start3A_992 : memref<1x1x80xi32, #tpu.memory_space<vmem>> -> memref<80xi32, #tpu.memory_space<vmem>>
      %dma_start3A_994 = arith.constant 0 : i32
      %dma_start3A_995 = arith.constant 0 : i32
      %dma_start3A_996 = tpu.memref_slice %arg8[%dma_start3A_994, %dma_start3A_995] : memref<10240x128xf32, #tpu.memory_space<vmem_shared>> -> memref<10240x128xf32, #tpu.memory_space<vmem_shared>>
      tpu.enqueue_indirect_dma source(%arg14 : memref<80x128xf32, #tpu.memory_space<vmem>>) target(%dma_start3A_996 : memref<10240x128xf32, #tpu.memory_space<vmem_shared>>) offsets(%dma_start3A_993 : memref<80xi32, #tpu.memory_space<vmem>>) semaphore(%arg24 : memref<!tpu.dma_semaphore, #tpu.memory_space<semaphore_mem>>) {add = true}
      %run_scoped3A_997 = arith.constant 1 : i32
      %run_scoped3A_998 = arith.constant 2 : i32
      "tpu.region"() ({
        %run_scoped3A_1161 = tpu.sem_alloc : memref<!tpu.dma_semaphore, #tpu.memory_space<semaphore_mem>>
        %dma_start3A_1162 = arith.constant 0 : i32
        %dma_start3A_1163 = tpu.memref_slice %arg11[%run_scoped3A_997, %run_scoped3A_998, %dma_start3A_1162] : memref<2x8x80xi32, #tpu.memory_space<vmem>> -> memref<1x1x80xi32, #tpu.memory_space<vmem>>
        %dma_start3A_1164 = tpu.memref_squeeze %dma_start3A_1163 : memref<1x1x80xi32, #tpu.memory_space<vmem>> -> memref<80xi32, #tpu.memory_space<vmem>>
        %dma_start3A_1165 = arith.constant 0 : i32
        %dma_start3A_1166 = tpu.memref_slice %arg9[%dma_start3A_1165] : memref<10240xf32, #tpu.memory_space<vmem_shared>> -> memref<10240xf32, #tpu.memory_space<vmem_shared>>
        tpu.enqueue_indirect_dma source(%arg15 : memref<80xf32, #tpu.memory_space<vmem>>) target(%dma_start3A_1166 : memref<10240xf32, #tpu.memory_space<vmem_shared>>) offsets(%dma_start3A_1164 : memref<80xi32, #tpu.memory_space<vmem>>) semaphore(%run_scoped3A_1161 : memref<!tpu.dma_semaphore, #tpu.memory_space<semaphore_mem>>) {add = true}
        %dma_wait3A_1167 = arith.constant 0 : i32
        %dma_wait3A_1168 = tpu.memref_slice %arg11[%run_scoped3A_997, %run_scoped3A_998, %dma_wait3A_1167] : memref<2x8x80xi32, #tpu.memory_space<vmem>> -> memref<1x1x80xi32, #tpu.memory_space<vmem>>
        %dma_wait3A_1169 = tpu.memref_squeeze %dma_wait3A_1168 : memref<1x1x80xi32, #tpu.memory_space<vmem>> -> memref<80xi32, #tpu.memory_space<vmem>>
        %dma_wait3A_1170 = arith.constant 0 : i32
        %dma_wait3A_1171 = tpu.memref_slice %arg9[%dma_wait3A_1170] : memref<10240xf32, #tpu.memory_space<vmem_shared>> -> memref<10240xf32, #tpu.memory_space<vmem_shared>>
        tpu.wait_indirect_dma semaphore(%run_scoped3A_1161 : memref<!tpu.dma_semaphore, #tpu.memory_space<semaphore_mem>>) src(%arg15 : memref<80xf32, #tpu.memory_space<vmem>>) dst(%dma_wait3A_1171 : memref<10240xf32, #tpu.memory_space<vmem_shared>>)
        tpu.yield
      }) : () -> ()
      %dma_wait3A_999 = arith.constant 1 : i32
      %dma_wait3A_1000 = arith.constant 2 : i32
      %dma_wait3A_1001 = arith.constant 0 : i32
      %dma_wait3A_1002 = tpu.memref_slice %arg11[%dma_wait3A_999, %dma_wait3A_1000, %dma_wait3A_1001] : memref<2x8x80xi32, #tpu.memory_space<vmem>> -> memref<1x1x80xi32, #tpu.memory_space<vmem>>
      %dma_wait3A_1003 = tpu.memref_squeeze %dma_wait3A_1002 : memref<1x1x80xi32, #tpu.memory_space<vmem>> -> memref<80xi32, #tpu.memory_space<vmem>>
      %dma_wait3A_1004 = arith.constant 0 : i32
      %dma_wait3A_1005 = arith.constant 0 : i32
      %dma_wait3A_1006 = tpu.memref_slice %arg8[%dma_wait3A_1004, %dma_wait3A_1005] : memref<10240x128xf32, #tpu.memory_space<vmem_shared>> -> memref<10240x128xf32, #tpu.memory_space<vmem_shared>>
      tpu.wait_indirect_dma semaphore(%arg24 : memref<!tpu.dma_semaphore, #tpu.memory_space<semaphore_mem>>) src(%arg14 : memref<80x128xf32, #tpu.memory_space<vmem>>) dst(%dma_wait3A_1006 : memref<10240x128xf32, #tpu.memory_space<vmem_shared>>)
      %dma_start3A_1007 = arith.constant 1 : i32
      %dma_start3A_1008 = arith.constant 5 : i32
      %dma_start3A_1009 = arith.constant 0 : i32
      %dma_start3A_1010 = tpu.memref_slice %arg10[%dma_start3A_1007, %dma_start3A_1008, %dma_start3A_1009] : memref<2x8x80xi32, #tpu.memory_space<vmem>> -> memref<1x1x80xi32, #tpu.memory_space<vmem>>
      %dma_start3A_1011 = tpu.memref_squeeze %dma_start3A_1010 : memref<1x1x80xi32, #tpu.memory_space<vmem>> -> memref<80xi32, #tpu.memory_space<vmem>>
      %dma_start3A_1012 = arith.constant 0 : i32
      %dma_start3A_1013 = arith.constant 0 : i32
      %dma_start3A_1014 = tpu.memref_slice %arg2[%dma_start3A_1012, %dma_start3A_1013] : memref<10000x128xf32, #tpu.memory_space<hbm>> -> memref<10000x128xf32, #tpu.memory_space<hbm>>
      tpu.enqueue_indirect_dma source(%dma_start3A_1014 : memref<10000x128xf32, #tpu.memory_space<hbm>>) target(%arg14 : memref<80x128xf32, #tpu.memory_space<vmem>>) offsets(%dma_start3A_1011 : memref<80xi32, #tpu.memory_space<vmem>>) semaphore(%arg21 : memref<!tpu.dma_semaphore, #tpu.memory_space<semaphore_mem>>)
      %dma_wait3A_1015 = arith.constant 1 : i32
      %dma_wait3A_1016 = arith.constant 3 : i32
      %dma_wait3A_1017 = arith.constant 0 : i32
      %dma_wait3A_1018 = tpu.memref_slice %arg10[%dma_wait3A_1015, %dma_wait3A_1016, %dma_wait3A_1017] : memref<2x8x80xi32, #tpu.memory_space<vmem>> -> memref<1x1x80xi32, #tpu.memory_space<vmem>>
      %dma_wait3A_1019 = tpu.memref_squeeze %dma_wait3A_1018 : memref<1x1x80xi32, #tpu.memory_space<vmem>> -> memref<80xi32, #tpu.memory_space<vmem>>
      %dma_wait3A_1020 = arith.constant 0 : i32
      %dma_wait3A_1021 = arith.constant 0 : i32
      %dma_wait3A_1022 = tpu.memref_slice %arg2[%dma_wait3A_1020, %dma_wait3A_1021] : memref<10000x128xf32, #tpu.memory_space<hbm>> -> memref<10000x128xf32, #tpu.memory_space<hbm>>
      tpu.wait_indirect_dma semaphore(%arg17 : memref<!tpu.dma_semaphore, #tpu.memory_space<semaphore_mem>>) src(%dma_wait3A_1022 : memref<10000x128xf32, #tpu.memory_space<hbm>>) dst(%arg12 : memref<80x128xf32, #tpu.memory_space<vmem>>)
      %dma_start3A_1023 = arith.constant 1 : i32
      %dma_start3A_1024 = arith.constant 3 : i32
      %dma_start3A_1025 = arith.constant 0 : i32
      %dma_start3A_1026 = tpu.memref_slice %arg11[%dma_start3A_1023, %dma_start3A_1024, %dma_start3A_1025] : memref<2x8x80xi32, #tpu.memory_space<vmem>> -> memref<1x1x80xi32, #tpu.memory_space<vmem>>
      %dma_start3A_1027 = tpu.memref_squeeze %dma_start3A_1026 : memref<1x1x80xi32, #tpu.memory_space<vmem>> -> memref<80xi32, #tpu.memory_space<vmem>>
      %dma_start3A_1028 = arith.constant 0 : i32
      %dma_start3A_1029 = arith.constant 0 : i32
      %dma_start3A_1030 = tpu.memref_slice %arg8[%dma_start3A_1028, %dma_start3A_1029] : memref<10240x128xf32, #tpu.memory_space<vmem_shared>> -> memref<10240x128xf32, #tpu.memory_space<vmem_shared>>
      tpu.enqueue_indirect_dma source(%arg12 : memref<80x128xf32, #tpu.memory_space<vmem>>) target(%dma_start3A_1030 : memref<10240x128xf32, #tpu.memory_space<vmem_shared>>) offsets(%dma_start3A_1027 : memref<80xi32, #tpu.memory_space<vmem>>) semaphore(%arg22 : memref<!tpu.dma_semaphore, #tpu.memory_space<semaphore_mem>>) {add = true}
      %run_scoped3A_1031 = arith.constant 1 : i32
      %run_scoped3A_1032 = arith.constant 3 : i32
      "tpu.region"() ({
        %run_scoped3A_1161 = tpu.sem_alloc : memref<!tpu.dma_semaphore, #tpu.memory_space<semaphore_mem>>
        %dma_start3A_1162 = arith.constant 0 : i32
        %dma_start3A_1163 = tpu.memref_slice %arg11[%run_scoped3A_1031, %run_scoped3A_1032, %dma_start3A_1162] : memref<2x8x80xi32, #tpu.memory_space<vmem>> -> memref<1x1x80xi32, #tpu.memory_space<vmem>>
        %dma_start3A_1164 = tpu.memref_squeeze %dma_start3A_1163 : memref<1x1x80xi32, #tpu.memory_space<vmem>> -> memref<80xi32, #tpu.memory_space<vmem>>
        %dma_start3A_1165 = arith.constant 0 : i32
        %dma_start3A_1166 = tpu.memref_slice %arg9[%dma_start3A_1165] : memref<10240xf32, #tpu.memory_space<vmem_shared>> -> memref<10240xf32, #tpu.memory_space<vmem_shared>>
        tpu.enqueue_indirect_dma source(%arg15 : memref<80xf32, #tpu.memory_space<vmem>>) target(%dma_start3A_1166 : memref<10240xf32, #tpu.memory_space<vmem_shared>>) offsets(%dma_start3A_1164 : memref<80xi32, #tpu.memory_space<vmem>>) semaphore(%run_scoped3A_1161 : memref<!tpu.dma_semaphore, #tpu.memory_space<semaphore_mem>>) {add = true}
        %dma_wait3A_1167 = arith.constant 0 : i32
        %dma_wait3A_1168 = tpu.memref_slice %arg11[%run_scoped3A_1031, %run_scoped3A_1032, %dma_wait3A_1167] : memref<2x8x80xi32, #tpu.memory_space<vmem>> -> memref<1x1x80xi32, #tpu.memory_space<vmem>>
        %dma_wait3A_1169 = tpu.memref_squeeze %dma_wait3A_1168 : memref<1x1x80xi32, #tpu.memory_space<vmem>> -> memref<80xi32, #tpu.memory_space<vmem>>
        %dma_wait3A_1170 = arith.constant 0 : i32
        %dma_wait3A_1171 = tpu.memref_slice %arg9[%dma_wait3A_1170] : memref<10240xf32, #tpu.memory_space<vmem_shared>> -> memref<10240xf32, #tpu.memory_space<vmem_shared>>
        tpu.wait_indirect_dma semaphore(%run_scoped3A_1161 : memref<!tpu.dma_semaphore, #tpu.memory_space<semaphore_mem>>) src(%arg15 : memref<80xf32, #tpu.memory_space<vmem>>) dst(%dma_wait3A_1171 : memref<10240xf32, #tpu.memory_space<vmem_shared>>)
        tpu.yield
      }) : () -> ()
      %dma_wait3A_1033 = arith.constant 1 : i32
      %dma_wait3A_1034 = arith.constant 3 : i32
      %dma_wait3A_1035 = arith.constant 0 : i32
      %dma_wait3A_1036 = tpu.memref_slice %arg11[%dma_wait3A_1033, %dma_wait3A_1034, %dma_wait3A_1035] : memref<2x8x80xi32, #tpu.memory_space<vmem>> -> memref<1x1x80xi32, #tpu.memory_space<vmem>>
      %dma_wait3A_1037 = tpu.memref_squeeze %dma_wait3A_1036 : memref<1x1x80xi32, #tpu.memory_space<vmem>> -> memref<80xi32, #tpu.memory_space<vmem>>
      %dma_wait3A_1038 = arith.constant 0 : i32
      %dma_wait3A_1039 = arith.constant 0 : i32
      %dma_wait3A_1040 = tpu.memref_slice %arg8[%dma_wait3A_1038, %dma_wait3A_1039] : memref<10240x128xf32, #tpu.memory_space<vmem_shared>> -> memref<10240x128xf32, #tpu.memory_space<vmem_shared>>
      tpu.wait_indirect_dma semaphore(%arg22 : memref<!tpu.dma_semaphore, #tpu.memory_space<semaphore_mem>>) src(%arg12 : memref<80x128xf32, #tpu.memory_space<vmem>>) dst(%dma_wait3A_1040 : memref<10240x128xf32, #tpu.memory_space<vmem_shared>>)
      %dma_start3A_1041 = arith.constant 1 : i32
      %dma_start3A_1042 = arith.constant 6 : i32
      %dma_start3A_1043 = arith.constant 0 : i32
      %dma_start3A_1044 = tpu.memref_slice %arg10[%dma_start3A_1041, %dma_start3A_1042, %dma_start3A_1043] : memref<2x8x80xi32, #tpu.memory_space<vmem>> -> memref<1x1x80xi32, #tpu.memory_space<vmem>>
      %dma_start3A_1045 = tpu.memref_squeeze %dma_start3A_1044 : memref<1x1x80xi32, #tpu.memory_space<vmem>> -> memref<80xi32, #tpu.memory_space<vmem>>
      %dma_start3A_1046 = arith.constant 0 : i32
      %dma_start3A_1047 = arith.constant 0 : i32
      %dma_start3A_1048 = tpu.memref_slice %arg2[%dma_start3A_1046, %dma_start3A_1047] : memref<10000x128xf32, #tpu.memory_space<hbm>> -> memref<10000x128xf32, #tpu.memory_space<hbm>>
      tpu.enqueue_indirect_dma source(%dma_start3A_1048 : memref<10000x128xf32, #tpu.memory_space<hbm>>) target(%arg12 : memref<80x128xf32, #tpu.memory_space<vmem>>) offsets(%dma_start3A_1045 : memref<80xi32, #tpu.memory_space<vmem>>) semaphore(%arg17 : memref<!tpu.dma_semaphore, #tpu.memory_space<semaphore_mem>>)
      %dma_wait3A_1049 = arith.constant 1 : i32
      %dma_wait3A_1050 = arith.constant 4 : i32
      %dma_wait3A_1051 = arith.constant 0 : i32
      %dma_wait3A_1052 = tpu.memref_slice %arg10[%dma_wait3A_1049, %dma_wait3A_1050, %dma_wait3A_1051] : memref<2x8x80xi32, #tpu.memory_space<vmem>> -> memref<1x1x80xi32, #tpu.memory_space<vmem>>
      %dma_wait3A_1053 = tpu.memref_squeeze %dma_wait3A_1052 : memref<1x1x80xi32, #tpu.memory_space<vmem>> -> memref<80xi32, #tpu.memory_space<vmem>>
      %dma_wait3A_1054 = arith.constant 0 : i32
      %dma_wait3A_1055 = arith.constant 0 : i32
      %dma_wait3A_1056 = tpu.memref_slice %arg2[%dma_wait3A_1054, %dma_wait3A_1055] : memref<10000x128xf32, #tpu.memory_space<hbm>> -> memref<10000x128xf32, #tpu.memory_space<hbm>>
      tpu.wait_indirect_dma semaphore(%arg18 : memref<!tpu.dma_semaphore, #tpu.memory_space<semaphore_mem>>) src(%dma_wait3A_1056 : memref<10000x128xf32, #tpu.memory_space<hbm>>) dst(%arg13 : memref<80x128xf32, #tpu.memory_space<vmem>>)
      %dma_start3A_1057 = arith.constant 1 : i32
      %dma_start3A_1058 = arith.constant 4 : i32
      %dma_start3A_1059 = arith.constant 0 : i32
      %dma_start3A_1060 = tpu.memref_slice %arg11[%dma_start3A_1057, %dma_start3A_1058, %dma_start3A_1059] : memref<2x8x80xi32, #tpu.memory_space<vmem>> -> memref<1x1x80xi32, #tpu.memory_space<vmem>>
      %dma_start3A_1061 = tpu.memref_squeeze %dma_start3A_1060 : memref<1x1x80xi32, #tpu.memory_space<vmem>> -> memref<80xi32, #tpu.memory_space<vmem>>
      %dma_start3A_1062 = arith.constant 0 : i32
      %dma_start3A_1063 = arith.constant 0 : i32
      %dma_start3A_1064 = tpu.memref_slice %arg8[%dma_start3A_1062, %dma_start3A_1063] : memref<10240x128xf32, #tpu.memory_space<vmem_shared>> -> memref<10240x128xf32, #tpu.memory_space<vmem_shared>>
      tpu.enqueue_indirect_dma source(%arg13 : memref<80x128xf32, #tpu.memory_space<vmem>>) target(%dma_start3A_1064 : memref<10240x128xf32, #tpu.memory_space<vmem_shared>>) offsets(%dma_start3A_1061 : memref<80xi32, #tpu.memory_space<vmem>>) semaphore(%arg23 : memref<!tpu.dma_semaphore, #tpu.memory_space<semaphore_mem>>) {add = true}
      %run_scoped3A_1065 = arith.constant 1 : i32
      %run_scoped3A_1066 = arith.constant 4 : i32
      "tpu.region"() ({
        %run_scoped3A_1161 = tpu.sem_alloc : memref<!tpu.dma_semaphore, #tpu.memory_space<semaphore_mem>>
        %dma_start3A_1162 = arith.constant 0 : i32
        %dma_start3A_1163 = tpu.memref_slice %arg11[%run_scoped3A_1065, %run_scoped3A_1066, %dma_start3A_1162] : memref<2x8x80xi32, #tpu.memory_space<vmem>> -> memref<1x1x80xi32, #tpu.memory_space<vmem>>
        %dma_start3A_1164 = tpu.memref_squeeze %dma_start3A_1163 : memref<1x1x80xi32, #tpu.memory_space<vmem>> -> memref<80xi32, #tpu.memory_space<vmem>>
        %dma_start3A_1165 = arith.constant 0 : i32
        %dma_start3A_1166 = tpu.memref_slice %arg9[%dma_start3A_1165] : memref<10240xf32, #tpu.memory_space<vmem_shared>> -> memref<10240xf32, #tpu.memory_space<vmem_shared>>
        tpu.enqueue_indirect_dma source(%arg15 : memref<80xf32, #tpu.memory_space<vmem>>) target(%dma_start3A_1166 : memref<10240xf32, #tpu.memory_space<vmem_shared>>) offsets(%dma_start3A_1164 : memref<80xi32, #tpu.memory_space<vmem>>) semaphore(%run_scoped3A_1161 : memref<!tpu.dma_semaphore, #tpu.memory_space<semaphore_mem>>) {add = true}
        %dma_wait3A_1167 = arith.constant 0 : i32
        %dma_wait3A_1168 = tpu.memref_slice %arg11[%run_scoped3A_1065, %run_scoped3A_1066, %dma_wait3A_1167] : memref<2x8x80xi32, #tpu.memory_space<vmem>> -> memref<1x1x80xi32, #tpu.memory_space<vmem>>
        %dma_wait3A_1169 = tpu.memref_squeeze %dma_wait3A_1168 : memref<1x1x80xi32, #tpu.memory_space<vmem>> -> memref<80xi32, #tpu.memory_space<vmem>>
        %dma_wait3A_1170 = arith.constant 0 : i32
        %dma_wait3A_1171 = tpu.memref_slice %arg9[%dma_wait3A_1170] : memref<10240xf32, #tpu.memory_space<vmem_shared>> -> memref<10240xf32, #tpu.memory_space<vmem_shared>>
        tpu.wait_indirect_dma semaphore(%run_scoped3A_1161 : memref<!tpu.dma_semaphore, #tpu.memory_space<semaphore_mem>>) src(%arg15 : memref<80xf32, #tpu.memory_space<vmem>>) dst(%dma_wait3A_1171 : memref<10240xf32, #tpu.memory_space<vmem_shared>>)
        tpu.yield
      }) : () -> ()
      %dma_wait3A_1067 = arith.constant 1 : i32
      %dma_wait3A_1068 = arith.constant 4 : i32
      %dma_wait3A_1069 = arith.constant 0 : i32
      %dma_wait3A_1070 = tpu.memref_slice %arg11[%dma_wait3A_1067, %dma_wait3A_1068, %dma_wait3A_1069] : memref<2x8x80xi32, #tpu.memory_space<vmem>> -> memref<1x1x80xi32, #tpu.memory_space<vmem>>
      %dma_wait3A_1071 = tpu.memref_squeeze %dma_wait3A_1070 : memref<1x1x80xi32, #tpu.memory_space<vmem>> -> memref<80xi32, #tpu.memory_space<vmem>>
      %dma_wait3A_1072 = arith.constant 0 : i32
      %dma_wait3A_1073 = arith.constant 0 : i32
      %dma_wait3A_1074 = tpu.memref_slice %arg8[%dma_wait3A_1072, %dma_wait3A_1073] : memref<10240x128xf32, #tpu.memory_space<vmem_shared>> -> memref<10240x128xf32, #tpu.memory_space<vmem_shared>>
      tpu.wait_indirect_dma semaphore(%arg23 : memref<!tpu.dma_semaphore, #tpu.memory_space<semaphore_mem>>) src(%arg13 : memref<80x128xf32, #tpu.memory_space<vmem>>) dst(%dma_wait3A_1074 : memref<10240x128xf32, #tpu.memory_space<vmem_shared>>)
      %dma_start3A_1075 = arith.constant 1 : i32
      %dma_start3A_1076 = arith.constant 7 : i32
      %dma_start3A_1077 = arith.constant 0 : i32
      %dma_start3A_1078 = tpu.memref_slice %arg10[%dma_start3A_1075, %dma_start3A_1076, %dma_start3A_1077] : memref<2x8x80xi32, #tpu.memory_space<vmem>> -> memref<1x1x80xi32, #tpu.memory_space<vmem>>
      %dma_start3A_1079 = tpu.memref_squeeze %dma_start3A_1078 : memref<1x1x80xi32, #tpu.memory_space<vmem>> -> memref<80xi32, #tpu.memory_space<vmem>>
      %dma_start3A_1080 = arith.constant 0 : i32
      %dma_start3A_1081 = arith.constant 0 : i32
      %dma_start3A_1082 = tpu.memref_slice %arg2[%dma_start3A_1080, %dma_start3A_1081] : memref<10000x128xf32, #tpu.memory_space<hbm>> -> memref<10000x128xf32, #tpu.memory_space<hbm>>
      tpu.enqueue_indirect_dma source(%dma_start3A_1082 : memref<10000x128xf32, #tpu.memory_space<hbm>>) target(%arg13 : memref<80x128xf32, #tpu.memory_space<vmem>>) offsets(%dma_start3A_1079 : memref<80xi32, #tpu.memory_space<vmem>>) semaphore(%arg18 : memref<!tpu.dma_semaphore, #tpu.memory_space<semaphore_mem>>)
      %dma_wait3A_1083 = arith.constant 1 : i32
      %dma_wait3A_1084 = arith.constant 5 : i32
      %dma_wait3A_1085 = arith.constant 0 : i32
      %dma_wait3A_1086 = tpu.memref_slice %arg10[%dma_wait3A_1083, %dma_wait3A_1084, %dma_wait3A_1085] : memref<2x8x80xi32, #tpu.memory_space<vmem>> -> memref<1x1x80xi32, #tpu.memory_space<vmem>>
      %dma_wait3A_1087 = tpu.memref_squeeze %dma_wait3A_1086 : memref<1x1x80xi32, #tpu.memory_space<vmem>> -> memref<80xi32, #tpu.memory_space<vmem>>
      %dma_wait3A_1088 = arith.constant 0 : i32
      %dma_wait3A_1089 = arith.constant 0 : i32
      %dma_wait3A_1090 = tpu.memref_slice %arg2[%dma_wait3A_1088, %dma_wait3A_1089] : memref<10000x128xf32, #tpu.memory_space<hbm>> -> memref<10000x128xf32, #tpu.memory_space<hbm>>
      tpu.wait_indirect_dma semaphore(%arg21 : memref<!tpu.dma_semaphore, #tpu.memory_space<semaphore_mem>>) src(%dma_wait3A_1090 : memref<10000x128xf32, #tpu.memory_space<hbm>>) dst(%arg14 : memref<80x128xf32, #tpu.memory_space<vmem>>)
      %dma_start3A_1091 = arith.constant 1 : i32
      %dma_start3A_1092 = arith.constant 5 : i32
      %dma_start3A_1093 = arith.constant 0 : i32
      %dma_start3A_1094 = tpu.memref_slice %arg11[%dma_start3A_1091, %dma_start3A_1092, %dma_start3A_1093] : memref<2x8x80xi32, #tpu.memory_space<vmem>> -> memref<1x1x80xi32, #tpu.memory_space<vmem>>
      %dma_start3A_1095 = tpu.memref_squeeze %dma_start3A_1094 : memref<1x1x80xi32, #tpu.memory_space<vmem>> -> memref<80xi32, #tpu.memory_space<vmem>>
      %dma_start3A_1096 = arith.constant 0 : i32
      %dma_start3A_1097 = arith.constant 0 : i32
      %dma_start3A_1098 = tpu.memref_slice %arg8[%dma_start3A_1096, %dma_start3A_1097] : memref<10240x128xf32, #tpu.memory_space<vmem_shared>> -> memref<10240x128xf32, #tpu.memory_space<vmem_shared>>
      tpu.enqueue_indirect_dma source(%arg14 : memref<80x128xf32, #tpu.memory_space<vmem>>) target(%dma_start3A_1098 : memref<10240x128xf32, #tpu.memory_space<vmem_shared>>) offsets(%dma_start3A_1095 : memref<80xi32, #tpu.memory_space<vmem>>) semaphore(%arg24 : memref<!tpu.dma_semaphore, #tpu.memory_space<semaphore_mem>>) {add = true}
      %run_scoped3A_1099 = arith.constant 1 : i32
      %run_scoped3A_1100 = arith.constant 5 : i32
      "tpu.region"() ({
        %run_scoped3A_1161 = tpu.sem_alloc : memref<!tpu.dma_semaphore, #tpu.memory_space<semaphore_mem>>
        %dma_start3A_1162 = arith.constant 0 : i32
        %dma_start3A_1163 = tpu.memref_slice %arg11[%run_scoped3A_1099, %run_scoped3A_1100, %dma_start3A_1162] : memref<2x8x80xi32, #tpu.memory_space<vmem>> -> memref<1x1x80xi32, #tpu.memory_space<vmem>>
        %dma_start3A_1164 = tpu.memref_squeeze %dma_start3A_1163 : memref<1x1x80xi32, #tpu.memory_space<vmem>> -> memref<80xi32, #tpu.memory_space<vmem>>
        %dma_start3A_1165 = arith.constant 0 : i32
        %dma_start3A_1166 = tpu.memref_slice %arg9[%dma_start3A_1165] : memref<10240xf32, #tpu.memory_space<vmem_shared>> -> memref<10240xf32, #tpu.memory_space<vmem_shared>>
        tpu.enqueue_indirect_dma source(%arg15 : memref<80xf32, #tpu.memory_space<vmem>>) target(%dma_start3A_1166 : memref<10240xf32, #tpu.memory_space<vmem_shared>>) offsets(%dma_start3A_1164 : memref<80xi32, #tpu.memory_space<vmem>>) semaphore(%run_scoped3A_1161 : memref<!tpu.dma_semaphore, #tpu.memory_space<semaphore_mem>>) {add = true}
        %dma_wait3A_1167 = arith.constant 0 : i32
        %dma_wait3A_1168 = tpu.memref_slice %arg11[%run_scoped3A_1099, %run_scoped3A_1100, %dma_wait3A_1167] : memref<2x8x80xi32, #tpu.memory_space<vmem>> -> memref<1x1x80xi32, #tpu.memory_space<vmem>>
        %dma_wait3A_1169 = tpu.memref_squeeze %dma_wait3A_1168 : memref<1x1x80xi32, #tpu.memory_space<vmem>> -> memref<80xi32, #tpu.memory_space<vmem>>
        %dma_wait3A_1170 = arith.constant 0 : i32
        %dma_wait3A_1171 = tpu.memref_slice %arg9[%dma_wait3A_1170] : memref<10240xf32, #tpu.memory_space<vmem_shared>> -> memref<10240xf32, #tpu.memory_space<vmem_shared>>
        tpu.wait_indirect_dma semaphore(%run_scoped3A_1161 : memref<!tpu.dma_semaphore, #tpu.memory_space<semaphore_mem>>) src(%arg15 : memref<80xf32, #tpu.memory_space<vmem>>) dst(%dma_wait3A_1171 : memref<10240xf32, #tpu.memory_space<vmem_shared>>)
        tpu.yield
      }) : () -> ()
      %dma_wait3A_1101 = arith.constant 1 : i32
      %dma_wait3A_1102 = arith.constant 6 : i32
      %dma_wait3A_1103 = arith.constant 0 : i32
      %dma_wait3A_1104 = tpu.memref_slice %arg10[%dma_wait3A_1101, %dma_wait3A_1102, %dma_wait3A_1103] : memref<2x8x80xi32, #tpu.memory_space<vmem>> -> memref<1x1x80xi32, #tpu.memory_space<vmem>>
      %dma_wait3A_1105 = tpu.memref_squeeze %dma_wait3A_1104 : memref<1x1x80xi32, #tpu.memory_space<vmem>> -> memref<80xi32, #tpu.memory_space<vmem>>
      %dma_wait3A_1106 = arith.constant 0 : i32
      %dma_wait3A_1107 = arith.constant 0 : i32
      %dma_wait3A_1108 = tpu.memref_slice %arg2[%dma_wait3A_1106, %dma_wait3A_1107] : memref<10000x128xf32, #tpu.memory_space<hbm>> -> memref<10000x128xf32, #tpu.memory_space<hbm>>
      tpu.wait_indirect_dma semaphore(%arg17 : memref<!tpu.dma_semaphore, #tpu.memory_space<semaphore_mem>>) src(%dma_wait3A_1108 : memref<10000x128xf32, #tpu.memory_space<hbm>>) dst(%arg12 : memref<80x128xf32, #tpu.memory_space<vmem>>)
      %dma_start3A_1109 = arith.constant 1 : i32
      %dma_start3A_1110 = arith.constant 6 : i32
      %dma_start3A_1111 = arith.constant 0 : i32
      %dma_start3A_1112 = tpu.memref_slice %arg11[%dma_start3A_1109, %dma_start3A_1110, %dma_start3A_1111] : memref<2x8x80xi32, #tpu.memory_space<vmem>> -> memref<1x1x80xi32, #tpu.memory_space<vmem>>
      %dma_start3A_1113 = tpu.memref_squeeze %dma_start3A_1112 : memref<1x1x80xi32, #tpu.memory_space<vmem>> -> memref<80xi32, #tpu.memory_space<vmem>>
      %dma_start3A_1114 = arith.constant 0 : i32
      %dma_start3A_1115 = arith.constant 0 : i32
      %dma_start3A_1116 = tpu.memref_slice %arg8[%dma_start3A_1114, %dma_start3A_1115] : memref<10240x128xf32, #tpu.memory_space<vmem_shared>> -> memref<10240x128xf32, #tpu.memory_space<vmem_shared>>
      tpu.enqueue_indirect_dma source(%arg12 : memref<80x128xf32, #tpu.memory_space<vmem>>) target(%dma_start3A_1116 : memref<10240x128xf32, #tpu.memory_space<vmem_shared>>) offsets(%dma_start3A_1113 : memref<80xi32, #tpu.memory_space<vmem>>) semaphore(%arg22 : memref<!tpu.dma_semaphore, #tpu.memory_space<semaphore_mem>>) {add = true}
      %run_scoped3A_1117 = arith.constant 1 : i32
      %run_scoped3A_1118 = arith.constant 6 : i32
      "tpu.region"() ({
        %run_scoped3A_1161 = tpu.sem_alloc : memref<!tpu.dma_semaphore, #tpu.memory_space<semaphore_mem>>
        %dma_start3A_1162 = arith.constant 0 : i32
        %dma_start3A_1163 = tpu.memref_slice %arg11[%run_scoped3A_1117, %run_scoped3A_1118, %dma_start3A_1162] : memref<2x8x80xi32, #tpu.memory_space<vmem>> -> memref<1x1x80xi32, #tpu.memory_space<vmem>>
        %dma_start3A_1164 = tpu.memref_squeeze %dma_start3A_1163 : memref<1x1x80xi32, #tpu.memory_space<vmem>> -> memref<80xi32, #tpu.memory_space<vmem>>
        %dma_start3A_1165 = arith.constant 0 : i32
        %dma_start3A_1166 = tpu.memref_slice %arg9[%dma_start3A_1165] : memref<10240xf32, #tpu.memory_space<vmem_shared>> -> memref<10240xf32, #tpu.memory_space<vmem_shared>>
        tpu.enqueue_indirect_dma source(%arg15 : memref<80xf32, #tpu.memory_space<vmem>>) target(%dma_start3A_1166 : memref<10240xf32, #tpu.memory_space<vmem_shared>>) offsets(%dma_start3A_1164 : memref<80xi32, #tpu.memory_space<vmem>>) semaphore(%run_scoped3A_1161 : memref<!tpu.dma_semaphore, #tpu.memory_space<semaphore_mem>>) {add = true}
        %dma_wait3A_1167 = arith.constant 0 : i32
        %dma_wait3A_1168 = tpu.memref_slice %arg11[%run_scoped3A_1117, %run_scoped3A_1118, %dma_wait3A_1167] : memref<2x8x80xi32, #tpu.memory_space<vmem>> -> memref<1x1x80xi32, #tpu.memory_space<vmem>>
        %dma_wait3A_1169 = tpu.memref_squeeze %dma_wait3A_1168 : memref<1x1x80xi32, #tpu.memory_space<vmem>> -> memref<80xi32, #tpu.memory_space<vmem>>
        %dma_wait3A_1170 = arith.constant 0 : i32
        %dma_wait3A_1171 = tpu.memref_slice %arg9[%dma_wait3A_1170] : memref<10240xf32, #tpu.memory_space<vmem_shared>> -> memref<10240xf32, #tpu.memory_space<vmem_shared>>
        tpu.wait_indirect_dma semaphore(%run_scoped3A_1161 : memref<!tpu.dma_semaphore, #tpu.memory_space<semaphore_mem>>) src(%arg15 : memref<80xf32, #tpu.memory_space<vmem>>) dst(%dma_wait3A_1171 : memref<10240xf32, #tpu.memory_space<vmem_shared>>)
        tpu.yield
      }) : () -> ()
      %dma_wait3A_1119 = arith.constant 1 : i32
      %dma_wait3A_1120 = arith.constant 7 : i32
      %dma_wait3A_1121 = arith.constant 0 : i32
      %dma_wait3A_1122 = tpu.memref_slice %arg10[%dma_wait3A_1119, %dma_wait3A_1120, %dma_wait3A_1121] : memref<2x8x80xi32, #tpu.memory_space<vmem>> -> memref<1x1x80xi32, #tpu.memory_space<vmem>>
      %dma_wait3A_1123 = tpu.memref_squeeze %dma_wait3A_1122 : memref<1x1x80xi32, #tpu.memory_space<vmem>> -> memref<80xi32, #tpu.memory_space<vmem>>
      %dma_wait3A_1124 = arith.constant 0 : i32
      %dma_wait3A_1125 = arith.constant 0 : i32
      %dma_wait3A_1126 = tpu.memref_slice %arg2[%dma_wait3A_1124, %dma_wait3A_1125] : memref<10000x128xf32, #tpu.memory_space<hbm>> -> memref<10000x128xf32, #tpu.memory_space<hbm>>
      tpu.wait_indirect_dma semaphore(%arg18 : memref<!tpu.dma_semaphore, #tpu.memory_space<semaphore_mem>>) src(%dma_wait3A_1126 : memref<10000x128xf32, #tpu.memory_space<hbm>>) dst(%arg13 : memref<80x128xf32, #tpu.memory_space<vmem>>)
      %dma_start3A_1127 = arith.constant 1 : i32
      %dma_start3A_1128 = arith.constant 7 : i32
      %dma_start3A_1129 = arith.constant 0 : i32
      %dma_start3A_1130 = tpu.memref_slice %arg11[%dma_start3A_1127, %dma_start3A_1128, %dma_start3A_1129] : memref<2x8x80xi32, #tpu.memory_space<vmem>> -> memref<1x1x80xi32, #tpu.memory_space<vmem>>
      %dma_start3A_1131 = tpu.memref_squeeze %dma_start3A_1130 : memref<1x1x80xi32, #tpu.memory_space<vmem>> -> memref<80xi32, #tpu.memory_space<vmem>>
      %dma_start3A_1132 = arith.constant 0 : i32
      %dma_start3A_1133 = arith.constant 0 : i32
      %dma_start3A_1134 = tpu.memref_slice %arg8[%dma_start3A_1132, %dma_start3A_1133] : memref<10240x128xf32, #tpu.memory_space<vmem_shared>> -> memref<10240x128xf32, #tpu.memory_space<vmem_shared>>
      tpu.enqueue_indirect_dma source(%arg13 : memref<80x128xf32, #tpu.memory_space<vmem>>) target(%dma_start3A_1134 : memref<10240x128xf32, #tpu.memory_space<vmem_shared>>) offsets(%dma_start3A_1131 : memref<80xi32, #tpu.memory_space<vmem>>) semaphore(%arg23 : memref<!tpu.dma_semaphore, #tpu.memory_space<semaphore_mem>>) {add = true}
      %run_scoped3A_1135 = arith.constant 1 : i32
      %run_scoped3A_1136 = arith.constant 7 : i32
      "tpu.region"() ({
        %run_scoped3A_1161 = tpu.sem_alloc : memref<!tpu.dma_semaphore, #tpu.memory_space<semaphore_mem>>
        %dma_start3A_1162 = arith.constant 0 : i32
        %dma_start3A_1163 = tpu.memref_slice %arg11[%run_scoped3A_1135, %run_scoped3A_1136, %dma_start3A_1162] : memref<2x8x80xi32, #tpu.memory_space<vmem>> -> memref<1x1x80xi32, #tpu.memory_space<vmem>>
        %dma_start3A_1164 = tpu.memref_squeeze %dma_start3A_1163 : memref<1x1x80xi32, #tpu.memory_space<vmem>> -> memref<80xi32, #tpu.memory_space<vmem>>
        %dma_start3A_1165 = arith.constant 0 : i32
        %dma_start3A_1166 = tpu.memref_slice %arg9[%dma_start3A_1165] : memref<10240xf32, #tpu.memory_space<vmem_shared>> -> memref<10240xf32, #tpu.memory_space<vmem_shared>>
        tpu.enqueue_indirect_dma source(%arg15 : memref<80xf32, #tpu.memory_space<vmem>>) target(%dma_start3A_1166 : memref<10240xf32, #tpu.memory_space<vmem_shared>>) offsets(%dma_start3A_1164 : memref<80xi32, #tpu.memory_space<vmem>>) semaphore(%run_scoped3A_1161 : memref<!tpu.dma_semaphore, #tpu.memory_space<semaphore_mem>>) {add = true}
        %dma_wait3A_1167 = arith.constant 0 : i32
        %dma_wait3A_1168 = tpu.memref_slice %arg11[%run_scoped3A_1135, %run_scoped3A_1136, %dma_wait3A_1167] : memref<2x8x80xi32, #tpu.memory_space<vmem>> -> memref<1x1x80xi32, #tpu.memory_space<vmem>>
        %dma_wait3A_1169 = tpu.memref_squeeze %dma_wait3A_1168 : memref<1x1x80xi32, #tpu.memory_space<vmem>> -> memref<80xi32, #tpu.memory_space<vmem>>
        %dma_wait3A_1170 = arith.constant 0 : i32
        %dma_wait3A_1171 = tpu.memref_slice %arg9[%dma_wait3A_1170] : memref<10240xf32, #tpu.memory_space<vmem_shared>> -> memref<10240xf32, #tpu.memory_space<vmem_shared>>
        tpu.wait_indirect_dma semaphore(%run_scoped3A_1161 : memref<!tpu.dma_semaphore, #tpu.memory_space<semaphore_mem>>) src(%arg15 : memref<80xf32, #tpu.memory_space<vmem>>) dst(%dma_wait3A_1171 : memref<10240xf32, #tpu.memory_space<vmem_shared>>)
        tpu.yield
      }) : () -> ()
      %dma_wait3A_1137 = arith.constant 1 : i32
      %dma_wait3A_1138 = arith.constant 5 : i32
      %dma_wait3A_1139 = arith.constant 0 : i32
      %dma_wait3A_1140 = tpu.memref_slice %arg11[%dma_wait3A_1137, %dma_wait3A_1138, %dma_wait3A_1139] : memref<2x8x80xi32, #tpu.memory_space<vmem>> -> memref<1x1x80xi32, #tpu.memory_space<vmem>>
      %dma_wait3A_1141 = tpu.memref_squeeze %dma_wait3A_1140 : memref<1x1x80xi32, #tpu.memory_space<vmem>> -> memref<80xi32, #tpu.memory_space<vmem>>
      %dma_wait3A_1142 = arith.constant 0 : i32
      %dma_wait3A_1143 = arith.constant 0 : i32
      %dma_wait3A_1144 = tpu.memref_slice %arg8[%dma_wait3A_1142, %dma_wait3A_1143] : memref<10240x128xf32, #tpu.memory_space<vmem_shared>> -> memref<10240x128xf32, #tpu.memory_space<vmem_shared>>
      tpu.wait_indirect_dma semaphore(%arg24 : memref<!tpu.dma_semaphore, #tpu.memory_space<semaphore_mem>>) src(%arg14 : memref<80x128xf32, #tpu.memory_space<vmem>>) dst(%dma_wait3A_1144 : memref<10240x128xf32, #tpu.memory_space<vmem_shared>>)
      %dma_wait3A_1145 = arith.constant 1 : i32
      %dma_wait3A_1146 = arith.constant 6 : i32
      %dma_wait3A_1147 = arith.constant 0 : i32
      %dma_wait3A_1148 = tpu.memref_slice %arg11[%dma_wait3A_1145, %dma_wait3A_1146, %dma_wait3A_1147] : memref<2x8x80xi32, #tpu.memory_space<vmem>> -> memref<1x1x80xi32, #tpu.memory_space<vmem>>
      %dma_wait3A_1149 = tpu.memref_squeeze %dma_wait3A_1148 : memref<1x1x80xi32, #tpu.memory_space<vmem>> -> memref<80xi32, #tpu.memory_space<vmem>>
      %dma_wait3A_1150 = arith.constant 0 : i32
      %dma_wait3A_1151 = arith.constant 0 : i32
      %dma_wait3A_1152 = tpu.memref_slice %arg8[%dma_wait3A_1150, %dma_wait3A_1151] : memref<10240x128xf32, #tpu.memory_space<vmem_shared>> -> memref<10240x128xf32, #tpu.memory_space<vmem_shared>>
      tpu.wait_indirect_dma semaphore(%arg22 : memref<!tpu.dma_semaphore, #tpu.memory_space<semaphore_mem>>) src(%arg12 : memref<80x128xf32, #tpu.memory_space<vmem>>) dst(%dma_wait3A_1152 : memref<10240x128xf32, #tpu.memory_space<vmem_shared>>)
      %dma_wait3A_1153 = arith.constant 1 : i32
      %dma_wait3A_1154 = arith.constant 7 : i32
      %dma_wait3A_1155 = arith.constant 0 : i32
      %dma_wait3A_1156 = tpu.memref_slice %arg11[%dma_wait3A_1153, %dma_wait3A_1154, %dma_wait3A_1155] : memref<2x8x80xi32, #tpu.memory_space<vmem>> -> memref<1x1x80xi32, #tpu.memory_space<vmem>>
      %dma_wait3A_1157 = tpu.memref_squeeze %dma_wait3A_1156 : memref<1x1x80xi32, #tpu.memory_space<vmem>> -> memref<80xi32, #tpu.memory_space<vmem>>
      %dma_wait3A_1158 = arith.constant 0 : i32
      %dma_wait3A_1159 = arith.constant 0 : i32
      %dma_wait3A_1160 = tpu.memref_slice %arg8[%dma_wait3A_1158, %dma_wait3A_1159] : memref<10240x128xf32, #tpu.memory_space<vmem_shared>> -> memref<10240x128xf32, #tpu.memory_space<vmem_shared>>
      tpu.wait_indirect_dma semaphore(%arg23 : memref<!tpu.dma_semaphore, #tpu.memory_space<semaphore_mem>>) src(%arg13 : memref<80x128xf32, #tpu.memory_space<vmem>>) dst(%dma_wait3A_1160 : memref<10240x128xf32, #tpu.memory_space<vmem_shared>>)
    }
    %scan3A_296 = arith.constant 16 : i32
    %dma_wait3A_297 = arith.constant 0 : i32
    %dma_wait3A_298 = arith.constant 0 : i32
    %dma_wait3A_299 = arith.constant 0 : i32
    %dma_wait3A_300 = tpu.memref_slice %arg10[%dma_wait3A_297, %dma_wait3A_298, %dma_wait3A_299] : memref<2x8x80xi32, #tpu.memory_space<vmem>> -> memref<1x8x80xi32, #tpu.memory_space<vmem>>
    %dma_wait3A_301 = tpu.memref_squeeze %dma_wait3A_300 : memref<1x8x80xi32, #tpu.memory_space<vmem>> -> memref<8x80xi32, #tpu.memory_space<vmem>>
    %dma_wait3A_302 = arith.constant 0 : i32
    %dma_wait3A_303 = arith.constant 0 : i32
    %dma_wait3A_304 = tpu.memref_slice %arg3[%dma_wait3A_302, %dma_wait3A_303] : memref<8200x80xi32, #tpu.memory_space<hbm>> -> memref<8x80xi32, #tpu.memory_space<hbm>>
    %dma_wait3A_305 = arith.constant 0 : i32
    %dma_wait3A_306 = arith.constant 0 : i32
    %dma_wait3A_307 = tpu.memref_slice %arg10[%dma_wait3A_297, %dma_wait3A_305, %dma_wait3A_306] : memref<2x8x80xi32, #tpu.memory_space<vmem>> -> memref<1x8x80xi32, #tpu.memory_space<vmem>>
    %dma_wait3A_308 = tpu.memref_squeeze %dma_wait3A_307 : memref<1x8x80xi32, #tpu.memory_space<vmem>> -> memref<8x80xi32, #tpu.memory_space<vmem>>
    %dma_wait3A_309 = arith.constant 0 : i32
    %dma_wait3A_310 = arith.constant 0 : i32
    %dma_wait3A_311 = tpu.memref_slice %arg3[%dma_wait3A_309, %dma_wait3A_310] : memref<8200x80xi32, #tpu.memory_space<hbm>> -> memref<8x80xi32, #tpu.memory_space<hbm>>
    tpu.wait_dma2 semaphore(%arg19 : memref<!tpu.dma_semaphore, #tpu.memory_space<semaphore_mem>>) src(%dma_wait3A_311 : memref<8x80xi32, #tpu.memory_space<hbm>>) dst(%dma_wait3A_308 : memref<8x80xi32, #tpu.memory_space<vmem>>)
    %dma_wait3A_312 = arith.constant 0 : i32
    %dma_wait3A_313 = arith.constant 0 : i32
    %dma_wait3A_314 = arith.constant 0 : i32
    %dma_wait3A_315 = tpu.memref_slice %arg11[%dma_wait3A_312, %dma_wait3A_313, %dma_wait3A_314] : memref<2x8x80xi32, #tpu.memory_space<vmem>> -> memref<1x8x80xi32, #tpu.memory_space<vmem>>
    %dma_wait3A_316 = tpu.memref_squeeze %dma_wait3A_315 : memref<1x8x80xi32, #tpu.memory_space<vmem>> -> memref<8x80xi32, #tpu.memory_space<vmem>>
    %dma_wait3A_317 = arith.constant 0 : i32
    %dma_wait3A_318 = arith.constant 0 : i32
    %dma_wait3A_319 = tpu.memref_slice %arg4[%dma_wait3A_317, %dma_wait3A_318] : memref<8200x80xi32, #tpu.memory_space<hbm>> -> memref<8x80xi32, #tpu.memory_space<hbm>>
    %dma_wait3A_320 = arith.constant 0 : i32
    %dma_wait3A_321 = arith.constant 0 : i32
    %dma_wait3A_322 = tpu.memref_slice %arg11[%dma_wait3A_312, %dma_wait3A_320, %dma_wait3A_321] : memref<2x8x80xi32, #tpu.memory_space<vmem>> -> memref<1x8x80xi32, #tpu.memory_space<vmem>>
    %dma_wait3A_323 = tpu.memref_squeeze %dma_wait3A_322 : memref<1x8x80xi32, #tpu.memory_space<vmem>> -> memref<8x80xi32, #tpu.memory_space<vmem>>
    %dma_wait3A_324 = arith.constant 0 : i32
    %dma_wait3A_325 = arith.constant 0 : i32
    %dma_wait3A_326 = tpu.memref_slice %arg4[%dma_wait3A_324, %dma_wait3A_325] : memref<8200x80xi32, #tpu.memory_space<hbm>> -> memref<8x80xi32, #tpu.memory_space<hbm>>
    tpu.wait_dma2 semaphore(%arg20 : memref<!tpu.dma_semaphore, #tpu.memory_space<semaphore_mem>>) src(%dma_wait3A_326 : memref<8x80xi32, #tpu.memory_space<hbm>>) dst(%dma_wait3A_323 : memref<8x80xi32, #tpu.memory_space<vmem>>)
    %barrier3A_327 = arith.constant 0 : index
    tpu.barrier barrier_id(%barrier3A_327)
    %mul3A_328 = arith.constant 10240 : i32
    %mul3A_329 = arith.muli %arg0, %mul3A_328 : i32
    %add3A_330 = arith.addi %mul3A_329, %mul3A_0 : i32
    %dma_start3A_331 = arith.constant 0 : i32
    %dma_start3A_332 = tpu.memref_slice %arg8[%mul3A_0, %dma_start3A_331] : memref<10240x128xf32, #tpu.memory_space<vmem_shared>> -> memref<80x128xf32, #tpu.memory_space<vmem_shared>>
    %dma_start3A_333 = arith.constant 0 : i32
    %dma_start3A_334 = tpu.memref_slice %arg8[%mul3A_0, %dma_start3A_333] : memref<10240x128xf32, #tpu.memory_space<vmem_shared>> -> memref<80x128xf32, #tpu.memory_space<vmem_shared>>
    tpu.enqueue_dma source(%dma_start3A_334 : memref<80x128xf32, #tpu.memory_space<vmem_shared>>) target(%arg12 : memref<80x128xf32, #tpu.memory_space<vmem>>) target_semaphore(%arg17 : memref<!tpu.dma_semaphore, #tpu.memory_space<semaphore_mem>>)
    %add3A_335 = arith.constant 80 : i32
    %add3A_336 = arith.addi %mul3A_0, %add3A_335 : i32
    %dma_start3A_337 = arith.constant 0 : i32
    %dma_start3A_338 = tpu.memref_slice %arg8[%add3A_336, %dma_start3A_337] : memref<10240x128xf32, #tpu.memory_space<vmem_shared>> -> memref<80x128xf32, #tpu.memory_space<vmem_shared>>
    %dma_start3A_339 = arith.constant 0 : i32
    %dma_start3A_340 = tpu.memref_slice %arg8[%add3A_336, %dma_start3A_339] : memref<10240x128xf32, #tpu.memory_space<vmem_shared>> -> memref<80x128xf32, #tpu.memory_space<vmem_shared>>
    tpu.enqueue_dma source(%dma_start3A_340 : memref<80x128xf32, #tpu.memory_space<vmem_shared>>) target(%arg13 : memref<80x128xf32, #tpu.memory_space<vmem>>) target_semaphore(%arg18 : memref<!tpu.dma_semaphore, #tpu.memory_space<semaphore_mem>>)
    %dma_wait3A_341 = arith.constant 0 : i32
    %dma_wait3A_342 = tpu.memref_slice %arg8[%mul3A_0, %dma_wait3A_341] : memref<10240x128xf32, #tpu.memory_space<vmem_shared>> -> memref<80x128xf32, #tpu.memory_space<vmem_shared>>
    %dma_wait3A_343 = arith.constant 0 : i32
    %dma_wait3A_344 = tpu.memref_slice %arg8[%mul3A_0, %dma_wait3A_343] : memref<10240x128xf32, #tpu.memory_space<vmem_shared>> -> memref<80x128xf32, #tpu.memory_space<vmem_shared>>
    tpu.wait_dma2 semaphore(%arg17 : memref<!tpu.dma_semaphore, #tpu.memory_space<semaphore_mem>>) src(%dma_wait3A_344 : memref<80x128xf32, #tpu.memory_space<vmem_shared>>) dst(%arg12 : memref<80x128xf32, #tpu.memory_space<vmem>>)
    %add3A_345 = arith.constant 0 : i32
    %add3A_346 = arith.addi %add3A_330, %add3A_345 : i32
    %dma_start3A_347 = arith.constant 0 : i32
    %dma_start3A_348 = tpu.memref_slice %arg6[%add3A_346, %dma_start3A_347] : memref<20480x128xf32, #tpu.memory_space<hbm>> -> memref<80x128xf32, #tpu.memory_space<hbm>>
    %dma_start3A_349 = arith.constant 0 : i32
    %dma_start3A_350 = tpu.memref_slice %arg6[%add3A_346, %dma_start3A_349] : memref<20480x128xf32, #tpu.memory_space<hbm>> -> memref<80x128xf32, #tpu.memory_space<hbm>>
    tpu.enqueue_dma source(%arg12 : memref<80x128xf32, #tpu.memory_space<vmem>>) target(%dma_start3A_350 : memref<80x128xf32, #tpu.memory_space<hbm>>) target_semaphore(%arg19 : memref<!tpu.dma_semaphore, #tpu.memory_space<semaphore_mem>>)
    %dma_wait3A_351 = arith.constant 0 : i32
    %dma_wait3A_352 = tpu.memref_slice %arg6[%add3A_346, %dma_wait3A_351] : memref<20480x128xf32, #tpu.memory_space<hbm>> -> memref<80x128xf32, #tpu.memory_space<hbm>>
    %dma_wait3A_353 = arith.constant 0 : i32
    %dma_wait3A_354 = tpu.memref_slice %arg6[%add3A_346, %dma_wait3A_353] : memref<20480x128xf32, #tpu.memory_space<hbm>> -> memref<80x128xf32, #tpu.memory_space<hbm>>
    tpu.wait_dma2 semaphore(%arg19 : memref<!tpu.dma_semaphore, #tpu.memory_space<semaphore_mem>>) src(%arg12 : memref<80x128xf32, #tpu.memory_space<vmem>>) dst(%dma_wait3A_354 : memref<80x128xf32, #tpu.memory_space<hbm>>)
    %add3A_355 = arith.constant 160 : i32
    %add3A_356 = arith.addi %mul3A_0, %add3A_355 : i32
    %dma_start3A_357 = arith.constant 0 : i32
    %dma_start3A_358 = tpu.memref_slice %arg8[%add3A_356, %dma_start3A_357] : memref<10240x128xf32, #tpu.memory_space<vmem_shared>> -> memref<80x128xf32, #tpu.memory_space<vmem_shared>>
    %dma_start3A_359 = arith.constant 0 : i32
    %dma_start3A_360 = tpu.memref_slice %arg8[%add3A_356, %dma_start3A_359] : memref<10240x128xf32, #tpu.memory_space<vmem_shared>> -> memref<80x128xf32, #tpu.memory_space<vmem_shared>>
    tpu.enqueue_dma source(%dma_start3A_360 : memref<80x128xf32, #tpu.memory_space<vmem_shared>>) target(%arg12 : memref<80x128xf32, #tpu.memory_space<vmem>>) target_semaphore(%arg17 : memref<!tpu.dma_semaphore, #tpu.memory_space<semaphore_mem>>)
    %dma_wait3A_361 = arith.constant 0 : i32
    %dma_wait3A_362 = tpu.memref_slice %arg8[%add3A_336, %dma_wait3A_361] : memref<10240x128xf32, #tpu.memory_space<vmem_shared>> -> memref<80x128xf32, #tpu.memory_space<vmem_shared>>
    %dma_wait3A_363 = arith.constant 0 : i32
    %dma_wait3A_364 = tpu.memref_slice %arg8[%add3A_336, %dma_wait3A_363] : memref<10240x128xf32, #tpu.memory_space<vmem_shared>> -> memref<80x128xf32, #tpu.memory_space<vmem_shared>>
    tpu.wait_dma2 semaphore(%arg18 : memref<!tpu.dma_semaphore, #tpu.memory_space<semaphore_mem>>) src(%dma_wait3A_364 : memref<80x128xf32, #tpu.memory_space<vmem_shared>>) dst(%arg13 : memref<80x128xf32, #tpu.memory_space<vmem>>)
    %add3A_365 = arith.constant 80 : i32
    %add3A_366 = arith.addi %add3A_330, %add3A_365 : i32
    %dma_start3A_367 = arith.constant 0 : i32
    %dma_start3A_368 = tpu.memref_slice %arg6[%add3A_366, %dma_start3A_367] : memref<20480x128xf32, #tpu.memory_space<hbm>> -> memref<80x128xf32, #tpu.memory_space<hbm>>
    %dma_start3A_369 = arith.constant 0 : i32
    %dma_start3A_370 = tpu.memref_slice %arg6[%add3A_366, %dma_start3A_369] : memref<20480x128xf32, #tpu.memory_space<hbm>> -> memref<80x128xf32, #tpu.memory_space<hbm>>
    tpu.enqueue_dma source(%arg13 : memref<80x128xf32, #tpu.memory_space<vmem>>) target(%dma_start3A_370 : memref<80x128xf32, #tpu.memory_space<hbm>>) target_semaphore(%arg20 : memref<!tpu.dma_semaphore, #tpu.memory_space<semaphore_mem>>)
    %dma_wait3A_371 = arith.constant 0 : i32
    %dma_wait3A_372 = tpu.memref_slice %arg6[%add3A_366, %dma_wait3A_371] : memref<20480x128xf32, #tpu.memory_space<hbm>> -> memref<80x128xf32, #tpu.memory_space<hbm>>
    %dma_wait3A_373 = arith.constant 0 : i32
    %dma_wait3A_374 = tpu.memref_slice %arg6[%add3A_366, %dma_wait3A_373] : memref<20480x128xf32, #tpu.memory_space<hbm>> -> memref<80x128xf32, #tpu.memory_space<hbm>>
    tpu.wait_dma2 semaphore(%arg20 : memref<!tpu.dma_semaphore, #tpu.memory_space<semaphore_mem>>) src(%arg13 : memref<80x128xf32, #tpu.memory_space<vmem>>) dst(%dma_wait3A_374 : memref<80x128xf32, #tpu.memory_space<hbm>>)
    %add3A_375 = arith.constant 240 : i32
    %add3A_376 = arith.addi %mul3A_0, %add3A_375 : i32
    %dma_start3A_377 = arith.constant 0 : i32
    %dma_start3A_378 = tpu.memref_slice %arg8[%add3A_376, %dma_start3A_377] : memref<10240x128xf32, #tpu.memory_space<vmem_shared>> -> memref<80x128xf32, #tpu.memory_space<vmem_shared>>
    %dma_start3A_379 = arith.constant 0 : i32
    %dma_start3A_380 = tpu.memref_slice %arg8[%add3A_376, %dma_start3A_379] : memref<10240x128xf32, #tpu.memory_space<vmem_shared>> -> memref<80x128xf32, #tpu.memory_space<vmem_shared>>
    tpu.enqueue_dma source(%dma_start3A_380 : memref<80x128xf32, #tpu.memory_space<vmem_shared>>) target(%arg13 : memref<80x128xf32, #tpu.memory_space<vmem>>) target_semaphore(%arg18 : memref<!tpu.dma_semaphore, #tpu.memory_space<semaphore_mem>>)
    %dma_wait3A_381 = arith.constant 0 : i32
    %dma_wait3A_382 = tpu.memref_slice %arg8[%add3A_356, %dma_wait3A_381] : memref<10240x128xf32, #tpu.memory_space<vmem_shared>> -> memref<80x128xf32, #tpu.memory_space<vmem_shared>>
    %dma_wait3A_383 = arith.constant 0 : i32
    %dma_wait3A_384 = tpu.memref_slice %arg8[%add3A_356, %dma_wait3A_383] : memref<10240x128xf32, #tpu.memory_space<vmem_shared>> -> memref<80x128xf32, #tpu.memory_space<vmem_shared>>
    tpu.wait_dma2 semaphore(%arg17 : memref<!tpu.dma_semaphore, #tpu.memory_space<semaphore_mem>>) src(%dma_wait3A_384 : memref<80x128xf32, #tpu.memory_space<vmem_shared>>) dst(%arg12 : memref<80x128xf32, #tpu.memory_space<vmem>>)
    %add3A_385 = arith.constant 160 : i32
    %add3A_386 = arith.addi %add3A_330, %add3A_385 : i32
    %dma_start3A_387 = arith.constant 0 : i32
    %dma_start3A_388 = tpu.memref_slice %arg6[%add3A_386, %dma_start3A_387] : memref<20480x128xf32, #tpu.memory_space<hbm>> -> memref<80x128xf32, #tpu.memory_space<hbm>>
    %dma_start3A_389 = arith.constant 0 : i32
    %dma_start3A_390 = tpu.memref_slice %arg6[%add3A_386, %dma_start3A_389] : memref<20480x128xf32, #tpu.memory_space<hbm>> -> memref<80x128xf32, #tpu.memory_space<hbm>>
    tpu.enqueue_dma source(%arg12 : memref<80x128xf32, #tpu.memory_space<vmem>>) target(%dma_start3A_390 : memref<80x128xf32, #tpu.memory_space<hbm>>) target_semaphore(%arg19 : memref<!tpu.dma_semaphore, #tpu.memory_space<semaphore_mem>>)
    %dma_wait3A_391 = arith.constant 0 : i32
    %dma_wait3A_392 = tpu.memref_slice %arg6[%add3A_386, %dma_wait3A_391] : memref<20480x128xf32, #tpu.memory_space<hbm>> -> memref<80x128xf32, #tpu.memory_space<hbm>>
    %dma_wait3A_393 = arith.constant 0 : i32
    %dma_wait3A_394 = tpu.memref_slice %arg6[%add3A_386, %dma_wait3A_393] : memref<20480x128xf32, #tpu.memory_space<hbm>> -> memref<80x128xf32, #tpu.memory_space<hbm>>
    tpu.wait_dma2 semaphore(%arg19 : memref<!tpu.dma_semaphore, #tpu.memory_space<semaphore_mem>>) src(%arg12 : memref<80x128xf32, #tpu.memory_space<vmem>>) dst(%dma_wait3A_394 : memref<80x128xf32, #tpu.memory_space<hbm>>)
    %add3A_395 = arith.constant 320 : i32
    %add3A_396 = arith.addi %mul3A_0, %add3A_395 : i32
    %dma_start3A_397 = arith.constant 0 : i32
    %dma_start3A_398 = tpu.memref_slice %arg8[%add3A_396, %dma_start3A_397] : memref<10240x128xf32, #tpu.memory_space<vmem_shared>> -> memref<80x128xf32, #tpu.memory_space<vmem_shared>>
    %dma_start3A_399 = arith.constant 0 : i32
    %dma_start3A_400 = tpu.memref_slice %arg8[%add3A_396, %dma_start3A_399] : memref<10240x128xf32, #tpu.memory_space<vmem_shared>> -> memref<80x128xf32, #tpu.memory_space<vmem_shared>>
    tpu.enqueue_dma source(%dma_start3A_400 : memref<80x128xf32, #tpu.memory_space<vmem_shared>>) target(%arg12 : memref<80x128xf32, #tpu.memory_space<vmem>>) target_semaphore(%arg17 : memref<!tpu.dma_semaphore, #tpu.memory_space<semaphore_mem>>)
    %dma_wait3A_401 = arith.constant 0 : i32
    %dma_wait3A_402 = tpu.memref_slice %arg8[%add3A_376, %dma_wait3A_401] : memref<10240x128xf32, #tpu.memory_space<vmem_shared>> -> memref<80x128xf32, #tpu.memory_space<vmem_shared>>
    %dma_wait3A_403 = arith.constant 0 : i32
    %dma_wait3A_404 = tpu.memref_slice %arg8[%add3A_376, %dma_wait3A_403] : memref<10240x128xf32, #tpu.memory_space<vmem_shared>> -> memref<80x128xf32, #tpu.memory_space<vmem_shared>>
    tpu.wait_dma2 semaphore(%arg18 : memref<!tpu.dma_semaphore, #tpu.memory_space<semaphore_mem>>) src(%dma_wait3A_404 : memref<80x128xf32, #tpu.memory_space<vmem_shared>>) dst(%arg13 : memref<80x128xf32, #tpu.memory_space<vmem>>)
    %add3A_405 = arith.constant 240 : i32
    %add3A_406 = arith.addi %add3A_330, %add3A_405 : i32
    %dma_start3A_407 = arith.constant 0 : i32
    %dma_start3A_408 = tpu.memref_slice %arg6[%add3A_406, %dma_start3A_407] : memref<20480x128xf32, #tpu.memory_space<hbm>> -> memref<80x128xf32, #tpu.memory_space<hbm>>
    %dma_start3A_409 = arith.constant 0 : i32
    %dma_start3A_410 = tpu.memref_slice %arg6[%add3A_406, %dma_start3A_409] : memref<20480x128xf32, #tpu.memory_space<hbm>> -> memref<80x128xf32, #tpu.memory_space<hbm>>
    tpu.enqueue_dma source(%arg13 : memref<80x128xf32, #tpu.memory_space<vmem>>) target(%dma_start3A_410 : memref<80x128xf32, #tpu.memory_space<hbm>>) target_semaphore(%arg20 : memref<!tpu.dma_semaphore, #tpu.memory_space<semaphore_mem>>)
    %dma_wait3A_411 = arith.constant 0 : i32
    %dma_wait3A_412 = tpu.memref_slice %arg6[%add3A_406, %dma_wait3A_411] : memref<20480x128xf32, #tpu.memory_space<hbm>> -> memref<80x128xf32, #tpu.memory_space<hbm>>
    %dma_wait3A_413 = arith.constant 0 : i32
    %dma_wait3A_414 = tpu.memref_slice %arg6[%add3A_406, %dma_wait3A_413] : memref<20480x128xf32, #tpu.memory_space<hbm>> -> memref<80x128xf32, #tpu.memory_space<hbm>>
    tpu.wait_dma2 semaphore(%arg20 : memref<!tpu.dma_semaphore, #tpu.memory_space<semaphore_mem>>) src(%arg13 : memref<80x128xf32, #tpu.memory_space<vmem>>) dst(%dma_wait3A_414 : memref<80x128xf32, #tpu.memory_space<hbm>>)
    %add3A_415 = arith.constant 400 : i32
    %add3A_416 = arith.addi %mul3A_0, %add3A_415 : i32
    %dma_start3A_417 = arith.constant 0 : i32
    %dma_start3A_418 = tpu.memref_slice %arg8[%add3A_416, %dma_start3A_417] : memref<10240x128xf32, #tpu.memory_space<vmem_shared>> -> memref<80x128xf32, #tpu.memory_space<vmem_shared>>
    %dma_start3A_419 = arith.constant 0 : i32
    %dma_start3A_420 = tpu.memref_slice %arg8[%add3A_416, %dma_start3A_419] : memref<10240x128xf32, #tpu.memory_space<vmem_shared>> -> memref<80x128xf32, #tpu.memory_space<vmem_shared>>
    tpu.enqueue_dma source(%dma_start3A_420 : memref<80x128xf32, #tpu.memory_space<vmem_shared>>) target(%arg13 : memref<80x128xf32, #tpu.memory_space<vmem>>) target_semaphore(%arg18 : memref<!tpu.dma_semaphore, #tpu.memory_space<semaphore_mem>>)
    %dma_wait3A_421 = arith.constant 0 : i32
    %dma_wait3A_422 = tpu.memref_slice %arg8[%add3A_396, %dma_wait3A_421] : memref<10240x128xf32, #tpu.memory_space<vmem_shared>> -> memref<80x128xf32, #tpu.memory_space<vmem_shared>>
    %dma_wait3A_423 = arith.constant 0 : i32
    %dma_wait3A_424 = tpu.memref_slice %arg8[%add3A_396, %dma_wait3A_423] : memref<10240x128xf32, #tpu.memory_space<vmem_shared>> -> memref<80x128xf32, #tpu.memory_space<vmem_shared>>
    tpu.wait_dma2 semaphore(%arg17 : memref<!tpu.dma_semaphore, #tpu.memory_space<semaphore_mem>>) src(%dma_wait3A_424 : memref<80x128xf32, #tpu.memory_space<vmem_shared>>) dst(%arg12 : memref<80x128xf32, #tpu.memory_space<vmem>>)
    %add3A_425 = arith.constant 320 : i32
    %add3A_426 = arith.addi %add3A_330, %add3A_425 : i32
    %dma_start3A_427 = arith.constant 0 : i32
    %dma_start3A_428 = tpu.memref_slice %arg6[%add3A_426, %dma_start3A_427] : memref<20480x128xf32, #tpu.memory_space<hbm>> -> memref<80x128xf32, #tpu.memory_space<hbm>>
    %dma_start3A_429 = arith.constant 0 : i32
    %dma_start3A_430 = tpu.memref_slice %arg6[%add3A_426, %dma_start3A_429] : memref<20480x128xf32, #tpu.memory_space<hbm>> -> memref<80x128xf32, #tpu.memory_space<hbm>>
    tpu.enqueue_dma source(%arg12 : memref<80x128xf32, #tpu.memory_space<vmem>>) target(%dma_start3A_430 : memref<80x128xf32, #tpu.memory_space<hbm>>) target_semaphore(%arg19 : memref<!tpu.dma_semaphore, #tpu.memory_space<semaphore_mem>>)
    %dma_wait3A_431 = arith.constant 0 : i32
    %dma_wait3A_432 = tpu.memref_slice %arg6[%add3A_426, %dma_wait3A_431] : memref<20480x128xf32, #tpu.memory_space<hbm>> -> memref<80x128xf32, #tpu.memory_space<hbm>>
    %dma_wait3A_433 = arith.constant 0 : i32
    %dma_wait3A_434 = tpu.memref_slice %arg6[%add3A_426, %dma_wait3A_433] : memref<20480x128xf32, #tpu.memory_space<hbm>> -> memref<80x128xf32, #tpu.memory_space<hbm>>
    tpu.wait_dma2 semaphore(%arg19 : memref<!tpu.dma_semaphore, #tpu.memory_space<semaphore_mem>>) src(%arg12 : memref<80x128xf32, #tpu.memory_space<vmem>>) dst(%dma_wait3A_434 : memref<80x128xf32, #tpu.memory_space<hbm>>)
    %add3A_435 = arith.constant 480 : i32
    %add3A_436 = arith.addi %mul3A_0, %add3A_435 : i32
    %dma_start3A_437 = arith.constant 0 : i32
    %dma_start3A_438 = tpu.memref_slice %arg8[%add3A_436, %dma_start3A_437] : memref<10240x128xf32, #tpu.memory_space<vmem_shared>> -> memref<80x128xf32, #tpu.memory_space<vmem_shared>>
    %dma_start3A_439 = arith.constant 0 : i32
    %dma_start3A_440 = tpu.memref_slice %arg8[%add3A_436, %dma_start3A_439] : memref<10240x128xf32, #tpu.memory_space<vmem_shared>> -> memref<80x128xf32, #tpu.memory_space<vmem_shared>>
    tpu.enqueue_dma source(%dma_start3A_440 : memref<80x128xf32, #tpu.memory_space<vmem_shared>>) target(%arg12 : memref<80x128xf32, #tpu.memory_space<vmem>>) target_semaphore(%arg17 : memref<!tpu.dma_semaphore, #tpu.memory_space<semaphore_mem>>)
    %dma_wait3A_441 = arith.constant 0 : i32
    %dma_wait3A_442 = tpu.memref_slice %arg8[%add3A_416, %dma_wait3A_441] : memref<10240x128xf32, #tpu.memory_space<vmem_shared>> -> memref<80x128xf32, #tpu.memory_space<vmem_shared>>
    %dma_wait3A_443 = arith.constant 0 : i32
    %dma_wait3A_444 = tpu.memref_slice %arg8[%add3A_416, %dma_wait3A_443] : memref<10240x128xf32, #tpu.memory_space<vmem_shared>> -> memref<80x128xf32, #tpu.memory_space<vmem_shared>>
    tpu.wait_dma2 semaphore(%arg18 : memref<!tpu.dma_semaphore, #tpu.memory_space<semaphore_mem>>) src(%dma_wait3A_444 : memref<80x128xf32, #tpu.memory_space<vmem_shared>>) dst(%arg13 : memref<80x128xf32, #tpu.memory_space<vmem>>)
    %add3A_445 = arith.constant 400 : i32
    %add3A_446 = arith.addi %add3A_330, %add3A_445 : i32
    %dma_start3A_447 = arith.constant 0 : i32
    %dma_start3A_448 = tpu.memref_slice %arg6[%add3A_446, %dma_start3A_447] : memref<20480x128xf32, #tpu.memory_space<hbm>> -> memref<80x128xf32, #tpu.memory_space<hbm>>
    %dma_start3A_449 = arith.constant 0 : i32
    %dma_start3A_450 = tpu.memref_slice %arg6[%add3A_446, %dma_start3A_449] : memref<20480x128xf32, #tpu.memory_space<hbm>> -> memref<80x128xf32, #tpu.memory_space<hbm>>
    tpu.enqueue_dma source(%arg13 : memref<80x128xf32, #tpu.memory_space<vmem>>) target(%dma_start3A_450 : memref<80x128xf32, #tpu.memory_space<hbm>>) target_semaphore(%arg20 : memref<!tpu.dma_semaphore, #tpu.memory_space<semaphore_mem>>)
    %dma_wait3A_451 = arith.constant 0 : i32
    %dma_wait3A_452 = tpu.memref_slice %arg6[%add3A_446, %dma_wait3A_451] : memref<20480x128xf32, #tpu.memory_space<hbm>> -> memref<80x128xf32, #tpu.memory_space<hbm>>
    %dma_wait3A_453 = arith.constant 0 : i32
    %dma_wait3A_454 = tpu.memref_slice %arg6[%add3A_446, %dma_wait3A_453] : memref<20480x128xf32, #tpu.memory_space<hbm>> -> memref<80x128xf32, #tpu.memory_space<hbm>>
    tpu.wait_dma2 semaphore(%arg20 : memref<!tpu.dma_semaphore, #tpu.memory_space<semaphore_mem>>) src(%arg13 : memref<80x128xf32, #tpu.memory_space<vmem>>) dst(%dma_wait3A_454 : memref<80x128xf32, #tpu.memory_space<hbm>>)
    %add3A_455 = arith.constant 560 : i32
    %add3A_456 = arith.addi %mul3A_0, %add3A_455 : i32
    %dma_start3A_457 = arith.constant 0 : i32
    %dma_start3A_458 = tpu.memref_slice %arg8[%add3A_456, %dma_start3A_457] : memref<10240x128xf32, #tpu.memory_space<vmem_shared>> -> memref<80x128xf32, #tpu.memory_space<vmem_shared>>
    %dma_start3A_459 = arith.constant 0 : i32
    %dma_start3A_460 = tpu.memref_slice %arg8[%add3A_456, %dma_start3A_459] : memref<10240x128xf32, #tpu.memory_space<vmem_shared>> -> memref<80x128xf32, #tpu.memory_space<vmem_shared>>
    tpu.enqueue_dma source(%dma_start3A_460 : memref<80x128xf32, #tpu.memory_space<vmem_shared>>) target(%arg13 : memref<80x128xf32, #tpu.memory_space<vmem>>) target_semaphore(%arg18 : memref<!tpu.dma_semaphore, #tpu.memory_space<semaphore_mem>>)
    %dma_wait3A_461 = arith.constant 0 : i32
    %dma_wait3A_462 = tpu.memref_slice %arg8[%add3A_436, %dma_wait3A_461] : memref<10240x128xf32, #tpu.memory_space<vmem_shared>> -> memref<80x128xf32, #tpu.memory_space<vmem_shared>>
    %dma_wait3A_463 = arith.constant 0 : i32
    %dma_wait3A_464 = tpu.memref_slice %arg8[%add3A_436, %dma_wait3A_463] : memref<10240x128xf32, #tpu.memory_space<vmem_shared>> -> memref<80x128xf32, #tpu.memory_space<vmem_shared>>
    tpu.wait_dma2 semaphore(%arg17 : memref<!tpu.dma_semaphore, #tpu.memory_space<semaphore_mem>>) src(%dma_wait3A_464 : memref<80x128xf32, #tpu.memory_space<vmem_shared>>) dst(%arg12 : memref<80x128xf32, #tpu.memory_space<vmem>>)
    %add3A_465 = arith.constant 480 : i32
    %add3A_466 = arith.addi %add3A_330, %add3A_465 : i32
    %dma_start3A_467 = arith.constant 0 : i32
    %dma_start3A_468 = tpu.memref_slice %arg6[%add3A_466, %dma_start3A_467] : memref<20480x128xf32, #tpu.memory_space<hbm>> -> memref<80x128xf32, #tpu.memory_space<hbm>>
    %dma_start3A_469 = arith.constant 0 : i32
    %dma_start3A_470 = tpu.memref_slice %arg6[%add3A_466, %dma_start3A_469] : memref<20480x128xf32, #tpu.memory_space<hbm>> -> memref<80x128xf32, #tpu.memory_space<hbm>>
    tpu.enqueue_dma source(%arg12 : memref<80x128xf32, #tpu.memory_space<vmem>>) target(%dma_start3A_470 : memref<80x128xf32, #tpu.memory_space<hbm>>) target_semaphore(%arg19 : memref<!tpu.dma_semaphore, #tpu.memory_space<semaphore_mem>>)
    %dma_wait3A_471 = arith.constant 0 : i32
    %dma_wait3A_472 = tpu.memref_slice %arg8[%add3A_456, %dma_wait3A_471] : memref<10240x128xf32, #tpu.memory_space<vmem_shared>> -> memref<80x128xf32, #tpu.memory_space<vmem_shared>>
    %dma_wait3A_473 = arith.constant 0 : i32
    %dma_wait3A_474 = tpu.memref_slice %arg8[%add3A_456, %dma_wait3A_473] : memref<10240x128xf32, #tpu.memory_space<vmem_shared>> -> memref<80x128xf32, #tpu.memory_space<vmem_shared>>
    tpu.wait_dma2 semaphore(%arg18 : memref<!tpu.dma_semaphore, #tpu.memory_space<semaphore_mem>>) src(%dma_wait3A_474 : memref<80x128xf32, #tpu.memory_space<vmem_shared>>) dst(%arg13 : memref<80x128xf32, #tpu.memory_space<vmem>>)
    %add3A_475 = arith.constant 560 : i32
    %add3A_476 = arith.addi %add3A_330, %add3A_475 : i32
    %dma_start3A_477 = arith.constant 0 : i32
    %dma_start3A_478 = tpu.memref_slice %arg6[%add3A_476, %dma_start3A_477] : memref<20480x128xf32, #tpu.memory_space<hbm>> -> memref<80x128xf32, #tpu.memory_space<hbm>>
    %dma_start3A_479 = arith.constant 0 : i32
    %dma_start3A_480 = tpu.memref_slice %arg6[%add3A_476, %dma_start3A_479] : memref<20480x128xf32, #tpu.memory_space<hbm>> -> memref<80x128xf32, #tpu.memory_space<hbm>>
    tpu.enqueue_dma source(%arg13 : memref<80x128xf32, #tpu.memory_space<vmem>>) target(%dma_start3A_480 : memref<80x128xf32, #tpu.memory_space<hbm>>) target_semaphore(%arg20 : memref<!tpu.dma_semaphore, #tpu.memory_space<semaphore_mem>>)
    %dma_wait3A_481 = arith.constant 0 : i32
    %dma_wait3A_482 = tpu.memref_slice %arg6[%add3A_466, %dma_wait3A_481] : memref<20480x128xf32, #tpu.memory_space<hbm>> -> memref<80x128xf32, #tpu.memory_space<hbm>>
    %dma_wait3A_483 = arith.constant 0 : i32
    %dma_wait3A_484 = tpu.memref_slice %arg6[%add3A_466, %dma_wait3A_483] : memref<20480x128xf32, #tpu.memory_space<hbm>> -> memref<80x128xf32, #tpu.memory_space<hbm>>
    tpu.wait_dma2 semaphore(%arg19 : memref<!tpu.dma_semaphore, #tpu.memory_space<semaphore_mem>>) src(%arg12 : memref<80x128xf32, #tpu.memory_space<vmem>>) dst(%dma_wait3A_484 : memref<80x128xf32, #tpu.memory_space<hbm>>)
    %dma_wait3A_485 = arith.constant 0 : i32
    %dma_wait3A_486 = tpu.memref_slice %arg6[%add3A_476, %dma_wait3A_485] : memref<20480x128xf32, #tpu.memory_space<hbm>> -> memref<80x128xf32, #tpu.memory_space<hbm>>
    %dma_wait3A_487 = arith.constant 0 : i32
    %dma_wait3A_488 = tpu.memref_slice %arg6[%add3A_476, %dma_wait3A_487] : memref<20480x128xf32, #tpu.memory_space<hbm>> -> memref<80x128xf32, #tpu.memory_space<hbm>>
    tpu.wait_dma2 semaphore(%arg20 : memref<!tpu.dma_semaphore, #tpu.memory_space<semaphore_mem>>) src(%arg13 : memref<80x128xf32, #tpu.memory_space<vmem>>) dst(%dma_wait3A_488 : memref<80x128xf32, #tpu.memory_space<hbm>>)
    "tpu.region"() ({
      %run_scoped3A = tpu.sem_alloc : memref<!tpu.dma_semaphore, #tpu.memory_space<semaphore_mem>>
      %dma_start3A_489 = tpu.memref_slice %arg9[%mul3A_0] : memref<10240xf32, #tpu.memory_space<vmem_shared>> -> memref<640xf32, #tpu.memory_space<vmem_shared>>
      %dma_start3A_490 = tpu.memref_slice %arg9[%mul3A_0] : memref<10240xf32, #tpu.memory_space<vmem_shared>> -> memref<640xf32, #tpu.memory_space<vmem_shared>>
      tpu.enqueue_dma source(%dma_start3A_490 : memref<640xf32, #tpu.memory_space<vmem_shared>>) target(%arg16 : memref<640xf32, #tpu.memory_space<vmem>>) target_semaphore(%run_scoped3A : memref<!tpu.dma_semaphore, #tpu.memory_space<semaphore_mem>>)
      %dma_wait3A_491 = tpu.memref_slice %arg9[%mul3A_0] : memref<10240xf32, #tpu.memory_space<vmem_shared>> -> memref<640xf32, #tpu.memory_space<vmem_shared>>
      %dma_wait3A_492 = tpu.memref_slice %arg9[%mul3A_0] : memref<10240xf32, #tpu.memory_space<vmem_shared>> -> memref<640xf32, #tpu.memory_space<vmem_shared>>
      tpu.wait_dma2 semaphore(%run_scoped3A : memref<!tpu.dma_semaphore, #tpu.memory_space<semaphore_mem>>) src(%dma_wait3A_492 : memref<640xf32, #tpu.memory_space<vmem_shared>>) dst(%arg16 : memref<640xf32, #tpu.memory_space<vmem>>)
      tpu.yield
    }) : () -> ()
    "tpu.region"() ({
      %run_scoped3A = tpu.sem_alloc : memref<!tpu.dma_semaphore, #tpu.memory_space<semaphore_mem>>
      %dma_start3A_489 = tpu.memref_slice %arg7[%add3A_330] : memref<20480xf32, #tpu.memory_space<hbm>> -> memref<640xf32, #tpu.memory_space<hbm>>
      %dma_start3A_490 = tpu.memref_slice %arg7[%add3A_330] : memref<20480xf32, #tpu.memory_space<hbm>> -> memref<640xf32, #tpu.memory_space<hbm>>
      tpu.enqueue_dma source(%arg16 : memref<640xf32, #tpu.memory_space<vmem>>) target(%dma_start3A_490 : memref<640xf32, #tpu.memory_space<hbm>>) target_semaphore(%run_scoped3A : memref<!tpu.dma_semaphore, #tpu.memory_space<semaphore_mem>>)
      %dma_wait3A_491 = tpu.memref_slice %arg7[%add3A_330] : memref<20480xf32, #tpu.memory_space<hbm>> -> memref<640xf32, #tpu.memory_space<hbm>>
      %dma_wait3A_492 = tpu.memref_slice %arg7[%add3A_330] : memref<20480xf32, #tpu.memory_space<hbm>> -> memref<640xf32, #tpu.memory_space<hbm>>
      tpu.wait_dma2 semaphore(%run_scoped3A : memref<!tpu.dma_semaphore, #tpu.memory_space<semaphore_mem>>) src(%arg16 : memref<640xf32, #tpu.memory_space<vmem>>) dst(%dma_wait3A_492 : memref<640xf32, #tpu.memory_space<hbm>>)
      tpu.yield
    }) : () -> ()
    return
  }
}

#map = affine_map<(d0, d1) -> (0, 0)>
module attributes {stable_mosaic.version = 14 : i64} {
  func.func @_seg_body(%arg0: i32, %arg1: i32, %arg2: memref<10240x128xf32, #tpu.memory_space<hbm>>, %arg3: memref<8200x80xi32, #tpu.memory_space<hbm>>, %arg4: memref<8200x80xi32, #tpu.memory_space<hbm>>, %arg5: memref<80x128xf32, #tpu.memory_space<hbm>>, %arg6: memref<20480x128xf32, #tpu.memory_space<hbm>>, %arg7: memref<10240x128xf32, #tpu.memory_space<vmem_shared>>, %arg8: memref<2x8x80xi32, #tpu.memory_space<vmem>>, %arg9: memref<2x8x80xi32, #tpu.memory_space<vmem>>, %arg10: memref<80x128xf32, #tpu.memory_space<vmem>>, %arg11: memref<80x128xf32, #tpu.memory_space<vmem>>, %arg12: memref<80x128xf32, #tpu.memory_space<vmem>>, %arg13: memref<!tpu.dma_semaphore, #tpu.memory_space<semaphore_mem>>, %arg14: memref<!tpu.dma_semaphore, #tpu.memory_space<semaphore_mem>>, %arg15: memref<!tpu.dma_semaphore, #tpu.memory_space<semaphore_mem>>, %arg16: memref<!tpu.dma_semaphore, #tpu.memory_space<semaphore_mem>>, %arg17: memref<!tpu.dma_semaphore, #tpu.memory_space<semaphore_mem>>, %arg18: memref<!tpu.dma_semaphore, #tpu.memory_space<semaphore_mem>>, %arg19: memref<!tpu.dma_semaphore, #tpu.memory_space<semaphore_mem>>, %arg20: memref<!tpu.dma_semaphore, #tpu.memory_space<semaphore_mem>>) attributes {dimension_semantics = [#tpu.dimension_semantics<core_parallel>, #tpu.dimension_semantics<subcore_parallel>], iteration_bounds = array<i64: 2, 16>, scalar_prefetch = 0 : i64, scratch_operands = 14 : i64, tpu.core_type = #tpu.core_type<sc_vector_subcore>, window_params = [{transform_indices = #map}, {transform_indices = #map}, {transform_indices = #map}, {transform_indices = #map}, {transform_indices = #map}]} {
    %mul3A = arith.constant 640 : i32
    %mul3A_0 = arith.muli %arg1, %mul3A : i32
    "tpu.region"() ({
      %run_scoped3A = tpu.sem_alloc : memref<!tpu.dma_semaphore, #tpu.memory_space<semaphore_mem>>
      tpu.enqueue_dma source(%arg5 : memref<80x128xf32, #tpu.memory_space<hbm>>) target(%arg10 : memref<80x128xf32, #tpu.memory_space<vmem>>) target_semaphore(%run_scoped3A : memref<!tpu.dma_semaphore, #tpu.memory_space<semaphore_mem>>)
      tpu.wait_dma2 semaphore(%run_scoped3A : memref<!tpu.dma_semaphore, #tpu.memory_space<semaphore_mem>>) src(%arg5 : memref<80x128xf32, #tpu.memory_space<hbm>>) dst(%arg10 : memref<80x128xf32, #tpu.memory_space<vmem>>)
      tpu.yield
    }) : () -> ()
    %add3A = arith.constant 0 : i32
    %add3A_1 = arith.addi %mul3A_0, %add3A : i32
    %dma_start3A = arith.constant 0 : i32
    %dma_start3A_2 = tpu.memref_slice %arg7[%add3A_1, %dma_start3A] : memref<10240x128xf32, #tpu.memory_space<vmem_shared>> -> memref<80x128xf32, #tpu.memory_space<vmem_shared>>
    %dma_start3A_3 = arith.constant 0 : i32
    %dma_start3A_4 = tpu.memref_slice %arg7[%add3A_1, %dma_start3A_3] : memref<10240x128xf32, #tpu.memory_space<vmem_shared>> -> memref<80x128xf32, #tpu.memory_space<vmem_shared>>
    tpu.enqueue_dma source(%arg10 : memref<80x128xf32, #tpu.memory_space<vmem>>) target(%dma_start3A_4 : memref<80x128xf32, #tpu.memory_space<vmem_shared>>) target_semaphore(%arg15 : memref<!tpu.dma_semaphore, #tpu.memory_space<semaphore_mem>>)
    %add3A_5 = arith.constant 80 : i32
    %add3A_6 = arith.addi %mul3A_0, %add3A_5 : i32
    %dma_start3A_7 = arith.constant 0 : i32
    %dma_start3A_8 = tpu.memref_slice %arg7[%add3A_6, %dma_start3A_7] : memref<10240x128xf32, #tpu.memory_space<vmem_shared>> -> memref<80x128xf32, #tpu.memory_space<vmem_shared>>
    %dma_start3A_9 = arith.constant 0 : i32
    %dma_start3A_10 = tpu.memref_slice %arg7[%add3A_6, %dma_start3A_9] : memref<10240x128xf32, #tpu.memory_space<vmem_shared>> -> memref<80x128xf32, #tpu.memory_space<vmem_shared>>
    tpu.enqueue_dma source(%arg10 : memref<80x128xf32, #tpu.memory_space<vmem>>) target(%dma_start3A_10 : memref<80x128xf32, #tpu.memory_space<vmem_shared>>) target_semaphore(%arg15 : memref<!tpu.dma_semaphore, #tpu.memory_space<semaphore_mem>>)
    %add3A_11 = arith.constant 160 : i32
    %add3A_12 = arith.addi %mul3A_0, %add3A_11 : i32
    %dma_start3A_13 = arith.constant 0 : i32
    %dma_start3A_14 = tpu.memref_slice %arg7[%add3A_12, %dma_start3A_13] : memref<10240x128xf32, #tpu.memory_space<vmem_shared>> -> memref<80x128xf32, #tpu.memory_space<vmem_shared>>
    %dma_start3A_15 = arith.constant 0 : i32
    %dma_start3A_16 = tpu.memref_slice %arg7[%add3A_12, %dma_start3A_15] : memref<10240x128xf32, #tpu.memory_space<vmem_shared>> -> memref<80x128xf32, #tpu.memory_space<vmem_shared>>
    tpu.enqueue_dma source(%arg10 : memref<80x128xf32, #tpu.memory_space<vmem>>) target(%dma_start3A_16 : memref<80x128xf32, #tpu.memory_space<vmem_shared>>) target_semaphore(%arg15 : memref<!tpu.dma_semaphore, #tpu.memory_space<semaphore_mem>>)
    %add3A_17 = arith.constant 240 : i32
    %add3A_18 = arith.addi %mul3A_0, %add3A_17 : i32
    %dma_start3A_19 = arith.constant 0 : i32
    %dma_start3A_20 = tpu.memref_slice %arg7[%add3A_18, %dma_start3A_19] : memref<10240x128xf32, #tpu.memory_space<vmem_shared>> -> memref<80x128xf32, #tpu.memory_space<vmem_shared>>
    %dma_start3A_21 = arith.constant 0 : i32
    %dma_start3A_22 = tpu.memref_slice %arg7[%add3A_18, %dma_start3A_21] : memref<10240x128xf32, #tpu.memory_space<vmem_shared>> -> memref<80x128xf32, #tpu.memory_space<vmem_shared>>
    tpu.enqueue_dma source(%arg10 : memref<80x128xf32, #tpu.memory_space<vmem>>) target(%dma_start3A_22 : memref<80x128xf32, #tpu.memory_space<vmem_shared>>) target_semaphore(%arg15 : memref<!tpu.dma_semaphore, #tpu.memory_space<semaphore_mem>>)
    %add3A_23 = arith.constant 320 : i32
    %add3A_24 = arith.addi %mul3A_0, %add3A_23 : i32
    %dma_start3A_25 = arith.constant 0 : i32
    %dma_start3A_26 = tpu.memref_slice %arg7[%add3A_24, %dma_start3A_25] : memref<10240x128xf32, #tpu.memory_space<vmem_shared>> -> memref<80x128xf32, #tpu.memory_space<vmem_shared>>
    %dma_start3A_27 = arith.constant 0 : i32
    %dma_start3A_28 = tpu.memref_slice %arg7[%add3A_24, %dma_start3A_27] : memref<10240x128xf32, #tpu.memory_space<vmem_shared>> -> memref<80x128xf32, #tpu.memory_space<vmem_shared>>
    tpu.enqueue_dma source(%arg10 : memref<80x128xf32, #tpu.memory_space<vmem>>) target(%dma_start3A_28 : memref<80x128xf32, #tpu.memory_space<vmem_shared>>) target_semaphore(%arg15 : memref<!tpu.dma_semaphore, #tpu.memory_space<semaphore_mem>>)
    %add3A_29 = arith.constant 400 : i32
    %add3A_30 = arith.addi %mul3A_0, %add3A_29 : i32
    %dma_start3A_31 = arith.constant 0 : i32
    %dma_start3A_32 = tpu.memref_slice %arg7[%add3A_30, %dma_start3A_31] : memref<10240x128xf32, #tpu.memory_space<vmem_shared>> -> memref<80x128xf32, #tpu.memory_space<vmem_shared>>
    %dma_start3A_33 = arith.constant 0 : i32
    %dma_start3A_34 = tpu.memref_slice %arg7[%add3A_30, %dma_start3A_33] : memref<10240x128xf32, #tpu.memory_space<vmem_shared>> -> memref<80x128xf32, #tpu.memory_space<vmem_shared>>
    tpu.enqueue_dma source(%arg10 : memref<80x128xf32, #tpu.memory_space<vmem>>) target(%dma_start3A_34 : memref<80x128xf32, #tpu.memory_space<vmem_shared>>) target_semaphore(%arg15 : memref<!tpu.dma_semaphore, #tpu.memory_space<semaphore_mem>>)
    %add3A_35 = arith.constant 480 : i32
    %add3A_36 = arith.addi %mul3A_0, %add3A_35 : i32
    %dma_start3A_37 = arith.constant 0 : i32
    %dma_start3A_38 = tpu.memref_slice %arg7[%add3A_36, %dma_start3A_37] : memref<10240x128xf32, #tpu.memory_space<vmem_shared>> -> memref<80x128xf32, #tpu.memory_space<vmem_shared>>
    %dma_start3A_39 = arith.constant 0 : i32
    %dma_start3A_40 = tpu.memref_slice %arg7[%add3A_36, %dma_start3A_39] : memref<10240x128xf32, #tpu.memory_space<vmem_shared>> -> memref<80x128xf32, #tpu.memory_space<vmem_shared>>
    tpu.enqueue_dma source(%arg10 : memref<80x128xf32, #tpu.memory_space<vmem>>) target(%dma_start3A_40 : memref<80x128xf32, #tpu.memory_space<vmem_shared>>) target_semaphore(%arg15 : memref<!tpu.dma_semaphore, #tpu.memory_space<semaphore_mem>>)
    %add3A_41 = arith.constant 560 : i32
    %add3A_42 = arith.addi %mul3A_0, %add3A_41 : i32
    %dma_start3A_43 = arith.constant 0 : i32
    %dma_start3A_44 = tpu.memref_slice %arg7[%add3A_42, %dma_start3A_43] : memref<10240x128xf32, #tpu.memory_space<vmem_shared>> -> memref<80x128xf32, #tpu.memory_space<vmem_shared>>
    %dma_start3A_45 = arith.constant 0 : i32
    %dma_start3A_46 = tpu.memref_slice %arg7[%add3A_42, %dma_start3A_45] : memref<10240x128xf32, #tpu.memory_space<vmem_shared>> -> memref<80x128xf32, #tpu.memory_space<vmem_shared>>
    tpu.enqueue_dma source(%arg10 : memref<80x128xf32, #tpu.memory_space<vmem>>) target(%dma_start3A_46 : memref<80x128xf32, #tpu.memory_space<vmem_shared>>) target_semaphore(%arg15 : memref<!tpu.dma_semaphore, #tpu.memory_space<semaphore_mem>>)
    %dma_wait3A = arith.constant 0 : i32
    %dma_wait3A_47 = tpu.memref_slice %arg7[%add3A_1, %dma_wait3A] : memref<10240x128xf32, #tpu.memory_space<vmem_shared>> -> memref<80x128xf32, #tpu.memory_space<vmem_shared>>
    %dma_wait3A_48 = arith.constant 0 : i32
    %dma_wait3A_49 = tpu.memref_slice %arg7[%add3A_1, %dma_wait3A_48] : memref<10240x128xf32, #tpu.memory_space<vmem_shared>> -> memref<80x128xf32, #tpu.memory_space<vmem_shared>>
    tpu.wait_dma2 semaphore(%arg15 : memref<!tpu.dma_semaphore, #tpu.memory_space<semaphore_mem>>) src(%arg10 : memref<80x128xf32, #tpu.memory_space<vmem>>) dst(%dma_wait3A_49 : memref<80x128xf32, #tpu.memory_space<vmem_shared>>)
    %dma_wait3A_50 = arith.constant 0 : i32
    %dma_wait3A_51 = tpu.memref_slice %arg7[%add3A_6, %dma_wait3A_50] : memref<10240x128xf32, #tpu.memory_space<vmem_shared>> -> memref<80x128xf32, #tpu.memory_space<vmem_shared>>
    %dma_wait3A_52 = arith.constant 0 : i32
    %dma_wait3A_53 = tpu.memref_slice %arg7[%add3A_6, %dma_wait3A_52] : memref<10240x128xf32, #tpu.memory_space<vmem_shared>> -> memref<80x128xf32, #tpu.memory_space<vmem_shared>>
    tpu.wait_dma2 semaphore(%arg15 : memref<!tpu.dma_semaphore, #tpu.memory_space<semaphore_mem>>) src(%arg10 : memref<80x128xf32, #tpu.memory_space<vmem>>) dst(%dma_wait3A_53 : memref<80x128xf32, #tpu.memory_space<vmem_shared>>)
    %dma_wait3A_54 = arith.constant 0 : i32
    %dma_wait3A_55 = tpu.memref_slice %arg7[%add3A_12, %dma_wait3A_54] : memref<10240x128xf32, #tpu.memory_space<vmem_shared>> -> memref<80x128xf32, #tpu.memory_space<vmem_shared>>
    %dma_wait3A_56 = arith.constant 0 : i32
    %dma_wait3A_57 = tpu.memref_slice %arg7[%add3A_12, %dma_wait3A_56] : memref<10240x128xf32, #tpu.memory_space<vmem_shared>> -> memref<80x128xf32, #tpu.memory_space<vmem_shared>>
    tpu.wait_dma2 semaphore(%arg15 : memref<!tpu.dma_semaphore, #tpu.memory_space<semaphore_mem>>) src(%arg10 : memref<80x128xf32, #tpu.memory_space<vmem>>) dst(%dma_wait3A_57 : memref<80x128xf32, #tpu.memory_space<vmem_shared>>)
    %dma_wait3A_58 = arith.constant 0 : i32
    %dma_wait3A_59 = tpu.memref_slice %arg7[%add3A_18, %dma_wait3A_58] : memref<10240x128xf32, #tpu.memory_space<vmem_shared>> -> memref<80x128xf32, #tpu.memory_space<vmem_shared>>
    %dma_wait3A_60 = arith.constant 0 : i32
    %dma_wait3A_61 = tpu.memref_slice %arg7[%add3A_18, %dma_wait3A_60] : memref<10240x128xf32, #tpu.memory_space<vmem_shared>> -> memref<80x128xf32, #tpu.memory_space<vmem_shared>>
    tpu.wait_dma2 semaphore(%arg15 : memref<!tpu.dma_semaphore, #tpu.memory_space<semaphore_mem>>) src(%arg10 : memref<80x128xf32, #tpu.memory_space<vmem>>) dst(%dma_wait3A_61 : memref<80x128xf32, #tpu.memory_space<vmem_shared>>)
    %dma_wait3A_62 = arith.constant 0 : i32
    %dma_wait3A_63 = tpu.memref_slice %arg7[%add3A_24, %dma_wait3A_62] : memref<10240x128xf32, #tpu.memory_space<vmem_shared>> -> memref<80x128xf32, #tpu.memory_space<vmem_shared>>
    %dma_wait3A_64 = arith.constant 0 : i32
    %dma_wait3A_65 = tpu.memref_slice %arg7[%add3A_24, %dma_wait3A_64] : memref<10240x128xf32, #tpu.memory_space<vmem_shared>> -> memref<80x128xf32, #tpu.memory_space<vmem_shared>>
    tpu.wait_dma2 semaphore(%arg15 : memref<!tpu.dma_semaphore, #tpu.memory_space<semaphore_mem>>) src(%arg10 : memref<80x128xf32, #tpu.memory_space<vmem>>) dst(%dma_wait3A_65 : memref<80x128xf32, #tpu.memory_space<vmem_shared>>)
    %dma_wait3A_66 = arith.constant 0 : i32
    %dma_wait3A_67 = tpu.memref_slice %arg7[%add3A_30, %dma_wait3A_66] : memref<10240x128xf32, #tpu.memory_space<vmem_shared>> -> memref<80x128xf32, #tpu.memory_space<vmem_shared>>
    %dma_wait3A_68 = arith.constant 0 : i32
    %dma_wait3A_69 = tpu.memref_slice %arg7[%add3A_30, %dma_wait3A_68] : memref<10240x128xf32, #tpu.memory_space<vmem_shared>> -> memref<80x128xf32, #tpu.memory_space<vmem_shared>>
    tpu.wait_dma2 semaphore(%arg15 : memref<!tpu.dma_semaphore, #tpu.memory_space<semaphore_mem>>) src(%arg10 : memref<80x128xf32, #tpu.memory_space<vmem>>) dst(%dma_wait3A_69 : memref<80x128xf32, #tpu.memory_space<vmem_shared>>)
    %dma_wait3A_70 = arith.constant 0 : i32
    %dma_wait3A_71 = tpu.memref_slice %arg7[%add3A_36, %dma_wait3A_70] : memref<10240x128xf32, #tpu.memory_space<vmem_shared>> -> memref<80x128xf32, #tpu.memory_space<vmem_shared>>
    %dma_wait3A_72 = arith.constant 0 : i32
    %dma_wait3A_73 = tpu.memref_slice %arg7[%add3A_36, %dma_wait3A_72] : memref<10240x128xf32, #tpu.memory_space<vmem_shared>> -> memref<80x128xf32, #tpu.memory_space<vmem_shared>>
    tpu.wait_dma2 semaphore(%arg15 : memref<!tpu.dma_semaphore, #tpu.memory_space<semaphore_mem>>) src(%arg10 : memref<80x128xf32, #tpu.memory_space<vmem>>) dst(%dma_wait3A_73 : memref<80x128xf32, #tpu.memory_space<vmem_shared>>)
    %dma_wait3A_74 = arith.constant 0 : i32
    %dma_wait3A_75 = tpu.memref_slice %arg7[%add3A_42, %dma_wait3A_74] : memref<10240x128xf32, #tpu.memory_space<vmem_shared>> -> memref<80x128xf32, #tpu.memory_space<vmem_shared>>
    %dma_wait3A_76 = arith.constant 0 : i32
    %dma_wait3A_77 = tpu.memref_slice %arg7[%add3A_42, %dma_wait3A_76] : memref<10240x128xf32, #tpu.memory_space<vmem_shared>> -> memref<80x128xf32, #tpu.memory_space<vmem_shared>>
    tpu.wait_dma2 semaphore(%arg15 : memref<!tpu.dma_semaphore, #tpu.memory_space<semaphore_mem>>) src(%arg10 : memref<80x128xf32, #tpu.memory_space<vmem>>) dst(%dma_wait3A_77 : memref<80x128xf32, #tpu.memory_space<vmem_shared>>)
    %barrier3A = arith.constant 0 : index
    tpu.barrier barrier_id(%barrier3A)
    %mul3A_78 = arith.constant 16 : i32
    %mul3A_79 = arith.muli %arg0, %mul3A_78 : i32
    %add3A_80 = arith.addi %mul3A_79, %arg1 : i32
    %mul3A_81 = arith.constant 256 : i32
    %mul3A_82 = arith.muli %add3A_80, %mul3A_81 : i32
    %add3A_83 = arith.constant 0 : i32
    %add3A_84 = arith.addi %mul3A_82, %add3A_83 : i32
    %dma_start3A_85 = arith.constant 0 : i32
    %dma_start3A_86 = arith.constant 0 : i32
    %dma_start3A_87 = arith.constant 0 : i32
    %dma_start3A_88 = tpu.memref_slice %arg8[%dma_start3A_85, %dma_start3A_86, %dma_start3A_87] : memref<2x8x80xi32, #tpu.memory_space<vmem>> -> memref<1x8x80xi32, #tpu.memory_space<vmem>>
    %dma_start3A_89 = tpu.memref_squeeze %dma_start3A_88 : memref<1x8x80xi32, #tpu.memory_space<vmem>> -> memref<8x80xi32, #tpu.memory_space<vmem>>
    %dma_start3A_90 = arith.constant 0 : i32
    %dma_start3A_91 = tpu.memref_slice %arg3[%add3A_84, %dma_start3A_90] : memref<8200x80xi32, #tpu.memory_space<hbm>> -> memref<8x80xi32, #tpu.memory_space<hbm>>
    %dma_start3A_92 = arith.constant 0 : i32
    %dma_start3A_93 = arith.constant 0 : i32
    %dma_start3A_94 = tpu.memref_slice %arg8[%dma_start3A_85, %dma_start3A_92, %dma_start3A_93] : memref<2x8x80xi32, #tpu.memory_space<vmem>> -> memref<1x8x80xi32, #tpu.memory_space<vmem>>
    %dma_start3A_95 = tpu.memref_squeeze %dma_start3A_94 : memref<1x8x80xi32, #tpu.memory_space<vmem>> -> memref<8x80xi32, #tpu.memory_space<vmem>>
    %dma_start3A_96 = arith.constant 0 : i32
    %dma_start3A_97 = tpu.memref_slice %arg3[%add3A_84, %dma_start3A_96] : memref<8200x80xi32, #tpu.memory_space<hbm>> -> memref<8x80xi32, #tpu.memory_space<hbm>>
    tpu.enqueue_dma source(%dma_start3A_97 : memref<8x80xi32, #tpu.memory_space<hbm>>) target(%dma_start3A_95 : memref<8x80xi32, #tpu.memory_space<vmem>>) target_semaphore(%arg15 : memref<!tpu.dma_semaphore, #tpu.memory_space<semaphore_mem>>)
    %dma_start3A_98 = arith.constant 0 : i32
    %dma_start3A_99 = arith.constant 0 : i32
    %dma_start3A_100 = arith.constant 0 : i32
    %dma_start3A_101 = tpu.memref_slice %arg9[%dma_start3A_98, %dma_start3A_99, %dma_start3A_100] : memref<2x8x80xi32, #tpu.memory_space<vmem>> -> memref<1x8x80xi32, #tpu.memory_space<vmem>>
    %dma_start3A_102 = tpu.memref_squeeze %dma_start3A_101 : memref<1x8x80xi32, #tpu.memory_space<vmem>> -> memref<8x80xi32, #tpu.memory_space<vmem>>
    %dma_start3A_103 = arith.constant 0 : i32
    %dma_start3A_104 = tpu.memref_slice %arg4[%add3A_84, %dma_start3A_103] : memref<8200x80xi32, #tpu.memory_space<hbm>> -> memref<8x80xi32, #tpu.memory_space<hbm>>
    %dma_start3A_105 = arith.constant 0 : i32
    %dma_start3A_106 = arith.constant 0 : i32
    %dma_start3A_107 = tpu.memref_slice %arg9[%dma_start3A_98, %dma_start3A_105, %dma_start3A_106] : memref<2x8x80xi32, #tpu.memory_space<vmem>> -> memref<1x8x80xi32, #tpu.memory_space<vmem>>
    %dma_start3A_108 = tpu.memref_squeeze %dma_start3A_107 : memref<1x8x80xi32, #tpu.memory_space<vmem>> -> memref<8x80xi32, #tpu.memory_space<vmem>>
    %dma_start3A_109 = arith.constant 0 : i32
    %dma_start3A_110 = tpu.memref_slice %arg4[%add3A_84, %dma_start3A_109] : memref<8200x80xi32, #tpu.memory_space<hbm>> -> memref<8x80xi32, #tpu.memory_space<hbm>>
    tpu.enqueue_dma source(%dma_start3A_110 : memref<8x80xi32, #tpu.memory_space<hbm>>) target(%dma_start3A_108 : memref<8x80xi32, #tpu.memory_space<vmem>>) target_semaphore(%arg16 : memref<!tpu.dma_semaphore, #tpu.memory_space<semaphore_mem>>)
    %scan3A = arith.constant 0 : i32
    %scan3A_111 = arith.constant 16 : i32
    %scan3A_112 = arith.addi %scan3A, %scan3A_111 : i32
    %scan3A_113 = arith.constant 1 : i32
    scf.for %scan3A_307 = %scan3A to %scan3A_112 step %scan3A_113  : i32 {
      %mul3A_308 = arith.constant 1 : i32
      %mul3A_309 = arith.muli %scan3A_307, %mul3A_308 : i32
      %add3A_310 = arith.constant 0 : i32
      %add3A_311 = arith.addi %add3A_310, %mul3A_309 : i32
      %mul3A_312 = arith.constant 2 : i32
      %mul3A_313 = arith.muli %add3A_311, %mul3A_312 : i32
      %add3A_314 = arith.constant 1 : i32
      %add3A_315 = arith.addi %mul3A_313, %add3A_314 : i32
      %mul3A_316 = arith.constant 8 : i32
      %mul3A_317 = arith.muli %add3A_315, %mul3A_316 : i32
      %add3A_318 = arith.addi %mul3A_82, %mul3A_317 : i32
      %dma_start3A_319 = arith.constant 1 : i32
      %dma_start3A_320 = arith.constant 0 : i32
      %dma_start3A_321 = arith.constant 0 : i32
      %dma_start3A_322 = tpu.memref_slice %arg8[%dma_start3A_319, %dma_start3A_320, %dma_start3A_321] : memref<2x8x80xi32, #tpu.memory_space<vmem>> -> memref<1x8x80xi32, #tpu.memory_space<vmem>>
      %dma_start3A_323 = tpu.memref_squeeze %dma_start3A_322 : memref<1x8x80xi32, #tpu.memory_space<vmem>> -> memref<8x80xi32, #tpu.memory_space<vmem>>
      %dma_start3A_324 = arith.constant 0 : i32
      %dma_start3A_325 = tpu.memref_slice %arg3[%add3A_318, %dma_start3A_324] : memref<8200x80xi32, #tpu.memory_space<hbm>> -> memref<8x80xi32, #tpu.memory_space<hbm>>
      %dma_start3A_326 = arith.constant 0 : i32
      %dma_start3A_327 = arith.constant 0 : i32
      %dma_start3A_328 = tpu.memref_slice %arg8[%dma_start3A_319, %dma_start3A_326, %dma_start3A_327] : memref<2x8x80xi32, #tpu.memory_space<vmem>> -> memref<1x8x80xi32, #tpu.memory_space<vmem>>
      %dma_start3A_329 = tpu.memref_squeeze %dma_start3A_328 : memref<1x8x80xi32, #tpu.memory_space<vmem>> -> memref<8x80xi32, #tpu.memory_space<vmem>>
      %dma_start3A_330 = arith.constant 0 : i32
      %dma_start3A_331 = tpu.memref_slice %arg3[%add3A_318, %dma_start3A_330] : memref<8200x80xi32, #tpu.memory_space<hbm>> -> memref<8x80xi32, #tpu.memory_space<hbm>>
      tpu.enqueue_dma source(%dma_start3A_331 : memref<8x80xi32, #tpu.memory_space<hbm>>) target(%dma_start3A_329 : memref<8x80xi32, #tpu.memory_space<vmem>>) target_semaphore(%arg15 : memref<!tpu.dma_semaphore, #tpu.memory_space<semaphore_mem>>)
      %dma_start3A_332 = arith.constant 1 : i32
      %dma_start3A_333 = arith.constant 0 : i32
      %dma_start3A_334 = arith.constant 0 : i32
      %dma_start3A_335 = tpu.memref_slice %arg9[%dma_start3A_332, %dma_start3A_333, %dma_start3A_334] : memref<2x8x80xi32, #tpu.memory_space<vmem>> -> memref<1x8x80xi32, #tpu.memory_space<vmem>>
      %dma_start3A_336 = tpu.memref_squeeze %dma_start3A_335 : memref<1x8x80xi32, #tpu.memory_space<vmem>> -> memref<8x80xi32, #tpu.memory_space<vmem>>
      %dma_start3A_337 = arith.constant 0 : i32
      %dma_start3A_338 = tpu.memref_slice %arg4[%add3A_318, %dma_start3A_337] : memref<8200x80xi32, #tpu.memory_space<hbm>> -> memref<8x80xi32, #tpu.memory_space<hbm>>
      %dma_start3A_339 = arith.constant 0 : i32
      %dma_start3A_340 = arith.constant 0 : i32
      %dma_start3A_341 = tpu.memref_slice %arg9[%dma_start3A_332, %dma_start3A_339, %dma_start3A_340] : memref<2x8x80xi32, #tpu.memory_space<vmem>> -> memref<1x8x80xi32, #tpu.memory_space<vmem>>
      %dma_start3A_342 = tpu.memref_squeeze %dma_start3A_341 : memref<1x8x80xi32, #tpu.memory_space<vmem>> -> memref<8x80xi32, #tpu.memory_space<vmem>>
      %dma_start3A_343 = arith.constant 0 : i32
      %dma_start3A_344 = tpu.memref_slice %arg4[%add3A_318, %dma_start3A_343] : memref<8200x80xi32, #tpu.memory_space<hbm>> -> memref<8x80xi32, #tpu.memory_space<hbm>>
      tpu.enqueue_dma source(%dma_start3A_344 : memref<8x80xi32, #tpu.memory_space<hbm>>) target(%dma_start3A_342 : memref<8x80xi32, #tpu.memory_space<vmem>>) target_semaphore(%arg16 : memref<!tpu.dma_semaphore, #tpu.memory_space<semaphore_mem>>)
      %dma_wait3A_345 = arith.constant 0 : i32
      %dma_wait3A_346 = arith.constant 0 : i32
      %dma_wait3A_347 = arith.constant 0 : i32
      %dma_wait3A_348 = tpu.memref_slice %arg8[%dma_wait3A_345, %dma_wait3A_346, %dma_wait3A_347] : memref<2x8x80xi32, #tpu.memory_space<vmem>> -> memref<1x8x80xi32, #tpu.memory_space<vmem>>
      %dma_wait3A_349 = tpu.memref_squeeze %dma_wait3A_348 : memref<1x8x80xi32, #tpu.memory_space<vmem>> -> memref<8x80xi32, #tpu.memory_space<vmem>>
      %dma_wait3A_350 = arith.constant 0 : i32
      %dma_wait3A_351 = arith.constant 0 : i32
      %dma_wait3A_352 = tpu.memref_slice %arg3[%dma_wait3A_350, %dma_wait3A_351] : memref<8200x80xi32, #tpu.memory_space<hbm>> -> memref<8x80xi32, #tpu.memory_space<hbm>>
      %dma_wait3A_353 = arith.constant 0 : i32
      %dma_wait3A_354 = arith.constant 0 : i32
      %dma_wait3A_355 = tpu.memref_slice %arg8[%dma_wait3A_345, %dma_wait3A_353, %dma_wait3A_354] : memref<2x8x80xi32, #tpu.memory_space<vmem>> -> memref<1x8x80xi32, #tpu.memory_space<vmem>>
      %dma_wait3A_356 = tpu.memref_squeeze %dma_wait3A_355 : memref<1x8x80xi32, #tpu.memory_space<vmem>> -> memref<8x80xi32, #tpu.memory_space<vmem>>
      %dma_wait3A_357 = arith.constant 0 : i32
      %dma_wait3A_358 = arith.constant 0 : i32
      %dma_wait3A_359 = tpu.memref_slice %arg3[%dma_wait3A_357, %dma_wait3A_358] : memref<8200x80xi32, #tpu.memory_space<hbm>> -> memref<8x80xi32, #tpu.memory_space<hbm>>
      tpu.wait_dma2 semaphore(%arg15 : memref<!tpu.dma_semaphore, #tpu.memory_space<semaphore_mem>>) src(%dma_wait3A_359 : memref<8x80xi32, #tpu.memory_space<hbm>>) dst(%dma_wait3A_356 : memref<8x80xi32, #tpu.memory_space<vmem>>)
      %dma_wait3A_360 = arith.constant 0 : i32
      %dma_wait3A_361 = arith.constant 0 : i32
      %dma_wait3A_362 = arith.constant 0 : i32
      %dma_wait3A_363 = tpu.memref_slice %arg9[%dma_wait3A_360, %dma_wait3A_361, %dma_wait3A_362] : memref<2x8x80xi32, #tpu.memory_space<vmem>> -> memref<1x8x80xi32, #tpu.memory_space<vmem>>
      %dma_wait3A_364 = tpu.memref_squeeze %dma_wait3A_363 : memref<1x8x80xi32, #tpu.memory_space<vmem>> -> memref<8x80xi32, #tpu.memory_space<vmem>>
      %dma_wait3A_365 = arith.constant 0 : i32
      %dma_wait3A_366 = arith.constant 0 : i32
      %dma_wait3A_367 = tpu.memref_slice %arg4[%dma_wait3A_365, %dma_wait3A_366] : memref<8200x80xi32, #tpu.memory_space<hbm>> -> memref<8x80xi32, #tpu.memory_space<hbm>>
      %dma_wait3A_368 = arith.constant 0 : i32
      %dma_wait3A_369 = arith.constant 0 : i32
      %dma_wait3A_370 = tpu.memref_slice %arg9[%dma_wait3A_360, %dma_wait3A_368, %dma_wait3A_369] : memref<2x8x80xi32, #tpu.memory_space<vmem>> -> memref<1x8x80xi32, #tpu.memory_space<vmem>>
      %dma_wait3A_371 = tpu.memref_squeeze %dma_wait3A_370 : memref<1x8x80xi32, #tpu.memory_space<vmem>> -> memref<8x80xi32, #tpu.memory_space<vmem>>
      %dma_wait3A_372 = arith.constant 0 : i32
      %dma_wait3A_373 = arith.constant 0 : i32
      %dma_wait3A_374 = tpu.memref_slice %arg4[%dma_wait3A_372, %dma_wait3A_373] : memref<8200x80xi32, #tpu.memory_space<hbm>> -> memref<8x80xi32, #tpu.memory_space<hbm>>
      tpu.wait_dma2 semaphore(%arg16 : memref<!tpu.dma_semaphore, #tpu.memory_space<semaphore_mem>>) src(%dma_wait3A_374 : memref<8x80xi32, #tpu.memory_space<hbm>>) dst(%dma_wait3A_371 : memref<8x80xi32, #tpu.memory_space<vmem>>)
      %dma_start3A_375 = arith.constant 0 : i32
      %dma_start3A_376 = arith.constant 0 : i32
      %dma_start3A_377 = arith.constant 0 : i32
      %dma_start3A_378 = tpu.memref_slice %arg8[%dma_start3A_375, %dma_start3A_376, %dma_start3A_377] : memref<2x8x80xi32, #tpu.memory_space<vmem>> -> memref<1x1x80xi32, #tpu.memory_space<vmem>>
      %dma_start3A_379 = tpu.memref_squeeze %dma_start3A_378 : memref<1x1x80xi32, #tpu.memory_space<vmem>> -> memref<80xi32, #tpu.memory_space<vmem>>
      %dma_start3A_380 = arith.constant 0 : i32
      %dma_start3A_381 = arith.constant 0 : i32
      %dma_start3A_382 = tpu.memref_slice %arg2[%dma_start3A_380, %dma_start3A_381] : memref<10240x128xf32, #tpu.memory_space<hbm>> -> memref<10240x128xf32, #tpu.memory_space<hbm>>
      tpu.enqueue_indirect_dma source(%dma_start3A_382 : memref<10240x128xf32, #tpu.memory_space<hbm>>) target(%arg10 : memref<80x128xf32, #tpu.memory_space<vmem>>) offsets(%dma_start3A_379 : memref<80xi32, #tpu.memory_space<vmem>>) semaphore(%arg13 : memref<!tpu.dma_semaphore, #tpu.memory_space<semaphore_mem>>)
      %dma_start3A_383 = arith.constant 0 : i32
      %dma_start3A_384 = arith.constant 1 : i32
      %dma_start3A_385 = arith.constant 0 : i32
      %dma_start3A_386 = tpu.memref_slice %arg8[%dma_start3A_383, %dma_start3A_384, %dma_start3A_385] : memref<2x8x80xi32, #tpu.memory_space<vmem>> -> memref<1x1x80xi32, #tpu.memory_space<vmem>>
      %dma_start3A_387 = tpu.memref_squeeze %dma_start3A_386 : memref<1x1x80xi32, #tpu.memory_space<vmem>> -> memref<80xi32, #tpu.memory_space<vmem>>
      %dma_start3A_388 = arith.constant 0 : i32
      %dma_start3A_389 = arith.constant 0 : i32
      %dma_start3A_390 = tpu.memref_slice %arg2[%dma_start3A_388, %dma_start3A_389] : memref<10240x128xf32, #tpu.memory_space<hbm>> -> memref<10240x128xf32, #tpu.memory_space<hbm>>
      tpu.enqueue_indirect_dma source(%dma_start3A_390 : memref<10240x128xf32, #tpu.memory_space<hbm>>) target(%arg11 : memref<80x128xf32, #tpu.memory_space<vmem>>) offsets(%dma_start3A_387 : memref<80xi32, #tpu.memory_space<vmem>>) semaphore(%arg14 : memref<!tpu.dma_semaphore, #tpu.memory_space<semaphore_mem>>)
      %dma_start3A_391 = arith.constant 0 : i32
      %dma_start3A_392 = arith.constant 2 : i32
      %dma_start3A_393 = arith.constant 0 : i32
      %dma_start3A_394 = tpu.memref_slice %arg8[%dma_start3A_391, %dma_start3A_392, %dma_start3A_393] : memref<2x8x80xi32, #tpu.memory_space<vmem>> -> memref<1x1x80xi32, #tpu.memory_space<vmem>>
      %dma_start3A_395 = tpu.memref_squeeze %dma_start3A_394 : memref<1x1x80xi32, #tpu.memory_space<vmem>> -> memref<80xi32, #tpu.memory_space<vmem>>
      %dma_start3A_396 = arith.constant 0 : i32
      %dma_start3A_397 = arith.constant 0 : i32
      %dma_start3A_398 = tpu.memref_slice %arg2[%dma_start3A_396, %dma_start3A_397] : memref<10240x128xf32, #tpu.memory_space<hbm>> -> memref<10240x128xf32, #tpu.memory_space<hbm>>
      tpu.enqueue_indirect_dma source(%dma_start3A_398 : memref<10240x128xf32, #tpu.memory_space<hbm>>) target(%arg12 : memref<80x128xf32, #tpu.memory_space<vmem>>) offsets(%dma_start3A_395 : memref<80xi32, #tpu.memory_space<vmem>>) semaphore(%arg17 : memref<!tpu.dma_semaphore, #tpu.memory_space<semaphore_mem>>)
      %dma_wait3A_399 = arith.constant 0 : i32
      %dma_wait3A_400 = arith.constant 0 : i32
      %dma_wait3A_401 = arith.constant 0 : i32
      %dma_wait3A_402 = tpu.memref_slice %arg8[%dma_wait3A_399, %dma_wait3A_400, %dma_wait3A_401] : memref<2x8x80xi32, #tpu.memory_space<vmem>> -> memref<1x1x80xi32, #tpu.memory_space<vmem>>
      %dma_wait3A_403 = tpu.memref_squeeze %dma_wait3A_402 : memref<1x1x80xi32, #tpu.memory_space<vmem>> -> memref<80xi32, #tpu.memory_space<vmem>>
      %dma_wait3A_404 = arith.constant 0 : i32
      %dma_wait3A_405 = arith.constant 0 : i32
      %dma_wait3A_406 = tpu.memref_slice %arg2[%dma_wait3A_404, %dma_wait3A_405] : memref<10240x128xf32, #tpu.memory_space<hbm>> -> memref<10240x128xf32, #tpu.memory_space<hbm>>
      tpu.wait_indirect_dma semaphore(%arg13 : memref<!tpu.dma_semaphore, #tpu.memory_space<semaphore_mem>>) src(%dma_wait3A_406 : memref<10240x128xf32, #tpu.memory_space<hbm>>) dst(%arg10 : memref<80x128xf32, #tpu.memory_space<vmem>>)
      %dma_start3A_407 = arith.constant 0 : i32
      %dma_start3A_408 = arith.constant 0 : i32
      %dma_start3A_409 = arith.constant 0 : i32
      %dma_start3A_410 = tpu.memref_slice %arg9[%dma_start3A_407, %dma_start3A_408, %dma_start3A_409] : memref<2x8x80xi32, #tpu.memory_space<vmem>> -> memref<1x1x80xi32, #tpu.memory_space<vmem>>
      %dma_start3A_411 = tpu.memref_squeeze %dma_start3A_410 : memref<1x1x80xi32, #tpu.memory_space<vmem>> -> memref<80xi32, #tpu.memory_space<vmem>>
      %dma_start3A_412 = arith.constant 0 : i32
      %dma_start3A_413 = arith.constant 0 : i32
      %dma_start3A_414 = tpu.memref_slice %arg7[%dma_start3A_412, %dma_start3A_413] : memref<10240x128xf32, #tpu.memory_space<vmem_shared>> -> memref<10240x128xf32, #tpu.memory_space<vmem_shared>>
      tpu.enqueue_indirect_dma source(%arg10 : memref<80x128xf32, #tpu.memory_space<vmem>>) target(%dma_start3A_414 : memref<10240x128xf32, #tpu.memory_space<vmem_shared>>) offsets(%dma_start3A_411 : memref<80xi32, #tpu.memory_space<vmem>>) semaphore(%arg18 : memref<!tpu.dma_semaphore, #tpu.memory_space<semaphore_mem>>) {add = true}
      %dma_wait3A_415 = arith.constant 0 : i32
      %dma_wait3A_416 = arith.constant 0 : i32
      %dma_wait3A_417 = arith.constant 0 : i32
      %dma_wait3A_418 = tpu.memref_slice %arg9[%dma_wait3A_415, %dma_wait3A_416, %dma_wait3A_417] : memref<2x8x80xi32, #tpu.memory_space<vmem>> -> memref<1x1x80xi32, #tpu.memory_space<vmem>>
      %dma_wait3A_419 = tpu.memref_squeeze %dma_wait3A_418 : memref<1x1x80xi32, #tpu.memory_space<vmem>> -> memref<80xi32, #tpu.memory_space<vmem>>
      %dma_wait3A_420 = arith.constant 0 : i32
      %dma_wait3A_421 = arith.constant 0 : i32
      %dma_wait3A_422 = tpu.memref_slice %arg7[%dma_wait3A_420, %dma_wait3A_421] : memref<10240x128xf32, #tpu.memory_space<vmem_shared>> -> memref<10240x128xf32, #tpu.memory_space<vmem_shared>>
      tpu.wait_indirect_dma semaphore(%arg18 : memref<!tpu.dma_semaphore, #tpu.memory_space<semaphore_mem>>) src(%arg10 : memref<80x128xf32, #tpu.memory_space<vmem>>) dst(%dma_wait3A_422 : memref<10240x128xf32, #tpu.memory_space<vmem_shared>>)
      %dma_start3A_423 = arith.constant 0 : i32
      %dma_start3A_424 = arith.constant 3 : i32
      %dma_start3A_425 = arith.constant 0 : i32
      %dma_start3A_426 = tpu.memref_slice %arg8[%dma_start3A_423, %dma_start3A_424, %dma_start3A_425] : memref<2x8x80xi32, #tpu.memory_space<vmem>> -> memref<1x1x80xi32, #tpu.memory_space<vmem>>
      %dma_start3A_427 = tpu.memref_squeeze %dma_start3A_426 : memref<1x1x80xi32, #tpu.memory_space<vmem>> -> memref<80xi32, #tpu.memory_space<vmem>>
      %dma_start3A_428 = arith.constant 0 : i32
      %dma_start3A_429 = arith.constant 0 : i32
      %dma_start3A_430 = tpu.memref_slice %arg2[%dma_start3A_428, %dma_start3A_429] : memref<10240x128xf32, #tpu.memory_space<hbm>> -> memref<10240x128xf32, #tpu.memory_space<hbm>>
      tpu.enqueue_indirect_dma source(%dma_start3A_430 : memref<10240x128xf32, #tpu.memory_space<hbm>>) target(%arg10 : memref<80x128xf32, #tpu.memory_space<vmem>>) offsets(%dma_start3A_427 : memref<80xi32, #tpu.memory_space<vmem>>) semaphore(%arg13 : memref<!tpu.dma_semaphore, #tpu.memory_space<semaphore_mem>>)
      %dma_wait3A_431 = arith.constant 0 : i32
      %dma_wait3A_432 = arith.constant 1 : i32
      %dma_wait3A_433 = arith.constant 0 : i32
      %dma_wait3A_434 = tpu.memref_slice %arg8[%dma_wait3A_431, %dma_wait3A_432, %dma_wait3A_433] : memref<2x8x80xi32, #tpu.memory_space<vmem>> -> memref<1x1x80xi32, #tpu.memory_space<vmem>>
      %dma_wait3A_435 = tpu.memref_squeeze %dma_wait3A_434 : memref<1x1x80xi32, #tpu.memory_space<vmem>> -> memref<80xi32, #tpu.memory_space<vmem>>
      %dma_wait3A_436 = arith.constant 0 : i32
      %dma_wait3A_437 = arith.constant 0 : i32
      %dma_wait3A_438 = tpu.memref_slice %arg2[%dma_wait3A_436, %dma_wait3A_437] : memref<10240x128xf32, #tpu.memory_space<hbm>> -> memref<10240x128xf32, #tpu.memory_space<hbm>>
      tpu.wait_indirect_dma semaphore(%arg14 : memref<!tpu.dma_semaphore, #tpu.memory_space<semaphore_mem>>) src(%dma_wait3A_438 : memref<10240x128xf32, #tpu.memory_space<hbm>>) dst(%arg11 : memref<80x128xf32, #tpu.memory_space<vmem>>)
      %dma_start3A_439 = arith.constant 0 : i32
      %dma_start3A_440 = arith.constant 1 : i32
      %dma_start3A_441 = arith.constant 0 : i32
      %dma_start3A_442 = tpu.memref_slice %arg9[%dma_start3A_439, %dma_start3A_440, %dma_start3A_441] : memref<2x8x80xi32, #tpu.memory_space<vmem>> -> memref<1x1x80xi32, #tpu.memory_space<vmem>>
      %dma_start3A_443 = tpu.memref_squeeze %dma_start3A_442 : memref<1x1x80xi32, #tpu.memory_space<vmem>> -> memref<80xi32, #tpu.memory_space<vmem>>
      %dma_start3A_444 = arith.constant 0 : i32
      %dma_start3A_445 = arith.constant 0 : i32
      %dma_start3A_446 = tpu.memref_slice %arg7[%dma_start3A_444, %dma_start3A_445] : memref<10240x128xf32, #tpu.memory_space<vmem_shared>> -> memref<10240x128xf32, #tpu.memory_space<vmem_shared>>
      tpu.enqueue_indirect_dma source(%arg11 : memref<80x128xf32, #tpu.memory_space<vmem>>) target(%dma_start3A_446 : memref<10240x128xf32, #tpu.memory_space<vmem_shared>>) offsets(%dma_start3A_443 : memref<80xi32, #tpu.memory_space<vmem>>) semaphore(%arg19 : memref<!tpu.dma_semaphore, #tpu.memory_space<semaphore_mem>>) {add = true}
      %dma_wait3A_447 = arith.constant 0 : i32
      %dma_wait3A_448 = arith.constant 1 : i32
      %dma_wait3A_449 = arith.constant 0 : i32
      %dma_wait3A_450 = tpu.memref_slice %arg9[%dma_wait3A_447, %dma_wait3A_448, %dma_wait3A_449] : memref<2x8x80xi32, #tpu.memory_space<vmem>> -> memref<1x1x80xi32, #tpu.memory_space<vmem>>
      %dma_wait3A_451 = tpu.memref_squeeze %dma_wait3A_450 : memref<1x1x80xi32, #tpu.memory_space<vmem>> -> memref<80xi32, #tpu.memory_space<vmem>>
      %dma_wait3A_452 = arith.constant 0 : i32
      %dma_wait3A_453 = arith.constant 0 : i32
      %dma_wait3A_454 = tpu.memref_slice %arg7[%dma_wait3A_452, %dma_wait3A_453] : memref<10240x128xf32, #tpu.memory_space<vmem_shared>> -> memref<10240x128xf32, #tpu.memory_space<vmem_shared>>
      tpu.wait_indirect_dma semaphore(%arg19 : memref<!tpu.dma_semaphore, #tpu.memory_space<semaphore_mem>>) src(%arg11 : memref<80x128xf32, #tpu.memory_space<vmem>>) dst(%dma_wait3A_454 : memref<10240x128xf32, #tpu.memory_space<vmem_shared>>)
      %dma_start3A_455 = arith.constant 0 : i32
      %dma_start3A_456 = arith.constant 4 : i32
      %dma_start3A_457 = arith.constant 0 : i32
      %dma_start3A_458 = tpu.memref_slice %arg8[%dma_start3A_455, %dma_start3A_456, %dma_start3A_457] : memref<2x8x80xi32, #tpu.memory_space<vmem>> -> memref<1x1x80xi32, #tpu.memory_space<vmem>>
      %dma_start3A_459 = tpu.memref_squeeze %dma_start3A_458 : memref<1x1x80xi32, #tpu.memory_space<vmem>> -> memref<80xi32, #tpu.memory_space<vmem>>
      %dma_start3A_460 = arith.constant 0 : i32
      %dma_start3A_461 = arith.constant 0 : i32
      %dma_start3A_462 = tpu.memref_slice %arg2[%dma_start3A_460, %dma_start3A_461] : memref<10240x128xf32, #tpu.memory_space<hbm>> -> memref<10240x128xf32, #tpu.memory_space<hbm>>
      tpu.enqueue_indirect_dma source(%dma_start3A_462 : memref<10240x128xf32, #tpu.memory_space<hbm>>) target(%arg11 : memref<80x128xf32, #tpu.memory_space<vmem>>) offsets(%dma_start3A_459 : memref<80xi32, #tpu.memory_space<vmem>>) semaphore(%arg14 : memref<!tpu.dma_semaphore, #tpu.memory_space<semaphore_mem>>)
      %dma_wait3A_463 = arith.constant 0 : i32
      %dma_wait3A_464 = arith.constant 2 : i32
      %dma_wait3A_465 = arith.constant 0 : i32
      %dma_wait3A_466 = tpu.memref_slice %arg8[%dma_wait3A_463, %dma_wait3A_464, %dma_wait3A_465] : memref<2x8x80xi32, #tpu.memory_space<vmem>> -> memref<1x1x80xi32, #tpu.memory_space<vmem>>
      %dma_wait3A_467 = tpu.memref_squeeze %dma_wait3A_466 : memref<1x1x80xi32, #tpu.memory_space<vmem>> -> memref<80xi32, #tpu.memory_space<vmem>>
      %dma_wait3A_468 = arith.constant 0 : i32
      %dma_wait3A_469 = arith.constant 0 : i32
      %dma_wait3A_470 = tpu.memref_slice %arg2[%dma_wait3A_468, %dma_wait3A_469] : memref<10240x128xf32, #tpu.memory_space<hbm>> -> memref<10240x128xf32, #tpu.memory_space<hbm>>
      tpu.wait_indirect_dma semaphore(%arg17 : memref<!tpu.dma_semaphore, #tpu.memory_space<semaphore_mem>>) src(%dma_wait3A_470 : memref<10240x128xf32, #tpu.memory_space<hbm>>) dst(%arg12 : memref<80x128xf32, #tpu.memory_space<vmem>>)
      %dma_start3A_471 = arith.constant 0 : i32
      %dma_start3A_472 = arith.constant 2 : i32
      %dma_start3A_473 = arith.constant 0 : i32
      %dma_start3A_474 = tpu.memref_slice %arg9[%dma_start3A_471, %dma_start3A_472, %dma_start3A_473] : memref<2x8x80xi32, #tpu.memory_space<vmem>> -> memref<1x1x80xi32, #tpu.memory_space<vmem>>
      %dma_start3A_475 = tpu.memref_squeeze %dma_start3A_474 : memref<1x1x80xi32, #tpu.memory_space<vmem>> -> memref<80xi32, #tpu.memory_space<vmem>>
      %dma_start3A_476 = arith.constant 0 : i32
      %dma_start3A_477 = arith.constant 0 : i32
      %dma_start3A_478 = tpu.memref_slice %arg7[%dma_start3A_476, %dma_start3A_477] : memref<10240x128xf32, #tpu.memory_space<vmem_shared>> -> memref<10240x128xf32, #tpu.memory_space<vmem_shared>>
      tpu.enqueue_indirect_dma source(%arg12 : memref<80x128xf32, #tpu.memory_space<vmem>>) target(%dma_start3A_478 : memref<10240x128xf32, #tpu.memory_space<vmem_shared>>) offsets(%dma_start3A_475 : memref<80xi32, #tpu.memory_space<vmem>>) semaphore(%arg20 : memref<!tpu.dma_semaphore, #tpu.memory_space<semaphore_mem>>) {add = true}
      %dma_wait3A_479 = arith.constant 0 : i32
      %dma_wait3A_480 = arith.constant 2 : i32
      %dma_wait3A_481 = arith.constant 0 : i32
      %dma_wait3A_482 = tpu.memref_slice %arg9[%dma_wait3A_479, %dma_wait3A_480, %dma_wait3A_481] : memref<2x8x80xi32, #tpu.memory_space<vmem>> -> memref<1x1x80xi32, #tpu.memory_space<vmem>>
      %dma_wait3A_483 = tpu.memref_squeeze %dma_wait3A_482 : memref<1x1x80xi32, #tpu.memory_space<vmem>> -> memref<80xi32, #tpu.memory_space<vmem>>
      %dma_wait3A_484 = arith.constant 0 : i32
      %dma_wait3A_485 = arith.constant 0 : i32
      %dma_wait3A_486 = tpu.memref_slice %arg7[%dma_wait3A_484, %dma_wait3A_485] : memref<10240x128xf32, #tpu.memory_space<vmem_shared>> -> memref<10240x128xf32, #tpu.memory_space<vmem_shared>>
      tpu.wait_indirect_dma semaphore(%arg20 : memref<!tpu.dma_semaphore, #tpu.memory_space<semaphore_mem>>) src(%arg12 : memref<80x128xf32, #tpu.memory_space<vmem>>) dst(%dma_wait3A_486 : memref<10240x128xf32, #tpu.memory_space<vmem_shared>>)
      %dma_start3A_487 = arith.constant 0 : i32
      %dma_start3A_488 = arith.constant 5 : i32
      %dma_start3A_489 = arith.constant 0 : i32
      %dma_start3A_490 = tpu.memref_slice %arg8[%dma_start3A_487, %dma_start3A_488, %dma_start3A_489] : memref<2x8x80xi32, #tpu.memory_space<vmem>> -> memref<1x1x80xi32, #tpu.memory_space<vmem>>
      %dma_start3A_491 = tpu.memref_squeeze %dma_start3A_490 : memref<1x1x80xi32, #tpu.memory_space<vmem>> -> memref<80xi32, #tpu.memory_space<vmem>>
      %dma_start3A_492 = arith.constant 0 : i32
      %dma_start3A_493 = arith.constant 0 : i32
      %dma_start3A_494 = tpu.memref_slice %arg2[%dma_start3A_492, %dma_start3A_493] : memref<10240x128xf32, #tpu.memory_space<hbm>> -> memref<10240x128xf32, #tpu.memory_space<hbm>>
      tpu.enqueue_indirect_dma source(%dma_start3A_494 : memref<10240x128xf32, #tpu.memory_space<hbm>>) target(%arg12 : memref<80x128xf32, #tpu.memory_space<vmem>>) offsets(%dma_start3A_491 : memref<80xi32, #tpu.memory_space<vmem>>) semaphore(%arg17 : memref<!tpu.dma_semaphore, #tpu.memory_space<semaphore_mem>>)
      %dma_wait3A_495 = arith.constant 0 : i32
      %dma_wait3A_496 = arith.constant 3 : i32
      %dma_wait3A_497 = arith.constant 0 : i32
      %dma_wait3A_498 = tpu.memref_slice %arg8[%dma_wait3A_495, %dma_wait3A_496, %dma_wait3A_497] : memref<2x8x80xi32, #tpu.memory_space<vmem>> -> memref<1x1x80xi32, #tpu.memory_space<vmem>>
      %dma_wait3A_499 = tpu.memref_squeeze %dma_wait3A_498 : memref<1x1x80xi32, #tpu.memory_space<vmem>> -> memref<80xi32, #tpu.memory_space<vmem>>
      %dma_wait3A_500 = arith.constant 0 : i32
      %dma_wait3A_501 = arith.constant 0 : i32
      %dma_wait3A_502 = tpu.memref_slice %arg2[%dma_wait3A_500, %dma_wait3A_501] : memref<10240x128xf32, #tpu.memory_space<hbm>> -> memref<10240x128xf32, #tpu.memory_space<hbm>>
      tpu.wait_indirect_dma semaphore(%arg13 : memref<!tpu.dma_semaphore, #tpu.memory_space<semaphore_mem>>) src(%dma_wait3A_502 : memref<10240x128xf32, #tpu.memory_space<hbm>>) dst(%arg10 : memref<80x128xf32, #tpu.memory_space<vmem>>)
      %dma_start3A_503 = arith.constant 0 : i32
      %dma_start3A_504 = arith.constant 3 : i32
      %dma_start3A_505 = arith.constant 0 : i32
      %dma_start3A_506 = tpu.memref_slice %arg9[%dma_start3A_503, %dma_start3A_504, %dma_start3A_505] : memref<2x8x80xi32, #tpu.memory_space<vmem>> -> memref<1x1x80xi32, #tpu.memory_space<vmem>>
      %dma_start3A_507 = tpu.memref_squeeze %dma_start3A_506 : memref<1x1x80xi32, #tpu.memory_space<vmem>> -> memref<80xi32, #tpu.memory_space<vmem>>
      %dma_start3A_508 = arith.constant 0 : i32
      %dma_start3A_509 = arith.constant 0 : i32
      %dma_start3A_510 = tpu.memref_slice %arg7[%dma_start3A_508, %dma_start3A_509] : memref<10240x128xf32, #tpu.memory_space<vmem_shared>> -> memref<10240x128xf32, #tpu.memory_space<vmem_shared>>
      tpu.enqueue_indirect_dma source(%arg10 : memref<80x128xf32, #tpu.memory_space<vmem>>) target(%dma_start3A_510 : memref<10240x128xf32, #tpu.memory_space<vmem_shared>>) offsets(%dma_start3A_507 : memref<80xi32, #tpu.memory_space<vmem>>) semaphore(%arg18 : memref<!tpu.dma_semaphore, #tpu.memory_space<semaphore_mem>>) {add = true}
      %dma_wait3A_511 = arith.constant 0 : i32
      %dma_wait3A_512 = arith.constant 3 : i32
      %dma_wait3A_513 = arith.constant 0 : i32
      %dma_wait3A_514 = tpu.memref_slice %arg9[%dma_wait3A_511, %dma_wait3A_512, %dma_wait3A_513] : memref<2x8x80xi32, #tpu.memory_space<vmem>> -> memref<1x1x80xi32, #tpu.memory_space<vmem>>
      %dma_wait3A_515 = tpu.memref_squeeze %dma_wait3A_514 : memref<1x1x80xi32, #tpu.memory_space<vmem>> -> memref<80xi32, #tpu.memory_space<vmem>>
      %dma_wait3A_516 = arith.constant 0 : i32
      %dma_wait3A_517 = arith.constant 0 : i32
      %dma_wait3A_518 = tpu.memref_slice %arg7[%dma_wait3A_516, %dma_wait3A_517] : memref<10240x128xf32, #tpu.memory_space<vmem_shared>> -> memref<10240x128xf32, #tpu.memory_space<vmem_shared>>
      tpu.wait_indirect_dma semaphore(%arg18 : memref<!tpu.dma_semaphore, #tpu.memory_space<semaphore_mem>>) src(%arg10 : memref<80x128xf32, #tpu.memory_space<vmem>>) dst(%dma_wait3A_518 : memref<10240x128xf32, #tpu.memory_space<vmem_shared>>)
      %dma_start3A_519 = arith.constant 0 : i32
      %dma_start3A_520 = arith.constant 6 : i32
      %dma_start3A_521 = arith.constant 0 : i32
      %dma_start3A_522 = tpu.memref_slice %arg8[%dma_start3A_519, %dma_start3A_520, %dma_start3A_521] : memref<2x8x80xi32, #tpu.memory_space<vmem>> -> memref<1x1x80xi32, #tpu.memory_space<vmem>>
      %dma_start3A_523 = tpu.memref_squeeze %dma_start3A_522 : memref<1x1x80xi32, #tpu.memory_space<vmem>> -> memref<80xi32, #tpu.memory_space<vmem>>
      %dma_start3A_524 = arith.constant 0 : i32
      %dma_start3A_525 = arith.constant 0 : i32
      %dma_start3A_526 = tpu.memref_slice %arg2[%dma_start3A_524, %dma_start3A_525] : memref<10240x128xf32, #tpu.memory_space<hbm>> -> memref<10240x128xf32, #tpu.memory_space<hbm>>
      tpu.enqueue_indirect_dma source(%dma_start3A_526 : memref<10240x128xf32, #tpu.memory_space<hbm>>) target(%arg10 : memref<80x128xf32, #tpu.memory_space<vmem>>) offsets(%dma_start3A_523 : memref<80xi32, #tpu.memory_space<vmem>>) semaphore(%arg13 : memref<!tpu.dma_semaphore, #tpu.memory_space<semaphore_mem>>)
      %dma_wait3A_527 = arith.constant 0 : i32
      %dma_wait3A_528 = arith.constant 4 : i32
      %dma_wait3A_529 = arith.constant 0 : i32
      %dma_wait3A_530 = tpu.memref_slice %arg8[%dma_wait3A_527, %dma_wait3A_528, %dma_wait3A_529] : memref<2x8x80xi32, #tpu.memory_space<vmem>> -> memref<1x1x80xi32, #tpu.memory_space<vmem>>
      %dma_wait3A_531 = tpu.memref_squeeze %dma_wait3A_530 : memref<1x1x80xi32, #tpu.memory_space<vmem>> -> memref<80xi32, #tpu.memory_space<vmem>>
      %dma_wait3A_532 = arith.constant 0 : i32
      %dma_wait3A_533 = arith.constant 0 : i32
      %dma_wait3A_534 = tpu.memref_slice %arg2[%dma_wait3A_532, %dma_wait3A_533] : memref<10240x128xf32, #tpu.memory_space<hbm>> -> memref<10240x128xf32, #tpu.memory_space<hbm>>
      tpu.wait_indirect_dma semaphore(%arg14 : memref<!tpu.dma_semaphore, #tpu.memory_space<semaphore_mem>>) src(%dma_wait3A_534 : memref<10240x128xf32, #tpu.memory_space<hbm>>) dst(%arg11 : memref<80x128xf32, #tpu.memory_space<vmem>>)
      %dma_start3A_535 = arith.constant 0 : i32
      %dma_start3A_536 = arith.constant 4 : i32
      %dma_start3A_537 = arith.constant 0 : i32
      %dma_start3A_538 = tpu.memref_slice %arg9[%dma_start3A_535, %dma_start3A_536, %dma_start3A_537] : memref<2x8x80xi32, #tpu.memory_space<vmem>> -> memref<1x1x80xi32, #tpu.memory_space<vmem>>
      %dma_start3A_539 = tpu.memref_squeeze %dma_start3A_538 : memref<1x1x80xi32, #tpu.memory_space<vmem>> -> memref<80xi32, #tpu.memory_space<vmem>>
      %dma_start3A_540 = arith.constant 0 : i32
      %dma_start3A_541 = arith.constant 0 : i32
      %dma_start3A_542 = tpu.memref_slice %arg7[%dma_start3A_540, %dma_start3A_541] : memref<10240x128xf32, #tpu.memory_space<vmem_shared>> -> memref<10240x128xf32, #tpu.memory_space<vmem_shared>>
      tpu.enqueue_indirect_dma source(%arg11 : memref<80x128xf32, #tpu.memory_space<vmem>>) target(%dma_start3A_542 : memref<10240x128xf32, #tpu.memory_space<vmem_shared>>) offsets(%dma_start3A_539 : memref<80xi32, #tpu.memory_space<vmem>>) semaphore(%arg19 : memref<!tpu.dma_semaphore, #tpu.memory_space<semaphore_mem>>) {add = true}
      %dma_wait3A_543 = arith.constant 0 : i32
      %dma_wait3A_544 = arith.constant 4 : i32
      %dma_wait3A_545 = arith.constant 0 : i32
      %dma_wait3A_546 = tpu.memref_slice %arg9[%dma_wait3A_543, %dma_wait3A_544, %dma_wait3A_545] : memref<2x8x80xi32, #tpu.memory_space<vmem>> -> memref<1x1x80xi32, #tpu.memory_space<vmem>>
      %dma_wait3A_547 = tpu.memref_squeeze %dma_wait3A_546 : memref<1x1x80xi32, #tpu.memory_space<vmem>> -> memref<80xi32, #tpu.memory_space<vmem>>
      %dma_wait3A_548 = arith.constant 0 : i32
      %dma_wait3A_549 = arith.constant 0 : i32
      %dma_wait3A_550 = tpu.memref_slice %arg7[%dma_wait3A_548, %dma_wait3A_549] : memref<10240x128xf32, #tpu.memory_space<vmem_shared>> -> memref<10240x128xf32, #tpu.memory_space<vmem_shared>>
      tpu.wait_indirect_dma semaphore(%arg19 : memref<!tpu.dma_semaphore, #tpu.memory_space<semaphore_mem>>) src(%arg11 : memref<80x128xf32, #tpu.memory_space<vmem>>) dst(%dma_wait3A_550 : memref<10240x128xf32, #tpu.memory_space<vmem_shared>>)
      %dma_start3A_551 = arith.constant 0 : i32
      %dma_start3A_552 = arith.constant 7 : i32
      %dma_start3A_553 = arith.constant 0 : i32
      %dma_start3A_554 = tpu.memref_slice %arg8[%dma_start3A_551, %dma_start3A_552, %dma_start3A_553] : memref<2x8x80xi32, #tpu.memory_space<vmem>> -> memref<1x1x80xi32, #tpu.memory_space<vmem>>
      %dma_start3A_555 = tpu.memref_squeeze %dma_start3A_554 : memref<1x1x80xi32, #tpu.memory_space<vmem>> -> memref<80xi32, #tpu.memory_space<vmem>>
      %dma_start3A_556 = arith.constant 0 : i32
      %dma_start3A_557 = arith.constant 0 : i32
      %dma_start3A_558 = tpu.memref_slice %arg2[%dma_start3A_556, %dma_start3A_557] : memref<10240x128xf32, #tpu.memory_space<hbm>> -> memref<10240x128xf32, #tpu.memory_space<hbm>>
      tpu.enqueue_indirect_dma source(%dma_start3A_558 : memref<10240x128xf32, #tpu.memory_space<hbm>>) target(%arg11 : memref<80x128xf32, #tpu.memory_space<vmem>>) offsets(%dma_start3A_555 : memref<80xi32, #tpu.memory_space<vmem>>) semaphore(%arg14 : memref<!tpu.dma_semaphore, #tpu.memory_space<semaphore_mem>>)
      %dma_wait3A_559 = arith.constant 0 : i32
      %dma_wait3A_560 = arith.constant 5 : i32
      %dma_wait3A_561 = arith.constant 0 : i32
      %dma_wait3A_562 = tpu.memref_slice %arg8[%dma_wait3A_559, %dma_wait3A_560, %dma_wait3A_561] : memref<2x8x80xi32, #tpu.memory_space<vmem>> -> memref<1x1x80xi32, #tpu.memory_space<vmem>>
      %dma_wait3A_563 = tpu.memref_squeeze %dma_wait3A_562 : memref<1x1x80xi32, #tpu.memory_space<vmem>> -> memref<80xi32, #tpu.memory_space<vmem>>
      %dma_wait3A_564 = arith.constant 0 : i32
      %dma_wait3A_565 = arith.constant 0 : i32
      %dma_wait3A_566 = tpu.memref_slice %arg2[%dma_wait3A_564, %dma_wait3A_565] : memref<10240x128xf32, #tpu.memory_space<hbm>> -> memref<10240x128xf32, #tpu.memory_space<hbm>>
      tpu.wait_indirect_dma semaphore(%arg17 : memref<!tpu.dma_semaphore, #tpu.memory_space<semaphore_mem>>) src(%dma_wait3A_566 : memref<10240x128xf32, #tpu.memory_space<hbm>>) dst(%arg12 : memref<80x128xf32, #tpu.memory_space<vmem>>)
      %dma_start3A_567 = arith.constant 0 : i32
      %dma_start3A_568 = arith.constant 5 : i32
      %dma_start3A_569 = arith.constant 0 : i32
      %dma_start3A_570 = tpu.memref_slice %arg9[%dma_start3A_567, %dma_start3A_568, %dma_start3A_569] : memref<2x8x80xi32, #tpu.memory_space<vmem>> -> memref<1x1x80xi32, #tpu.memory_space<vmem>>
      %dma_start3A_571 = tpu.memref_squeeze %dma_start3A_570 : memref<1x1x80xi32, #tpu.memory_space<vmem>> -> memref<80xi32, #tpu.memory_space<vmem>>
      %dma_start3A_572 = arith.constant 0 : i32
      %dma_start3A_573 = arith.constant 0 : i32
      %dma_start3A_574 = tpu.memref_slice %arg7[%dma_start3A_572, %dma_start3A_573] : memref<10240x128xf32, #tpu.memory_space<vmem_shared>> -> memref<10240x128xf32, #tpu.memory_space<vmem_shared>>
      tpu.enqueue_indirect_dma source(%arg12 : memref<80x128xf32, #tpu.memory_space<vmem>>) target(%dma_start3A_574 : memref<10240x128xf32, #tpu.memory_space<vmem_shared>>) offsets(%dma_start3A_571 : memref<80xi32, #tpu.memory_space<vmem>>) semaphore(%arg20 : memref<!tpu.dma_semaphore, #tpu.memory_space<semaphore_mem>>) {add = true}
      %dma_wait3A_575 = arith.constant 0 : i32
      %dma_wait3A_576 = arith.constant 6 : i32
      %dma_wait3A_577 = arith.constant 0 : i32
      %dma_wait3A_578 = tpu.memref_slice %arg8[%dma_wait3A_575, %dma_wait3A_576, %dma_wait3A_577] : memref<2x8x80xi32, #tpu.memory_space<vmem>> -> memref<1x1x80xi32, #tpu.memory_space<vmem>>
      %dma_wait3A_579 = tpu.memref_squeeze %dma_wait3A_578 : memref<1x1x80xi32, #tpu.memory_space<vmem>> -> memref<80xi32, #tpu.memory_space<vmem>>
      %dma_wait3A_580 = arith.constant 0 : i32
      %dma_wait3A_581 = arith.constant 0 : i32
      %dma_wait3A_582 = tpu.memref_slice %arg2[%dma_wait3A_580, %dma_wait3A_581] : memref<10240x128xf32, #tpu.memory_space<hbm>> -> memref<10240x128xf32, #tpu.memory_space<hbm>>
      tpu.wait_indirect_dma semaphore(%arg13 : memref<!tpu.dma_semaphore, #tpu.memory_space<semaphore_mem>>) src(%dma_wait3A_582 : memref<10240x128xf32, #tpu.memory_space<hbm>>) dst(%arg10 : memref<80x128xf32, #tpu.memory_space<vmem>>)
      %dma_start3A_583 = arith.constant 0 : i32
      %dma_start3A_584 = arith.constant 6 : i32
      %dma_start3A_585 = arith.constant 0 : i32
      %dma_start3A_586 = tpu.memref_slice %arg9[%dma_start3A_583, %dma_start3A_584, %dma_start3A_585] : memref<2x8x80xi32, #tpu.memory_space<vmem>> -> memref<1x1x80xi32, #tpu.memory_space<vmem>>
      %dma_start3A_587 = tpu.memref_squeeze %dma_start3A_586 : memref<1x1x80xi32, #tpu.memory_space<vmem>> -> memref<80xi32, #tpu.memory_space<vmem>>
      %dma_start3A_588 = arith.constant 0 : i32
      %dma_start3A_589 = arith.constant 0 : i32
      %dma_start3A_590 = tpu.memref_slice %arg7[%dma_start3A_588, %dma_start3A_589] : memref<10240x128xf32, #tpu.memory_space<vmem_shared>> -> memref<10240x128xf32, #tpu.memory_space<vmem_shared>>
      tpu.enqueue_indirect_dma source(%arg10 : memref<80x128xf32, #tpu.memory_space<vmem>>) target(%dma_start3A_590 : memref<10240x128xf32, #tpu.memory_space<vmem_shared>>) offsets(%dma_start3A_587 : memref<80xi32, #tpu.memory_space<vmem>>) semaphore(%arg18 : memref<!tpu.dma_semaphore, #tpu.memory_space<semaphore_mem>>) {add = true}
      %dma_wait3A_591 = arith.constant 0 : i32
      %dma_wait3A_592 = arith.constant 7 : i32
      %dma_wait3A_593 = arith.constant 0 : i32
      %dma_wait3A_594 = tpu.memref_slice %arg8[%dma_wait3A_591, %dma_wait3A_592, %dma_wait3A_593] : memref<2x8x80xi32, #tpu.memory_space<vmem>> -> memref<1x1x80xi32, #tpu.memory_space<vmem>>
      %dma_wait3A_595 = tpu.memref_squeeze %dma_wait3A_594 : memref<1x1x80xi32, #tpu.memory_space<vmem>> -> memref<80xi32, #tpu.memory_space<vmem>>
      %dma_wait3A_596 = arith.constant 0 : i32
      %dma_wait3A_597 = arith.constant 0 : i32
      %dma_wait3A_598 = tpu.memref_slice %arg2[%dma_wait3A_596, %dma_wait3A_597] : memref<10240x128xf32, #tpu.memory_space<hbm>> -> memref<10240x128xf32, #tpu.memory_space<hbm>>
      tpu.wait_indirect_dma semaphore(%arg14 : memref<!tpu.dma_semaphore, #tpu.memory_space<semaphore_mem>>) src(%dma_wait3A_598 : memref<10240x128xf32, #tpu.memory_space<hbm>>) dst(%arg11 : memref<80x128xf32, #tpu.memory_space<vmem>>)
      %dma_start3A_599 = arith.constant 0 : i32
      %dma_start3A_600 = arith.constant 7 : i32
      %dma_start3A_601 = arith.constant 0 : i32
      %dma_start3A_602 = tpu.memref_slice %arg9[%dma_start3A_599, %dma_start3A_600, %dma_start3A_601] : memref<2x8x80xi32, #tpu.memory_space<vmem>> -> memref<1x1x80xi32, #tpu.memory_space<vmem>>
      %dma_start3A_603 = tpu.memref_squeeze %dma_start3A_602 : memref<1x1x80xi32, #tpu.memory_space<vmem>> -> memref<80xi32, #tpu.memory_space<vmem>>
      %dma_start3A_604 = arith.constant 0 : i32
      %dma_start3A_605 = arith.constant 0 : i32
      %dma_start3A_606 = tpu.memref_slice %arg7[%dma_start3A_604, %dma_start3A_605] : memref<10240x128xf32, #tpu.memory_space<vmem_shared>> -> memref<10240x128xf32, #tpu.memory_space<vmem_shared>>
      tpu.enqueue_indirect_dma source(%arg11 : memref<80x128xf32, #tpu.memory_space<vmem>>) target(%dma_start3A_606 : memref<10240x128xf32, #tpu.memory_space<vmem_shared>>) offsets(%dma_start3A_603 : memref<80xi32, #tpu.memory_space<vmem>>) semaphore(%arg19 : memref<!tpu.dma_semaphore, #tpu.memory_space<semaphore_mem>>) {add = true}
      %dma_wait3A_607 = arith.constant 0 : i32
      %dma_wait3A_608 = arith.constant 5 : i32
      %dma_wait3A_609 = arith.constant 0 : i32
      %dma_wait3A_610 = tpu.memref_slice %arg9[%dma_wait3A_607, %dma_wait3A_608, %dma_wait3A_609] : memref<2x8x80xi32, #tpu.memory_space<vmem>> -> memref<1x1x80xi32, #tpu.memory_space<vmem>>
      %dma_wait3A_611 = tpu.memref_squeeze %dma_wait3A_610 : memref<1x1x80xi32, #tpu.memory_space<vmem>> -> memref<80xi32, #tpu.memory_space<vmem>>
      %dma_wait3A_612 = arith.constant 0 : i32
      %dma_wait3A_613 = arith.constant 0 : i32
      %dma_wait3A_614 = tpu.memref_slice %arg7[%dma_wait3A_612, %dma_wait3A_613] : memref<10240x128xf32, #tpu.memory_space<vmem_shared>> -> memref<10240x128xf32, #tpu.memory_space<vmem_shared>>
      tpu.wait_indirect_dma semaphore(%arg20 : memref<!tpu.dma_semaphore, #tpu.memory_space<semaphore_mem>>) src(%arg12 : memref<80x128xf32, #tpu.memory_space<vmem>>) dst(%dma_wait3A_614 : memref<10240x128xf32, #tpu.memory_space<vmem_shared>>)
      %dma_wait3A_615 = arith.constant 0 : i32
      %dma_wait3A_616 = arith.constant 6 : i32
      %dma_wait3A_617 = arith.constant 0 : i32
      %dma_wait3A_618 = tpu.memref_slice %arg9[%dma_wait3A_615, %dma_wait3A_616, %dma_wait3A_617] : memref<2x8x80xi32, #tpu.memory_space<vmem>> -> memref<1x1x80xi32, #tpu.memory_space<vmem>>
      %dma_wait3A_619 = tpu.memref_squeeze %dma_wait3A_618 : memref<1x1x80xi32, #tpu.memory_space<vmem>> -> memref<80xi32, #tpu.memory_space<vmem>>
      %dma_wait3A_620 = arith.constant 0 : i32
      %dma_wait3A_621 = arith.constant 0 : i32
      %dma_wait3A_622 = tpu.memref_slice %arg7[%dma_wait3A_620, %dma_wait3A_621] : memref<10240x128xf32, #tpu.memory_space<vmem_shared>> -> memref<10240x128xf32, #tpu.memory_space<vmem_shared>>
      tpu.wait_indirect_dma semaphore(%arg18 : memref<!tpu.dma_semaphore, #tpu.memory_space<semaphore_mem>>) src(%arg10 : memref<80x128xf32, #tpu.memory_space<vmem>>) dst(%dma_wait3A_622 : memref<10240x128xf32, #tpu.memory_space<vmem_shared>>)
      %dma_wait3A_623 = arith.constant 0 : i32
      %dma_wait3A_624 = arith.constant 7 : i32
      %dma_wait3A_625 = arith.constant 0 : i32
      %dma_wait3A_626 = tpu.memref_slice %arg9[%dma_wait3A_623, %dma_wait3A_624, %dma_wait3A_625] : memref<2x8x80xi32, #tpu.memory_space<vmem>> -> memref<1x1x80xi32, #tpu.memory_space<vmem>>
      %dma_wait3A_627 = tpu.memref_squeeze %dma_wait3A_626 : memref<1x1x80xi32, #tpu.memory_space<vmem>> -> memref<80xi32, #tpu.memory_space<vmem>>
      %dma_wait3A_628 = arith.constant 0 : i32
      %dma_wait3A_629 = arith.constant 0 : i32
      %dma_wait3A_630 = tpu.memref_slice %arg7[%dma_wait3A_628, %dma_wait3A_629] : memref<10240x128xf32, #tpu.memory_space<vmem_shared>> -> memref<10240x128xf32, #tpu.memory_space<vmem_shared>>
      tpu.wait_indirect_dma semaphore(%arg19 : memref<!tpu.dma_semaphore, #tpu.memory_space<semaphore_mem>>) src(%arg11 : memref<80x128xf32, #tpu.memory_space<vmem>>) dst(%dma_wait3A_630 : memref<10240x128xf32, #tpu.memory_space<vmem_shared>>)
      %add3A_631 = arith.constant 2 : i32
      %add3A_632 = arith.addi %mul3A_313, %add3A_631 : i32
      %mul3A_633 = arith.constant 8 : i32
      %mul3A_634 = arith.muli %add3A_632, %mul3A_633 : i32
      %add3A_635 = arith.addi %mul3A_82, %mul3A_634 : i32
      %dma_start3A_636 = arith.constant 0 : i32
      %dma_start3A_637 = arith.constant 0 : i32
      %dma_start3A_638 = arith.constant 0 : i32
      %dma_start3A_639 = tpu.memref_slice %arg8[%dma_start3A_636, %dma_start3A_637, %dma_start3A_638] : memref<2x8x80xi32, #tpu.memory_space<vmem>> -> memref<1x8x80xi32, #tpu.memory_space<vmem>>
      %dma_start3A_640 = tpu.memref_squeeze %dma_start3A_639 : memref<1x8x80xi32, #tpu.memory_space<vmem>> -> memref<8x80xi32, #tpu.memory_space<vmem>>
      %dma_start3A_641 = arith.constant 0 : i32
      %dma_start3A_642 = tpu.memref_slice %arg3[%add3A_635, %dma_start3A_641] : memref<8200x80xi32, #tpu.memory_space<hbm>> -> memref<8x80xi32, #tpu.memory_space<hbm>>
      %dma_start3A_643 = arith.constant 0 : i32
      %dma_start3A_644 = arith.constant 0 : i32
      %dma_start3A_645 = tpu.memref_slice %arg8[%dma_start3A_636, %dma_start3A_643, %dma_start3A_644] : memref<2x8x80xi32, #tpu.memory_space<vmem>> -> memref<1x8x80xi32, #tpu.memory_space<vmem>>
      %dma_start3A_646 = tpu.memref_squeeze %dma_start3A_645 : memref<1x8x80xi32, #tpu.memory_space<vmem>> -> memref<8x80xi32, #tpu.memory_space<vmem>>
      %dma_start3A_647 = arith.constant 0 : i32
      %dma_start3A_648 = tpu.memref_slice %arg3[%add3A_635, %dma_start3A_647] : memref<8200x80xi32, #tpu.memory_space<hbm>> -> memref<8x80xi32, #tpu.memory_space<hbm>>
      tpu.enqueue_dma source(%dma_start3A_648 : memref<8x80xi32, #tpu.memory_space<hbm>>) target(%dma_start3A_646 : memref<8x80xi32, #tpu.memory_space<vmem>>) target_semaphore(%arg15 : memref<!tpu.dma_semaphore, #tpu.memory_space<semaphore_mem>>)
      %dma_start3A_649 = arith.constant 0 : i32
      %dma_start3A_650 = arith.constant 0 : i32
      %dma_start3A_651 = arith.constant 0 : i32
      %dma_start3A_652 = tpu.memref_slice %arg9[%dma_start3A_649, %dma_start3A_650, %dma_start3A_651] : memref<2x8x80xi32, #tpu.memory_space<vmem>> -> memref<1x8x80xi32, #tpu.memory_space<vmem>>
      %dma_start3A_653 = tpu.memref_squeeze %dma_start3A_652 : memref<1x8x80xi32, #tpu.memory_space<vmem>> -> memref<8x80xi32, #tpu.memory_space<vmem>>
      %dma_start3A_654 = arith.constant 0 : i32
      %dma_start3A_655 = tpu.memref_slice %arg4[%add3A_635, %dma_start3A_654] : memref<8200x80xi32, #tpu.memory_space<hbm>> -> memref<8x80xi32, #tpu.memory_space<hbm>>
      %dma_start3A_656 = arith.constant 0 : i32
      %dma_start3A_657 = arith.constant 0 : i32
      %dma_start3A_658 = tpu.memref_slice %arg9[%dma_start3A_649, %dma_start3A_656, %dma_start3A_657] : memref<2x8x80xi32, #tpu.memory_space<vmem>> -> memref<1x8x80xi32, #tpu.memory_space<vmem>>
      %dma_start3A_659 = tpu.memref_squeeze %dma_start3A_658 : memref<1x8x80xi32, #tpu.memory_space<vmem>> -> memref<8x80xi32, #tpu.memory_space<vmem>>
      %dma_start3A_660 = arith.constant 0 : i32
      %dma_start3A_661 = tpu.memref_slice %arg4[%add3A_635, %dma_start3A_660] : memref<8200x80xi32, #tpu.memory_space<hbm>> -> memref<8x80xi32, #tpu.memory_space<hbm>>
      tpu.enqueue_dma source(%dma_start3A_661 : memref<8x80xi32, #tpu.memory_space<hbm>>) target(%dma_start3A_659 : memref<8x80xi32, #tpu.memory_space<vmem>>) target_semaphore(%arg16 : memref<!tpu.dma_semaphore, #tpu.memory_space<semaphore_mem>>)
      %dma_wait3A_662 = arith.constant 1 : i32
      %dma_wait3A_663 = arith.constant 0 : i32
      %dma_wait3A_664 = arith.constant 0 : i32
      %dma_wait3A_665 = tpu.memref_slice %arg8[%dma_wait3A_662, %dma_wait3A_663, %dma_wait3A_664] : memref<2x8x80xi32, #tpu.memory_space<vmem>> -> memref<1x8x80xi32, #tpu.memory_space<vmem>>
      %dma_wait3A_666 = tpu.memref_squeeze %dma_wait3A_665 : memref<1x8x80xi32, #tpu.memory_space<vmem>> -> memref<8x80xi32, #tpu.memory_space<vmem>>
      %dma_wait3A_667 = arith.constant 0 : i32
      %dma_wait3A_668 = arith.constant 0 : i32
      %dma_wait3A_669 = tpu.memref_slice %arg3[%dma_wait3A_667, %dma_wait3A_668] : memref<8200x80xi32, #tpu.memory_space<hbm>> -> memref<8x80xi32, #tpu.memory_space<hbm>>
      %dma_wait3A_670 = arith.constant 0 : i32
      %dma_wait3A_671 = arith.constant 0 : i32
      %dma_wait3A_672 = tpu.memref_slice %arg8[%dma_wait3A_662, %dma_wait3A_670, %dma_wait3A_671] : memref<2x8x80xi32, #tpu.memory_space<vmem>> -> memref<1x8x80xi32, #tpu.memory_space<vmem>>
      %dma_wait3A_673 = tpu.memref_squeeze %dma_wait3A_672 : memref<1x8x80xi32, #tpu.memory_space<vmem>> -> memref<8x80xi32, #tpu.memory_space<vmem>>
      %dma_wait3A_674 = arith.constant 0 : i32
      %dma_wait3A_675 = arith.constant 0 : i32
      %dma_wait3A_676 = tpu.memref_slice %arg3[%dma_wait3A_674, %dma_wait3A_675] : memref<8200x80xi32, #tpu.memory_space<hbm>> -> memref<8x80xi32, #tpu.memory_space<hbm>>
      tpu.wait_dma2 semaphore(%arg15 : memref<!tpu.dma_semaphore, #tpu.memory_space<semaphore_mem>>) src(%dma_wait3A_676 : memref<8x80xi32, #tpu.memory_space<hbm>>) dst(%dma_wait3A_673 : memref<8x80xi32, #tpu.memory_space<vmem>>)
      %dma_wait3A_677 = arith.constant 1 : i32
      %dma_wait3A_678 = arith.constant 0 : i32
      %dma_wait3A_679 = arith.constant 0 : i32
      %dma_wait3A_680 = tpu.memref_slice %arg9[%dma_wait3A_677, %dma_wait3A_678, %dma_wait3A_679] : memref<2x8x80xi32, #tpu.memory_space<vmem>> -> memref<1x8x80xi32, #tpu.memory_space<vmem>>
      %dma_wait3A_681 = tpu.memref_squeeze %dma_wait3A_680 : memref<1x8x80xi32, #tpu.memory_space<vmem>> -> memref<8x80xi32, #tpu.memory_space<vmem>>
      %dma_wait3A_682 = arith.constant 0 : i32
      %dma_wait3A_683 = arith.constant 0 : i32
      %dma_wait3A_684 = tpu.memref_slice %arg4[%dma_wait3A_682, %dma_wait3A_683] : memref<8200x80xi32, #tpu.memory_space<hbm>> -> memref<8x80xi32, #tpu.memory_space<hbm>>
      %dma_wait3A_685 = arith.constant 0 : i32
      %dma_wait3A_686 = arith.constant 0 : i32
      %dma_wait3A_687 = tpu.memref_slice %arg9[%dma_wait3A_677, %dma_wait3A_685, %dma_wait3A_686] : memref<2x8x80xi32, #tpu.memory_space<vmem>> -> memref<1x8x80xi32, #tpu.memory_space<vmem>>
      %dma_wait3A_688 = tpu.memref_squeeze %dma_wait3A_687 : memref<1x8x80xi32, #tpu.memory_space<vmem>> -> memref<8x80xi32, #tpu.memory_space<vmem>>
      %dma_wait3A_689 = arith.constant 0 : i32
      %dma_wait3A_690 = arith.constant 0 : i32
      %dma_wait3A_691 = tpu.memref_slice %arg4[%dma_wait3A_689, %dma_wait3A_690] : memref<8200x80xi32, #tpu.memory_space<hbm>> -> memref<8x80xi32, #tpu.memory_space<hbm>>
      tpu.wait_dma2 semaphore(%arg16 : memref<!tpu.dma_semaphore, #tpu.memory_space<semaphore_mem>>) src(%dma_wait3A_691 : memref<8x80xi32, #tpu.memory_space<hbm>>) dst(%dma_wait3A_688 : memref<8x80xi32, #tpu.memory_space<vmem>>)
      %dma_start3A_692 = arith.constant 1 : i32
      %dma_start3A_693 = arith.constant 0 : i32
      %dma_start3A_694 = arith.constant 0 : i32
      %dma_start3A_695 = tpu.memref_slice %arg8[%dma_start3A_692, %dma_start3A_693, %dma_start3A_694] : memref<2x8x80xi32, #tpu.memory_space<vmem>> -> memref<1x1x80xi32, #tpu.memory_space<vmem>>
      %dma_start3A_696 = tpu.memref_squeeze %dma_start3A_695 : memref<1x1x80xi32, #tpu.memory_space<vmem>> -> memref<80xi32, #tpu.memory_space<vmem>>
      %dma_start3A_697 = arith.constant 0 : i32
      %dma_start3A_698 = arith.constant 0 : i32
      %dma_start3A_699 = tpu.memref_slice %arg2[%dma_start3A_697, %dma_start3A_698] : memref<10240x128xf32, #tpu.memory_space<hbm>> -> memref<10240x128xf32, #tpu.memory_space<hbm>>
      tpu.enqueue_indirect_dma source(%dma_start3A_699 : memref<10240x128xf32, #tpu.memory_space<hbm>>) target(%arg10 : memref<80x128xf32, #tpu.memory_space<vmem>>) offsets(%dma_start3A_696 : memref<80xi32, #tpu.memory_space<vmem>>) semaphore(%arg13 : memref<!tpu.dma_semaphore, #tpu.memory_space<semaphore_mem>>)
      %dma_start3A_700 = arith.constant 1 : i32
      %dma_start3A_701 = arith.constant 1 : i32
      %dma_start3A_702 = arith.constant 0 : i32
      %dma_start3A_703 = tpu.memref_slice %arg8[%dma_start3A_700, %dma_start3A_701, %dma_start3A_702] : memref<2x8x80xi32, #tpu.memory_space<vmem>> -> memref<1x1x80xi32, #tpu.memory_space<vmem>>
      %dma_start3A_704 = tpu.memref_squeeze %dma_start3A_703 : memref<1x1x80xi32, #tpu.memory_space<vmem>> -> memref<80xi32, #tpu.memory_space<vmem>>
      %dma_start3A_705 = arith.constant 0 : i32
      %dma_start3A_706 = arith.constant 0 : i32
      %dma_start3A_707 = tpu.memref_slice %arg2[%dma_start3A_705, %dma_start3A_706] : memref<10240x128xf32, #tpu.memory_space<hbm>> -> memref<10240x128xf32, #tpu.memory_space<hbm>>
      tpu.enqueue_indirect_dma source(%dma_start3A_707 : memref<10240x128xf32, #tpu.memory_space<hbm>>) target(%arg11 : memref<80x128xf32, #tpu.memory_space<vmem>>) offsets(%dma_start3A_704 : memref<80xi32, #tpu.memory_space<vmem>>) semaphore(%arg14 : memref<!tpu.dma_semaphore, #tpu.memory_space<semaphore_mem>>)
      %dma_start3A_708 = arith.constant 1 : i32
      %dma_start3A_709 = arith.constant 2 : i32
      %dma_start3A_710 = arith.constant 0 : i32
      %dma_start3A_711 = tpu.memref_slice %arg8[%dma_start3A_708, %dma_start3A_709, %dma_start3A_710] : memref<2x8x80xi32, #tpu.memory_space<vmem>> -> memref<1x1x80xi32, #tpu.memory_space<vmem>>
      %dma_start3A_712 = tpu.memref_squeeze %dma_start3A_711 : memref<1x1x80xi32, #tpu.memory_space<vmem>> -> memref<80xi32, #tpu.memory_space<vmem>>
      %dma_start3A_713 = arith.constant 0 : i32
      %dma_start3A_714 = arith.constant 0 : i32
      %dma_start3A_715 = tpu.memref_slice %arg2[%dma_start3A_713, %dma_start3A_714] : memref<10240x128xf32, #tpu.memory_space<hbm>> -> memref<10240x128xf32, #tpu.memory_space<hbm>>
      tpu.enqueue_indirect_dma source(%dma_start3A_715 : memref<10240x128xf32, #tpu.memory_space<hbm>>) target(%arg12 : memref<80x128xf32, #tpu.memory_space<vmem>>) offsets(%dma_start3A_712 : memref<80xi32, #tpu.memory_space<vmem>>) semaphore(%arg17 : memref<!tpu.dma_semaphore, #tpu.memory_space<semaphore_mem>>)
      %dma_wait3A_716 = arith.constant 1 : i32
      %dma_wait3A_717 = arith.constant 0 : i32
      %dma_wait3A_718 = arith.constant 0 : i32
      %dma_wait3A_719 = tpu.memref_slice %arg8[%dma_wait3A_716, %dma_wait3A_717, %dma_wait3A_718] : memref<2x8x80xi32, #tpu.memory_space<vmem>> -> memref<1x1x80xi32, #tpu.memory_space<vmem>>
      %dma_wait3A_720 = tpu.memref_squeeze %dma_wait3A_719 : memref<1x1x80xi32, #tpu.memory_space<vmem>> -> memref<80xi32, #tpu.memory_space<vmem>>
      %dma_wait3A_721 = arith.constant 0 : i32
      %dma_wait3A_722 = arith.constant 0 : i32
      %dma_wait3A_723 = tpu.memref_slice %arg2[%dma_wait3A_721, %dma_wait3A_722] : memref<10240x128xf32, #tpu.memory_space<hbm>> -> memref<10240x128xf32, #tpu.memory_space<hbm>>
      tpu.wait_indirect_dma semaphore(%arg13 : memref<!tpu.dma_semaphore, #tpu.memory_space<semaphore_mem>>) src(%dma_wait3A_723 : memref<10240x128xf32, #tpu.memory_space<hbm>>) dst(%arg10 : memref<80x128xf32, #tpu.memory_space<vmem>>)
      %dma_start3A_724 = arith.constant 1 : i32
      %dma_start3A_725 = arith.constant 0 : i32
      %dma_start3A_726 = arith.constant 0 : i32
      %dma_start3A_727 = tpu.memref_slice %arg9[%dma_start3A_724, %dma_start3A_725, %dma_start3A_726] : memref<2x8x80xi32, #tpu.memory_space<vmem>> -> memref<1x1x80xi32, #tpu.memory_space<vmem>>
      %dma_start3A_728 = tpu.memref_squeeze %dma_start3A_727 : memref<1x1x80xi32, #tpu.memory_space<vmem>> -> memref<80xi32, #tpu.memory_space<vmem>>
      %dma_start3A_729 = arith.constant 0 : i32
      %dma_start3A_730 = arith.constant 0 : i32
      %dma_start3A_731 = tpu.memref_slice %arg7[%dma_start3A_729, %dma_start3A_730] : memref<10240x128xf32, #tpu.memory_space<vmem_shared>> -> memref<10240x128xf32, #tpu.memory_space<vmem_shared>>
      tpu.enqueue_indirect_dma source(%arg10 : memref<80x128xf32, #tpu.memory_space<vmem>>) target(%dma_start3A_731 : memref<10240x128xf32, #tpu.memory_space<vmem_shared>>) offsets(%dma_start3A_728 : memref<80xi32, #tpu.memory_space<vmem>>) semaphore(%arg18 : memref<!tpu.dma_semaphore, #tpu.memory_space<semaphore_mem>>) {add = true}
      %dma_wait3A_732 = arith.constant 1 : i32
      %dma_wait3A_733 = arith.constant 0 : i32
      %dma_wait3A_734 = arith.constant 0 : i32
      %dma_wait3A_735 = tpu.memref_slice %arg9[%dma_wait3A_732, %dma_wait3A_733, %dma_wait3A_734] : memref<2x8x80xi32, #tpu.memory_space<vmem>> -> memref<1x1x80xi32, #tpu.memory_space<vmem>>
      %dma_wait3A_736 = tpu.memref_squeeze %dma_wait3A_735 : memref<1x1x80xi32, #tpu.memory_space<vmem>> -> memref<80xi32, #tpu.memory_space<vmem>>
      %dma_wait3A_737 = arith.constant 0 : i32
      %dma_wait3A_738 = arith.constant 0 : i32
      %dma_wait3A_739 = tpu.memref_slice %arg7[%dma_wait3A_737, %dma_wait3A_738] : memref<10240x128xf32, #tpu.memory_space<vmem_shared>> -> memref<10240x128xf32, #tpu.memory_space<vmem_shared>>
      tpu.wait_indirect_dma semaphore(%arg18 : memref<!tpu.dma_semaphore, #tpu.memory_space<semaphore_mem>>) src(%arg10 : memref<80x128xf32, #tpu.memory_space<vmem>>) dst(%dma_wait3A_739 : memref<10240x128xf32, #tpu.memory_space<vmem_shared>>)
      %dma_start3A_740 = arith.constant 1 : i32
      %dma_start3A_741 = arith.constant 3 : i32
      %dma_start3A_742 = arith.constant 0 : i32
      %dma_start3A_743 = tpu.memref_slice %arg8[%dma_start3A_740, %dma_start3A_741, %dma_start3A_742] : memref<2x8x80xi32, #tpu.memory_space<vmem>> -> memref<1x1x80xi32, #tpu.memory_space<vmem>>
      %dma_start3A_744 = tpu.memref_squeeze %dma_start3A_743 : memref<1x1x80xi32, #tpu.memory_space<vmem>> -> memref<80xi32, #tpu.memory_space<vmem>>
      %dma_start3A_745 = arith.constant 0 : i32
      %dma_start3A_746 = arith.constant 0 : i32
      %dma_start3A_747 = tpu.memref_slice %arg2[%dma_start3A_745, %dma_start3A_746] : memref<10240x128xf32, #tpu.memory_space<hbm>> -> memref<10240x128xf32, #tpu.memory_space<hbm>>
      tpu.enqueue_indirect_dma source(%dma_start3A_747 : memref<10240x128xf32, #tpu.memory_space<hbm>>) target(%arg10 : memref<80x128xf32, #tpu.memory_space<vmem>>) offsets(%dma_start3A_744 : memref<80xi32, #tpu.memory_space<vmem>>) semaphore(%arg13 : memref<!tpu.dma_semaphore, #tpu.memory_space<semaphore_mem>>)
      %dma_wait3A_748 = arith.constant 1 : i32
      %dma_wait3A_749 = arith.constant 1 : i32
      %dma_wait3A_750 = arith.constant 0 : i32
      %dma_wait3A_751 = tpu.memref_slice %arg8[%dma_wait3A_748, %dma_wait3A_749, %dma_wait3A_750] : memref<2x8x80xi32, #tpu.memory_space<vmem>> -> memref<1x1x80xi32, #tpu.memory_space<vmem>>
      %dma_wait3A_752 = tpu.memref_squeeze %dma_wait3A_751 : memref<1x1x80xi32, #tpu.memory_space<vmem>> -> memref<80xi32, #tpu.memory_space<vmem>>
      %dma_wait3A_753 = arith.constant 0 : i32
      %dma_wait3A_754 = arith.constant 0 : i32
      %dma_wait3A_755 = tpu.memref_slice %arg2[%dma_wait3A_753, %dma_wait3A_754] : memref<10240x128xf32, #tpu.memory_space<hbm>> -> memref<10240x128xf32, #tpu.memory_space<hbm>>
      tpu.wait_indirect_dma semaphore(%arg14 : memref<!tpu.dma_semaphore, #tpu.memory_space<semaphore_mem>>) src(%dma_wait3A_755 : memref<10240x128xf32, #tpu.memory_space<hbm>>) dst(%arg11 : memref<80x128xf32, #tpu.memory_space<vmem>>)
      %dma_start3A_756 = arith.constant 1 : i32
      %dma_start3A_757 = arith.constant 1 : i32
      %dma_start3A_758 = arith.constant 0 : i32
      %dma_start3A_759 = tpu.memref_slice %arg9[%dma_start3A_756, %dma_start3A_757, %dma_start3A_758] : memref<2x8x80xi32, #tpu.memory_space<vmem>> -> memref<1x1x80xi32, #tpu.memory_space<vmem>>
      %dma_start3A_760 = tpu.memref_squeeze %dma_start3A_759 : memref<1x1x80xi32, #tpu.memory_space<vmem>> -> memref<80xi32, #tpu.memory_space<vmem>>
      %dma_start3A_761 = arith.constant 0 : i32
      %dma_start3A_762 = arith.constant 0 : i32
      %dma_start3A_763 = tpu.memref_slice %arg7[%dma_start3A_761, %dma_start3A_762] : memref<10240x128xf32, #tpu.memory_space<vmem_shared>> -> memref<10240x128xf32, #tpu.memory_space<vmem_shared>>
      tpu.enqueue_indirect_dma source(%arg11 : memref<80x128xf32, #tpu.memory_space<vmem>>) target(%dma_start3A_763 : memref<10240x128xf32, #tpu.memory_space<vmem_shared>>) offsets(%dma_start3A_760 : memref<80xi32, #tpu.memory_space<vmem>>) semaphore(%arg19 : memref<!tpu.dma_semaphore, #tpu.memory_space<semaphore_mem>>) {add = true}
      %dma_wait3A_764 = arith.constant 1 : i32
      %dma_wait3A_765 = arith.constant 1 : i32
      %dma_wait3A_766 = arith.constant 0 : i32
      %dma_wait3A_767 = tpu.memref_slice %arg9[%dma_wait3A_764, %dma_wait3A_765, %dma_wait3A_766] : memref<2x8x80xi32, #tpu.memory_space<vmem>> -> memref<1x1x80xi32, #tpu.memory_space<vmem>>
      %dma_wait3A_768 = tpu.memref_squeeze %dma_wait3A_767 : memref<1x1x80xi32, #tpu.memory_space<vmem>> -> memref<80xi32, #tpu.memory_space<vmem>>
      %dma_wait3A_769 = arith.constant 0 : i32
      %dma_wait3A_770 = arith.constant 0 : i32
      %dma_wait3A_771 = tpu.memref_slice %arg7[%dma_wait3A_769, %dma_wait3A_770] : memref<10240x128xf32, #tpu.memory_space<vmem_shared>> -> memref<10240x128xf32, #tpu.memory_space<vmem_shared>>
      tpu.wait_indirect_dma semaphore(%arg19 : memref<!tpu.dma_semaphore, #tpu.memory_space<semaphore_mem>>) src(%arg11 : memref<80x128xf32, #tpu.memory_space<vmem>>) dst(%dma_wait3A_771 : memref<10240x128xf32, #tpu.memory_space<vmem_shared>>)
      %dma_start3A_772 = arith.constant 1 : i32
      %dma_start3A_773 = arith.constant 4 : i32
      %dma_start3A_774 = arith.constant 0 : i32
      %dma_start3A_775 = tpu.memref_slice %arg8[%dma_start3A_772, %dma_start3A_773, %dma_start3A_774] : memref<2x8x80xi32, #tpu.memory_space<vmem>> -> memref<1x1x80xi32, #tpu.memory_space<vmem>>
      %dma_start3A_776 = tpu.memref_squeeze %dma_start3A_775 : memref<1x1x80xi32, #tpu.memory_space<vmem>> -> memref<80xi32, #tpu.memory_space<vmem>>
      %dma_start3A_777 = arith.constant 0 : i32
      %dma_start3A_778 = arith.constant 0 : i32
      %dma_start3A_779 = tpu.memref_slice %arg2[%dma_start3A_777, %dma_start3A_778] : memref<10240x128xf32, #tpu.memory_space<hbm>> -> memref<10240x128xf32, #tpu.memory_space<hbm>>
      tpu.enqueue_indirect_dma source(%dma_start3A_779 : memref<10240x128xf32, #tpu.memory_space<hbm>>) target(%arg11 : memref<80x128xf32, #tpu.memory_space<vmem>>) offsets(%dma_start3A_776 : memref<80xi32, #tpu.memory_space<vmem>>) semaphore(%arg14 : memref<!tpu.dma_semaphore, #tpu.memory_space<semaphore_mem>>)
      %dma_wait3A_780 = arith.constant 1 : i32
      %dma_wait3A_781 = arith.constant 2 : i32
      %dma_wait3A_782 = arith.constant 0 : i32
      %dma_wait3A_783 = tpu.memref_slice %arg8[%dma_wait3A_780, %dma_wait3A_781, %dma_wait3A_782] : memref<2x8x80xi32, #tpu.memory_space<vmem>> -> memref<1x1x80xi32, #tpu.memory_space<vmem>>
      %dma_wait3A_784 = tpu.memref_squeeze %dma_wait3A_783 : memref<1x1x80xi32, #tpu.memory_space<vmem>> -> memref<80xi32, #tpu.memory_space<vmem>>
      %dma_wait3A_785 = arith.constant 0 : i32
      %dma_wait3A_786 = arith.constant 0 : i32
      %dma_wait3A_787 = tpu.memref_slice %arg2[%dma_wait3A_785, %dma_wait3A_786] : memref<10240x128xf32, #tpu.memory_space<hbm>> -> memref<10240x128xf32, #tpu.memory_space<hbm>>
      tpu.wait_indirect_dma semaphore(%arg17 : memref<!tpu.dma_semaphore, #tpu.memory_space<semaphore_mem>>) src(%dma_wait3A_787 : memref<10240x128xf32, #tpu.memory_space<hbm>>) dst(%arg12 : memref<80x128xf32, #tpu.memory_space<vmem>>)
      %dma_start3A_788 = arith.constant 1 : i32
      %dma_start3A_789 = arith.constant 2 : i32
      %dma_start3A_790 = arith.constant 0 : i32
      %dma_start3A_791 = tpu.memref_slice %arg9[%dma_start3A_788, %dma_start3A_789, %dma_start3A_790] : memref<2x8x80xi32, #tpu.memory_space<vmem>> -> memref<1x1x80xi32, #tpu.memory_space<vmem>>
      %dma_start3A_792 = tpu.memref_squeeze %dma_start3A_791 : memref<1x1x80xi32, #tpu.memory_space<vmem>> -> memref<80xi32, #tpu.memory_space<vmem>>
      %dma_start3A_793 = arith.constant 0 : i32
      %dma_start3A_794 = arith.constant 0 : i32
      %dma_start3A_795 = tpu.memref_slice %arg7[%dma_start3A_793, %dma_start3A_794] : memref<10240x128xf32, #tpu.memory_space<vmem_shared>> -> memref<10240x128xf32, #tpu.memory_space<vmem_shared>>
      tpu.enqueue_indirect_dma source(%arg12 : memref<80x128xf32, #tpu.memory_space<vmem>>) target(%dma_start3A_795 : memref<10240x128xf32, #tpu.memory_space<vmem_shared>>) offsets(%dma_start3A_792 : memref<80xi32, #tpu.memory_space<vmem>>) semaphore(%arg20 : memref<!tpu.dma_semaphore, #tpu.memory_space<semaphore_mem>>) {add = true}
      %dma_wait3A_796 = arith.constant 1 : i32
      %dma_wait3A_797 = arith.constant 2 : i32
      %dma_wait3A_798 = arith.constant 0 : i32
      %dma_wait3A_799 = tpu.memref_slice %arg9[%dma_wait3A_796, %dma_wait3A_797, %dma_wait3A_798] : memref<2x8x80xi32, #tpu.memory_space<vmem>> -> memref<1x1x80xi32, #tpu.memory_space<vmem>>
      %dma_wait3A_800 = tpu.memref_squeeze %dma_wait3A_799 : memref<1x1x80xi32, #tpu.memory_space<vmem>> -> memref<80xi32, #tpu.memory_space<vmem>>
      %dma_wait3A_801 = arith.constant 0 : i32
      %dma_wait3A_802 = arith.constant 0 : i32
      %dma_wait3A_803 = tpu.memref_slice %arg7[%dma_wait3A_801, %dma_wait3A_802] : memref<10240x128xf32, #tpu.memory_space<vmem_shared>> -> memref<10240x128xf32, #tpu.memory_space<vmem_shared>>
      tpu.wait_indirect_dma semaphore(%arg20 : memref<!tpu.dma_semaphore, #tpu.memory_space<semaphore_mem>>) src(%arg12 : memref<80x128xf32, #tpu.memory_space<vmem>>) dst(%dma_wait3A_803 : memref<10240x128xf32, #tpu.memory_space<vmem_shared>>)
      %dma_start3A_804 = arith.constant 1 : i32
      %dma_start3A_805 = arith.constant 5 : i32
      %dma_start3A_806 = arith.constant 0 : i32
      %dma_start3A_807 = tpu.memref_slice %arg8[%dma_start3A_804, %dma_start3A_805, %dma_start3A_806] : memref<2x8x80xi32, #tpu.memory_space<vmem>> -> memref<1x1x80xi32, #tpu.memory_space<vmem>>
      %dma_start3A_808 = tpu.memref_squeeze %dma_start3A_807 : memref<1x1x80xi32, #tpu.memory_space<vmem>> -> memref<80xi32, #tpu.memory_space<vmem>>
      %dma_start3A_809 = arith.constant 0 : i32
      %dma_start3A_810 = arith.constant 0 : i32
      %dma_start3A_811 = tpu.memref_slice %arg2[%dma_start3A_809, %dma_start3A_810] : memref<10240x128xf32, #tpu.memory_space<hbm>> -> memref<10240x128xf32, #tpu.memory_space<hbm>>
      tpu.enqueue_indirect_dma source(%dma_start3A_811 : memref<10240x128xf32, #tpu.memory_space<hbm>>) target(%arg12 : memref<80x128xf32, #tpu.memory_space<vmem>>) offsets(%dma_start3A_808 : memref<80xi32, #tpu.memory_space<vmem>>) semaphore(%arg17 : memref<!tpu.dma_semaphore, #tpu.memory_space<semaphore_mem>>)
      %dma_wait3A_812 = arith.constant 1 : i32
      %dma_wait3A_813 = arith.constant 3 : i32
      %dma_wait3A_814 = arith.constant 0 : i32
      %dma_wait3A_815 = tpu.memref_slice %arg8[%dma_wait3A_812, %dma_wait3A_813, %dma_wait3A_814] : memref<2x8x80xi32, #tpu.memory_space<vmem>> -> memref<1x1x80xi32, #tpu.memory_space<vmem>>
      %dma_wait3A_816 = tpu.memref_squeeze %dma_wait3A_815 : memref<1x1x80xi32, #tpu.memory_space<vmem>> -> memref<80xi32, #tpu.memory_space<vmem>>
      %dma_wait3A_817 = arith.constant 0 : i32
      %dma_wait3A_818 = arith.constant 0 : i32
      %dma_wait3A_819 = tpu.memref_slice %arg2[%dma_wait3A_817, %dma_wait3A_818] : memref<10240x128xf32, #tpu.memory_space<hbm>> -> memref<10240x128xf32, #tpu.memory_space<hbm>>
      tpu.wait_indirect_dma semaphore(%arg13 : memref<!tpu.dma_semaphore, #tpu.memory_space<semaphore_mem>>) src(%dma_wait3A_819 : memref<10240x128xf32, #tpu.memory_space<hbm>>) dst(%arg10 : memref<80x128xf32, #tpu.memory_space<vmem>>)
      %dma_start3A_820 = arith.constant 1 : i32
      %dma_start3A_821 = arith.constant 3 : i32
      %dma_start3A_822 = arith.constant 0 : i32
      %dma_start3A_823 = tpu.memref_slice %arg9[%dma_start3A_820, %dma_start3A_821, %dma_start3A_822] : memref<2x8x80xi32, #tpu.memory_space<vmem>> -> memref<1x1x80xi32, #tpu.memory_space<vmem>>
      %dma_start3A_824 = tpu.memref_squeeze %dma_start3A_823 : memref<1x1x80xi32, #tpu.memory_space<vmem>> -> memref<80xi32, #tpu.memory_space<vmem>>
      %dma_start3A_825 = arith.constant 0 : i32
      %dma_start3A_826 = arith.constant 0 : i32
      %dma_start3A_827 = tpu.memref_slice %arg7[%dma_start3A_825, %dma_start3A_826] : memref<10240x128xf32, #tpu.memory_space<vmem_shared>> -> memref<10240x128xf32, #tpu.memory_space<vmem_shared>>
      tpu.enqueue_indirect_dma source(%arg10 : memref<80x128xf32, #tpu.memory_space<vmem>>) target(%dma_start3A_827 : memref<10240x128xf32, #tpu.memory_space<vmem_shared>>) offsets(%dma_start3A_824 : memref<80xi32, #tpu.memory_space<vmem>>) semaphore(%arg18 : memref<!tpu.dma_semaphore, #tpu.memory_space<semaphore_mem>>) {add = true}
      %dma_wait3A_828 = arith.constant 1 : i32
      %dma_wait3A_829 = arith.constant 3 : i32
      %dma_wait3A_830 = arith.constant 0 : i32
      %dma_wait3A_831 = tpu.memref_slice %arg9[%dma_wait3A_828, %dma_wait3A_829, %dma_wait3A_830] : memref<2x8x80xi32, #tpu.memory_space<vmem>> -> memref<1x1x80xi32, #tpu.memory_space<vmem>>
      %dma_wait3A_832 = tpu.memref_squeeze %dma_wait3A_831 : memref<1x1x80xi32, #tpu.memory_space<vmem>> -> memref<80xi32, #tpu.memory_space<vmem>>
      %dma_wait3A_833 = arith.constant 0 : i32
      %dma_wait3A_834 = arith.constant 0 : i32
      %dma_wait3A_835 = tpu.memref_slice %arg7[%dma_wait3A_833, %dma_wait3A_834] : memref<10240x128xf32, #tpu.memory_space<vmem_shared>> -> memref<10240x128xf32, #tpu.memory_space<vmem_shared>>
      tpu.wait_indirect_dma semaphore(%arg18 : memref<!tpu.dma_semaphore, #tpu.memory_space<semaphore_mem>>) src(%arg10 : memref<80x128xf32, #tpu.memory_space<vmem>>) dst(%dma_wait3A_835 : memref<10240x128xf32, #tpu.memory_space<vmem_shared>>)
      %dma_start3A_836 = arith.constant 1 : i32
      %dma_start3A_837 = arith.constant 6 : i32
      %dma_start3A_838 = arith.constant 0 : i32
      %dma_start3A_839 = tpu.memref_slice %arg8[%dma_start3A_836, %dma_start3A_837, %dma_start3A_838] : memref<2x8x80xi32, #tpu.memory_space<vmem>> -> memref<1x1x80xi32, #tpu.memory_space<vmem>>
      %dma_start3A_840 = tpu.memref_squeeze %dma_start3A_839 : memref<1x1x80xi32, #tpu.memory_space<vmem>> -> memref<80xi32, #tpu.memory_space<vmem>>
      %dma_start3A_841 = arith.constant 0 : i32
      %dma_start3A_842 = arith.constant 0 : i32
      %dma_start3A_843 = tpu.memref_slice %arg2[%dma_start3A_841, %dma_start3A_842] : memref<10240x128xf32, #tpu.memory_space<hbm>> -> memref<10240x128xf32, #tpu.memory_space<hbm>>
      tpu.enqueue_indirect_dma source(%dma_start3A_843 : memref<10240x128xf32, #tpu.memory_space<hbm>>) target(%arg10 : memref<80x128xf32, #tpu.memory_space<vmem>>) offsets(%dma_start3A_840 : memref<80xi32, #tpu.memory_space<vmem>>) semaphore(%arg13 : memref<!tpu.dma_semaphore, #tpu.memory_space<semaphore_mem>>)
      %dma_wait3A_844 = arith.constant 1 : i32
      %dma_wait3A_845 = arith.constant 4 : i32
      %dma_wait3A_846 = arith.constant 0 : i32
      %dma_wait3A_847 = tpu.memref_slice %arg8[%dma_wait3A_844, %dma_wait3A_845, %dma_wait3A_846] : memref<2x8x80xi32, #tpu.memory_space<vmem>> -> memref<1x1x80xi32, #tpu.memory_space<vmem>>
      %dma_wait3A_848 = tpu.memref_squeeze %dma_wait3A_847 : memref<1x1x80xi32, #tpu.memory_space<vmem>> -> memref<80xi32, #tpu.memory_space<vmem>>
      %dma_wait3A_849 = arith.constant 0 : i32
      %dma_wait3A_850 = arith.constant 0 : i32
      %dma_wait3A_851 = tpu.memref_slice %arg2[%dma_wait3A_849, %dma_wait3A_850] : memref<10240x128xf32, #tpu.memory_space<hbm>> -> memref<10240x128xf32, #tpu.memory_space<hbm>>
      tpu.wait_indirect_dma semaphore(%arg14 : memref<!tpu.dma_semaphore, #tpu.memory_space<semaphore_mem>>) src(%dma_wait3A_851 : memref<10240x128xf32, #tpu.memory_space<hbm>>) dst(%arg11 : memref<80x128xf32, #tpu.memory_space<vmem>>)
      %dma_start3A_852 = arith.constant 1 : i32
      %dma_start3A_853 = arith.constant 4 : i32
      %dma_start3A_854 = arith.constant 0 : i32
      %dma_start3A_855 = tpu.memref_slice %arg9[%dma_start3A_852, %dma_start3A_853, %dma_start3A_854] : memref<2x8x80xi32, #tpu.memory_space<vmem>> -> memref<1x1x80xi32, #tpu.memory_space<vmem>>
      %dma_start3A_856 = tpu.memref_squeeze %dma_start3A_855 : memref<1x1x80xi32, #tpu.memory_space<vmem>> -> memref<80xi32, #tpu.memory_space<vmem>>
      %dma_start3A_857 = arith.constant 0 : i32
      %dma_start3A_858 = arith.constant 0 : i32
      %dma_start3A_859 = tpu.memref_slice %arg7[%dma_start3A_857, %dma_start3A_858] : memref<10240x128xf32, #tpu.memory_space<vmem_shared>> -> memref<10240x128xf32, #tpu.memory_space<vmem_shared>>
      tpu.enqueue_indirect_dma source(%arg11 : memref<80x128xf32, #tpu.memory_space<vmem>>) target(%dma_start3A_859 : memref<10240x128xf32, #tpu.memory_space<vmem_shared>>) offsets(%dma_start3A_856 : memref<80xi32, #tpu.memory_space<vmem>>) semaphore(%arg19 : memref<!tpu.dma_semaphore, #tpu.memory_space<semaphore_mem>>) {add = true}
      %dma_wait3A_860 = arith.constant 1 : i32
      %dma_wait3A_861 = arith.constant 4 : i32
      %dma_wait3A_862 = arith.constant 0 : i32
      %dma_wait3A_863 = tpu.memref_slice %arg9[%dma_wait3A_860, %dma_wait3A_861, %dma_wait3A_862] : memref<2x8x80xi32, #tpu.memory_space<vmem>> -> memref<1x1x80xi32, #tpu.memory_space<vmem>>
      %dma_wait3A_864 = tpu.memref_squeeze %dma_wait3A_863 : memref<1x1x80xi32, #tpu.memory_space<vmem>> -> memref<80xi32, #tpu.memory_space<vmem>>
      %dma_wait3A_865 = arith.constant 0 : i32
      %dma_wait3A_866 = arith.constant 0 : i32
      %dma_wait3A_867 = tpu.memref_slice %arg7[%dma_wait3A_865, %dma_wait3A_866] : memref<10240x128xf32, #tpu.memory_space<vmem_shared>> -> memref<10240x128xf32, #tpu.memory_space<vmem_shared>>
      tpu.wait_indirect_dma semaphore(%arg19 : memref<!tpu.dma_semaphore, #tpu.memory_space<semaphore_mem>>) src(%arg11 : memref<80x128xf32, #tpu.memory_space<vmem>>) dst(%dma_wait3A_867 : memref<10240x128xf32, #tpu.memory_space<vmem_shared>>)
      %dma_start3A_868 = arith.constant 1 : i32
      %dma_start3A_869 = arith.constant 7 : i32
      %dma_start3A_870 = arith.constant 0 : i32
      %dma_start3A_871 = tpu.memref_slice %arg8[%dma_start3A_868, %dma_start3A_869, %dma_start3A_870] : memref<2x8x80xi32, #tpu.memory_space<vmem>> -> memref<1x1x80xi32, #tpu.memory_space<vmem>>
      %dma_start3A_872 = tpu.memref_squeeze %dma_start3A_871 : memref<1x1x80xi32, #tpu.memory_space<vmem>> -> memref<80xi32, #tpu.memory_space<vmem>>
      %dma_start3A_873 = arith.constant 0 : i32
      %dma_start3A_874 = arith.constant 0 : i32
      %dma_start3A_875 = tpu.memref_slice %arg2[%dma_start3A_873, %dma_start3A_874] : memref<10240x128xf32, #tpu.memory_space<hbm>> -> memref<10240x128xf32, #tpu.memory_space<hbm>>
      tpu.enqueue_indirect_dma source(%dma_start3A_875 : memref<10240x128xf32, #tpu.memory_space<hbm>>) target(%arg11 : memref<80x128xf32, #tpu.memory_space<vmem>>) offsets(%dma_start3A_872 : memref<80xi32, #tpu.memory_space<vmem>>) semaphore(%arg14 : memref<!tpu.dma_semaphore, #tpu.memory_space<semaphore_mem>>)
      %dma_wait3A_876 = arith.constant 1 : i32
      %dma_wait3A_877 = arith.constant 5 : i32
      %dma_wait3A_878 = arith.constant 0 : i32
      %dma_wait3A_879 = tpu.memref_slice %arg8[%dma_wait3A_876, %dma_wait3A_877, %dma_wait3A_878] : memref<2x8x80xi32, #tpu.memory_space<vmem>> -> memref<1x1x80xi32, #tpu.memory_space<vmem>>
      %dma_wait3A_880 = tpu.memref_squeeze %dma_wait3A_879 : memref<1x1x80xi32, #tpu.memory_space<vmem>> -> memref<80xi32, #tpu.memory_space<vmem>>
      %dma_wait3A_881 = arith.constant 0 : i32
      %dma_wait3A_882 = arith.constant 0 : i32
      %dma_wait3A_883 = tpu.memref_slice %arg2[%dma_wait3A_881, %dma_wait3A_882] : memref<10240x128xf32, #tpu.memory_space<hbm>> -> memref<10240x128xf32, #tpu.memory_space<hbm>>
      tpu.wait_indirect_dma semaphore(%arg17 : memref<!tpu.dma_semaphore, #tpu.memory_space<semaphore_mem>>) src(%dma_wait3A_883 : memref<10240x128xf32, #tpu.memory_space<hbm>>) dst(%arg12 : memref<80x128xf32, #tpu.memory_space<vmem>>)
      %dma_start3A_884 = arith.constant 1 : i32
      %dma_start3A_885 = arith.constant 5 : i32
      %dma_start3A_886 = arith.constant 0 : i32
      %dma_start3A_887 = tpu.memref_slice %arg9[%dma_start3A_884, %dma_start3A_885, %dma_start3A_886] : memref<2x8x80xi32, #tpu.memory_space<vmem>> -> memref<1x1x80xi32, #tpu.memory_space<vmem>>
      %dma_start3A_888 = tpu.memref_squeeze %dma_start3A_887 : memref<1x1x80xi32, #tpu.memory_space<vmem>> -> memref<80xi32, #tpu.memory_space<vmem>>
      %dma_start3A_889 = arith.constant 0 : i32
      %dma_start3A_890 = arith.constant 0 : i32
      %dma_start3A_891 = tpu.memref_slice %arg7[%dma_start3A_889, %dma_start3A_890] : memref<10240x128xf32, #tpu.memory_space<vmem_shared>> -> memref<10240x128xf32, #tpu.memory_space<vmem_shared>>
      tpu.enqueue_indirect_dma source(%arg12 : memref<80x128xf32, #tpu.memory_space<vmem>>) target(%dma_start3A_891 : memref<10240x128xf32, #tpu.memory_space<vmem_shared>>) offsets(%dma_start3A_888 : memref<80xi32, #tpu.memory_space<vmem>>) semaphore(%arg20 : memref<!tpu.dma_semaphore, #tpu.memory_space<semaphore_mem>>) {add = true}
      %dma_wait3A_892 = arith.constant 1 : i32
      %dma_wait3A_893 = arith.constant 6 : i32
      %dma_wait3A_894 = arith.constant 0 : i32
      %dma_wait3A_895 = tpu.memref_slice %arg8[%dma_wait3A_892, %dma_wait3A_893, %dma_wait3A_894] : memref<2x8x80xi32, #tpu.memory_space<vmem>> -> memref<1x1x80xi32, #tpu.memory_space<vmem>>
      %dma_wait3A_896 = tpu.memref_squeeze %dma_wait3A_895 : memref<1x1x80xi32, #tpu.memory_space<vmem>> -> memref<80xi32, #tpu.memory_space<vmem>>
      %dma_wait3A_897 = arith.constant 0 : i32
      %dma_wait3A_898 = arith.constant 0 : i32
      %dma_wait3A_899 = tpu.memref_slice %arg2[%dma_wait3A_897, %dma_wait3A_898] : memref<10240x128xf32, #tpu.memory_space<hbm>> -> memref<10240x128xf32, #tpu.memory_space<hbm>>
      tpu.wait_indirect_dma semaphore(%arg13 : memref<!tpu.dma_semaphore, #tpu.memory_space<semaphore_mem>>) src(%dma_wait3A_899 : memref<10240x128xf32, #tpu.memory_space<hbm>>) dst(%arg10 : memref<80x128xf32, #tpu.memory_space<vmem>>)
      %dma_start3A_900 = arith.constant 1 : i32
      %dma_start3A_901 = arith.constant 6 : i32
      %dma_start3A_902 = arith.constant 0 : i32
      %dma_start3A_903 = tpu.memref_slice %arg9[%dma_start3A_900, %dma_start3A_901, %dma_start3A_902] : memref<2x8x80xi32, #tpu.memory_space<vmem>> -> memref<1x1x80xi32, #tpu.memory_space<vmem>>
      %dma_start3A_904 = tpu.memref_squeeze %dma_start3A_903 : memref<1x1x80xi32, #tpu.memory_space<vmem>> -> memref<80xi32, #tpu.memory_space<vmem>>
      %dma_start3A_905 = arith.constant 0 : i32
      %dma_start3A_906 = arith.constant 0 : i32
      %dma_start3A_907 = tpu.memref_slice %arg7[%dma_start3A_905, %dma_start3A_906] : memref<10240x128xf32, #tpu.memory_space<vmem_shared>> -> memref<10240x128xf32, #tpu.memory_space<vmem_shared>>
      tpu.enqueue_indirect_dma source(%arg10 : memref<80x128xf32, #tpu.memory_space<vmem>>) target(%dma_start3A_907 : memref<10240x128xf32, #tpu.memory_space<vmem_shared>>) offsets(%dma_start3A_904 : memref<80xi32, #tpu.memory_space<vmem>>) semaphore(%arg18 : memref<!tpu.dma_semaphore, #tpu.memory_space<semaphore_mem>>) {add = true}
      %dma_wait3A_908 = arith.constant 1 : i32
      %dma_wait3A_909 = arith.constant 7 : i32
      %dma_wait3A_910 = arith.constant 0 : i32
      %dma_wait3A_911 = tpu.memref_slice %arg8[%dma_wait3A_908, %dma_wait3A_909, %dma_wait3A_910] : memref<2x8x80xi32, #tpu.memory_space<vmem>> -> memref<1x1x80xi32, #tpu.memory_space<vmem>>
      %dma_wait3A_912 = tpu.memref_squeeze %dma_wait3A_911 : memref<1x1x80xi32, #tpu.memory_space<vmem>> -> memref<80xi32, #tpu.memory_space<vmem>>
      %dma_wait3A_913 = arith.constant 0 : i32
      %dma_wait3A_914 = arith.constant 0 : i32
      %dma_wait3A_915 = tpu.memref_slice %arg2[%dma_wait3A_913, %dma_wait3A_914] : memref<10240x128xf32, #tpu.memory_space<hbm>> -> memref<10240x128xf32, #tpu.memory_space<hbm>>
      tpu.wait_indirect_dma semaphore(%arg14 : memref<!tpu.dma_semaphore, #tpu.memory_space<semaphore_mem>>) src(%dma_wait3A_915 : memref<10240x128xf32, #tpu.memory_space<hbm>>) dst(%arg11 : memref<80x128xf32, #tpu.memory_space<vmem>>)
      %dma_start3A_916 = arith.constant 1 : i32
      %dma_start3A_917 = arith.constant 7 : i32
      %dma_start3A_918 = arith.constant 0 : i32
      %dma_start3A_919 = tpu.memref_slice %arg9[%dma_start3A_916, %dma_start3A_917, %dma_start3A_918] : memref<2x8x80xi32, #tpu.memory_space<vmem>> -> memref<1x1x80xi32, #tpu.memory_space<vmem>>
      %dma_start3A_920 = tpu.memref_squeeze %dma_start3A_919 : memref<1x1x80xi32, #tpu.memory_space<vmem>> -> memref<80xi32, #tpu.memory_space<vmem>>
      %dma_start3A_921 = arith.constant 0 : i32
      %dma_start3A_922 = arith.constant 0 : i32
      %dma_start3A_923 = tpu.memref_slice %arg7[%dma_start3A_921, %dma_start3A_922] : memref<10240x128xf32, #tpu.memory_space<vmem_shared>> -> memref<10240x128xf32, #tpu.memory_space<vmem_shared>>
      tpu.enqueue_indirect_dma source(%arg11 : memref<80x128xf32, #tpu.memory_space<vmem>>) target(%dma_start3A_923 : memref<10240x128xf32, #tpu.memory_space<vmem_shared>>) offsets(%dma_start3A_920 : memref<80xi32, #tpu.memory_space<vmem>>) semaphore(%arg19 : memref<!tpu.dma_semaphore, #tpu.memory_space<semaphore_mem>>) {add = true}
      %dma_wait3A_924 = arith.constant 1 : i32
      %dma_wait3A_925 = arith.constant 5 : i32
      %dma_wait3A_926 = arith.constant 0 : i32
      %dma_wait3A_927 = tpu.memref_slice %arg9[%dma_wait3A_924, %dma_wait3A_925, %dma_wait3A_926] : memref<2x8x80xi32, #tpu.memory_space<vmem>> -> memref<1x1x80xi32, #tpu.memory_space<vmem>>
      %dma_wait3A_928 = tpu.memref_squeeze %dma_wait3A_927 : memref<1x1x80xi32, #tpu.memory_space<vmem>> -> memref<80xi32, #tpu.memory_space<vmem>>
      %dma_wait3A_929 = arith.constant 0 : i32
      %dma_wait3A_930 = arith.constant 0 : i32
      %dma_wait3A_931 = tpu.memref_slice %arg7[%dma_wait3A_929, %dma_wait3A_930] : memref<10240x128xf32, #tpu.memory_space<vmem_shared>> -> memref<10240x128xf32, #tpu.memory_space<vmem_shared>>
      tpu.wait_indirect_dma semaphore(%arg20 : memref<!tpu.dma_semaphore, #tpu.memory_space<semaphore_mem>>) src(%arg12 : memref<80x128xf32, #tpu.memory_space<vmem>>) dst(%dma_wait3A_931 : memref<10240x128xf32, #tpu.memory_space<vmem_shared>>)
      %dma_wait3A_932 = arith.constant 1 : i32
      %dma_wait3A_933 = arith.constant 6 : i32
      %dma_wait3A_934 = arith.constant 0 : i32
      %dma_wait3A_935 = tpu.memref_slice %arg9[%dma_wait3A_932, %dma_wait3A_933, %dma_wait3A_934] : memref<2x8x80xi32, #tpu.memory_space<vmem>> -> memref<1x1x80xi32, #tpu.memory_space<vmem>>
      %dma_wait3A_936 = tpu.memref_squeeze %dma_wait3A_935 : memref<1x1x80xi32, #tpu.memory_space<vmem>> -> memref<80xi32, #tpu.memory_space<vmem>>
      %dma_wait3A_937 = arith.constant 0 : i32
      %dma_wait3A_938 = arith.constant 0 : i32
      %dma_wait3A_939 = tpu.memref_slice %arg7[%dma_wait3A_937, %dma_wait3A_938] : memref<10240x128xf32, #tpu.memory_space<vmem_shared>> -> memref<10240x128xf32, #tpu.memory_space<vmem_shared>>
      tpu.wait_indirect_dma semaphore(%arg18 : memref<!tpu.dma_semaphore, #tpu.memory_space<semaphore_mem>>) src(%arg10 : memref<80x128xf32, #tpu.memory_space<vmem>>) dst(%dma_wait3A_939 : memref<10240x128xf32, #tpu.memory_space<vmem_shared>>)
      %dma_wait3A_940 = arith.constant 1 : i32
      %dma_wait3A_941 = arith.constant 7 : i32
      %dma_wait3A_942 = arith.constant 0 : i32
      %dma_wait3A_943 = tpu.memref_slice %arg9[%dma_wait3A_940, %dma_wait3A_941, %dma_wait3A_942] : memref<2x8x80xi32, #tpu.memory_space<vmem>> -> memref<1x1x80xi32, #tpu.memory_space<vmem>>
      %dma_wait3A_944 = tpu.memref_squeeze %dma_wait3A_943 : memref<1x1x80xi32, #tpu.memory_space<vmem>> -> memref<80xi32, #tpu.memory_space<vmem>>
      %dma_wait3A_945 = arith.constant 0 : i32
      %dma_wait3A_946 = arith.constant 0 : i32
      %dma_wait3A_947 = tpu.memref_slice %arg7[%dma_wait3A_945, %dma_wait3A_946] : memref<10240x128xf32, #tpu.memory_space<vmem_shared>> -> memref<10240x128xf32, #tpu.memory_space<vmem_shared>>
      tpu.wait_indirect_dma semaphore(%arg19 : memref<!tpu.dma_semaphore, #tpu.memory_space<semaphore_mem>>) src(%arg11 : memref<80x128xf32, #tpu.memory_space<vmem>>) dst(%dma_wait3A_947 : memref<10240x128xf32, #tpu.memory_space<vmem_shared>>)
    }
    %scan3A_114 = arith.constant 16 : i32
    %dma_wait3A_115 = arith.constant 0 : i32
    %dma_wait3A_116 = arith.constant 0 : i32
    %dma_wait3A_117 = arith.constant 0 : i32
    %dma_wait3A_118 = tpu.memref_slice %arg8[%dma_wait3A_115, %dma_wait3A_116, %dma_wait3A_117] : memref<2x8x80xi32, #tpu.memory_space<vmem>> -> memref<1x8x80xi32, #tpu.memory_space<vmem>>
    %dma_wait3A_119 = tpu.memref_squeeze %dma_wait3A_118 : memref<1x8x80xi32, #tpu.memory_space<vmem>> -> memref<8x80xi32, #tpu.memory_space<vmem>>
    %dma_wait3A_120 = arith.constant 0 : i32
    %dma_wait3A_121 = arith.constant 0 : i32
    %dma_wait3A_122 = tpu.memref_slice %arg3[%dma_wait3A_120, %dma_wait3A_121] : memref<8200x80xi32, #tpu.memory_space<hbm>> -> memref<8x80xi32, #tpu.memory_space<hbm>>
    %dma_wait3A_123 = arith.constant 0 : i32
    %dma_wait3A_124 = arith.constant 0 : i32
    %dma_wait3A_125 = tpu.memref_slice %arg8[%dma_wait3A_115, %dma_wait3A_123, %dma_wait3A_124] : memref<2x8x80xi32, #tpu.memory_space<vmem>> -> memref<1x8x80xi32, #tpu.memory_space<vmem>>
    %dma_wait3A_126 = tpu.memref_squeeze %dma_wait3A_125 : memref<1x8x80xi32, #tpu.memory_space<vmem>> -> memref<8x80xi32, #tpu.memory_space<vmem>>
    %dma_wait3A_127 = arith.constant 0 : i32
    %dma_wait3A_128 = arith.constant 0 : i32
    %dma_wait3A_129 = tpu.memref_slice %arg3[%dma_wait3A_127, %dma_wait3A_128] : memref<8200x80xi32, #tpu.memory_space<hbm>> -> memref<8x80xi32, #tpu.memory_space<hbm>>
    tpu.wait_dma2 semaphore(%arg15 : memref<!tpu.dma_semaphore, #tpu.memory_space<semaphore_mem>>) src(%dma_wait3A_129 : memref<8x80xi32, #tpu.memory_space<hbm>>) dst(%dma_wait3A_126 : memref<8x80xi32, #tpu.memory_space<vmem>>)
    %dma_wait3A_130 = arith.constant 0 : i32
    %dma_wait3A_131 = arith.constant 0 : i32
    %dma_wait3A_132 = arith.constant 0 : i32
    %dma_wait3A_133 = tpu.memref_slice %arg9[%dma_wait3A_130, %dma_wait3A_131, %dma_wait3A_132] : memref<2x8x80xi32, #tpu.memory_space<vmem>> -> memref<1x8x80xi32, #tpu.memory_space<vmem>>
    %dma_wait3A_134 = tpu.memref_squeeze %dma_wait3A_133 : memref<1x8x80xi32, #tpu.memory_space<vmem>> -> memref<8x80xi32, #tpu.memory_space<vmem>>
    %dma_wait3A_135 = arith.constant 0 : i32
    %dma_wait3A_136 = arith.constant 0 : i32
    %dma_wait3A_137 = tpu.memref_slice %arg4[%dma_wait3A_135, %dma_wait3A_136] : memref<8200x80xi32, #tpu.memory_space<hbm>> -> memref<8x80xi32, #tpu.memory_space<hbm>>
    %dma_wait3A_138 = arith.constant 0 : i32
    %dma_wait3A_139 = arith.constant 0 : i32
    %dma_wait3A_140 = tpu.memref_slice %arg9[%dma_wait3A_130, %dma_wait3A_138, %dma_wait3A_139] : memref<2x8x80xi32, #tpu.memory_space<vmem>> -> memref<1x8x80xi32, #tpu.memory_space<vmem>>
    %dma_wait3A_141 = tpu.memref_squeeze %dma_wait3A_140 : memref<1x8x80xi32, #tpu.memory_space<vmem>> -> memref<8x80xi32, #tpu.memory_space<vmem>>
    %dma_wait3A_142 = arith.constant 0 : i32
    %dma_wait3A_143 = arith.constant 0 : i32
    %dma_wait3A_144 = tpu.memref_slice %arg4[%dma_wait3A_142, %dma_wait3A_143] : memref<8200x80xi32, #tpu.memory_space<hbm>> -> memref<8x80xi32, #tpu.memory_space<hbm>>
    tpu.wait_dma2 semaphore(%arg16 : memref<!tpu.dma_semaphore, #tpu.memory_space<semaphore_mem>>) src(%dma_wait3A_144 : memref<8x80xi32, #tpu.memory_space<hbm>>) dst(%dma_wait3A_141 : memref<8x80xi32, #tpu.memory_space<vmem>>)
    %barrier3A_145 = arith.constant 0 : index
    tpu.barrier barrier_id(%barrier3A_145)
    %mul3A_146 = arith.constant 10240 : i32
    %mul3A_147 = arith.muli %arg0, %mul3A_146 : i32
    %add3A_148 = arith.addi %mul3A_147, %mul3A_0 : i32
    %dma_start3A_149 = arith.constant 0 : i32
    %dma_start3A_150 = tpu.memref_slice %arg7[%mul3A_0, %dma_start3A_149] : memref<10240x128xf32, #tpu.memory_space<vmem_shared>> -> memref<80x128xf32, #tpu.memory_space<vmem_shared>>
    %dma_start3A_151 = arith.constant 0 : i32
    %dma_start3A_152 = tpu.memref_slice %arg7[%mul3A_0, %dma_start3A_151] : memref<10240x128xf32, #tpu.memory_space<vmem_shared>> -> memref<80x128xf32, #tpu.memory_space<vmem_shared>>
    tpu.enqueue_dma source(%dma_start3A_152 : memref<80x128xf32, #tpu.memory_space<vmem_shared>>) target(%arg10 : memref<80x128xf32, #tpu.memory_space<vmem>>) target_semaphore(%arg13 : memref<!tpu.dma_semaphore, #tpu.memory_space<semaphore_mem>>)
    %add3A_153 = arith.constant 80 : i32
    %add3A_154 = arith.addi %mul3A_0, %add3A_153 : i32
    %dma_start3A_155 = arith.constant 0 : i32
    %dma_start3A_156 = tpu.memref_slice %arg7[%add3A_154, %dma_start3A_155] : memref<10240x128xf32, #tpu.memory_space<vmem_shared>> -> memref<80x128xf32, #tpu.memory_space<vmem_shared>>
    %dma_start3A_157 = arith.constant 0 : i32
    %dma_start3A_158 = tpu.memref_slice %arg7[%add3A_154, %dma_start3A_157] : memref<10240x128xf32, #tpu.memory_space<vmem_shared>> -> memref<80x128xf32, #tpu.memory_space<vmem_shared>>
    tpu.enqueue_dma source(%dma_start3A_158 : memref<80x128xf32, #tpu.memory_space<vmem_shared>>) target(%arg11 : memref<80x128xf32, #tpu.memory_space<vmem>>) target_semaphore(%arg14 : memref<!tpu.dma_semaphore, #tpu.memory_space<semaphore_mem>>)
    %dma_wait3A_159 = arith.constant 0 : i32
    %dma_wait3A_160 = tpu.memref_slice %arg7[%mul3A_0, %dma_wait3A_159] : memref<10240x128xf32, #tpu.memory_space<vmem_shared>> -> memref<80x128xf32, #tpu.memory_space<vmem_shared>>
    %dma_wait3A_161 = arith.constant 0 : i32
    %dma_wait3A_162 = tpu.memref_slice %arg7[%mul3A_0, %dma_wait3A_161] : memref<10240x128xf32, #tpu.memory_space<vmem_shared>> -> memref<80x128xf32, #tpu.memory_space<vmem_shared>>
    tpu.wait_dma2 semaphore(%arg13 : memref<!tpu.dma_semaphore, #tpu.memory_space<semaphore_mem>>) src(%dma_wait3A_162 : memref<80x128xf32, #tpu.memory_space<vmem_shared>>) dst(%arg10 : memref<80x128xf32, #tpu.memory_space<vmem>>)
    %add3A_163 = arith.constant 0 : i32
    %add3A_164 = arith.addi %add3A_148, %add3A_163 : i32
    %dma_start3A_165 = arith.constant 0 : i32
    %dma_start3A_166 = tpu.memref_slice %arg6[%add3A_164, %dma_start3A_165] : memref<20480x128xf32, #tpu.memory_space<hbm>> -> memref<80x128xf32, #tpu.memory_space<hbm>>
    %dma_start3A_167 = arith.constant 0 : i32
    %dma_start3A_168 = tpu.memref_slice %arg6[%add3A_164, %dma_start3A_167] : memref<20480x128xf32, #tpu.memory_space<hbm>> -> memref<80x128xf32, #tpu.memory_space<hbm>>
    tpu.enqueue_dma source(%arg10 : memref<80x128xf32, #tpu.memory_space<vmem>>) target(%dma_start3A_168 : memref<80x128xf32, #tpu.memory_space<hbm>>) target_semaphore(%arg15 : memref<!tpu.dma_semaphore, #tpu.memory_space<semaphore_mem>>)
    %dma_wait3A_169 = arith.constant 0 : i32
    %dma_wait3A_170 = tpu.memref_slice %arg6[%add3A_164, %dma_wait3A_169] : memref<20480x128xf32, #tpu.memory_space<hbm>> -> memref<80x128xf32, #tpu.memory_space<hbm>>
    %dma_wait3A_171 = arith.constant 0 : i32
    %dma_wait3A_172 = tpu.memref_slice %arg6[%add3A_164, %dma_wait3A_171] : memref<20480x128xf32, #tpu.memory_space<hbm>> -> memref<80x128xf32, #tpu.memory_space<hbm>>
    tpu.wait_dma2 semaphore(%arg15 : memref<!tpu.dma_semaphore, #tpu.memory_space<semaphore_mem>>) src(%arg10 : memref<80x128xf32, #tpu.memory_space<vmem>>) dst(%dma_wait3A_172 : memref<80x128xf32, #tpu.memory_space<hbm>>)
    %add3A_173 = arith.constant 160 : i32
    %add3A_174 = arith.addi %mul3A_0, %add3A_173 : i32
    %dma_start3A_175 = arith.constant 0 : i32
    %dma_start3A_176 = tpu.memref_slice %arg7[%add3A_174, %dma_start3A_175] : memref<10240x128xf32, #tpu.memory_space<vmem_shared>> -> memref<80x128xf32, #tpu.memory_space<vmem_shared>>
    %dma_start3A_177 = arith.constant 0 : i32
    %dma_start3A_178 = tpu.memref_slice %arg7[%add3A_174, %dma_start3A_177] : memref<10240x128xf32, #tpu.memory_space<vmem_shared>> -> memref<80x128xf32, #tpu.memory_space<vmem_shared>>
    tpu.enqueue_dma source(%dma_start3A_178 : memref<80x128xf32, #tpu.memory_space<vmem_shared>>) target(%arg10 : memref<80x128xf32, #tpu.memory_space<vmem>>) target_semaphore(%arg13 : memref<!tpu.dma_semaphore, #tpu.memory_space<semaphore_mem>>)
    %dma_wait3A_179 = arith.constant 0 : i32
    %dma_wait3A_180 = tpu.memref_slice %arg7[%add3A_154, %dma_wait3A_179] : memref<10240x128xf32, #tpu.memory_space<vmem_shared>> -> memref<80x128xf32, #tpu.memory_space<vmem_shared>>
    %dma_wait3A_181 = arith.constant 0 : i32
    %dma_wait3A_182 = tpu.memref_slice %arg7[%add3A_154, %dma_wait3A_181] : memref<10240x128xf32, #tpu.memory_space<vmem_shared>> -> memref<80x128xf32, #tpu.memory_space<vmem_shared>>
    tpu.wait_dma2 semaphore(%arg14 : memref<!tpu.dma_semaphore, #tpu.memory_space<semaphore_mem>>) src(%dma_wait3A_182 : memref<80x128xf32, #tpu.memory_space<vmem_shared>>) dst(%arg11 : memref<80x128xf32, #tpu.memory_space<vmem>>)
    %add3A_183 = arith.constant 80 : i32
    %add3A_184 = arith.addi %add3A_148, %add3A_183 : i32
    %dma_start3A_185 = arith.constant 0 : i32
    %dma_start3A_186 = tpu.memref_slice %arg6[%add3A_184, %dma_start3A_185] : memref<20480x128xf32, #tpu.memory_space<hbm>> -> memref<80x128xf32, #tpu.memory_space<hbm>>
    %dma_start3A_187 = arith.constant 0 : i32
    %dma_start3A_188 = tpu.memref_slice %arg6[%add3A_184, %dma_start3A_187] : memref<20480x128xf32, #tpu.memory_space<hbm>> -> memref<80x128xf32, #tpu.memory_space<hbm>>
    tpu.enqueue_dma source(%arg11 : memref<80x128xf32, #tpu.memory_space<vmem>>) target(%dma_start3A_188 : memref<80x128xf32, #tpu.memory_space<hbm>>) target_semaphore(%arg16 : memref<!tpu.dma_semaphore, #tpu.memory_space<semaphore_mem>>)
    %dma_wait3A_189 = arith.constant 0 : i32
    %dma_wait3A_190 = tpu.memref_slice %arg6[%add3A_184, %dma_wait3A_189] : memref<20480x128xf32, #tpu.memory_space<hbm>> -> memref<80x128xf32, #tpu.memory_space<hbm>>
    %dma_wait3A_191 = arith.constant 0 : i32
    %dma_wait3A_192 = tpu.memref_slice %arg6[%add3A_184, %dma_wait3A_191] : memref<20480x128xf32, #tpu.memory_space<hbm>> -> memref<80x128xf32, #tpu.memory_space<hbm>>
    tpu.wait_dma2 semaphore(%arg16 : memref<!tpu.dma_semaphore, #tpu.memory_space<semaphore_mem>>) src(%arg11 : memref<80x128xf32, #tpu.memory_space<vmem>>) dst(%dma_wait3A_192 : memref<80x128xf32, #tpu.memory_space<hbm>>)
    %add3A_193 = arith.constant 240 : i32
    %add3A_194 = arith.addi %mul3A_0, %add3A_193 : i32
    %dma_start3A_195 = arith.constant 0 : i32
    %dma_start3A_196 = tpu.memref_slice %arg7[%add3A_194, %dma_start3A_195] : memref<10240x128xf32, #tpu.memory_space<vmem_shared>> -> memref<80x128xf32, #tpu.memory_space<vmem_shared>>
    %dma_start3A_197 = arith.constant 0 : i32
    %dma_start3A_198 = tpu.memref_slice %arg7[%add3A_194, %dma_start3A_197] : memref<10240x128xf32, #tpu.memory_space<vmem_shared>> -> memref<80x128xf32, #tpu.memory_space<vmem_shared>>
    tpu.enqueue_dma source(%dma_start3A_198 : memref<80x128xf32, #tpu.memory_space<vmem_shared>>) target(%arg11 : memref<80x128xf32, #tpu.memory_space<vmem>>) target_semaphore(%arg14 : memref<!tpu.dma_semaphore, #tpu.memory_space<semaphore_mem>>)
    %dma_wait3A_199 = arith.constant 0 : i32
    %dma_wait3A_200 = tpu.memref_slice %arg7[%add3A_174, %dma_wait3A_199] : memref<10240x128xf32, #tpu.memory_space<vmem_shared>> -> memref<80x128xf32, #tpu.memory_space<vmem_shared>>
    %dma_wait3A_201 = arith.constant 0 : i32
    %dma_wait3A_202 = tpu.memref_slice %arg7[%add3A_174, %dma_wait3A_201] : memref<10240x128xf32, #tpu.memory_space<vmem_shared>> -> memref<80x128xf32, #tpu.memory_space<vmem_shared>>
    tpu.wait_dma2 semaphore(%arg13 : memref<!tpu.dma_semaphore, #tpu.memory_space<semaphore_mem>>) src(%dma_wait3A_202 : memref<80x128xf32, #tpu.memory_space<vmem_shared>>) dst(%arg10 : memref<80x128xf32, #tpu.memory_space<vmem>>)
    %add3A_203 = arith.constant 160 : i32
    %add3A_204 = arith.addi %add3A_148, %add3A_203 : i32
    %dma_start3A_205 = arith.constant 0 : i32
    %dma_start3A_206 = tpu.memref_slice %arg6[%add3A_204, %dma_start3A_205] : memref<20480x128xf32, #tpu.memory_space<hbm>> -> memref<80x128xf32, #tpu.memory_space<hbm>>
    %dma_start3A_207 = arith.constant 0 : i32
    %dma_start3A_208 = tpu.memref_slice %arg6[%add3A_204, %dma_start3A_207] : memref<20480x128xf32, #tpu.memory_space<hbm>> -> memref<80x128xf32, #tpu.memory_space<hbm>>
    tpu.enqueue_dma source(%arg10 : memref<80x128xf32, #tpu.memory_space<vmem>>) target(%dma_start3A_208 : memref<80x128xf32, #tpu.memory_space<hbm>>) target_semaphore(%arg15 : memref<!tpu.dma_semaphore, #tpu.memory_space<semaphore_mem>>)
    %dma_wait3A_209 = arith.constant 0 : i32
    %dma_wait3A_210 = tpu.memref_slice %arg6[%add3A_204, %dma_wait3A_209] : memref<20480x128xf32, #tpu.memory_space<hbm>> -> memref<80x128xf32, #tpu.memory_space<hbm>>
    %dma_wait3A_211 = arith.constant 0 : i32
    %dma_wait3A_212 = tpu.memref_slice %arg6[%add3A_204, %dma_wait3A_211] : memref<20480x128xf32, #tpu.memory_space<hbm>> -> memref<80x128xf32, #tpu.memory_space<hbm>>
    tpu.wait_dma2 semaphore(%arg15 : memref<!tpu.dma_semaphore, #tpu.memory_space<semaphore_mem>>) src(%arg10 : memref<80x128xf32, #tpu.memory_space<vmem>>) dst(%dma_wait3A_212 : memref<80x128xf32, #tpu.memory_space<hbm>>)
    %add3A_213 = arith.constant 320 : i32
    %add3A_214 = arith.addi %mul3A_0, %add3A_213 : i32
    %dma_start3A_215 = arith.constant 0 : i32
    %dma_start3A_216 = tpu.memref_slice %arg7[%add3A_214, %dma_start3A_215] : memref<10240x128xf32, #tpu.memory_space<vmem_shared>> -> memref<80x128xf32, #tpu.memory_space<vmem_shared>>
    %dma_start3A_217 = arith.constant 0 : i32
    %dma_start3A_218 = tpu.memref_slice %arg7[%add3A_214, %dma_start3A_217] : memref<10240x128xf32, #tpu.memory_space<vmem_shared>> -> memref<80x128xf32, #tpu.memory_space<vmem_shared>>
    tpu.enqueue_dma source(%dma_start3A_218 : memref<80x128xf32, #tpu.memory_space<vmem_shared>>) target(%arg10 : memref<80x128xf32, #tpu.memory_space<vmem>>) target_semaphore(%arg13 : memref<!tpu.dma_semaphore, #tpu.memory_space<semaphore_mem>>)
    %dma_wait3A_219 = arith.constant 0 : i32
    %dma_wait3A_220 = tpu.memref_slice %arg7[%add3A_194, %dma_wait3A_219] : memref<10240x128xf32, #tpu.memory_space<vmem_shared>> -> memref<80x128xf32, #tpu.memory_space<vmem_shared>>
    %dma_wait3A_221 = arith.constant 0 : i32
    %dma_wait3A_222 = tpu.memref_slice %arg7[%add3A_194, %dma_wait3A_221] : memref<10240x128xf32, #tpu.memory_space<vmem_shared>> -> memref<80x128xf32, #tpu.memory_space<vmem_shared>>
    tpu.wait_dma2 semaphore(%arg14 : memref<!tpu.dma_semaphore, #tpu.memory_space<semaphore_mem>>) src(%dma_wait3A_222 : memref<80x128xf32, #tpu.memory_space<vmem_shared>>) dst(%arg11 : memref<80x128xf32, #tpu.memory_space<vmem>>)
    %add3A_223 = arith.constant 240 : i32
    %add3A_224 = arith.addi %add3A_148, %add3A_223 : i32
    %dma_start3A_225 = arith.constant 0 : i32
    %dma_start3A_226 = tpu.memref_slice %arg6[%add3A_224, %dma_start3A_225] : memref<20480x128xf32, #tpu.memory_space<hbm>> -> memref<80x128xf32, #tpu.memory_space<hbm>>
    %dma_start3A_227 = arith.constant 0 : i32
    %dma_start3A_228 = tpu.memref_slice %arg6[%add3A_224, %dma_start3A_227] : memref<20480x128xf32, #tpu.memory_space<hbm>> -> memref<80x128xf32, #tpu.memory_space<hbm>>
    tpu.enqueue_dma source(%arg11 : memref<80x128xf32, #tpu.memory_space<vmem>>) target(%dma_start3A_228 : memref<80x128xf32, #tpu.memory_space<hbm>>) target_semaphore(%arg16 : memref<!tpu.dma_semaphore, #tpu.memory_space<semaphore_mem>>)
    %dma_wait3A_229 = arith.constant 0 : i32
    %dma_wait3A_230 = tpu.memref_slice %arg6[%add3A_224, %dma_wait3A_229] : memref<20480x128xf32, #tpu.memory_space<hbm>> -> memref<80x128xf32, #tpu.memory_space<hbm>>
    %dma_wait3A_231 = arith.constant 0 : i32
    %dma_wait3A_232 = tpu.memref_slice %arg6[%add3A_224, %dma_wait3A_231] : memref<20480x128xf32, #tpu.memory_space<hbm>> -> memref<80x128xf32, #tpu.memory_space<hbm>>
    tpu.wait_dma2 semaphore(%arg16 : memref<!tpu.dma_semaphore, #tpu.memory_space<semaphore_mem>>) src(%arg11 : memref<80x128xf32, #tpu.memory_space<vmem>>) dst(%dma_wait3A_232 : memref<80x128xf32, #tpu.memory_space<hbm>>)
    %add3A_233 = arith.constant 400 : i32
    %add3A_234 = arith.addi %mul3A_0, %add3A_233 : i32
    %dma_start3A_235 = arith.constant 0 : i32
    %dma_start3A_236 = tpu.memref_slice %arg7[%add3A_234, %dma_start3A_235] : memref<10240x128xf32, #tpu.memory_space<vmem_shared>> -> memref<80x128xf32, #tpu.memory_space<vmem_shared>>
    %dma_start3A_237 = arith.constant 0 : i32
    %dma_start3A_238 = tpu.memref_slice %arg7[%add3A_234, %dma_start3A_237] : memref<10240x128xf32, #tpu.memory_space<vmem_shared>> -> memref<80x128xf32, #tpu.memory_space<vmem_shared>>
    tpu.enqueue_dma source(%dma_start3A_238 : memref<80x128xf32, #tpu.memory_space<vmem_shared>>) target(%arg11 : memref<80x128xf32, #tpu.memory_space<vmem>>) target_semaphore(%arg14 : memref<!tpu.dma_semaphore, #tpu.memory_space<semaphore_mem>>)
    %dma_wait3A_239 = arith.constant 0 : i32
    %dma_wait3A_240 = tpu.memref_slice %arg7[%add3A_214, %dma_wait3A_239] : memref<10240x128xf32, #tpu.memory_space<vmem_shared>> -> memref<80x128xf32, #tpu.memory_space<vmem_shared>>
    %dma_wait3A_241 = arith.constant 0 : i32
    %dma_wait3A_242 = tpu.memref_slice %arg7[%add3A_214, %dma_wait3A_241] : memref<10240x128xf32, #tpu.memory_space<vmem_shared>> -> memref<80x128xf32, #tpu.memory_space<vmem_shared>>
    tpu.wait_dma2 semaphore(%arg13 : memref<!tpu.dma_semaphore, #tpu.memory_space<semaphore_mem>>) src(%dma_wait3A_242 : memref<80x128xf32, #tpu.memory_space<vmem_shared>>) dst(%arg10 : memref<80x128xf32, #tpu.memory_space<vmem>>)
    %add3A_243 = arith.constant 320 : i32
    %add3A_244 = arith.addi %add3A_148, %add3A_243 : i32
    %dma_start3A_245 = arith.constant 0 : i32
    %dma_start3A_246 = tpu.memref_slice %arg6[%add3A_244, %dma_start3A_245] : memref<20480x128xf32, #tpu.memory_space<hbm>> -> memref<80x128xf32, #tpu.memory_space<hbm>>
    %dma_start3A_247 = arith.constant 0 : i32
    %dma_start3A_248 = tpu.memref_slice %arg6[%add3A_244, %dma_start3A_247] : memref<20480x128xf32, #tpu.memory_space<hbm>> -> memref<80x128xf32, #tpu.memory_space<hbm>>
    tpu.enqueue_dma source(%arg10 : memref<80x128xf32, #tpu.memory_space<vmem>>) target(%dma_start3A_248 : memref<80x128xf32, #tpu.memory_space<hbm>>) target_semaphore(%arg15 : memref<!tpu.dma_semaphore, #tpu.memory_space<semaphore_mem>>)
    %dma_wait3A_249 = arith.constant 0 : i32
    %dma_wait3A_250 = tpu.memref_slice %arg6[%add3A_244, %dma_wait3A_249] : memref<20480x128xf32, #tpu.memory_space<hbm>> -> memref<80x128xf32, #tpu.memory_space<hbm>>
    %dma_wait3A_251 = arith.constant 0 : i32
    %dma_wait3A_252 = tpu.memref_slice %arg6[%add3A_244, %dma_wait3A_251] : memref<20480x128xf32, #tpu.memory_space<hbm>> -> memref<80x128xf32, #tpu.memory_space<hbm>>
    tpu.wait_dma2 semaphore(%arg15 : memref<!tpu.dma_semaphore, #tpu.memory_space<semaphore_mem>>) src(%arg10 : memref<80x128xf32, #tpu.memory_space<vmem>>) dst(%dma_wait3A_252 : memref<80x128xf32, #tpu.memory_space<hbm>>)
    %add3A_253 = arith.constant 480 : i32
    %add3A_254 = arith.addi %mul3A_0, %add3A_253 : i32
    %dma_start3A_255 = arith.constant 0 : i32
    %dma_start3A_256 = tpu.memref_slice %arg7[%add3A_254, %dma_start3A_255] : memref<10240x128xf32, #tpu.memory_space<vmem_shared>> -> memref<80x128xf32, #tpu.memory_space<vmem_shared>>
    %dma_start3A_257 = arith.constant 0 : i32
    %dma_start3A_258 = tpu.memref_slice %arg7[%add3A_254, %dma_start3A_257] : memref<10240x128xf32, #tpu.memory_space<vmem_shared>> -> memref<80x128xf32, #tpu.memory_space<vmem_shared>>
    tpu.enqueue_dma source(%dma_start3A_258 : memref<80x128xf32, #tpu.memory_space<vmem_shared>>) target(%arg10 : memref<80x128xf32, #tpu.memory_space<vmem>>) target_semaphore(%arg13 : memref<!tpu.dma_semaphore, #tpu.memory_space<semaphore_mem>>)
    %dma_wait3A_259 = arith.constant 0 : i32
    %dma_wait3A_260 = tpu.memref_slice %arg7[%add3A_234, %dma_wait3A_259] : memref<10240x128xf32, #tpu.memory_space<vmem_shared>> -> memref<80x128xf32, #tpu.memory_space<vmem_shared>>
    %dma_wait3A_261 = arith.constant 0 : i32
    %dma_wait3A_262 = tpu.memref_slice %arg7[%add3A_234, %dma_wait3A_261] : memref<10240x128xf32, #tpu.memory_space<vmem_shared>> -> memref<80x128xf32, #tpu.memory_space<vmem_shared>>
    tpu.wait_dma2 semaphore(%arg14 : memref<!tpu.dma_semaphore, #tpu.memory_space<semaphore_mem>>) src(%dma_wait3A_262 : memref<80x128xf32, #tpu.memory_space<vmem_shared>>) dst(%arg11 : memref<80x128xf32, #tpu.memory_space<vmem>>)
    %add3A_263 = arith.constant 400 : i32
    %add3A_264 = arith.addi %add3A_148, %add3A_263 : i32
    %dma_start3A_265 = arith.constant 0 : i32
    %dma_start3A_266 = tpu.memref_slice %arg6[%add3A_264, %dma_start3A_265] : memref<20480x128xf32, #tpu.memory_space<hbm>> -> memref<80x128xf32, #tpu.memory_space<hbm>>
    %dma_start3A_267 = arith.constant 0 : i32
    %dma_start3A_268 = tpu.memref_slice %arg6[%add3A_264, %dma_start3A_267] : memref<20480x128xf32, #tpu.memory_space<hbm>> -> memref<80x128xf32, #tpu.memory_space<hbm>>
    tpu.enqueue_dma source(%arg11 : memref<80x128xf32, #tpu.memory_space<vmem>>) target(%dma_start3A_268 : memref<80x128xf32, #tpu.memory_space<hbm>>) target_semaphore(%arg16 : memref<!tpu.dma_semaphore, #tpu.memory_space<semaphore_mem>>)
    %dma_wait3A_269 = arith.constant 0 : i32
    %dma_wait3A_270 = tpu.memref_slice %arg6[%add3A_264, %dma_wait3A_269] : memref<20480x128xf32, #tpu.memory_space<hbm>> -> memref<80x128xf32, #tpu.memory_space<hbm>>
    %dma_wait3A_271 = arith.constant 0 : i32
    %dma_wait3A_272 = tpu.memref_slice %arg6[%add3A_264, %dma_wait3A_271] : memref<20480x128xf32, #tpu.memory_space<hbm>> -> memref<80x128xf32, #tpu.memory_space<hbm>>
    tpu.wait_dma2 semaphore(%arg16 : memref<!tpu.dma_semaphore, #tpu.memory_space<semaphore_mem>>) src(%arg11 : memref<80x128xf32, #tpu.memory_space<vmem>>) dst(%dma_wait3A_272 : memref<80x128xf32, #tpu.memory_space<hbm>>)
    %add3A_273 = arith.constant 560 : i32
    %add3A_274 = arith.addi %mul3A_0, %add3A_273 : i32
    %dma_start3A_275 = arith.constant 0 : i32
    %dma_start3A_276 = tpu.memref_slice %arg7[%add3A_274, %dma_start3A_275] : memref<10240x128xf32, #tpu.memory_space<vmem_shared>> -> memref<80x128xf32, #tpu.memory_space<vmem_shared>>
    %dma_start3A_277 = arith.constant 0 : i32
    %dma_start3A_278 = tpu.memref_slice %arg7[%add3A_274, %dma_start3A_277] : memref<10240x128xf32, #tpu.memory_space<vmem_shared>> -> memref<80x128xf32, #tpu.memory_space<vmem_shared>>
    tpu.enqueue_dma source(%dma_start3A_278 : memref<80x128xf32, #tpu.memory_space<vmem_shared>>) target(%arg11 : memref<80x128xf32, #tpu.memory_space<vmem>>) target_semaphore(%arg14 : memref<!tpu.dma_semaphore, #tpu.memory_space<semaphore_mem>>)
    %dma_wait3A_279 = arith.constant 0 : i32
    %dma_wait3A_280 = tpu.memref_slice %arg7[%add3A_254, %dma_wait3A_279] : memref<10240x128xf32, #tpu.memory_space<vmem_shared>> -> memref<80x128xf32, #tpu.memory_space<vmem_shared>>
    %dma_wait3A_281 = arith.constant 0 : i32
    %dma_wait3A_282 = tpu.memref_slice %arg7[%add3A_254, %dma_wait3A_281] : memref<10240x128xf32, #tpu.memory_space<vmem_shared>> -> memref<80x128xf32, #tpu.memory_space<vmem_shared>>
    tpu.wait_dma2 semaphore(%arg13 : memref<!tpu.dma_semaphore, #tpu.memory_space<semaphore_mem>>) src(%dma_wait3A_282 : memref<80x128xf32, #tpu.memory_space<vmem_shared>>) dst(%arg10 : memref<80x128xf32, #tpu.memory_space<vmem>>)
    %add3A_283 = arith.constant 480 : i32
    %add3A_284 = arith.addi %add3A_148, %add3A_283 : i32
    %dma_start3A_285 = arith.constant 0 : i32
    %dma_start3A_286 = tpu.memref_slice %arg6[%add3A_284, %dma_start3A_285] : memref<20480x128xf32, #tpu.memory_space<hbm>> -> memref<80x128xf32, #tpu.memory_space<hbm>>
    %dma_start3A_287 = arith.constant 0 : i32
    %dma_start3A_288 = tpu.memref_slice %arg6[%add3A_284, %dma_start3A_287] : memref<20480x128xf32, #tpu.memory_space<hbm>> -> memref<80x128xf32, #tpu.memory_space<hbm>>
    tpu.enqueue_dma source(%arg10 : memref<80x128xf32, #tpu.memory_space<vmem>>) target(%dma_start3A_288 : memref<80x128xf32, #tpu.memory_space<hbm>>) target_semaphore(%arg15 : memref<!tpu.dma_semaphore, #tpu.memory_space<semaphore_mem>>)
    %dma_wait3A_289 = arith.constant 0 : i32
    %dma_wait3A_290 = tpu.memref_slice %arg7[%add3A_274, %dma_wait3A_289] : memref<10240x128xf32, #tpu.memory_space<vmem_shared>> -> memref<80x128xf32, #tpu.memory_space<vmem_shared>>
    %dma_wait3A_291 = arith.constant 0 : i32
    %dma_wait3A_292 = tpu.memref_slice %arg7[%add3A_274, %dma_wait3A_291] : memref<10240x128xf32, #tpu.memory_space<vmem_shared>> -> memref<80x128xf32, #tpu.memory_space<vmem_shared>>
    tpu.wait_dma2 semaphore(%arg14 : memref<!tpu.dma_semaphore, #tpu.memory_space<semaphore_mem>>) src(%dma_wait3A_292 : memref<80x128xf32, #tpu.memory_space<vmem_shared>>) dst(%arg11 : memref<80x128xf32, #tpu.memory_space<vmem>>)
    %add3A_293 = arith.constant 560 : i32
    %add3A_294 = arith.addi %add3A_148, %add3A_293 : i32
    %dma_start3A_295 = arith.constant 0 : i32
    %dma_start3A_296 = tpu.memref_slice %arg6[%add3A_294, %dma_start3A_295] : memref<20480x128xf32, #tpu.memory_space<hbm>> -> memref<80x128xf32, #tpu.memory_space<hbm>>
    %dma_start3A_297 = arith.constant 0 : i32
    %dma_start3A_298 = tpu.memref_slice %arg6[%add3A_294, %dma_start3A_297] : memref<20480x128xf32, #tpu.memory_space<hbm>> -> memref<80x128xf32, #tpu.memory_space<hbm>>
    tpu.enqueue_dma source(%arg11 : memref<80x128xf32, #tpu.memory_space<vmem>>) target(%dma_start3A_298 : memref<80x128xf32, #tpu.memory_space<hbm>>) target_semaphore(%arg16 : memref<!tpu.dma_semaphore, #tpu.memory_space<semaphore_mem>>)
    %dma_wait3A_299 = arith.constant 0 : i32
    %dma_wait3A_300 = tpu.memref_slice %arg6[%add3A_284, %dma_wait3A_299] : memref<20480x128xf32, #tpu.memory_space<hbm>> -> memref<80x128xf32, #tpu.memory_space<hbm>>
    %dma_wait3A_301 = arith.constant 0 : i32
    %dma_wait3A_302 = tpu.memref_slice %arg6[%add3A_284, %dma_wait3A_301] : memref<20480x128xf32, #tpu.memory_space<hbm>> -> memref<80x128xf32, #tpu.memory_space<hbm>>
    tpu.wait_dma2 semaphore(%arg15 : memref<!tpu.dma_semaphore, #tpu.memory_space<semaphore_mem>>) src(%arg10 : memref<80x128xf32, #tpu.memory_space<vmem>>) dst(%dma_wait3A_302 : memref<80x128xf32, #tpu.memory_space<hbm>>)
    %dma_wait3A_303 = arith.constant 0 : i32
    %dma_wait3A_304 = tpu.memref_slice %arg6[%add3A_294, %dma_wait3A_303] : memref<20480x128xf32, #tpu.memory_space<hbm>> -> memref<80x128xf32, #tpu.memory_space<hbm>>
    %dma_wait3A_305 = arith.constant 0 : i32
    %dma_wait3A_306 = tpu.memref_slice %arg6[%add3A_294, %dma_wait3A_305] : memref<20480x128xf32, #tpu.memory_space<hbm>> -> memref<80x128xf32, #tpu.memory_space<hbm>>
    tpu.wait_dma2 semaphore(%arg16 : memref<!tpu.dma_semaphore, #tpu.memory_space<semaphore_mem>>) src(%arg11 : memref<80x128xf32, #tpu.memory_space<vmem>>) dst(%dma_wait3A_306 : memref<80x128xf32, #tpu.memory_space<hbm>>)
    return
  }
}

module attributes {stable_mosaic.version = 14 : i64} {
  func.func @_stage_a_body(%arg0: i32, %arg1: memref<1000x789xf32, #tpu.memory_space<vmem>>, %arg2: memref<789x128xf32, #tpu.memory_space<vmem>>, %arg3: memref<1x128xf32, #tpu.memory_space<vmem>>, %arg4: memref<128x128xf32, #tpu.memory_space<vmem>>, %arg5: memref<1x128xf32, #tpu.memory_space<vmem>>, %arg6: memref<128x128xf32, #tpu.memory_space<vmem>>, %arg7: memref<1x128xf32, #tpu.memory_space<vmem>>, %arg8: memref<128x128xf32, #tpu.memory_space<vmem>>, %arg9: memref<1x128xf32, #tpu.memory_space<vmem>>, %arg10: memref<1x1xf32, #tpu.memory_space<vmem>>, %arg11: memref<1000x128xf32, #tpu.memory_space<vmem>>, %arg12: memref<1000x128xf32, #tpu.memory_space<vmem>>) attributes {dimension_semantics = [#tpu.dimension_semantics<arbitrary>], iteration_bounds = array<i64: 10>, scalar_prefetch = 0 : i64, scratch_operands = 0 : i64, tpu.core_type = #tpu.core_type<tc>, window_params = [{transform_indices = @transform_0, window_bounds = array<i64: 1000, 789>}, {pipeline_mode = #tpu.pipeline_mode<synchronous>, transform_indices = @transform_1, window_bounds = array<i64: 789, 128>}, {pipeline_mode = #tpu.pipeline_mode<synchronous>, transform_indices = @transform_2, window_bounds = array<i64: 1, 128>}, {pipeline_mode = #tpu.pipeline_mode<synchronous>, transform_indices = @transform_3, window_bounds = array<i64: 128, 128>}, {pipeline_mode = #tpu.pipeline_mode<synchronous>, transform_indices = @transform_4, window_bounds = array<i64: 1, 128>}, {pipeline_mode = #tpu.pipeline_mode<synchronous>, transform_indices = @transform_5, window_bounds = array<i64: 128, 128>}, {pipeline_mode = #tpu.pipeline_mode<synchronous>, transform_indices = @transform_6, window_bounds = array<i64: 1, 128>}, {pipeline_mode = #tpu.pipeline_mode<synchronous>, transform_indices = @transform_7, window_bounds = array<i64: 128, 128>}, {pipeline_mode = #tpu.pipeline_mode<synchronous>, transform_indices = @transform_8, window_bounds = array<i64: 1, 128>}, {pipeline_mode = #tpu.pipeline_mode<synchronous>, transform_indices = @transform_9, window_bounds = array<i64: 1, 1>}, {transform_indices = @transform_10, window_bounds = array<i64: 1000, 128>}, {transform_indices = @transform_11, window_bounds = array<i64: 1000, 128>}]} {
    %get3A = arith.constant 0 : index
    %get3A_0 = arith.constant 0 : index
    %get3A_1 = vector.load %arg10[%get3A, %get3A_0] : memref<1x1xf32, #tpu.memory_space<vmem>>, vector<1x1xf32>
    %get3A_2 = vector.extract %get3A_1[0, 0] : f32 from vector<1x1xf32>
    %get3A_3 = arith.constant 0 : index
    %get3A_4 = arith.constant 0 : index
    %get3A_5 = vector.load %arg1[%get3A_3, %get3A_4] : memref<1000x789xf32, #tpu.memory_space<vmem>>, vector<1000x789xf32>
    %get3A_6 = arith.constant 0 : index
    %get3A_7 = arith.constant 0 : index
    %get3A_8 = vector.load %arg2[%get3A_6, %get3A_7] : memref<789x128xf32, #tpu.memory_space<vmem>>, vector<789x128xf32>
    %dot_general3A = arith.constant dense<0.000000e+00> : vector<1000x128xf32>
    %dot_general3A_9 = tpu.matmul %get3A_5, %get3A_8, %dot_general3A {dimension_numbers = #tpu.dot_dimension_numbers<[1], [0], [0], [1], [0, 0, 1, 1], [], []>, transpose_lhs_hint = false} : vector<1000x789xf32>, vector<789x128xf32>, vector<1000x128xf32> -> vector<1000x128xf32>
    %get3A_10 = arith.constant 0 : index
    %get3A_11 = arith.constant 0 : index
    %get3A_12 = vector.load %arg3[%get3A_10, %get3A_11] : memref<1x128xf32, #tpu.memory_space<vmem>>, vector<1x128xf32>
    %add3A = vector.broadcast %get3A_12 : vector<1x128xf32> to vector<1000x128xf32>
    %add3A_13 = arith.addf %dot_general3A_9, %add3A : vector<1000x128xf32>
    %ge3A = arith.constant 0.000000e+00 : f32
    %ge3A_14 = vector.broadcast %ge3A : f32 to vector<1000x128xf32>
    %ge3A_15 = arith.cmpf oge, %add3A_13, %ge3A_14 : vector<1000x128xf32>
    %mul3A = vector.broadcast %get3A_2 : f32 to vector<1000x128xf32>
    %mul3A_16 = arith.mulf %mul3A, %add3A_13 : vector<1000x128xf32>
    %select_n3A = arith.select %ge3A_15, %add3A_13, %mul3A_16 : vector<1000x128xi1>, vector<1000x128xf32>
    %get3A_17 = arith.constant 0 : index
    %get3A_18 = arith.constant 0 : index
    %get3A_19 = vector.load %arg4[%get3A_17, %get3A_18] : memref<128x128xf32, #tpu.memory_space<vmem>>, vector<128x128xf32>
    %dot_general3A_20 = arith.constant dense<0.000000e+00> : vector<1000x128xf32>
    %dot_general3A_21 = tpu.matmul %select_n3A, %get3A_19, %dot_general3A_20 {dimension_numbers = #tpu.dot_dimension_numbers<[1], [0], [0], [1], [0, 0, 1, 1], [], []>, transpose_lhs_hint = false} : vector<1000x128xf32>, vector<128x128xf32>, vector<1000x128xf32> -> vector<1000x128xf32>
    %get3A_22 = arith.constant 0 : index
    %get3A_23 = arith.constant 0 : index
    %get3A_24 = vector.load %arg5[%get3A_22, %get3A_23] : memref<1x128xf32, #tpu.memory_space<vmem>>, vector<1x128xf32>
    %add3A_25 = vector.broadcast %get3A_24 : vector<1x128xf32> to vector<1000x128xf32>
    %add3A_26 = arith.addf %dot_general3A_21, %add3A_25 : vector<1000x128xf32>
    %ge3A_27 = arith.constant 0.000000e+00 : f32
    %ge3A_28 = vector.broadcast %ge3A_27 : f32 to vector<1000x128xf32>
    %ge3A_29 = arith.cmpf oge, %add3A_26, %ge3A_28 : vector<1000x128xf32>
    %mul3A_30 = vector.broadcast %get3A_2 : f32 to vector<1000x128xf32>
    %mul3A_31 = arith.mulf %mul3A_30, %add3A_26 : vector<1000x128xf32>
    %select_n3A_32 = arith.select %ge3A_29, %add3A_26, %mul3A_31 : vector<1000x128xi1>, vector<1000x128xf32>
    %get3A_33 = arith.constant 0 : index
    %get3A_34 = arith.constant 0 : index
    %get3A_35 = vector.load %arg6[%get3A_33, %get3A_34] : memref<128x128xf32, #tpu.memory_space<vmem>>, vector<128x128xf32>
    %dot_general3A_36 = arith.constant dense<0.000000e+00> : vector<1000x128xf32>
    %dot_general3A_37 = tpu.matmul %select_n3A_32, %get3A_35, %dot_general3A_36 {dimension_numbers = #tpu.dot_dimension_numbers<[1], [0], [0], [1], [0, 0, 1, 1], [], []>, transpose_lhs_hint = false} : vector<1000x128xf32>, vector<128x128xf32>, vector<1000x128xf32> -> vector<1000x128xf32>
    %get3A_38 = arith.constant 0 : index
    %get3A_39 = arith.constant 0 : index
    %get3A_40 = vector.load %arg7[%get3A_38, %get3A_39] : memref<1x128xf32, #tpu.memory_space<vmem>>, vector<1x128xf32>
    %add3A_41 = vector.broadcast %get3A_40 : vector<1x128xf32> to vector<1000x128xf32>
    %add3A_42 = arith.addf %dot_general3A_37, %add3A_41 : vector<1000x128xf32>
    %swap3A = arith.constant 0 : index
    %swap3A_43 = arith.constant 0 : index
    %swap3A_44 = vector.load %arg11[%swap3A, %swap3A_43] : memref<1000x128xf32, #tpu.memory_space<vmem>>, vector<1000x128xf32>
    tpu.vector_store %arg11[%swap3A, %swap3A_43], %add3A_42 {strides = array<i32>} : memref<1000x128xf32, #tpu.memory_space<vmem>>, vector<1000x128xf32>,
    %get3A_45 = arith.constant 0 : index
    %get3A_46 = arith.constant 0 : index
    %get3A_47 = vector.load %arg8[%get3A_45, %get3A_46] : memref<128x128xf32, #tpu.memory_space<vmem>>, vector<128x128xf32>
    %dot_general3A_48 = arith.constant dense<0.000000e+00> : vector<1000x128xf32>
    %dot_general3A_49 = tpu.matmul %select_n3A_32, %get3A_47, %dot_general3A_48 {dimension_numbers = #tpu.dot_dimension_numbers<[1], [0], [0], [1], [0, 0, 1, 1], [], []>, transpose_lhs_hint = false} : vector<1000x128xf32>, vector<128x128xf32>, vector<1000x128xf32> -> vector<1000x128xf32>
    %get3A_50 = arith.constant 0 : index
    %get3A_51 = arith.constant 0 : index
    %get3A_52 = vector.load %arg9[%get3A_50, %get3A_51] : memref<1x128xf32, #tpu.memory_space<vmem>>, vector<1x128xf32>
    %add3A_53 = vector.broadcast %get3A_52 : vector<1x128xf32> to vector<1000x128xf32>
    %add3A_54 = arith.addf %dot_general3A_49, %add3A_53 : vector<1000x128xf32>
    %swap3A_55 = arith.constant 0 : index
    %swap3A_56 = arith.constant 0 : index
    %swap3A_57 = vector.load %arg12[%swap3A_55, %swap3A_56] : memref<1000x128xf32, #tpu.memory_space<vmem>>, vector<1000x128xf32>
    tpu.vector_store %arg12[%swap3A_55, %swap3A_56], %add3A_54 {strides = array<i32>} : memref<1000x128xf32, #tpu.memory_space<vmem>>, vector<1000x128xf32>,
    return
  }
  func.func @transform_0(%arg0: i32) -> (i32, i32) {
    %c0_i32 = arith.constant 0 : i32
    %c0_i32_0 = arith.constant 0 : i32
    return %arg0, %c0_i32 : i32, i32
  }
  func.func @transform_1(%arg0: i32) -> (i32, i32) {
    %c0_i32 = arith.constant 0 : i32
    %c0_i32_0 = arith.constant 0 : i32
    %c0_i32_1 = arith.constant 0 : i32
    return %c0_i32, %c0_i32_0 : i32, i32
  }
  func.func @transform_2(%arg0: i32) -> (i32, i32) {
    %c0_i32 = arith.constant 0 : i32
    %c0_i32_0 = arith.constant 0 : i32
    %c0_i32_1 = arith.constant 0 : i32
    return %c0_i32, %c0_i32_0 : i32, i32
  }
  func.func @transform_3(%arg0: i32) -> (i32, i32) {
    %c0_i32 = arith.constant 0 : i32
    %c0_i32_0 = arith.constant 0 : i32
    %c0_i32_1 = arith.constant 0 : i32
    return %c0_i32, %c0_i32_0 : i32, i32
  }
  func.func @transform_4(%arg0: i32) -> (i32, i32) {
    %c0_i32 = arith.constant 0 : i32
    %c0_i32_0 = arith.constant 0 : i32
    %c0_i32_1 = arith.constant 0 : i32
    return %c0_i32, %c0_i32_0 : i32, i32
  }
  func.func @transform_5(%arg0: i32) -> (i32, i32) {
    %c0_i32 = arith.constant 0 : i32
    %c0_i32_0 = arith.constant 0 : i32
    %c0_i32_1 = arith.constant 0 : i32
    return %c0_i32, %c0_i32_0 : i32, i32
  }
  func.func @transform_6(%arg0: i32) -> (i32, i32) {
    %c0_i32 = arith.constant 0 : i32
    %c0_i32_0 = arith.constant 0 : i32
    %c0_i32_1 = arith.constant 0 : i32
    return %c0_i32, %c0_i32_0 : i32, i32
  }
  func.func @transform_7(%arg0: i32) -> (i32, i32) {
    %c0_i32 = arith.constant 0 : i32
    %c0_i32_0 = arith.constant 0 : i32
    %c0_i32_1 = arith.constant 0 : i32
    return %c0_i32, %c0_i32_0 : i32, i32
  }
  func.func @transform_8(%arg0: i32) -> (i32, i32) {
    %c0_i32 = arith.constant 0 : i32
    %c0_i32_0 = arith.constant 0 : i32
    %c0_i32_1 = arith.constant 0 : i32
    return %c0_i32, %c0_i32_0 : i32, i32
  }
  func.func @transform_9(%arg0: i32) -> (i32, i32) {
    %c0_i32 = arith.constant 0 : i32
    %c0_i32_0 = arith.constant 0 : i32
    %c0_i32_1 = arith.constant 0 : i32
    return %c0_i32, %c0_i32_0 : i32, i32
  }
  func.func @transform_10(%arg0: i32) -> (i32, i32) {
    %c0_i32 = arith.constant 0 : i32
    %c0_i32_0 = arith.constant 0 : i32
    return %arg0, %c0_i32 : i32, i32
  }
  func.func @transform_11(%arg0: i32) -> (i32, i32) {
    %c0_i32 = arith.constant 0 : i32
    %c0_i32_0 = arith.constant 0 : i32
    return %arg0, %c0_i32 : i32, i32
  }
}

module attributes {stable_mosaic.version = 14 : i64} {
  func.func @_stage_b_body(%arg0: i32, %arg1: memref<2x1024x128xf32, #tpu.memory_space<vmem>>, %arg2: memref<2x1024x1xf32, #tpu.memory_space<vmem>>, %arg3: memref<128x128xf32, #tpu.memory_space<vmem>>, %arg4: memref<1x128xf32, #tpu.memory_space<vmem>>, %arg5: memref<1024x128xf32, #tpu.memory_space<vmem>>) attributes {dimension_semantics = [#tpu.dimension_semantics<arbitrary>], iteration_bounds = array<i64: 10>, scalar_prefetch = 0 : i64, scratch_operands = 0 : i64, tpu.core_type = #tpu.core_type<tc>, window_params = [{transform_indices = @transform_0, window_bounds = array<i64: 2, 1024, 128>}, {transform_indices = @transform_1, window_bounds = array<i64: 2, 1024, 1>}, {pipeline_mode = #tpu.pipeline_mode<synchronous>, transform_indices = @transform_2, window_bounds = array<i64: 128, 128>}, {pipeline_mode = #tpu.pipeline_mode<synchronous>, transform_indices = @transform_3, window_bounds = array<i64: 1, 128>}, {transform_indices = @transform_4, window_bounds = array<i64: 1024, 128>}]} {
    %get3A = arith.constant 0 : index
    %get3A_0 = arith.constant 0 : index
    %get3A_1 = arith.constant 0 : index
    %get3A_2 = vector.load %arg1[%get3A, %get3A_0, %get3A_1] : memref<2x1024x128xf32, #tpu.memory_space<vmem>>, vector<1x1024x128xf32>
    %get3A_3 = vector.shape_cast %get3A_2 : vector<1x1024x128xf32> to vector<1024x128xf32>
    %get3A_4 = arith.constant 1 : index
    %get3A_5 = arith.constant 0 : index
    %get3A_6 = arith.constant 0 : index
    %get3A_7 = vector.load %arg1[%get3A_4, %get3A_5, %get3A_6] : memref<2x1024x128xf32, #tpu.memory_space<vmem>>, vector<1x1024x128xf32>
    %get3A_8 = vector.shape_cast %get3A_7 : vector<1x1024x128xf32> to vector<1024x128xf32>
    %add3A = arith.addf %get3A_3, %get3A_8 : vector<1024x128xf32>
    %get3A_9 = arith.constant 0 : index
    %get3A_10 = arith.constant 0 : index
    %get3A_11 = arith.constant 0 : index
    %get3A_12 = vector.load %arg2[%get3A_9, %get3A_10, %get3A_11] : memref<2x1024x1xf32, #tpu.memory_space<vmem>>, vector<1x1024x1xf32>
    %get3A_13 = vector.shape_cast %get3A_12 : vector<1x1024x1xf32> to vector<1024x1xf32>
    %get3A_14 = arith.constant 1 : index
    %get3A_15 = arith.constant 0 : index
    %get3A_16 = arith.constant 0 : index
    %get3A_17 = vector.load %arg2[%get3A_14, %get3A_15, %get3A_16] : memref<2x1024x1xf32, #tpu.memory_space<vmem>>, vector<1x1024x1xf32>
    %get3A_18 = vector.shape_cast %get3A_17 : vector<1x1024x1xf32> to vector<1024x1xf32>
    %add3A_19 = arith.addf %get3A_13, %get3A_18 : vector<1024x1xf32>
    %max3A = arith.constant 1.000000e+00 : f32
    %max3A_20 = vector.broadcast %max3A : f32 to vector<1024x1xf32>
    %max3A_21 = arith.maximumf %add3A_19, %max3A_20 : vector<1024x1xf32>
    %div3A = vector.broadcast %max3A_21 : vector<1024x1xf32> to vector<1024x128xf32>
    %div3A_22 = arith.divf %add3A, %div3A : vector<1024x128xf32>
    %max3A_23 = arith.constant 0.000000e+00 : f32
    %max3A_24 = vector.broadcast %max3A_23 : f32 to vector<1024x128xf32>
    %max3A_25 = arith.maximumf %div3A_22, %max3A_24 : vector<1024x128xf32>
    %get3A_26 = arith.constant 0 : index
    %get3A_27 = arith.constant 0 : index
    %get3A_28 = vector.load %arg3[%get3A_26, %get3A_27] : memref<128x128xf32, #tpu.memory_space<vmem>>, vector<128x128xf32>
    %dot_general3A = arith.constant dense<0.000000e+00> : vector<1024x128xf32>
    %dot_general3A_29 = tpu.matmul %max3A_25, %get3A_28, %dot_general3A {dimension_numbers = #tpu.dot_dimension_numbers<[1], [0], [0], [1], [0, 0, 1, 1], [], []>, transpose_lhs_hint = false} : vector<1024x128xf32>, vector<128x128xf32>, vector<1024x128xf32> -> vector<1024x128xf32>
    %get3A_30 = arith.constant 0 : index
    %get3A_31 = arith.constant 0 : index
    %get3A_32 = vector.load %arg4[%get3A_30, %get3A_31] : memref<1x128xf32, #tpu.memory_space<vmem>>, vector<1x128xf32>
    %add3A_33 = vector.broadcast %get3A_32 : vector<1x128xf32> to vector<1024x128xf32>
    %add3A_34 = arith.addf %dot_general3A_29, %add3A_33 : vector<1024x128xf32>
    %swap3A = arith.constant 0 : index
    %swap3A_35 = arith.constant 0 : index
    %swap3A_36 = vector.load %arg5[%swap3A, %swap3A_35] : memref<1024x128xf32, #tpu.memory_space<vmem>>, vector<1024x128xf32>
    tpu.vector_store %arg5[%swap3A, %swap3A_35], %add3A_34 {strides = array<i32>} : memref<1024x128xf32, #tpu.memory_space<vmem>>, vector<1024x128xf32>,
    return
  }
  func.func @transform_0(%arg0: i32) -> (i32, i32, i32) {
    %c0_i32 = arith.constant 0 : i32
    %c0_i32_0 = arith.constant 0 : i32
    %c0_i32_1 = arith.constant 0 : i32
    return %c0_i32, %arg0, %c0_i32_0 : i32, i32, i32
  }
  func.func @transform_1(%arg0: i32) -> (i32, i32, i32) {
    %c0_i32 = arith.constant 0 : i32
    %c0_i32_0 = arith.constant 0 : i32
    %c0_i32_1 = arith.constant 0 : i32
    return %c0_i32, %arg0, %c0_i32_0 : i32, i32, i32
  }
  func.func @transform_2(%arg0: i32) -> (i32, i32) {
    %c0_i32 = arith.constant 0 : i32
    %c0_i32_0 = arith.constant 0 : i32
    %c0_i32_1 = arith.constant 0 : i32
    return %c0_i32, %c0_i32_0 : i32, i32
  }
  func.func @transform_3(%arg0: i32) -> (i32, i32) {
    %c0_i32 = arith.constant 0 : i32
    %c0_i32_0 = arith.constant 0 : i32
    %c0_i32_1 = arith.constant 0 : i32
    return %c0_i32, %c0_i32_0 : i32, i32
  }
  func.func @transform_4(%arg0: i32) -> (i32, i32) {
    %c0_i32 = arith.constant 0 : i32
    %c0_i32_0 = arith.constant 0 : i32
    return %arg0, %c0_i32 : i32, i32
  }
}

module attributes {stable_mosaic.version = 14 : i64} {
  func.func @_stage_c_body(%arg0: i32, %arg1: memref<2x1000x128xf32, #tpu.memory_space<vmem>>, %arg2: memref<2x1000x1xf32, #tpu.memory_space<vmem>>, %arg3: memref<1000x128xf32, #tpu.memory_space<vmem>>, %arg4: memref<128x128xf32, #tpu.memory_space<vmem>>, %arg5: memref<1x128xf32, #tpu.memory_space<vmem>>, %arg6: memref<128x128xf32, #tpu.memory_space<vmem>>, %arg7: memref<1x128xf32, #tpu.memory_space<vmem>>, %arg8: memref<1000x128xf32, #tpu.memory_space<vmem>>) attributes {dimension_semantics = [#tpu.dimension_semantics<arbitrary>], iteration_bounds = array<i64: 10>, scalar_prefetch = 0 : i64, scratch_operands = 0 : i64, tpu.core_type = #tpu.core_type<tc>, window_params = [{transform_indices = @transform_0, window_bounds = array<i64: 2, 1000, 128>}, {transform_indices = @transform_1, window_bounds = array<i64: 2, 1000, 1>}, {transform_indices = @transform_2, window_bounds = array<i64: 1000, 128>}, {pipeline_mode = #tpu.pipeline_mode<synchronous>, transform_indices = @transform_3, window_bounds = array<i64: 128, 128>}, {pipeline_mode = #tpu.pipeline_mode<synchronous>, transform_indices = @transform_4, window_bounds = array<i64: 1, 128>}, {pipeline_mode = #tpu.pipeline_mode<synchronous>, transform_indices = @transform_5, window_bounds = array<i64: 128, 128>}, {pipeline_mode = #tpu.pipeline_mode<synchronous>, transform_indices = @transform_6, window_bounds = array<i64: 1, 128>}, {transform_indices = @transform_7, window_bounds = array<i64: 1000, 128>}]} {
    %get3A = arith.constant 0 : index
    %get3A_0 = arith.constant 0 : index
    %get3A_1 = arith.constant 0 : index
    %get3A_2 = vector.load %arg1[%get3A, %get3A_0, %get3A_1] : memref<2x1000x128xf32, #tpu.memory_space<vmem>>, vector<1x1000x128xf32>
    %get3A_3 = vector.shape_cast %get3A_2 : vector<1x1000x128xf32> to vector<1000x128xf32>
    %get3A_4 = arith.constant 1 : index
    %get3A_5 = arith.constant 0 : index
    %get3A_6 = arith.constant 0 : index
    %get3A_7 = vector.load %arg1[%get3A_4, %get3A_5, %get3A_6] : memref<2x1000x128xf32, #tpu.memory_space<vmem>>, vector<1x1000x128xf32>
    %get3A_8 = vector.shape_cast %get3A_7 : vector<1x1000x128xf32> to vector<1000x128xf32>
    %add3A = arith.addf %get3A_3, %get3A_8 : vector<1000x128xf32>
    %get3A_9 = arith.constant 0 : index
    %get3A_10 = arith.constant 0 : index
    %get3A_11 = arith.constant 0 : index
    %get3A_12 = vector.load %arg2[%get3A_9, %get3A_10, %get3A_11] : memref<2x1000x1xf32, #tpu.memory_space<vmem>>, vector<1x1000x1xf32>
    %get3A_13 = vector.shape_cast %get3A_12 : vector<1x1000x1xf32> to vector<1000x1xf32>
    %get3A_14 = arith.constant 1 : index
    %get3A_15 = arith.constant 0 : index
    %get3A_16 = arith.constant 0 : index
    %get3A_17 = vector.load %arg2[%get3A_14, %get3A_15, %get3A_16] : memref<2x1000x1xf32, #tpu.memory_space<vmem>>, vector<1x1000x1xf32>
    %get3A_18 = vector.shape_cast %get3A_17 : vector<1x1000x1xf32> to vector<1000x1xf32>
    %add3A_19 = arith.addf %get3A_13, %get3A_18 : vector<1000x1xf32>
    %max3A = arith.constant 1.000000e+00 : f32
    %max3A_20 = vector.broadcast %max3A : f32 to vector<1000x1xf32>
    %max3A_21 = arith.maximumf %add3A_19, %max3A_20 : vector<1000x1xf32>
    %div3A = vector.broadcast %max3A_21 : vector<1000x1xf32> to vector<1000x128xf32>
    %div3A_22 = arith.divf %add3A, %div3A : vector<1000x128xf32>
    %max3A_23 = arith.constant 0.000000e+00 : f32
    %max3A_24 = vector.broadcast %max3A_23 : f32 to vector<1000x128xf32>
    %max3A_25 = arith.maximumf %div3A_22, %max3A_24 : vector<1000x128xf32>
    %get3A_26 = arith.constant 0 : index
    %get3A_27 = arith.constant 0 : index
    %get3A_28 = vector.load %arg3[%get3A_26, %get3A_27] : memref<1000x128xf32, #tpu.memory_space<vmem>>, vector<1000x128xf32>
    %add3A_29 = arith.addf %max3A_25, %get3A_28 : vector<1000x128xf32>
    %get3A_30 = arith.constant 0 : index
    %get3A_31 = arith.constant 0 : index
    %get3A_32 = vector.load %arg4[%get3A_30, %get3A_31] : memref<128x128xf32, #tpu.memory_space<vmem>>, vector<128x128xf32>
    %dot_general3A = arith.constant dense<0.000000e+00> : vector<1000x128xf32>
    %dot_general3A_33 = tpu.matmul %add3A_29, %get3A_32, %dot_general3A {dimension_numbers = #tpu.dot_dimension_numbers<[1], [0], [0], [1], [0, 0, 1, 1], [], []>, transpose_lhs_hint = false} : vector<1000x128xf32>, vector<128x128xf32>, vector<1000x128xf32> -> vector<1000x128xf32>
    %get3A_34 = arith.constant 0 : index
    %get3A_35 = arith.constant 0 : index
    %get3A_36 = vector.load %arg5[%get3A_34, %get3A_35] : memref<1x128xf32, #tpu.memory_space<vmem>>, vector<1x128xf32>
    %add3A_37 = vector.broadcast %get3A_36 : vector<1x128xf32> to vector<1000x128xf32>
    %add3A_38 = arith.addf %dot_general3A_33, %add3A_37 : vector<1000x128xf32>
    %max3A_39 = arith.constant 0.000000e+00 : f32
    %max3A_40 = vector.broadcast %max3A_39 : f32 to vector<1000x128xf32>
    %max3A_41 = arith.maximumf %add3A_38, %max3A_40 : vector<1000x128xf32>
    %get3A_42 = arith.constant 0 : index
    %get3A_43 = arith.constant 0 : index
    %get3A_44 = vector.load %arg6[%get3A_42, %get3A_43] : memref<128x128xf32, #tpu.memory_space<vmem>>, vector<128x128xf32>
    %dot_general3A_45 = arith.constant dense<0.000000e+00> : vector<1000x128xf32>
    %dot_general3A_46 = tpu.matmul %max3A_41, %get3A_44, %dot_general3A_45 {dimension_numbers = #tpu.dot_dimension_numbers<[1], [0], [0], [1], [0, 0, 1, 1], [], []>, transpose_lhs_hint = false} : vector<1000x128xf32>, vector<128x128xf32>, vector<1000x128xf32> -> vector<1000x128xf32>
    %get3A_47 = arith.constant 0 : index
    %get3A_48 = arith.constant 0 : index
    %get3A_49 = vector.load %arg7[%get3A_47, %get3A_48] : memref<1x128xf32, #tpu.memory_space<vmem>>, vector<1x128xf32>
    %add3A_50 = vector.broadcast %get3A_49 : vector<1x128xf32> to vector<1000x128xf32>
    %add3A_51 = arith.addf %dot_general3A_46, %add3A_50 : vector<1000x128xf32>
    %swap3A = arith.constant 0 : index
    %swap3A_52 = arith.constant 0 : index
    %swap3A_53 = vector.load %arg8[%swap3A, %swap3A_52] : memref<1000x128xf32, #tpu.memory_space<vmem>>, vector<1000x128xf32>
    tpu.vector_store %arg8[%swap3A, %swap3A_52], %add3A_51 {strides = array<i32>} : memref<1000x128xf32, #tpu.memory_space<vmem>>, vector<1000x128xf32>,
    return
  }
  func.func @transform_0(%arg0: i32) -> (i32, i32, i32) {
    %c0_i32 = arith.constant 0 : i32
    %c0_i32_0 = arith.constant 0 : i32
    %c0_i32_1 = arith.constant 0 : i32
    return %c0_i32, %arg0, %c0_i32_0 : i32, i32, i32
  }
  func.func @transform_1(%arg0: i32) -> (i32, i32, i32) {
    %c0_i32 = arith.constant 0 : i32
    %c0_i32_0 = arith.constant 0 : i32
    %c0_i32_1 = arith.constant 0 : i32
    return %c0_i32, %arg0, %c0_i32_0 : i32, i32, i32
  }
  func.func @transform_2(%arg0: i32) -> (i32, i32) {
    %c0_i32 = arith.constant 0 : i32
    %c0_i32_0 = arith.constant 0 : i32
    return %arg0, %c0_i32 : i32, i32
  }
  func.func @transform_3(%arg0: i32) -> (i32, i32) {
    %c0_i32 = arith.constant 0 : i32
    %c0_i32_0 = arith.constant 0 : i32
    %c0_i32_1 = arith.constant 0 : i32
    return %c0_i32, %c0_i32_0 : i32, i32
  }
  func.func @transform_4(%arg0: i32) -> (i32, i32) {
    %c0_i32 = arith.constant 0 : i32
    %c0_i32_0 = arith.constant 0 : i32
    %c0_i32_1 = arith.constant 0 : i32
    return %c0_i32, %c0_i32_0 : i32, i32
  }
  func.func @transform_5(%arg0: i32) -> (i32, i32) {
    %c0_i32 = arith.constant 0 : i32
    %c0_i32_0 = arith.constant 0 : i32
    %c0_i32_1 = arith.constant 0 : i32
    return %c0_i32, %c0_i32_0 : i32, i32
  }
  func.func @transform_6(%arg0: i32) -> (i32, i32) {
    %c0_i32 = arith.constant 0 : i32
    %c0_i32_0 = arith.constant 0 : i32
    %c0_i32_1 = arith.constant 0 : i32
    return %c0_i32, %c0_i32_0 : i32, i32
  }
  func.func @transform_7(%arg0: i32) -> (i32, i32) {
    %c0_i32 = arith.constant 0 : i32
    %c0_i32_0 = arith.constant 0 : i32
    return %arg0, %c0_i32 : i32, i32
  }
}

</mosaic_0001>

<sc_bundles>
// kernel: kernel.10.cloned.1.call-start
scs
__scs_entry_jumppad:
0x0: {  	(pc) =	sbr.rel $0x88, $3  }
0x1: {  	(tag) =	ssettag $0x0;
	lr =	simm.s32 $0x1  }
0x2: {  	[smem:$0x3F8C] =	sst lr;
	_ =	strace $0xD0000000  }
0x3: {  	_ = 	snop  }
0x4: {  	_ = 	snop  }
0x5: {  	_ = 	snop  }
0x6: {  	_ = 	snop  }
0x7: {  	_ = 	snop  }
__scs_overlays_trampoline_lowered:
0x8: {  	[smem:$0x3F9B] =	sst s0  }
0x9: {  	[smem:$0x3F9C] =	sst s1  }
0xa: {  	[smem:$0x3F9D] =	sst s2  }
0xb: {  	[smem:$0x3F9E] =	sst s3  }
0xc: {  	[smem:$0x3F9F] =	sst s4  }
0xd: {  	[smem:$0x3FA0] =	sst s5  }
0xe: {  	[smem:$0x3FA1] =	sst s6  }
0xf: {  	[smem:$0x3FA2] =	sst s7  }
0x10: {  	[smem:$0x3FA3] =	sst s8  }
0x11: {  	[smem:$0x3FA4] =	sst s9;
	s0 =	simm.s32 @!p0 $0x0  }
0x12: {  	s1 =	sld [smem:$0x3F8A];
	s0 =	simm.s32 @p0 $0x1  }
0x13: {  	[smem:$0x3FA5] =	sst s0;
	s0 =	simm.s32 @!p1 $0x0  }
0x14: {  	s2 =	sld [smem:$0x3F89];
	s0 =	simm.s32 @p1 $0x1  }
0x15: {  	[smem:$0x3FA6] =	sst s0;
	s0 =	simm.s32 @!p2 $0x0  }
0x16: {  	s3 =	sld [smem:$0x3FDB];
	s0 =	simm.s32 @p2 $0x1  }
0x17: {  	s4 =	simm.s32 $0x1BF5;
	[smem:$0x3FA8] =	sst s0  }
0x18: {  	s0 =	sld [smem:$0x3F8B];
	_ =	swait.ge [sflag:s4], $0x0  }
0x19: {  	s7 =	sld [smem:$0x3F8C]  }
0x1a: {  	s8 =	sadd.s32 $0xFFFFE003, lr  }
0x1b: {  	s9 =	sadd.s32 $0xFFFFFEF7, lr;
	s5 =	simm.s32 $0xFFFFFFFF;
	p2 =	slt.u32 s8, $0xFFFFF086  }
0x1c: {  	p1 =	slt.u32 s9, $0xF7A;
	s5 =	simm.s32 @!p2 $0x0  }
0x1d: {  	s5 =	simm.s32 @p1 $0x1;
	p0 =	seq.s32 s7, s2  }
0x1e: {  	s7 =	smul.u32 @!p0 $0xF7A, s2;
	p2 =	seq.s32 @!p0 s5, $0x0  }
0x1f: {  	s9 =	smul.u32 $0xF7A, s1;
	s8 =	simm.s32 @!p0 $0x1BF5;
	p2 =	por !p2, p0  }
0x20: {  	[sflag:s8] =	ssyncset.s32 @!p0 $0xFFFFF086;
	s6 =	sadd.s32 @!p0 s3, s7;
	s7 =	simm.s32 @!p0 $0x108  }
0x21: {  	s3 =	sadd.s32 s3, s9;
	s6 =	sadd.s32 @!p0 $0x88, s6;
	s7 =	simm.s32 @p2 $0x1082  }
0x22: {  	[simem:s7], [sflag:s8] =	dma.local @!p0 [hbm:s6], $0xF7A  }
0x23: {  	s9 =	sor.u32 $0xD0000000, s2;
	s6 =	simm.s32 $0x108;
	_ =	swait.ge @!p0 [sflag:s8], $0x0  }
0x24: {  	s3 =	sadd.s32 $0x88, s3;
	s6 =	simm.s32 @!p1 $0x1082;
	[sflag:s4] =	ssyncset.s32 $0xFFFFF086  }
0x25: {  	[simem:s6], [sflag:s4] =	dma.local [hbm:s3], $0xF7A  }
0x26: {  	[smem:$0x3F8C] =	sst s1;
	(tag) =	ssettag s2;
	_ =	strace s9  }
0x27: {  	s1 =	sld [smem:$0x3F9C]  }
0x28: {  	s2 =	sld [smem:$0x3F9D]  }
0x29: {  	s4 =	sld [smem:$0x3F9F]  }
0x2a: {  	p0 =	seq.s32 s5, $0x0;
	s5 =	sld [smem:$0x3FA0]  }
0x2b: {  	s6 =	sld [smem:$0x3FA1]  }
0x2c: {  	s7 =	sld [smem:$0x3FA2]  }
0x2d: {  	s3 =	simm.s32 $0x108;
	s8 =	sld [smem:$0x3FA3]  }
0x2e: {  	s3 =	simm.s32 @!p0 $0x1082;
	s9 =	sld [smem:$0x3FA4]  }
0x2f: {  	lr =	sadd.s32 s0, s3;
	s0 =	sld [smem:$0x3F9B]  }
0x30: {  	s3 =	sld [smem:$0x3F9E]  }
0x31: {  	[smem:$0x3FA7] =	sst s10  }
0x32: {  	s10 =	sld [smem:$0x3FA5];
	_ =	sdelay $0x3  }
0x33: {  	p0 =	seq.s32 s10, $0x1;
	s10 =	sld [smem:$0x3FA7];
	_ =	sdelay $0x3  }
0x34: {  	[smem:$0x3FA7] =	sst s10  }
0x35: {  	s10 =	sld [smem:$0x3FA6];
	_ =	sdelay $0x3  }
0x36: {  	p1 =	seq.s32 s10, $0x1;
	s10 =	sld [smem:$0x3FA7];
	_ =	sdelay $0x3  }
0x37: {  	[smem:$0x3FA7] =	sst s10  }
0x38: {  	s10 =	sld [smem:$0x3FA8]  }
0x39: {  	_ = 	snop;
	(pc) =	sbr.ind lr, $3  }
0x3a: {  	_ = 	snop  }
0x3b: {  	_ = 	snop  }
0x3c: {  	p2 =	seq.s32 s10, $0x1;
	s10 =	sld [smem:$0x3FA7]  }
0x3d: {  	_ =	shalt  }
0x3e: {  	_ =	shalt  }
0x3f: {  	_ =	shalt  }
0x40: {  	_ =	shalt  }
0x41: {  	_ =	shalt  }
0x42: {  	_ =	shalt  }
0x43: {  	_ =	shalt  }
0x44: {  	_ =	shalt  }
0x45: {  	_ =	shalt  }
0x46: {  	_ =	shalt  }
0x47: {  	_ =	shalt  }
0x48: {  	_ =	shalt  }
0x49: {  	_ =	shalt  }
0x4a: {  	_ =	shalt  }
0x4b: {  	_ =	shalt  }
0x4c: {  	_ =	shalt  }
0x4d: {  	_ =	shalt  }
0x4e: {  	_ =	shalt  }
0x4f: {  	_ =	shalt  }
0x50: {  	_ =	shalt  }
0x51: {  	_ =	shalt  }
0x52: {  	_ =	shalt  }
0x53: {  	_ =	shalt  }
0x54: {  	_ =	shalt  }
0x55: {  	_ =	shalt  }
0x56: {  	_ =	shalt  }
0x57: {  	_ =	shalt  }
0x58: {  	_ =	shalt  }
0x59: {  	_ =	shalt  }
0x5a: {  	_ =	shalt  }
0x5b: {  	_ =	shalt  }
0x5c: {  	_ =	shalt  }
0x5d: {  	_ =	shalt  }
0x5e: {  	_ =	shalt  }
0x5f: {  	_ =	shalt  }
0x60: {  	_ =	shalt  }
0x61: {  	_ =	shalt  }
0x62: {  	_ =	shalt  }
0x63: {  	_ =	shalt  }
0x64: {  	_ =	shalt  }
0x65: {  	_ =	shalt  }
0x66: {  	_ =	shalt  }
0x67: {  	_ =	shalt  }
0x68: {  	_ =	shalt  }
0x69: {  	_ =	shalt  }
0x6a: {  	_ =	shalt  }
0x6b: {  	_ =	shalt  }
0x6c: {  	_ =	shalt  }
0x6d: {  	_ =	shalt  }
0x6e: {  	_ =	shalt  }
0x6f: {  	_ =	shalt  }
0x70: {  	_ =	shalt  }
0x71: {  	_ =	shalt  }
0x72: {  	_ =	shalt  }
0x73: {  	_ =	shalt  }
0x74: {  	_ =	shalt  }
0x75: {  	_ =	shalt  }
0x76: {  	_ =	shalt  }
0x77: {  	_ =	shalt  }
0x78: {  	_ =	shalt  }
0x79: {  	_ =	shalt  }
0x7a: {  	_ =	shalt  }
0x7b: {  	_ =	shalt  }
0x7c: {  	_ =	shalt  }
0x7d: {  	_ =	shalt  }
0x7e: {  	_ =	shalt  }
0x7f: {  	_ =	shalt  }
0x80: {  	_ =	shalt  }
0x81: {  	_ =	shalt  }
0x82: {  	_ =	shalt  }
0x83: {  	_ =	shalt  }
0x84: {  	_ =	shalt  }
0x85: {  	_ =	shalt  }
0x86: {  	_ =	shalt  }
0x87: {  	_ =	shalt  }
.Lfunc_end0:
.L_simem_size_0:
called_computation.1_lowered:
.L_overlay_start_0:
0x88: {  	s2 =	sld [smem:$0x3FD9]  }
0x89: {  	s3 =	sld [smem:$0x3FFE];
	_ =	sdelay $0x1  }
0x8a: {  	s1 =	srdreg.scid  }
0x8b: {  	s0 =	sand.u32 $0x1, s1  }
0x8c: {  	s17 =	sshll.u32 s0, $0xA;
	s2 =	sadd.s32 s3, s2  }
0x8d: {  	s2 =	sadd.s32 s2, s17  }
0x8e: {  	[smem:$0x3FB3] =	sst s2  }
0x8f: {  	_ = 	snop  }
0x90: {  	s2 =	sld [smem:$0x3FD0];
	(tm) =	ssettm $0x1  }
0x91: {  	s18 =	sld [smem:$0x3FFB];
	_ =	sdelay $0x3  }
0x92: {  	_ =	strace s18  }
0x93: {  	s3 =	sld [smem:$0x3FFC];
	_ =	sdelay $0x3  }
0x94: {  	_ =	strace s3  }
0x95: {  	s3 =	sld [smem:$0x3FFD];
	_ =	sdelay $0x3  }
0x96: {  	_ =	strace s3  }
0x97: {  	_ =	strace $0x8FFFFFFF  }
0x98: {  	s19 =	sld [smem:$0x3FDB];
	_ =	sdelay $0x1  }
0x99: {  	s4 =	simm.s32 $_scs_section_size  }
0x9a: {  	s5 =	simm.s32 $_size__tile_overlayer_lowered;
	s6 =	simm.s32 $_tile_overlayer_lowered  }
0x9b: {  	s22 =	simm.s32 $0x1BFF;
	s21 =	sshll.u32 s6, $0x1;
	s3 =	sadd.s32 s4, s19  }
0x9c: {  	s7 =	simm.s32 $0x0;
	s20 =	sshll.u32 s5, $0x1;
	s5 =	sadd.s32 s21, s3  }
0x9d: {  	[timem:s7], [sflag:s22] =	dma.local [hbm:s5], s20  }
0x9e: {  	_ =	swait.ge [sflag:s22], s20  }
0x9f: {  	s4 =	ssub.s32 $0x0, s20;
	[sflag:s22] =	ssyncset.done $0x0  }
0xa0: {  	[sflag:s22] =	ssyncadd.s32 s4;
	_ =	sdelay $0x1  }
0xa1: {  	s23 =	simm.s32 $0x1B8B  }
0xa2: {  	_ =	swait.ge [sflag:s23], $0x1  }
0xa3: {  	[sflag:s23] =	ssyncset.done $0x0  }
0xa4: {  	s25 =	simm.s32 $0x1B8E;
	s24 =	sld [smem:$0x3FFE];
	[sflag:s23] =	ssyncadd.s32 $0xFFFFFFFF  }
0xa5: {  	s26 =	simm.s32 $execute0_lowered;
	[smem:$0x3FD2] =	sst s25  }
0xa6: {  	s5 =	sshll.u32 s26, $0x1;
	_ =	strace $0x80000049;
	[dreg:$0x1] =	wrdreg $0xFFFFFFFF  }
0xa7: {  	s28 =	simm.s32 $_size_execute0_lowered;
	s3 =	sadd.s32 s3, s5;
	[dreg:$0x0] =	wrdreg $0x0  }
0xa8: {  	s5 =	sshll.u32 s28, $0x1;
	[dreg:$0x2] =	wrdreg s3  }
0xa9: {  	[dreg:$0x3] =	wrdreg s5  }
0xaa: {  	[dreg:$0x4] =	wrdreg $0xC0  }
0xab: {  	_ =	task [dreg:s7], $0x5FFFF  }
0xac: {  	[dreg:$0x1] =	wrdreg $0xFFFFFFFF  }
0xad: {  	[dreg:$0x0] =	wrdreg $0x60  }
0xae: {  	[dreg:$0x2] =	wrdreg s24  }
0xaf: {  	[dreg:$0x3] =	wrdreg s2  }
0xb0: {  	[dreg:$0x4] =	wrdreg $0x0  }
0xb1: {  	[dreg:$0x5] =	wrdreg $0x9  }
0xb2: {  	_ =	task.clear_ibuf [dreg:s7], $0x6FFFF;
	_ =	strace $0x90000049  }
0xb3: {  	s29 =	simm.s32 $0x9;
	_ =	strace $0x8000004B  }
0xb4: {  	_ =	swait.ge [sflag:s29], $0x1  }
0xb5: {  	[sflag:s29] =	ssyncadd.s32 $0xFFFFFFFF  }
0xb6: {  	_ =	strace $0x9000004B  }
0xb7: {  	_ =	sfence  }
0xb8: {  	s30 =	sld [smem:$0x0];
	_ =	sdelay $0x2  }
0xb9: {  	s31 =	sshll.u32 s1, $0xD;
	s1 =	sshrl.u32 s1, $0x2  }
0xba: {  	s3 =	sand.u32 $0x4000, s31;
	s1 =	sadd.s32 s1, s30  }
0xbb: {  	s0 =	sor.u32 s3, s0;
	s1 =	sshll.u32 s1, $0x11  }
0xbc: {  	s0 =	sor.u32 s1, s0  }
0xbd: {  	s0 =	sadd.s32 $0x8F2B, s0  }
0xbe: {  	[sflag:s0] =	ssyncadd.remote.s32 $0x1  }
0xbf: {  	_ =	sfence.sel $0xFFFF  }
0xc0: {  	[dreg:$0x0] =	wrdreg $0xFFFFFFFF;
	(pc) =	sbr.abs _section_cstart, $3  }
0xc1: {  	[dreg:$0x1] =	wrdreg $0xFFFFFFFF  }
0xc2: {  	_ =	task.clear_ibuf [dreg:s7], $0x2FFFF;
	_ =	strace $0x9FFFFFFF  }
0xc3: {  	(tm) =	ssettm $0x7FFFFFFF  }
tec
execute0_lowered:
.L_overlay_start_1:
0x0: {  	(tag) =	ssettag $0x1  }
0x1: {  	s0 =	rddreg [dreg:$0x0]  }
0x2: {  	s3 =	rddreg [dreg:$0x2];
	s4 =	simm.s32 $0x0  }
0x3: {  	s23 =	simm.s32 $0x14080;
	[smem:$0x7FF] =	sst s4  }
0x4: {  	s24 =	simm.s32 $0x14100;
	_ =	strace $0x8000004A;
	[dreg:$0x6] =	wrdreg s23  }
0x5: {  	s1 =	srdreg.scid;
	s25 =	simm.s32 $0x14180;
	[dreg:$0x7] =	wrdreg s24  }
0x6: {  	s12 =	stileid.u32;
	s26 =	simm.s32 $0x14880;
	[dreg:$0x8] =	wrdreg s25  }
0x7: {  	s14 =	simm.s32 $0x14900;
	s17 =	simm.s32 $0x14280;
	[dreg:$0x9] =	wrdreg s26  }
0x8: {  	s18 =	simm.s32 $0x14980;
	s19 =	simm.s32 $0x14300;
	[dreg:$0xb] =	wrdreg s14  }
0x9: {  	s1 =	sand.u32 $0x1, s1;
	s2 =	smul.u32 $0x280, s12;
	[dreg:$0xc] =	wrdreg s17  }
0xa: {  	s5 =	sadd.s32 $0xCC600, s0;
	s7 =	sadd.s32 $0x116200, s0;
	[dreg:$0xd] =	wrdreg s18  }
0xb: {  	s15 =	sadd.s32 $0x136400, s0;
	[dreg:$0xe] =	wrdreg s19;
	s23 =	simm.s32 $0x14B00  }
0xc: {  	s6 =	smul.u32 $0x2800, s1;
	s24 =	simm.s32 $0x14B80;
	[dreg:$0x12] =	wrdreg s23  }
0xd: {  	s9 =	sshll.u32 s1, $0x10;
	s26 =	simm.s32 $0x14480;
	[dreg:$0x13] =	wrdreg s24  }
0xe: {  	s1 =	ssub.s32 $0x2, s1;
	s18 =	simm.s32 $0x14C80;
	[dreg:$0x14] =	wrdreg s26  }
0xf: {  	s11 =	sshrl.u32 s1, $0x1;
	[dreg:$0x17] =	wrdreg s18;
	s24 =	simm.s32 $0x14680  }
0x10: {  	s26 =	simm.s32 $0x14700;
	s2 =	sadd.s32 s2, s6;
	[dreg:$0x1a] =	wrdreg s24  }
0x11: {  	s1 =	ssub.s32 s1, s11;
	s11 =	simm.s32 $0x14200;
	[dreg:$0x1c] =	wrdreg s26  }
0x12: {  	s20 =	sadd.s32 s9, s15;
	s2 =	sshll.u32 s2, $0x4;
	[dreg:$0xa] =	wrdreg s11  }
0x13: {  	s1 =	smax.u32 s1, $0x1;
	s0 =	sadd.s32 s2, s0;
	s2 =	sshll.u32 s12, $0xC  }
0x14: {  	s10 =	sadd.s32 s9, s7;
	[smem:$0x7F7] =	sst s1;
	s6 =	sadd.s32 s2, s20  }
0x15: {  	s22 =	smul.u32 $0x50000, s12;
	s21 =	sadd.s32 s2, s10;
	[dreg:$0x4] =	wrdreg s6  }
0x16: {  	s20 =	simm.s32 $0x14A00;
	[dreg:$0x5] =	wrdreg s21  }
0x17: {  	s10 =	sshrl.u32 s22, $0x2;
	s22 =	simm.s32 $0x14A80;
	[dreg:$0xf] =	wrdreg s20  }
0x18: {  	s25 =	sadd.s32 $0x4A00, s0;
	[dreg:$0x11] =	wrdreg s22  }
0x19: {  	s17 =	sadd.s32 $0x5900, s0;
	[smem:$0x7EF] =	sst s25  }
0x1a: {  	s19 =	sadd.s32 $0x5E00, s0;
	[smem:$0x7F2] =	sst s17  }
0x1b: {  	s28 =	simm.s32 $0x3;
	s23 =	sadd.s32 $0x6800, s0;
	[smem:$0x7F3] =	sst s19  }
0x1c: {  	s2 =	sor.u32 s2, s9;
	s21 =	simm.s32 $0x14380;
	[smem:$0x7F5] =	sst s23  }
0x1d: {  	s29 =	simm.s32 $0x14000;
	s7 =	sadd.s32 s7, s2;
	[dreg:$0x10] =	wrdreg s21  }
0x1e: {  	s30 =	simm.s32 $0x14800;
	s2 =	sadd.s32 s15, s2;
	[smem:$0x7ED] =	sst s7  }
0x1f: {  	s31 =	simm.s32 $0x14400;
	s15 =	sadd.s32 $0x5400, s0;
	[smem:$0x7EE] =	sst s2  }
0x20: {  	s18 =	simm.s32 $0x2;
	s20 =	simm.s32 $0x14600;
	[smem:$0x7F1] =	sst s15  }
0x21: {  	s24 =	simm.s32 $0x14E80;
	s22 =	simm.s32 $0x14D00;
	[dreg:$0x18] =	wrdreg s20  }
0x22: {  	s26 =	simm.s32 $0x14F00;
	s25 =	simm.s32 $0x14D80;
	[dreg:$0x19] =	wrdreg s22  }
0x23: {  	s1 =	simm.s32 $0x4;
	s6 =	simm.s32 $0x0;
	[dreg:$0x1b] =	wrdreg s25  }
0x24: {  	s13 =	sadd.s32 s10, s3;
	s17 =	simm.s32 $0x6;
	[smem:$0x7F8] =	sst s6  }
0x25: {  	s19 =	simm.s32 $0x7;
	s8 =	sadd.s32 $0x2800, s13;
	[dreg:$0x1d] =	wrdreg s13  }
0x26: {  	s23 =	simm.s32 $0x14780;
	s12 =	sadd.s32 $0x5000, s13;
	[dreg:$0x1e] =	wrdreg s8  }
0x27: {  	s16 =	sadd.s32 $0x7800, s13;
	s7 =	sadd.s32 $0x4F00, s0;
	[dreg:$0x1f] =	wrdreg s12  }
0x28: {  	s14 =	sadd.s32 $0xA000, s13;
	s21 =	sadd.s32 $0x6300, s0;
	[smem:$0x7F0] =	sst s7  }
0x29: {  	s11 =	sadd.s32 $0xF000, s13;
	s0 =	sadd.s32 $0x6D00, s0;
	[smem:$0x7F4] =	sst s21  }
0x2a: {  	s25 =	simm.s32 $0x15000;
	s2 =	simm.s32 $0x50;
	[smem:$0x7F6] =	sst s0  }
0x2b: {  	s10 =	smov.u32 s14;
	s14 =	simm.s32 $0x14500;
	[smem:$0x7FC] =	sst s11  }
0x2c: {  	s9 =	smov.u32 s16;
	s16 =	simm.s32 $0x14580;
	[dreg:$0x15] =	wrdreg s14  }
0x2d: {  	s15 =	simm.s32 $0x1A000;
	s20 =	simm.s32 $0x5;
	[dreg:$0x16] =	wrdreg s16  }
0x2e: {  	s22 =	simm.s32 $0x14E00;
	s8 =	sadd.s32 $0xC800, s13;
	[smem:$0x7F9] =	sst s9  }
0x2f: {  	s12 =	sadd.s32 $0x11800, s13;
	s0 =	simm.s32 $0x14C00;
	[smem:$0x7FA] =	sst s10  }
0x30: {  	s21 =	simm.s32 $0x8;
	s7 =	simm.s32 $0x14F80;
	[smem:$0x7FB] =	sst s8  }
0x31: {  	s14 =	simm.s32 $0x17800;
	s16 =	simm.s32 $0x1;
	[smem:$0x7FD] =	sst s12  }
.LBB2_1:
0x32: {  	s6 =	rddreg [dreg:$0x1]  }
0x33: {  	[tilespmem:s25], [sflag:$0x9] =	stream.linear.gather [hbm4b:s6+s4], $0x2800, $0x38;
	[tilespmem:$0x1C800] =	vst v63  }
0x34: {  	s6 =	simm.s32 $0x9  }
0x35: {  	_ =	swait.ge [sflag:s6], $0x2800  }
0x36: {  	[sflag:s6] =	ssyncset.done $0x0  }
0x37: {  	[sflag:s6] =	ssyncadd.s32 $0xFFFFD800  }
0x38: {  	[spmem:s13] =	stream.linear.scatter [tilespmem:s25], [sflag:$0x3], $0x2800, $0x38;
	[tilespmem:$0x1C800] =	vst v63  }
0x39: {  	s13 =	rddreg [dreg:$0x1e]  }
0x3a: {  	[spmem:s13] =	stream.linear.scatter [tilespmem:s25], [sflag:$0x3], $0x2800, $0x38;
	[tilespmem:$0x1C800] =	vst v63  }
0x3b: {  	s13 =	rddreg [dreg:$0x1f]  }
0x3c: {  	[spmem:s13] =	stream.linear.scatter [tilespmem:s25], [sflag:$0x3], $0x2800, $0x38;
	[tilespmem:$0x1C800] =	vst v63  }
0x3d: {  	_ = 	snop  }
0x3e: {  	[spmem:s9] =	stream.linear.scatter [tilespmem:s25], [sflag:$0x3], $0x2800, $0x38;
	[tilespmem:$0x1C800] =	vst v63  }
0x3f: {  	_ = 	snop  }
0x40: {  	[spmem:s10] =	stream.linear.scatter [tilespmem:s25], [sflag:$0x3], $0x2800, $0x38;
	[tilespmem:$0x1C800] =	vst v63  }
0x41: {  	_ = 	snop  }
0x42: {  	[spmem:s8] =	stream.linear.scatter [tilespmem:s25], [sflag:$0x3], $0x2800, $0x38;
	[tilespmem:$0x1C800] =	vst v63  }
0x43: {  	_ = 	snop  }
0x44: {  	[spmem:s11] =	stream.linear.scatter [tilespmem:s25], [sflag:$0x3], $0x2800, $0x38;
	[tilespmem:$0x1C800] =	vst v63  }
0x45: {  	_ = 	snop  }
0x46: {  	[spmem:s12] =	stream.linear.scatter [tilespmem:s25], [sflag:$0x3], $0x2800, $0x38;
	[tilespmem:$0x1C800] =	vst v63  }
0x47: {  	_ =	swait.ge [sflag:s28], $0x2800  }
0x48: {  	[sflag:s28] =	ssyncset.done $0x0  }
0x49: {  	[sflag:s28] =	ssyncadd.s32 $0xFFFFD800  }
0x4a: {  	_ =	swait.ge [sflag:s28], $0x2800  }
0x4b: {  	[sflag:s28] =	ssyncset.done $0x0  }
0x4c: {  	[sflag:s28] =	ssyncadd.s32 $0xFFFFD800  }
0x4d: {  	_ =	swait.ge [sflag:s28], $0x2800  }
0x4e: {  	[sflag:s28] =	ssyncset.done $0x0  }
0x4f: {  	[sflag:s28] =	ssyncadd.s32 $0xFFFFD800  }
0x50: {  	_ =	swait.ge [sflag:s28], $0x2800  }
0x51: {  	[sflag:s28] =	ssyncset.done $0x0  }
0x52: {  	[sflag:s28] =	ssyncadd.s32 $0xFFFFD800  }
0x53: {  	_ =	swait.ge [sflag:s28], $0x2800  }
0x54: {  	[sflag:s28] =	ssyncset.done $0x0  }
0x55: {  	[sflag:s28] =	ssyncadd.s32 $0xFFFFD800  }
0x56: {  	_ =	swait.ge [sflag:s28], $0x2800  }
0x57: {  	[sflag:s28] =	ssyncset.done $0x0  }
0x58: {  	[sflag:s28] =	ssyncadd.s32 $0xFFFFD800  }
0x59: {  	_ =	swait.ge [sflag:s28], $0x2800  }
0x5a: {  	[sflag:s28] =	ssyncset.done $0x0  }
0x5b: {  	[sflag:s28] =	ssyncadd.s32 $0xFFFFD800  }
0x5c: {  	_ =	swait.ge [sflag:s28], $0x2800  }
0x5d: {  	[sflag:s28] =	ssyncset.done $0x0  }
0x5e: {  	[sflag:s28] =	ssyncadd.s32 $0xFFFFD800  }
0x5f: {  	[bflag:$0x0] =	sbarrier.arrive $0xFFFF  }
0x60: {  	s12 =	sld [smem:$0x7ED];
	_ =	sdelay $0x2  }
0x61: {  	[tilespmem:s29], [sflag:$0x3] =	stream.linear.gather [hbm4b:s12+s4], $0x400, $0x38;
	[tilespmem:$0x1C800] =	vst v63  }
0x62: {  	s12 =	sld [smem:$0x7EE]  }
0x63: {  	s13 =	rddreg [dreg:$0x5]  }
0x64: {  	s8 =	rddreg [dreg:$0x4];
	s10 =	sadd.s32 $0x0, s13  }
0x65: {  	[tilespmem:s30], [sflag:$0x4] =	stream.linear.gather [hbm4b:s12+s4], $0x400, $0x38;
	[tilespmem:$0x1C800] =	vst v63  }
0x66: {  	s9 =	sadd.s32 $0x0, s8;
	s13 =	sadd.s32 $0x80, s10  }
0x67: {  	[tilespmem:s31], [sflag:$0x3] =	stream.linear.gather [hbm4b:s13+s4], $0x400, $0x38;
	[tilespmem:$0x1C800] =	vst v63  }
0x68: {  	s11 =	sadd.s32 $0x80, s9  }
0x69: {  	[tilespmem:s0], [sflag:$0x4] =	stream.linear.gather [hbm4b:s11+s4], $0x400, $0x38;
	[tilespmem:$0x1C800] =	vst v63  }
0x6a: {  	_ =	swait.ge [sflag:s28], $0x400  }
0x6b: {  	[sflag:s28] =	ssyncset.done $0x0  }
0x6c: {  	[sflag:s28] =	ssyncadd.s32 $0xFFFFFC00  }
0x6d: {  	_ =	swait.ge [sflag:s1], $0x400  }
0x6e: {  	[sflag:s1] =	ssyncset.done $0x0  }
0x6f: {  	[sflag:s1] =	ssyncadd.s32 $0xFFFFFC00  }
0x70: {  	[tilespmem:s25], [sflag:$0x1] =	stream.indirect.gather [hbm4b:s5+s2], $0x80, s29, s2, $0xb8;
	[tilespmem:$0x1C800] =	vst v63  }
0x71: {  	s6 =	rddreg [dreg:$0x6]  }
0x72: {  	[tilespmem:s14], [sflag:$0x2] =	stream.indirect.gather [hbm4b:s5+s2], $0x80, s6, s2, $0xb8;
	[tilespmem:$0x1C800] =	vst v63  }
0x73: {  	s8 =	rddreg [dreg:$0x7]  }
0x74: {  	[tilespmem:s15], [sflag:$0x5] =	stream.indirect.gather [hbm4b:s5+s2], $0x80, s8, s2, $0xb8;
	[tilespmem:$0x1C800] =	vst v63  }
0x75: {  	_ =	swait.ge [sflag:s16], $0x2800  }
0x76: {  	[sflag:s16] =	ssyncset.done $0x0  }
0x77: {  	[sflag:s16] =	ssyncadd.s32 $0xFFFFD800  }
0x78: {  	[spmem:s3] =	stream.indirect.scatter.add.f32 [tilespmem:s25], [sflag:$0x6], $0x80, s30, s2, $0xb8;
	[tilespmem:$0x1C800] =	vst v63  }
0x79: {  	_ =	swait.ge [sflag:s17], $0x2800  }
0x7a: {  	[sflag:s17] =	ssyncset.done $0x0  }
0x7b: {  	s12 =	rddreg [dreg:$0x8];
	[sflag:s17] =	ssyncadd.s32 $0xFFFFD800  }
0x7c: {  	[tilespmem:s25], [sflag:$0x1] =	stream.indirect.gather [hbm4b:s5+s2], $0x80, s12, s2, $0xb8;
	[tilespmem:$0x1C800] =	vst v63  }
0x7d: {  	_ =	swait.ge [sflag:s18], $0x2800  }
0x7e: {  	[sflag:s18] =	ssyncset.done $0x0  }
0x7f: {  	s13 =	rddreg [dreg:$0x9];
	[sflag:s18] =	ssyncadd.s32 $0xFFFFD800  }
0x80: {  	[spmem:s3] =	stream.indirect.scatter.add.f32 [tilespmem:s14], [sflag:$0x7], $0x80, s13, s2, $0xb8;
	[tilespmem:$0x1C800] =	vst v63  }
0x81: {  	_ =	swait.ge [sflag:s19], $0x2800  }
0x82: {  	[sflag:s19] =	ssyncset.done $0x0  }
0x83: {  	s6 =	rddreg [dreg:$0xa];
	[sflag:s19] =	ssyncadd.s32 $0xFFFFD800  }
0x84: {  	[tilespmem:s14], [sflag:$0x2] =	stream.indirect.gather [hbm4b:s5+s2], $0x80, s6, s2, $0xb8;
	[tilespmem:$0x1C800] =	vst v63  }
0x85: {  	_ =	swait.ge [sflag:s20], $0x2800  }
0x86: {  	[sflag:s20] =	ssyncset.done $0x0  }
0x87: {  	s8 =	rddreg [dreg:$0xb];
	[sflag:s20] =	ssyncadd.s32 $0xFFFFD800  }
0x88: {  	[spmem:s3] =	stream.indirect.scatter.add.f32 [tilespmem:s15], [sflag:$0x8], $0x80, s8, s2, $0xb8;
	[tilespmem:$0x1C800] =	vst v63  }
0x89: {  	_ =	swait.ge [sflag:s21], $0x2800  }
0x8a: {  	[sflag:s21] =	ssyncset.done $0x0  }
0x8b: {  	s12 =	rddreg [dreg:$0xc];
	[sflag:s21] =	ssyncadd.s32 $0xFFFFD800  }
0x8c: {  	[tilespmem:s15], [sflag:$0x5] =	stream.indirect.gather [hbm4b:s5+s2], $0x80, s12, s2, $0xb8;
	[tilespmem:$0x1C800] =	vst v63  }
0x8d: {  	_ =	swait.ge [sflag:s16], $0x2800  }
0x8e: {  	[sflag:s16] =	ssyncset.done $0x0  }
0x8f: {  	s13 =	rddreg [dreg:$0xd];
	[sflag:s16] =	ssyncadd.s32 $0xFFFFD800  }
0x90: {  	[spmem:s3] =	stream.indirect.scatter.add.f32 [tilespmem:s25], [sflag:$0x6], $0x80, s13, s2, $0xb8;
	[tilespmem:$0x1C800] =	vst v63  }
0x91: {  	_ =	swait.ge [sflag:s17], $0x2800  }
0x92: {  	[sflag:s17] =	ssyncset.done $0x0  }
0x93: {  	s6 =	rddreg [dreg:$0xe];
	[sflag:s17] =	ssyncadd.s32 $0xFFFFD800  }
0x94: {  	[tilespmem:s25], [sflag:$0x1] =	stream.indirect.gather [hbm4b:s5+s2], $0x80, s6, s2, $0xb8;
	[tilespmem:$0x1C800] =	vst v63  }
0x95: {  	_ =	swait.ge [sflag:s18], $0x2800  }
0x96: {  	[sflag:s18] =	ssyncset.done $0x0  }
0x97: {  	s8 =	rddreg [dreg:$0xf];
	[sflag:s18] =	ssyncadd.s32 $0xFFFFD800  }
0x98: {  	[spmem:s3] =	stream.indirect.scatter.add.f32 [tilespmem:s14], [sflag:$0x7], $0x80, s8, s2, $0xb8;
	[tilespmem:$0x1C800] =	vst v63  }
0x99: {  	_ =	swait.ge [sflag:s19], $0x2800  }
0x9a: {  	[sflag:s19] =	ssyncset.done $0x0  }
0x9b: {  	s12 =	rddreg [dreg:$0x10];
	[sflag:s19] =	ssyncadd.s32 $0xFFFFD800  }
0x9c: {  	[tilespmem:s14], [sflag:$0x2] =	stream.indirect.gather [hbm4b:s5+s2], $0x80, s12, s2, $0xb8;
	[tilespmem:$0x1C800] =	vst v63  }
0x9d: {  	_ =	swait.ge [sflag:s20], $0x2800  }
0x9e: {  	[sflag:s20] =	ssyncset.done $0x0  }
0x9f: {  	s13 =	rddreg [dreg:$0x11];
	[sflag:s20] =	ssyncadd.s32 $0xFFFFD800  }
0xa0: {  	[spmem:s3] =	stream.indirect.scatter.add.f32 [tilespmem:s15], [sflag:$0x8], $0x80, s13, s2, $0xb8;
	[tilespmem:$0x1C800] =	vst v63  }
0xa1: {  	_ =	swait.ge [sflag:s16], $0x2800  }
0xa2: {  	[sflag:s16] =	ssyncset.done $0x0  }
0xa3: {  	s6 =	rddreg [dreg:$0x12];
	[sflag:s16] =	ssyncadd.s32 $0xFFFFD800  }
0xa4: {  	[spmem:s3] =	stream.indirect.scatter.add.f32 [tilespmem:s25], [sflag:$0x6], $0x80, s6, s2, $0xb8;
	[tilespmem:$0x1C800] =	vst v63  }
0xa5: {  	_ =	swait.ge [sflag:s18], $0x2800  }
0xa6: {  	[sflag:s18] =	ssyncset.done $0x0  }
0xa7: {  	s8 =	rddreg [dreg:$0x13];
	[sflag:s18] =	ssyncadd.s32 $0xFFFFD800  }
0xa8: {  	[spmem:s3] =	stream.indirect.scatter.add.f32 [tilespmem:s14], [sflag:$0x7], $0x80, s8, s2, $0xb8;
	[tilespmem:$0x1C800] =	vst v63  }
0xa9: {  	_ =	swait.ge [sflag:s21], $0x2800  }
0xaa: {  	[sflag:s21] =	ssyncset.done $0x0  }
0xab: {  	[sflag:s21] =	ssyncadd.s32 $0xFFFFD800  }
0xac: {  	_ =	swait.ge [sflag:s17], $0x2800  }
0xad: {  	[sflag:s17] =	ssyncset.done $0x0  }
0xae: {  	[sflag:s17] =	ssyncadd.s32 $0xFFFFD800  }
0xaf: {  	_ =	swait.ge [sflag:s19], $0x2800  }
0xb0: {  	[sflag:s19] =	ssyncset.done $0x0  }
0xb1: {  	s10 =	sadd.s32 $0x100, s10;
	[sflag:s19] =	ssyncadd.s32 $0xFFFFD800  }
0xb2: {  	[tilespmem:s29], [sflag:$0x3] =	stream.linear.gather [hbm4b:s10+s4], $0x400, $0x38;
	[tilespmem:$0x1C800] =	vst v63  }
0xb3: {  	s9 =	sadd.s32 $0x100, s9  }
0xb4: {  	[tilespmem:s30], [sflag:$0x4] =	stream.linear.gather [hbm4b:s9+s4], $0x400, $0x38;
	[tilespmem:$0x1C800] =	vst v63  }
0xb5: {  	_ =	swait.ge [sflag:s28], $0x400  }
0xb6: {  	[sflag:s28] =	ssyncset.done $0x0  }
0xb7: {  	[sflag:s28] =	ssyncadd.s32 $0xFFFFFC00  }
0xb8: {  	_ =	swait.ge [sflag:s1], $0x400  }
0xb9: {  	[sflag:s1] =	ssyncset.done $0x0  }
0xba: {  	[sflag:s1] =	ssyncadd.s32 $0xFFFFFC00  }
0xbb: {  	[tilespmem:s25], [sflag:$0x1] =	stream.indirect.gather [hbm4b:s5+s2], $0x80, s31, s2, $0xb8;
	[tilespmem:$0x1C800] =	vst v63  }
0xbc: {  	s11 =	rddreg [dreg:$0x14]  }
0xbd: {  	[tilespmem:s14], [sflag:$0x2] =	stream.indirect.gather [hbm4b:s5+s2], $0x80, s11, s2, $0xb8;
	[tilespmem:$0x1C800] =	vst v63  }
0xbe: {  	s12 =	rddreg [dreg:$0x15]  }
0xbf: {  	[tilespmem:s15], [sflag:$0x5] =	stream.indirect.gather [hbm4b:s5+s2], $0x80, s12, s2, $0xb8;
	[tilespmem:$0x1C800] =	vst v63  }
0xc0: {  	_ =	swait.ge [sflag:s16], $0x2800  }
0xc1: {  	[sflag:s16] =	ssyncset.done $0x0  }
0xc2: {  	[sflag:s16] =	ssyncadd.s32 $0xFFFFD800  }
0xc3: {  	[spmem:s3] =	stream.indirect.scatter.add.f32 [tilespmem:s25], [sflag:$0x6], $0x80, s0, s2, $0xb8;
	[tilespmem:$0x1C800] =	vst v63  }
0xc4: {  	_ =	swait.ge [sflag:s17], $0x2800  }
0xc5: {  	[sflag:s17] =	ssyncset.done $0x0  }
0xc6: {  	s13 =	rddreg [dreg:$0x16];
	[sflag:s17] =	ssyncadd.s32 $0xFFFFD800  }
0xc7: {  	[tilespmem:s25], [sflag:$0x1] =	stream.indirect.gather [hbm4b:s5+s2], $0x80, s13, s2, $0xb8;
	[tilespmem:$0x1C800] =	vst v63  }
0xc8: {  	_ =	swait.ge [sflag:s18], $0x2800  }
0xc9: {  	[sflag:s18] =	ssyncset.done $0x0  }
0xca: {  	s6 =	rddreg [dreg:$0x17];
	[sflag:s18] =	ssyncadd.s32 $0xFFFFD800  }
0xcb: {  	[spmem:s3] =	stream.indirect.scatter.add.f32 [tilespmem:s14], [sflag:$0x7], $0x80, s6, s2, $0xb8;
	[tilespmem:$0x1C800] =	vst v63  }
0xcc: {  	_ =	swait.ge [sflag:s19], $0x2800  }
0xcd: {  	[sflag:s19] =	ssyncset.done $0x0  }
0xce: {  	s8 =	rddreg [dreg:$0x18];
	[sflag:s19] =	ssyncadd.s32 $0xFFFFD800  }
0xcf: {  	[tilespmem:s14], [sflag:$0x2] =	stream.indirect.gather [hbm4b:s5+s2], $0x80, s8, s2, $0xb8;
	[tilespmem:$0x1C800] =	vst v63  }
0xd0: {  	_ =	swait.ge [sflag:s20], $0x2800  }
0xd1: {  	[sflag:s20] =	ssyncset.done $0x0  }
0xd2: {  	s10 =	rddreg [dreg:$0x19];
	[sflag:s20] =	ssyncadd.s32 $0xFFFFD800  }
0xd3: {  	[spmem:s3] =	stream.indirect.scatter.add.f32 [tilespmem:s15], [sflag:$0x8], $0x80, s10, s2, $0xb8;
	[tilespmem:$0x1C800] =	vst v63  }
0xd4: {  	_ =	swait.ge [sflag:s21], $0x2800  }
0xd5: {  	[sflag:s21] =	ssyncset.done $0x0  }
0xd6: {  	s11 =	rddreg [dreg:$0x1a];
	[sflag:s21] =	ssyncadd.s32 $0xFFFFD800  }
0xd7: {  	[tilespmem:s15], [sflag:$0x5] =	stream.indirect.gather [hbm4b:s5+s2], $0x80, s11, s2, $0xb8;
	[tilespmem:$0x1C800] =	vst v63  }
0xd8: {  	_ =	swait.ge [sflag:s16], $0x2800  }
0xd9: {  	[sflag:s16] =	ssyncset.done $0x0  }
0xda: {  	s12 =	rddreg [dreg:$0x1b];
	[sflag:s16] =	ssyncadd.s32 $0xFFFFD800  }
0xdb: {  	[spmem:s3] =	stream.indirect.scatter.add.f32 [tilespmem:s25], [sflag:$0x6], $0x80, s12, s2, $0xb8;
	[tilespmem:$0x1C800] =	vst v63  }
0xdc: {  	_ =	swait.ge [sflag:s17], $0x2800  }
0xdd: {  	[sflag:s17] =	ssyncset.done $0x0  }
0xde: {  	s13 =	rddreg [dreg:$0x1c];
	[sflag:s17] =	ssyncadd.s32 $0xFFFFD800  }
0xdf: {  	[tilespmem:s25], [sflag:$0x1] =	stream.indirect.gather [hbm4b:s5+s2], $0x80, s13, s2, $0xb8;
	[tilespmem:$0x1C800] =	vst v63  }
0xe0: {  	_ =	swait.ge [sflag:s18], $0x2800  }
0xe1: {  	[sflag:s18] =	ssyncset.done $0x0  }
0xe2: {  	[sflag:s18] =	ssyncadd.s32 $0xFFFFD800  }
0xe3: {  	[spmem:s3] =	stream.indirect.scatter.add.f32 [tilespmem:s14], [sflag:$0x7], $0x80, s22, s2, $0xb8;
	[tilespmem:$0x1C800] =	vst v63  }
0xe4: {  	_ =	swait.ge [sflag:s19], $0x2800  }
0xe5: {  	[sflag:s19] =	ssyncset.done $0x0  }
0xe6: {  	[sflag:s19] =	ssyncadd.s32 $0xFFFFD800  }
0xe7: {  	[tilespmem:s14], [sflag:$0x2] =	stream.indirect.gather [hbm4b:s5+s2], $0x80, s23, s2, $0xb8;
	[tilespmem:$0x1C800] =	vst v63  }
0xe8: {  	_ =	swait.ge [sflag:s20], $0x2800  }
0xe9: {  	[sflag:s20] =	ssyncset.done $0x0  }
0xea: {  	[sflag:s20] =	ssyncadd.s32 $0xFFFFD800  }
0xeb: {  	[spmem:s3] =	stream.indirect.scatter.add.f32 [tilespmem:s15], [sflag:$0x8], $0x80, s24, s2, $0xb8;
	[tilespmem:$0x1C800] =	vst v63  }
0xec: {  	_ =	swait.ge [sflag:s16], $0x2800  }
0xed: {  	[sflag:s16] =	ssyncset.done $0x0  }
0xee: {  	[sflag:s16] =	ssyncadd.s32 $0xFFFFD800  }
0xef: {  	[spmem:s3] =	stream.indirect.scatter.add.f32 [tilespmem:s25], [sflag:$0x6], $0x80, s26, s2, $0xb8;
	[tilespmem:$0x1C800] =	vst v63  }
0xf0: {  	_ =	swait.ge [sflag:s18], $0x2800  }
0xf1: {  	[sflag:s18] =	ssyncset.done $0x0  }
0xf2: {  	[sflag:s18] =	ssyncadd.s32 $0xFFFFD800  }
0xf3: {  	[spmem:s3] =	stream.indirect.scatter.add.f32 [tilespmem:s14], [sflag:$0x7], $0x80, s7, s2, $0xb8;
	[tilespmem:$0x1C800] =	vst v63  }
0xf4: {  	_ =	swait.ge [sflag:s21], $0x2800  }
0xf5: {  	[sflag:s21] =	ssyncset.done $0x0  }
0xf6: {  	[sflag:s21] =	ssyncadd.s32 $0xFFFFD800  }
0xf7: {  	_ =	swait.ge [sflag:s17], $0x2800  }
0xf8: {  	[sflag:s17] =	ssyncset.done $0x0  }
0xf9: {  	[sflag:s17] =	ssyncadd.s32 $0xFFFFD800  }
0xfa: {  	s9 =	simm.s32 $0x100;
	s10 =	simm.s32 $0x200;
	_ =	swait.ge [sflag:s19], $0x2800  }
.LBB2_2:
0xfb: {  	s11 =	rddreg [dreg:$0x5]  }
0xfc: {  	[sflag:s19] =	ssyncset.done $0x0;
	s12 =	rddreg [dreg:$0x4];
	s11 =	sadd.s32 s9, s11  }
0xfd: {  	[sflag:s19] =	ssyncadd.s32 $0xFFFFD800;
	s12 =	sadd.s32 s9, s12;
	s6 =	sadd.s32 $0x80, s11  }
0xfe: {  	[tilespmem:s31], [sflag:$0x3] =	stream.linear.gather [hbm4b:s6+s4], $0x400, $0x38;
	[tilespmem:$0x1C800] =	vst v63  }
0xff: {  	s8 =	sadd.s32 $0x80, s12  }
0x100: {  	[tilespmem:s0], [sflag:$0x4] =	stream.linear.gather [hbm4b:s8+s4], $0x400, $0x38;
	[tilespmem:$0x1C800] =	vst v63  }
0x101: {  	_ =	swait.ge [sflag:s28], $0x400  }
0x102: {  	[sflag:s28] =	ssyncset.done $0x0  }
0x103: {  	[sflag:s28] =	ssyncadd.s32 $0xFFFFFC00  }
0x104: {  	_ =	swait.ge [sflag:s1], $0x400  }
0x105: {  	[sflag:s1] =	ssyncset.done $0x0  }
0x106: {  	s13 =	smov.u32 s10;
	[sflag:s1] =	ssyncadd.s32 $0xFFFFFC00  }
0x107: {  	[tilespmem:s25], [sflag:$0x1] =	stream.indirect.gather [hbm4b:s5+s2], $0x80, s29, s2, $0xb8;
	[tilespmem:$0x1C800] =	vst v63  }
0x108: {  	s9 =	smov.u32 s13;
	s13 =	rddreg [dreg:$0x6]  }
0x109: {  	[tilespmem:s14], [sflag:$0x2] =	stream.indirect.gather [hbm4b:s5+s2], $0x80, s13, s2, $0xb8;
	[tilespmem:$0x1C800] =	vst v63  }
0x10a: {  	s8 =	rddreg [dreg:$0x7]  }
0x10b: {  	[tilespmem:s15], [sflag:$0x5] =	stream.indirect.gather [hbm4b:s5+s2], $0x80, s8, s2, $0xb8;
	[tilespmem:$0x1C800] =	vst v63  }
0x10c: {  	_ =	swait.ge [sflag:s16], $0x2800  }
0x10d: {  	[sflag:s16] =	ssyncset.done $0x0  }
0x10e: {  	[sflag:s16] =	ssyncadd.s32 $0xFFFFD800  }
0x10f: {  	[spmem:s3] =	stream.indirect.scatter.add.f32 [tilespmem:s25], [sflag:$0x6], $0x80, s30, s2, $0xb8;
	[tilespmem:$0x1C800] =	vst v63  }
0x110: {  	_ =	swait.ge [sflag:s17], $0x2800  }
0x111: {  	[sflag:s17] =	ssyncset.done $0x0  }
0x112: {  	s13 =	rddreg [dreg:$0x8];
	[sflag:s17] =	ssyncadd.s32 $0xFFFFD800  }
0x113: {  	[tilespmem:s25], [sflag:$0x1] =	stream.indirect.gather [hbm4b:s5+s2], $0x80, s13, s2, $0xb8;
	[tilespmem:$0x1C800] =	vst v63  }
0x114: {  	_ =	swait.ge [sflag:s18], $0x2800  }
0x115: {  	[sflag:s18] =	ssyncset.done $0x0  }
0x116: {  	s8 =	rddreg [dreg:$0x9];
	[sflag:s18] =	ssyncadd.s32 $0xFFFFD800  }
0x117: {  	[spmem:s3] =	stream.indirect.scatter.add.f32 [tilespmem:s14], [sflag:$0x7], $0x80, s8, s2, $0xb8;
	[tilespmem:$0x1C800] =	vst v63  }
0x118: {  	_ =	swait.ge [sflag:s19], $0x2800  }
0x119: {  	[sflag:s19] =	ssyncset.done $0x0  }
0x11a: {  	s13 =	rddreg [dreg:$0xa];
	[sflag:s19] =	ssyncadd.s32 $0xFFFFD800  }
0x11b: {  	[tilespmem:s14], [sflag:$0x2] =	stream.indirect.gather [hbm4b:s5+s2], $0x80, s13, s2, $0xb8;
	[tilespmem:$0x1C800] =	vst v63  }
0x11c: {  	_ =	swait.ge [sflag:s20], $0x2800  }
0x11d: {  	[sflag:s20] =	ssyncset.done $0x0  }
0x11e: {  	s8 =	rddreg [dreg:$0xb];
	[sflag:s20] =	ssyncadd.s32 $0xFFFFD800  }
0x11f: {  	[spmem:s3] =	stream.indirect.scatter.add.f32 [tilespmem:s15], [sflag:$0x8], $0x80, s8, s2, $0xb8;
	[tilespmem:$0x1C800] =	vst v63  }
0x120: {  	_ =	swait.ge [sflag:s21], $0x2800  }
0x121: {  	[sflag:s21] =	ssyncset.done $0x0  }
0x122: {  	s13 =	rddreg [dreg:$0xc];
	[sflag:s21] =	ssyncadd.s32 $0xFFFFD800  }
0x123: {  	[tilespmem:s15], [sflag:$0x5] =	stream.indirect.gather [hbm4b:s5+s2], $0x80, s13, s2, $0xb8;
	[tilespmem:$0x1C800] =	vst v63  }
0x124: {  	_ =	swait.ge [sflag:s16], $0x2800  }
0x125: {  	[sflag:s16] =	ssyncset.done $0x0  }
0x126: {  	s8 =	rddreg [dreg:$0xd];
	[sflag:s16] =	ssyncadd.s32 $0xFFFFD800  }
0x127: {  	[spmem:s3] =	stream.indirect.scatter.add.f32 [tilespmem:s25], [sflag:$0x6], $0x80, s8, s2, $0xb8;
	[tilespmem:$0x1C800] =	vst v63  }
0x128: {  	_ =	swait.ge [sflag:s17], $0x2800  }
0x129: {  	[sflag:s17] =	ssyncset.done $0x0  }
0x12a: {  	s13 =	rddreg [dreg:$0xe];
	[sflag:s17] =	ssyncadd.s32 $0xFFFFD800  }
0x12b: {  	[tilespmem:s25], [sflag:$0x1] =	stream.indirect.gather [hbm4b:s5+s2], $0x80, s13, s2, $0xb8;
	[tilespmem:$0x1C800] =	vst v63  }
0x12c: {  	_ =	swait.ge [sflag:s18], $0x2800  }
0x12d: {  	[sflag:s18] =	ssyncset.done $0x0  }
0x12e: {  	s8 =	rddreg [dreg:$0xf];
	[sflag:s18] =	ssyncadd.s32 $0xFFFFD800  }
0x12f: {  	[spmem:s3] =	stream.indirect.scatter.add.f32 [tilespmem:s14], [sflag:$0x7], $0x80, s8, s2, $0xb8;
	[tilespmem:$0x1C800] =	vst v63  }
0x130: {  	_ =	swait.ge [sflag:s19], $0x2800  }
0x131: {  	[sflag:s19] =	ssyncset.done $0x0  }
0x132: {  	s13 =	rddreg [dreg:$0x10];
	[sflag:s19] =	ssyncadd.s32 $0xFFFFD800  }
0x133: {  	[tilespmem:s14], [sflag:$0x2] =	stream.indirect.gather [hbm4b:s5+s2], $0x80, s13, s2, $0xb8;
	[tilespmem:$0x1C800] =	vst v63  }
0x134: {  	_ =	swait.ge [sflag:s20], $0x2800  }
0x135: {  	[sflag:s20] =	ssyncset.done $0x0  }
0x136: {  	s8 =	rddreg [dreg:$0x11];
	[sflag:s20] =	ssyncadd.s32 $0xFFFFD800  }
0x137: {  	[spmem:s3] =	stream.indirect.scatter.add.f32 [tilespmem:s15], [sflag:$0x8], $0x80, s8, s2, $0xb8;
	[tilespmem:$0x1C800] =	vst v63  }
0x138: {  	_ =	swait.ge [sflag:s16], $0x2800  }
0x139: {  	[sflag:s16] =	ssyncset.done $0x0  }
0x13a: {  	s13 =	rddreg [dreg:$0x12];
	[sflag:s16] =	ssyncadd.s32 $0xFFFFD800  }
0x13b: {  	[spmem:s3] =	stream.indirect.scatter.add.f32 [tilespmem:s25], [sflag:$0x6], $0x80, s13, s2, $0xb8;
	[tilespmem:$0x1C800] =	vst v63  }
0x13c: {  	_ =	swait.ge [sflag:s18], $0x2800  }
0x13d: {  	[sflag:s18] =	ssyncset.done $0x0  }
0x13e: {  	s8 =	rddreg [dreg:$0x13];
	[sflag:s18] =	ssyncadd.s32 $0xFFFFD800  }
0x13f: {  	[spmem:s3] =	stream.indirect.scatter.add.f32 [tilespmem:s14], [sflag:$0x7], $0x80, s8, s2, $0xb8;
	[tilespmem:$0x1C800] =	vst v63  }
0x140: {  	_ =	swait.ge [sflag:s21], $0x2800  }
0x141: {  	[sflag:s21] =	ssyncset.done $0x0  }
0x142: {  	[sflag:s21] =	ssyncadd.s32 $0xFFFFD800  }
0x143: {  	_ =	swait.ge [sflag:s17], $0x2800  }
0x144: {  	[sflag:s17] =	ssyncset.done $0x0  }
0x145: {  	[sflag:s17] =	ssyncadd.s32 $0xFFFFD800  }
0x146: {  	_ =	swait.ge [sflag:s19], $0x2800  }
0x147: {  	[sflag:s19] =	ssyncset.done $0x0  }
0x148: {  	s11 =	sadd.s32 $0x100, s11;
	[sflag:s19] =	ssyncadd.s32 $0xFFFFD800  }
0x149: {  	[tilespmem:s29], [sflag:$0x3] =	stream.linear.gather [hbm4b:s11+s4], $0x400, $0x38;
	[tilespmem:$0x1C800] =	vst v63  }
0x14a: {  	s12 =	sadd.s32 $0x100, s12  }
0x14b: {  	[tilespmem:s30], [sflag:$0x4] =	stream.linear.gather [hbm4b:s12+s4], $0x400, $0x38;
	[tilespmem:$0x1C800] =	vst v63  }
0x14c: {  	_ =	swait.ge [sflag:s28], $0x400  }
0x14d: {  	[sflag:s28] =	ssyncset.done $0x0  }
0x14e: {  	[sflag:s28] =	ssyncadd.s32 $0xFFFFFC00  }
0x14f: {  	_ =	swait.ge [sflag:s1], $0x400  }
0x150: {  	[sflag:s1] =	ssyncset.done $0x0  }
0x151: {  	[sflag:s1] =	ssyncadd.s32 $0xFFFFFC00  }
0x152: {  	[tilespmem:s25], [sflag:$0x1] =	stream.indirect.gather [hbm4b:s5+s2], $0x80, s31, s2, $0xb8;
	[tilespmem:$0x1C800] =	vst v63  }
0x153: {  	s13 =	rddreg [dreg:$0x14]  }
0x154: {  	[tilespmem:s14], [sflag:$0x2] =	stream.indirect.gather [hbm4b:s5+s2], $0x80, s13, s2, $0xb8;
	[tilespmem:$0x1C800] =	vst v63  }
0x155: {  	s8 =	rddreg [dreg:$0x15]  }
0x156: {  	[tilespmem:s15], [sflag:$0x5] =	stream.indirect.gather [hbm4b:s5+s2], $0x80, s8, s2, $0xb8;
	[tilespmem:$0x1C800] =	vst v63  }
0x157: {  	_ =	swait.ge [sflag:s16], $0x2800  }
0x158: {  	[sflag:s16] =	ssyncset.done $0x0  }
0x159: {  	[sflag:s16] =	ssyncadd.s32 $0xFFFFD800  }
0x15a: {  	[spmem:s3] =	stream.indirect.scatter.add.f32 [tilespmem:s25], [sflag:$0x6], $0x80, s0, s2, $0xb8;
	[tilespmem:$0x1C800] =	vst v63  }
0x15b: {  	_ =	swait.ge [sflag:s17], $0x2800  }
0x15c: {  	[sflag:s17] =	ssyncset.done $0x0  }
0x15d: {  	s11 =	rddreg [dreg:$0x16];
	[sflag:s17] =	ssyncadd.s32 $0xFFFFD800  }
0x15e: {  	[tilespmem:s25], [sflag:$0x1] =	stream.indirect.gather [hbm4b:s5+s2], $0x80, s11, s2, $0xb8;
	[tilespmem:$0x1C800] =	vst v63  }
0x15f: {  	_ =	swait.ge [sflag:s18], $0x2800  }
0x160: {  	[sflag:s18] =	ssyncset.done $0x0  }
0x161: {  	s12 =	rddreg [dreg:$0x17];
	[sflag:s18] =	ssyncadd.s32 $0xFFFFD800  }
0x162: {  	[spmem:s3] =	stream.indirect.scatter.add.f32 [tilespmem:s14], [sflag:$0x7], $0x80, s12, s2, $0xb8;
	[tilespmem:$0x1C800] =	vst v63  }
0x163: {  	_ =	swait.ge [sflag:s19], $0x2800  }
0x164: {  	[sflag:s19] =	ssyncset.done $0x0  }
0x165: {  	s13 =	rddreg [dreg:$0x18];
	[sflag:s19] =	ssyncadd.s32 $0xFFFFD800  }
0x166: {  	[tilespmem:s14], [sflag:$0x2] =	stream.indirect.gather [hbm4b:s5+s2], $0x80, s13, s2, $0xb8;
	[tilespmem:$0x1C800] =	vst v63  }
0x167: {  	_ =	swait.ge [sflag:s20], $0x2800  }
0x168: {  	[sflag:s20] =	ssyncset.done $0x0  }
0x169: {  	s8 =	rddreg [dreg:$0x19];
	[sflag:s20] =	ssyncadd.s32 $0xFFFFD800  }
0x16a: {  	[spmem:s3] =	stream.indirect.scatter.add.f32 [tilespmem:s15], [sflag:$0x8], $0x80, s8, s2, $0xb8;
	[tilespmem:$0x1C800] =	vst v63  }
0x16b: {  	_ =	swait.ge [sflag:s21], $0x2800  }
0x16c: {  	[sflag:s21] =	ssyncset.done $0x0  }
0x16d: {  	s11 =	rddreg [dreg:$0x1a];
	[sflag:s21] =	ssyncadd.s32 $0xFFFFD800  }
0x16e: {  	[tilespmem:s15], [sflag:$0x5] =	stream.indirect.gather [hbm4b:s5+s2], $0x80, s11, s2, $0xb8;
	[tilespmem:$0x1C800] =	vst v63  }
0x16f: {  	_ =	swait.ge [sflag:s16], $0x2800  }
0x170: {  	[sflag:s16] =	ssyncset.done $0x0  }
0x171: {  	s12 =	rddreg [dreg:$0x1b];
	[sflag:s16] =	ssyncadd.s32 $0xFFFFD800  }
0x172: {  	[spmem:s3] =	stream.indirect.scatter.add.f32 [tilespmem:s25], [sflag:$0x6], $0x80, s12, s2, $0xb8;
	[tilespmem:$0x1C800] =	vst v63  }
0x173: {  	_ =	swait.ge [sflag:s17], $0x2800  }
0x174: {  	[sflag:s17] =	ssyncset.done $0x0  }
0x175: {  	s13 =	rddreg [dreg:$0x1c];
	[sflag:s17] =	ssyncadd.s32 $0xFFFFD800  }
0x176: {  	[tilespmem:s25], [sflag:$0x1] =	stream.indirect.gather [hbm4b:s5+s2], $0x80, s13, s2, $0xb8;
	[tilespmem:$0x1C800] =	vst v63  }
0x177: {  	_ =	swait.ge [sflag:s18], $0x2800  }
0x178: {  	[sflag:s18] =	ssyncset.done $0x0  }
0x179: {  	[sflag:s18] =	ssyncadd.s32 $0xFFFFD800  }
0x17a: {  	[spmem:s3] =	stream.indirect.scatter.add.f32 [tilespmem:s14], [sflag:$0x7], $0x80, s22, s2, $0xb8;
	[tilespmem:$0x1C800] =	vst v63  }
0x17b: {  	_ =	swait.ge [sflag:s19], $0x2800  }
0x17c: {  	[sflag:s19] =	ssyncset.done $0x0  }
0x17d: {  	[sflag:s19] =	ssyncadd.s32 $0xFFFFD800  }
0x17e: {  	[tilespmem:s14], [sflag:$0x2] =	stream.indirect.gather [hbm4b:s5+s2], $0x80, s23, s2, $0xb8;
	[tilespmem:$0x1C800] =	vst v63  }
0x17f: {  	_ =	swait.ge [sflag:s20], $0x2800  }
0x180: {  	[sflag:s20] =	ssyncset.done $0x0  }
0x181: {  	[sflag:s20] =	ssyncadd.s32 $0xFFFFD800  }
0x182: {  	[spmem:s3] =	stream.indirect.scatter.add.f32 [tilespmem:s15], [sflag:$0x8], $0x80, s24, s2, $0xb8;
	[tilespmem:$0x1C800] =	vst v63  }
0x183: {  	_ =	swait.ge [sflag:s16], $0x2800  }
0x184: {  	[sflag:s16] =	ssyncset.done $0x0  }
0x185: {  	[sflag:s16] =	ssyncadd.s32 $0xFFFFD800  }
0x186: {  	[spmem:s3] =	stream.indirect.scatter.add.f32 [tilespmem:s25], [sflag:$0x6], $0x80, s26, s2, $0xb8;
	[tilespmem:$0x1C800] =	vst v63  }
0x187: {  	_ =	swait.ge [sflag:s18], $0x2800  }
0x188: {  	[sflag:s18] =	ssyncset.done $0x0  }
0x189: {  	[sflag:s18] =	ssyncadd.s32 $0xFFFFD800  }
0x18a: {  	[spmem:s3] =	stream.indirect.scatter.add.f32 [tilespmem:s14], [sflag:$0x7], $0x80, s7, s2, $0xb8;
	[tilespmem:$0x1C800] =	vst v63  }
0x18b: {  	_ =	swait.ge [sflag:s21], $0x2800  }
0x18c: {  	p0 =	sne.s32 s10, $0xF00;
	[sflag:s21] =	ssyncset.done $0x0  }
.Ltmp0:
0x18d: {  	[sflag:s21] =	ssyncadd.s32 $0xFFFFD800;
	(pc) =	sbr.rel @p0 .LBB2_2-.Ltmp0, $4  }
0x18e: {  	_ =	swait.ge [sflag:s17], $0x2800  }
0x18f: {  	[sflag:s17] =	ssyncset.done $0x0  }
0x190: {  	[sflag:s17] =	ssyncadd.s32 $0xFFFFD800  }
0x191: {  	s10 =	sadd.s32 $0x100, s10;
	_ =	swait.ge [sflag:s19], $0x2800  }
0x192: {  	s6 =	rddreg [dreg:$0x5]  }
0x193: {  	s11 =	rddreg [dreg:$0x4];
	[sflag:s19] =	ssyncset.done $0x0;
	s10 =	sadd.s32 s9, s6  }
0x194: {  	[sflag:s19] =	ssyncadd.s32 $0xFFFFD800;
	s9 =	sadd.s32 s9, s11;
	s6 =	sadd.s32 $0x80, s10  }
0x195: {  	[tilespmem:s31], [sflag:$0x3] =	stream.linear.gather [hbm4b:s6+s4], $0x400, $0x38;
	[tilespmem:$0x1C800] =	vst v63  }
0x196: {  	s11 =	sadd.s32 $0x80, s9  }
0x197: {  	[tilespmem:s0], [sflag:$0x4] =	stream.linear.gather [hbm4b:s11+s4], $0x400, $0x38;
	[tilespmem:$0x1C800] =	vst v63  }
0x198: {  	_ =	swait.ge [sflag:s28], $0x400  }
0x199: {  	[sflag:s28] =	ssyncset.done $0x0  }
0x19a: {  	[sflag:s28] =	ssyncadd.s32 $0xFFFFFC00  }
0x19b: {  	_ =	swait.ge [sflag:s1], $0x400  }
0x19c: {  	[sflag:s1] =	ssyncset.done $0x0  }
0x19d: {  	[sflag:s1] =	ssyncadd.s32 $0xFFFFFC00  }
0x19e: {  	[tilespmem:s25], [sflag:$0x1] =	stream.indirect.gather [hbm4b:s5+s2], $0x80, s29, s2, $0xb8;
	[tilespmem:$0x1C800] =	vst v63  }
0x19f: {  	s12 =	rddreg [dreg:$0x6]  }
0x1a0: {  	[tilespmem:s14], [sflag:$0x2] =	stream.indirect.gather [hbm4b:s5+s2], $0x80, s12, s2, $0xb8;
	[tilespmem:$0x1C800] =	vst v63  }
0x1a1: {  	s13 =	rddreg [dreg:$0x7]  }
0x1a2: {  	[tilespmem:s15], [sflag:$0x5] =	stream.indirect.gather [hbm4b:s5+s2], $0x80, s13, s2, $0xb8;
	[tilespmem:$0x1C800] =	vst v63  }
0x1a3: {  	_ =	swait.ge [sflag:s16], $0x2800  }
0x1a4: {  	[sflag:s16] =	ssyncset.done $0x0  }
0x1a5: {  	[sflag:s16] =	ssyncadd.s32 $0xFFFFD800  }
0x1a6: {  	[spmem:s3] =	stream.indirect.scatter.add.f32 [tilespmem:s25], [sflag:$0x6], $0x80, s30, s2, $0xb8;
	[tilespmem:$0x1C800] =	vst v63  }
0x1a7: {  	_ =	swait.ge [sflag:s17], $0x2800  }
0x1a8: {  	[sflag:s17] =	ssyncset.done $0x0  }
0x1a9: {  	s8 =	rddreg [dreg:$0x8];
	[sflag:s17] =	ssyncadd.s32 $0xFFFFD800  }
0x1aa: {  	[tilespmem:s25], [sflag:$0x1] =	stream.indirect.gather [hbm4b:s5+s2], $0x80, s8, s2, $0xb8;
	[tilespmem:$0x1C800] =	vst v63  }
0x1ab: {  	_ =	swait.ge [sflag:s18], $0x2800  }
0x1ac: {  	[sflag:s18] =	ssyncset.done $0x0  }
0x1ad: {  	s11 =	rddreg [dreg:$0x9];
	[sflag:s18] =	ssyncadd.s32 $0xFFFFD800  }
0x1ae: {  	[spmem:s3] =	stream.indirect.scatter.add.f32 [tilespmem:s14], [sflag:$0x7], $0x80, s11, s2, $0xb8;
	[tilespmem:$0x1C800] =	vst v63  }
0x1af: {  	_ =	swait.ge [sflag:s19], $0x2800  }
0x1b0: {  	[sflag:s19] =	ssyncset.done $0x0  }
0x1b1: {  	s12 =	rddreg [dreg:$0xa];
	[sflag:s19] =	ssyncadd.s32 $0xFFFFD800  }
0x1b2: {  	[tilespmem:s14], [sflag:$0x2] =	stream.indirect.gather [hbm4b:s5+s2], $0x80, s12, s2, $0xb8;
	[tilespmem:$0x1C800] =	vst v63  }
0x1b3: {  	_ =	swait.ge [sflag:s20], $0x2800  }
0x1b4: {  	[sflag:s20] =	ssyncset.done $0x0  }
0x1b5: {  	s13 =	rddreg [dreg:$0xb];
	[sflag:s20] =	ssyncadd.s32 $0xFFFFD800  }
0x1b6: {  	[spmem:s3] =	stream.indirect.scatter.add.f32 [tilespmem:s15], [sflag:$0x8], $0x80, s13, s2, $0xb8;
	[tilespmem:$0x1C800] =	vst v63  }
0x1b7: {  	_ =	swait.ge [sflag:s21], $0x2800  }
0x1b8: {  	[sflag:s21] =	ssyncset.done $0x0  }
0x1b9: {  	s8 =	rddreg [dreg:$0xc];
	[sflag:s21] =	ssyncadd.s32 $0xFFFFD800  }
0x1ba: {  	[tilespmem:s15], [sflag:$0x5] =	stream.indirect.gather [hbm4b:s5+s2], $0x80, s8, s2, $0xb8;
	[tilespmem:$0x1C800] =	vst v63  }
0x1bb: {  	_ =	swait.ge [sflag:s16], $0x2800  }
0x1bc: {  	[sflag:s16] =	ssyncset.done $0x0  }
0x1bd: {  	s11 =	rddreg [dreg:$0xd];
	[sflag:s16] =	ssyncadd.s32 $0xFFFFD800  }
0x1be: {  	[spmem:s3] =	stream.indirect.scatter.add.f32 [tilespmem:s25], [sflag:$0x6], $0x80, s11, s2, $0xb8;
	[tilespmem:$0x1C800] =	vst v63  }
0x1bf: {  	_ =	swait.ge [sflag:s17], $0x2800  }
0x1c0: {  	[sflag:s17] =	ssyncset.done $0x0  }
0x1c1: {  	s12 =	rddreg [dreg:$0xe];
	[sflag:s17] =	ssyncadd.s32 $0xFFFFD800  }
0x1c2: {  	[tilespmem:s25], [sflag:$0x1] =	stream.indirect.gather [hbm4b:s5+s2], $0x80, s12, s2, $0xb8;
	[tilespmem:$0x1C800] =	vst v63  }
0x1c3: {  	_ =	swait.ge [sflag:s18], $0x2800  }
0x1c4: {  	[sflag:s18] =	ssyncset.done $0x0  }
0x1c5: {  	s13 =	rddreg [dreg:$0xf];
	[sflag:s18] =	ssyncadd.s32 $0xFFFFD800  }
0x1c6: {  	[spmem:s3] =	stream.indirect.scatter.add.f32 [tilespmem:s14], [sflag:$0x7], $0x80, s13, s2, $0xb8;
	[tilespmem:$0x1C800] =	vst v63  }
0x1c7: {  	_ =	swait.ge [sflag:s19], $0x2800  }
0x1c8: {  	[sflag:s19] =	ssyncset.done $0x0  }
0x1c9: {  	s8 =	rddreg [dreg:$0x10];
	[sflag:s19] =	ssyncadd.s32 $0xFFFFD800  }
0x1ca: {  	[tilespmem:s14], [sflag:$0x2] =	stream.indirect.gather [hbm4b:s5+s2], $0x80, s8, s2, $0xb8;
	[tilespmem:$0x1C800] =	vst v63  }
0x1cb: {  	_ =	swait.ge [sflag:s20], $0x2800  }
0x1cc: {  	[sflag:s20] =	ssyncset.done $0x0  }
0x1cd: {  	s11 =	rddreg [dreg:$0x11];
	[sflag:s20] =	ssyncadd.s32 $0xFFFFD800  }
0x1ce: {  	[spmem:s3] =	stream.indirect.scatter.add.f32 [tilespmem:s15], [sflag:$0x8], $0x80, s11, s2, $0xb8;
	[tilespmem:$0x1C800] =	vst v63  }
0x1cf: {  	_ =	swait.ge [sflag:s16], $0x2800  }
0x1d0: {  	[sflag:s16] =	ssyncset.done $0x0  }
0x1d1: {  	s12 =	rddreg [dreg:$0x12];
	[sflag:s16] =	ssyncadd.s32 $0xFFFFD800  }
0x1d2: {  	[spmem:s3] =	stream.indirect.scatter.add.f32 [tilespmem:s25], [sflag:$0x6], $0x80, s12, s2, $0xb8;
	[tilespmem:$0x1C800] =	vst v63  }
0x1d3: {  	_ =	swait.ge [sflag:s18], $0x2800  }
0x1d4: {  	[sflag:s18] =	ssyncset.done $0x0  }
0x1d5: {  	s13 =	rddreg [dreg:$0x13];
	[sflag:s18] =	ssyncadd.s32 $0xFFFFD800  }
0x1d6: {  	[spmem:s3] =	stream.indirect.scatter.add.f32 [tilespmem:s14], [sflag:$0x7], $0x80, s13, s2, $0xb8;
	[tilespmem:$0x1C800] =	vst v63  }
0x1d7: {  	_ =	swait.ge [sflag:s21], $0x2800  }
0x1d8: {  	[sflag:s21] =	ssyncset.done $0x0  }
0x1d9: {  	[sflag:s21] =	ssyncadd.s32 $0xFFFFD800  }
0x1da: {  	_ =	swait.ge [sflag:s17], $0x2800  }
0x1db: {  	[sflag:s17] =	ssyncset.done $0x0  }
0x1dc: {  	[sflag:s17] =	ssyncadd.s32 $0xFFFFD800  }
0x1dd: {  	_ =	swait.ge [sflag:s19], $0x2800  }
0x1de: {  	[sflag:s19] =	ssyncset.done $0x0  }
0x1df: {  	s8 =	sadd.s32 $0x100, s10;
	[sflag:s19] =	ssyncadd.s32 $0xFFFFD800  }
0x1e0: {  	[tilespmem:s29], [sflag:$0x3] =	stream.linear.gather [hbm4b:s8+s4], $0x400, $0x38;
	[tilespmem:$0x1C800] =	vst v63  }
0x1e1: {  	s10 =	sadd.s32 $0x100, s9  }
0x1e2: {  	[tilespmem:s30], [sflag:$0x4] =	stream.linear.gather [hbm4b:s10+s4], $0x400, $0x38;
	[tilespmem:$0x1C800] =	vst v63  }
0x1e3: {  	_ =	swait.ge [sflag:s28], $0x400  }
0x1e4: {  	[sflag:s28] =	ssyncset.done $0x0  }
0x1e5: {  	[sflag:s28] =	ssyncadd.s32 $0xFFFFFC00  }
0x1e6: {  	_ =	swait.ge [sflag:s1], $0x400  }
0x1e7: {  	[sflag:s1] =	ssyncset.done $0x0  }
0x1e8: {  	[sflag:s1] =	ssyncadd.s32 $0xFFFFFC00  }
0x1e9: {  	[tilespmem:s25], [sflag:$0x1] =	stream.indirect.gather [hbm4b:s5+s2], $0x80, s31, s2, $0xb8;
	[tilespmem:$0x1C800] =	vst v63  }
0x1ea: {  	s11 =	rddreg [dreg:$0x14]  }
0x1eb: {  	[tilespmem:s14], [sflag:$0x2] =	stream.indirect.gather [hbm4b:s5+s2], $0x80, s11, s2, $0xb8;
	[tilespmem:$0x1C800] =	vst v63  }
0x1ec: {  	s12 =	rddreg [dreg:$0x15]  }
0x1ed: {  	[tilespmem:s15], [sflag:$0x5] =	stream.indirect.gather [hbm4b:s5+s2], $0x80, s12, s2, $0xb8;
	[tilespmem:$0x1C800] =	vst v63  }
0x1ee: {  	_ =	swait.ge [sflag:s16], $0x2800  }
0x1ef: {  	[sflag:s16] =	ssyncset.done $0x0  }
0x1f0: {  	[sflag:s16] =	ssyncadd.s32 $0xFFFFD800  }
0x1f1: {  	[spmem:s3] =	stream.indirect.scatter.add.f32 [tilespmem:s25], [sflag:$0x6], $0x80, s0, s2, $0xb8;
	[tilespmem:$0x1C800] =	vst v63  }
0x1f2: {  	_ =	swait.ge [sflag:s17], $0x2800  }
0x1f3: {  	[sflag:s17] =	ssyncset.done $0x0  }
0x1f4: {  	s13 =	rddreg [dreg:$0x16];
	[sflag:s17] =	ssyncadd.s32 $0xFFFFD800  }
0x1f5: {  	[tilespmem:s25], [sflag:$0x1] =	stream.indirect.gather [hbm4b:s5+s2], $0x80, s13, s2, $0xb8;
	[tilespmem:$0x1C800] =	vst v63  }
0x1f6: {  	_ =	swait.ge [sflag:s18], $0x2800  }
0x1f7: {  	[sflag:s18] =	ssyncset.done $0x0  }
0x1f8: {  	s8 =	rddreg [dreg:$0x17];
	[sflag:s18] =	ssyncadd.s32 $0xFFFFD800  }
0x1f9: {  	[spmem:s3] =	stream.indirect.scatter.add.f32 [tilespmem:s14], [sflag:$0x7], $0x80, s8, s2, $0xb8;
	[tilespmem:$0x1C800] =	vst v63  }
0x1fa: {  	_ =	swait.ge [sflag:s19], $0x2800  }
0x1fb: {  	[sflag:s19] =	ssyncset.done $0x0  }
0x1fc: {  	s9 =	rddreg [dreg:$0x18];
	[sflag:s19] =	ssyncadd.s32 $0xFFFFD800  }
0x1fd: {  	[tilespmem:s14], [sflag:$0x2] =	stream.indirect.gather [hbm4b:s5+s2], $0x80, s9, s2, $0xb8;
	[tilespmem:$0x1C800] =	vst v63  }
0x1fe: {  	_ =	swait.ge [sflag:s20], $0x2800  }
0x1ff: {  	[sflag:s20] =	ssyncset.done $0x0  }
0x200: {  	s10 =	rddreg [dreg:$0x19];
	[sflag:s20] =	ssyncadd.s32 $0xFFFFD800  }
0x201: {  	[spmem:s3] =	stream.indirect.scatter.add.f32 [tilespmem:s15], [sflag:$0x8], $0x80, s10, s2, $0xb8;
	[tilespmem:$0x1C800] =	vst v63  }
0x202: {  	_ =	swait.ge [sflag:s21], $0x2800  }
0x203: {  	[sflag:s21] =	ssyncset.done $0x0  }
0x204: {  	s11 =	rddreg [dreg:$0x1a];
	[sflag:s21] =	ssyncadd.s32 $0xFFFFD800  }
0x205: {  	[tilespmem:s15], [sflag:$0x5] =	stream.indirect.gather [hbm4b:s5+s2], $0x80, s11, s2, $0xb8;
	[tilespmem:$0x1C800] =	vst v63  }
0x206: {  	_ =	swait.ge [sflag:s16], $0x2800  }
0x207: {  	[sflag:s16] =	ssyncset.done $0x0  }
0x208: {  	s12 =	rddreg [dreg:$0x1b];
	[sflag:s16] =	ssyncadd.s32 $0xFFFFD800  }
0x209: {  	[spmem:s3] =	stream.indirect.scatter.add.f32 [tilespmem:s25], [sflag:$0x6], $0x80, s12, s2, $0xb8;
	[tilespmem:$0x1C800] =	vst v63  }
0x20a: {  	_ =	swait.ge [sflag:s17], $0x2800  }
0x20b: {  	[sflag:s17] =	ssyncset.done $0x0  }
0x20c: {  	s13 =	rddreg [dreg:$0x1c];
	[sflag:s17] =	ssyncadd.s32 $0xFFFFD800  }
0x20d: {  	[tilespmem:s25], [sflag:$0x1] =	stream.indirect.gather [hbm4b:s5+s2], $0x80, s13, s2, $0xb8;
	[tilespmem:$0x1C800] =	vst v63  }
0x20e: {  	_ =	swait.ge [sflag:s18], $0x2800  }
0x20f: {  	[sflag:s18] =	ssyncset.done $0x0  }
0x210: {  	[sflag:s18] =	ssyncadd.s32 $0xFFFFD800  }
0x211: {  	[spmem:s3] =	stream.indirect.scatter.add.f32 [tilespmem:s14], [sflag:$0x7], $0x80, s22, s2, $0xb8;
	[tilespmem:$0x1C800] =	vst v63  }
0x212: {  	_ =	swait.ge [sflag:s19], $0x2800  }
0x213: {  	[sflag:s19] =	ssyncset.done $0x0  }
0x214: {  	[sflag:s19] =	ssyncadd.s32 $0xFFFFD800  }
0x215: {  	[tilespmem:s14], [sflag:$0x2] =	stream.indirect.gather [hbm4b:s5+s2], $0x80, s23, s2, $0xb8;
	[tilespmem:$0x1C800] =	vst v63  }
0x216: {  	_ =	swait.ge [sflag:s20], $0x2800  }
0x217: {  	[sflag:s20] =	ssyncset.done $0x0  }
0x218: {  	[sflag:s20] =	ssyncadd.s32 $0xFFFFD800  }
0x219: {  	[spmem:s3] =	stream.indirect.scatter.add.f32 [tilespmem:s15], [sflag:$0x8], $0x80, s24, s2, $0xb8;
	[tilespmem:$0x1C800] =	vst v63  }
0x21a: {  	_ =	swait.ge [sflag:s16], $0x2800  }
0x21b: {  	[sflag:s16] =	ssyncset.done $0x0  }
0x21c: {  	[sflag:s16] =	ssyncadd.s32 $0xFFFFD800  }
0x21d: {  	[spmem:s3] =	stream.indirect.scatter.add.f32 [tilespmem:s25], [sflag:$0x6], $0x80, s26, s2, $0xb8;
	[tilespmem:$0x1C800] =	vst v63  }
0x21e: {  	_ =	swait.ge [sflag:s18], $0x2800  }
0x21f: {  	[sflag:s18] =	ssyncset.done $0x0  }
0x220: {  	[sflag:s18] =	ssyncadd.s32 $0xFFFFD800  }
0x221: {  	[spmem:s3] =	stream.indirect.scatter.add.f32 [tilespmem:s14], [sflag:$0x7], $0x80, s7, s2, $0xb8;
	[tilespmem:$0x1C800] =	vst v63  }
0x222: {  	_ =	swait.ge [sflag:s21], $0x2800  }
0x223: {  	[sflag:s21] =	ssyncset.done $0x0  }
0x224: {  	[sflag:s21] =	ssyncadd.s32 $0xFFFFD800  }
0x225: {  	_ =	swait.ge [sflag:s17], $0x2800  }
0x226: {  	[sflag:s17] =	ssyncset.done $0x0  }
0x227: {  	[sflag:s17] =	ssyncadd.s32 $0xFFFFD800  }
0x228: {  	_ =	swait.ge [sflag:s19], $0x2800  }
0x229: {  	[sflag:s19] =	ssyncset.done $0x0  }
0x22a: {  	[sflag:s19] =	ssyncadd.s32 $0xFFFFD800  }
0x22b: {  	_ =	swait.ge [sflag:s28], $0x400  }
0x22c: {  	[sflag:s28] =	ssyncset.done $0x0  }
0x22d: {  	[sflag:s28] =	ssyncadd.s32 $0xFFFFFC00  }
0x22e: {  	_ =	swait.ge [sflag:s1], $0x400  }
0x22f: {  	[sflag:s1] =	ssyncset.done $0x0  }
0x230: {  	[sflag:s1] =	ssyncadd.s32 $0xFFFFFC00  }
0x231: {  	[bflag:$0x0] =	sbarrier.arrive $0xFFFF  }
0x232: {  	s8 =	rddreg [dreg:$0x1d]  }
0x233: {  	[tilespmem:s25], [sflag:$0x1] =	stream.linear.gather [spmem:s8], $0x2800, $0x38;
	[tilespmem:$0x1C800] =	vst v63  }
0x234: {  	s9 =	rddreg [dreg:$0x1e]  }
0x235: {  	[tilespmem:s14], [sflag:$0x2] =	stream.linear.gather [spmem:s9], $0x2800, $0x38;
	[tilespmem:$0x1C800] =	vst v63  }
0x236: {  	_ =	swait.ge [sflag:s16], $0x2800  }
0x237: {  	s10 =	sld [smem:$0x7EF]  }
0x238: {  	[sflag:s16] =	ssyncset.done $0x0  }
0x239: {  	[sflag:s16] =	ssyncadd.s32 $0xFFFFD800  }
0x23a: {  	[hbm4b:s10+s4] =	stream.linear.scatter [tilespmem:s25], [sflag:$0x3], $0x2800, $0x38;
	[tilespmem:$0x1C800] =	vst v63  }
0x23b: {  	_ =	swait.ge [sflag:s28], $0x2800  }
0x23c: {  	[sflag:s28] =	ssyncset.done $0x0  }
0x23d: {  	s11 =	rddreg [dreg:$0x1f];
	[sflag:s28] =	ssyncadd.s32 $0xFFFFD800  }
0x23e: {  	[tilespmem:s25], [sflag:$0x1] =	stream.linear.gather [spmem:s11], $0x2800, $0x38;
	[tilespmem:$0x1C800] =	vst v63  }
0x23f: {  	_ =	swait.ge [sflag:s18], $0x2800  }
0x240: {  	s12 =	sld [smem:$0x7F0]  }
0x241: {  	[sflag:s18] =	ssyncset.done $0x0  }
0x242: {  	[sflag:s18] =	ssyncadd.s32 $0xFFFFD800  }
0x243: {  	[hbm4b:s12+s4] =	stream.linear.scatter [tilespmem:s14], [sflag:$0x4], $0x2800, $0x38;
	[tilespmem:$0x1C800] =	vst v63  }
0x244: {  	_ =	swait.ge [sflag:s1], $0x2800  }
0x245: {  	s9 =	sld [smem:$0x7F9]  }
0x246: {  	[sflag:s1] =	ssyncset.done $0x0  }
0x247: {  	[sflag:s1] =	ssyncadd.s32 $0xFFFFD800  }
0x248: {  	[tilespmem:s14], [sflag:$0x2] =	stream.linear.gather [spmem:s9], $0x2800, $0x38;
	[tilespmem:$0x1C800] =	vst v63  }
0x249: {  	_ =	swait.ge [sflag:s16], $0x2800  }
0x24a: {  	s13 =	sld [smem:$0x7F1]  }
0x24b: {  	[sflag:s16] =	ssyncset.done $0x0  }
0x24c: {  	[sflag:s16] =	ssyncadd.s32 $0xFFFFD800  }
0x24d: {  	[hbm4b:s13+s4] =	stream.linear.scatter [tilespmem:s25], [sflag:$0x3], $0x2800, $0x38;
	[tilespmem:$0x1C800] =	vst v63  }
0x24e: {  	_ =	swait.ge [sflag:s28], $0x2800  }
0x24f: {  	s10 =	sld [smem:$0x7FA]  }
0x250: {  	[sflag:s28] =	ssyncset.done $0x0  }
0x251: {  	[sflag:s28] =	ssyncadd.s32 $0xFFFFD800  }
0x252: {  	[tilespmem:s25], [sflag:$0x1] =	stream.linear.gather [spmem:s10], $0x2800, $0x38;
	[tilespmem:$0x1C800] =	vst v63  }
0x253: {  	_ =	swait.ge [sflag:s18], $0x2800  }
0x254: {  	s8 =	sld [smem:$0x7F2]  }
0x255: {  	[sflag:s18] =	ssyncset.done $0x0  }
0x256: {  	[sflag:s18] =	ssyncadd.s32 $0xFFFFD800  }
0x257: {  	[hbm4b:s8+s4] =	stream.linear.scatter [tilespmem:s14], [sflag:$0x4], $0x2800, $0x38;
	[tilespmem:$0x1C800] =	vst v63  }
0x258: {  	_ =	swait.ge [sflag:s1], $0x2800  }
0x259: {  	s8 =	sld [smem:$0x7FB]  }
0x25a: {  	[sflag:s1] =	ssyncset.done $0x0  }
0x25b: {  	[sflag:s1] =	ssyncadd.s32 $0xFFFFD800  }
0x25c: {  	[tilespmem:s14], [sflag:$0x2] =	stream.linear.gather [spmem:s8], $0x2800, $0x38;
	[tilespmem:$0x1C800] =	vst v63  }
0x25d: {  	_ =	swait.ge [sflag:s16], $0x2800  }
0x25e: {  	s11 =	sld [smem:$0x7F3]  }
0x25f: {  	[sflag:s16] =	ssyncset.done $0x0  }
0x260: {  	[sflag:s16] =	ssyncadd.s32 $0xFFFFD800  }
0x261: {  	[hbm4b:s11+s4] =	stream.linear.scatter [tilespmem:s25], [sflag:$0x3], $0x2800, $0x38;
	[tilespmem:$0x1C800] =	vst v63  }
0x262: {  	_ =	swait.ge [sflag:s28], $0x2800  }
0x263: {  	s11 =	sld [smem:$0x7FC]  }
0x264: {  	[sflag:s28] =	ssyncset.done $0x0  }
0x265: {  	[sflag:s28] =	ssyncadd.s32 $0xFFFFD800  }
0x266: {  	[tilespmem:s25], [sflag:$0x1] =	stream.linear.gather [spmem:s11], $0x2800, $0x38;
	[tilespmem:$0x1C800] =	vst v63  }
0x267: {  	_ =	swait.ge [sflag:s18], $0x2800  }
0x268: {  	s12 =	sld [smem:$0x7F4]  }
0x269: {  	[sflag:s18] =	ssyncset.done $0x0  }
0x26a: {  	[sflag:s18] =	ssyncadd.s32 $0xFFFFD800  }
0x26b: {  	[hbm4b:s12+s4] =	stream.linear.scatter [tilespmem:s14], [sflag:$0x4], $0x2800, $0x38;
	[tilespmem:$0x1C800] =	vst v63  }
0x26c: {  	_ =	swait.ge [sflag:s1], $0x2800  }
0x26d: {  	s12 =	sld [smem:$0x7FD]  }
0x26e: {  	[sflag:s1] =	ssyncset.done $0x0  }
0x26f: {  	[sflag:s1] =	ssyncadd.s32 $0xFFFFD800  }
0x270: {  	[tilespmem:s14], [sflag:$0x2] =	stream.linear.gather [spmem:s12], $0x2800, $0x38;
	[tilespmem:$0x1C800] =	vst v63  }
0x271: {  	_ =	swait.ge [sflag:s16], $0x2800  }
0x272: {  	s13 =	sld [smem:$0x7F5]  }
0x273: {  	[sflag:s16] =	ssyncset.done $0x0  }
0x274: {  	[sflag:s16] =	ssyncadd.s32 $0xFFFFD800  }
0x275: {  	[hbm4b:s13+s4] =	stream.linear.scatter [tilespmem:s25], [sflag:$0x3], $0x2800, $0x38;
	[tilespmem:$0x1C800] =	vst v63  }
0x276: {  	_ =	swait.ge [sflag:s18], $0x2800  }
0x277: {  	s13 =	sld [smem:$0x7F6]  }
0x278: {  	[sflag:s18] =	ssyncset.done $0x0  }
0x279: {  	[sflag:s18] =	ssyncadd.s32 $0xFFFFD800  }
0x27a: {  	[hbm4b:s13+s4] =	stream.linear.scatter [tilespmem:s14], [sflag:$0x4], $0x2800, $0x38;
	[tilespmem:$0x1C800] =	vst v63  }
0x27b: {  	_ =	swait.ge [sflag:s28], $0x2800  }
0x27c: {  	[sflag:s28] =	ssyncset.done $0x0  }
0x27d: {  	[sflag:s28] =	ssyncadd.s32 $0xFFFFD800  }
0x27e: {  	_ =	swait.ge [sflag:s1], $0x2800  }
0x27f: {  	s13 =	sld [smem:$0x7F8]  }
0x280: {  	s6 =	sld [smem:$0x7F7];
	_ =	sdelay $0x1  }
0x281: {  	s13 =	sadd.s32 $0x1, s13  }
0x282: {  	p0 =	sne.s32 s13, s6  }
.Ltmp1:
0x283: {  	_ = 	snop;
	(pc) =	sbr.rel @p0 .LBB2_1-.Ltmp1, $3  }
0x284: {  	_ =	sdelay $0x1  }
0x285: {  	[sflag:s1] =	ssyncset.done $0x0;
	[smem:$0x7F8] =	sst s13  }
0x286: {  	[sflag:s1] =	ssyncadd.s32 $0xFFFFD800;
	s13 =	rddreg [dreg:$0x1d]  }
0x287: {  	_ =	sfence.sel $0x180000  }
0x288: {  	[bflag:$0x0] =	sbarrier.arrive $0xFFFF  }
0x289: {  	_ =	strace $0x9000004A  }
0x28a: {  	s0 =	stileid.u32;
	[bflag:$0x2] =	sbarrier.arrive $0xFFFF  }
0x28b: {  	p0 =	sne.s32 s0, $0x0;
	s0 =	rddreg [dreg:$0x3]  }
0x28c: {  	s0 =	sadd.s32 @!p0 $0x100000, s0  }
0x28d: {  	[sflag:s0] =	ssyncadd.tile.s32 @!p0 $0x1;
	_ =	shalt  }
.Lfunc_end2:
_tile_overlayer_lowered:
.L_overlay_start_2:
0x28e: {  	(tag) =	ssettag $0x2  }
0x28f: {  	s0 =	rddreg [dreg:$0x0];
	s2 =	stileid.u32  }
0x290: {  	s1 =	rddreg [dreg:$0x1];
	p0 =	sne.s32 s2, $0x0  }
0x291: {  	s3 =	rddreg [dreg:$0x2];
	[bflag:$0x3] =	sbarrier.arrive $0xFFFF;
	s2 =	simm.s32 @!p0 $0x1C09  }
0x292: {  	[timem:s3], [sflag:s2] =	dma.local @!p0 [hbm:s0], s1  }
0x293: {  	s0 =	simm.s32 @!p0 $0x9  }
0x294: {  	_ =	swait.ge @!p0 [sflag:s0], s1  }
0x295: {  	s1 =	ssub.s32 @!p0 $0x0, s1;
	[sflag:s0] =	ssyncset.done @!p0 $0x0  }
0x296: {  	[sflag:s0] =	ssyncadd.s32 @!p0 s1  }
0x297: {  	[bflag:$0x3] =	sbarrier.arrive $0xFFFF  }
0x298: {  	_ =	shalt  }

// kernel: kernel.7.cloned.1.call-start
scs
__scs_entry_jumppad:
0x0: {  	(pc) =	sbr.rel $0x88, $3  }
0x1: {  	(tag) =	ssettag $0x0;
	lr =	simm.s32 $0x1  }
0x2: {  	[smem:$0x3F8C] =	sst lr;
	_ =	strace $0xD0000000  }
0x3: {  	_ = 	snop  }
0x4: {  	_ = 	snop  }
0x5: {  	_ = 	snop  }
0x6: {  	_ = 	snop  }
0x7: {  	_ = 	snop  }
__scs_overlays_trampoline_lowered:
0x8: {  	[smem:$0x3F9B] =	sst s0  }
0x9: {  	[smem:$0x3F9C] =	sst s1  }
0xa: {  	[smem:$0x3F9D] =	sst s2  }
0xb: {  	[smem:$0x3F9E] =	sst s3  }
0xc: {  	[smem:$0x3F9F] =	sst s4  }
0xd: {  	[smem:$0x3FA0] =	sst s5  }
0xe: {  	[smem:$0x3FA1] =	sst s6  }
0xf: {  	[smem:$0x3FA2] =	sst s7  }
0x10: {  	[smem:$0x3FA3] =	sst s8  }
0x11: {  	[smem:$0x3FA4] =	sst s9;
	s0 =	simm.s32 @!p0 $0x0  }
0x12: {  	s1 =	sld [smem:$0x3F8A];
	s0 =	simm.s32 @p0 $0x1  }
0x13: {  	[smem:$0x3FA5] =	sst s0;
	s0 =	simm.s32 @!p1 $0x0  }
0x14: {  	s2 =	sld [smem:$0x3F89];
	s0 =	simm.s32 @p1 $0x1  }
0x15: {  	[smem:$0x3FA6] =	sst s0;
	s0 =	simm.s32 @!p2 $0x0  }
0x16: {  	s3 =	sld [smem:$0x3FDB];
	s0 =	simm.s32 @p2 $0x1  }
0x17: {  	s4 =	simm.s32 $0x1BF5;
	[smem:$0x3FA8] =	sst s0  }
0x18: {  	s0 =	sld [smem:$0x3F8B];
	_ =	swait.ge [sflag:s4], $0x0  }
0x19: {  	s7 =	sld [smem:$0x3F8C]  }
0x1a: {  	s8 =	sadd.s32 $0xFFFFE003, lr  }
0x1b: {  	s9 =	sadd.s32 $0xFFFFFEF7, lr;
	s5 =	simm.s32 $0xFFFFFFFF;
	p2 =	slt.u32 s8, $0xFFFFF086  }
0x1c: {  	p1 =	slt.u32 s9, $0xF7A;
	s5 =	simm.s32 @!p2 $0x0  }
0x1d: {  	s5 =	simm.s32 @p1 $0x1;
	p0 =	seq.s32 s7, s2  }
0x1e: {  	s7 =	smul.u32 @!p0 $0xF7A, s2;
	p2 =	seq.s32 @!p0 s5, $0x0  }
0x1f: {  	s9 =	smul.u32 $0xF7A, s1;
	s8 =	simm.s32 @!p0 $0x1BF5;
	p2 =	por !p2, p0  }
0x20: {  	[sflag:s8] =	ssyncset.s32 @!p0 $0xFFFFF086;
	s6 =	sadd.s32 @!p0 s3, s7;
	s7 =	simm.s32 @!p0 $0x108  }
0x21: {  	s3 =	sadd.s32 s3, s9;
	s6 =	sadd.s32 @!p0 $0x88, s6;
	s7 =	simm.s32 @p2 $0x1082  }
0x22: {  	[simem:s7], [sflag:s8] =	dma.local @!p0 [hbm:s6], $0xF7A  }
0x23: {  	s9 =	sor.u32 $0xD0000000, s2;
	s6 =	simm.s32 $0x108;
	_ =	swait.ge @!p0 [sflag:s8], $0x0  }
0x24: {  	s3 =	sadd.s32 $0x88, s3;
	s6 =	simm.s32 @!p1 $0x1082;
	[sflag:s4] =	ssyncset.s32 $0xFFFFF086  }
0x25: {  	[simem:s6], [sflag:s4] =	dma.local [hbm:s3], $0xF7A  }
0x26: {  	[smem:$0x3F8C] =	sst s1;
	(tag) =	ssettag s2;
	_ =	strace s9  }
0x27: {  	s1 =	sld [smem:$0x3F9C]  }
0x28: {  	s2 =	sld [smem:$0x3F9D]  }
0x29: {  	s4 =	sld [smem:$0x3F9F]  }
0x2a: {  	p0 =	seq.s32 s5, $0x0;
	s5 =	sld [smem:$0x3FA0]  }
0x2b: {  	s6 =	sld [smem:$0x3FA1]  }
0x2c: {  	s7 =	sld [smem:$0x3FA2]  }
0x2d: {  	s3 =	simm.s32 $0x108;
	s8 =	sld [smem:$0x3FA3]  }
0x2e: {  	s3 =	simm.s32 @!p0 $0x1082;
	s9 =	sld [smem:$0x3FA4]  }
0x2f: {  	lr =	sadd.s32 s0, s3;
	s0 =	sld [smem:$0x3F9B]  }
0x30: {  	s3 =	sld [smem:$0x3F9E]  }
0x31: {  	[smem:$0x3FA7] =	sst s10  }
0x32: {  	s10 =	sld [smem:$0x3FA5];
	_ =	sdelay $0x3  }
0x33: {  	p0 =	seq.s32 s10, $0x1;
	s10 =	sld [smem:$0x3FA7];
	_ =	sdelay $0x3  }
0x34: {  	[smem:$0x3FA7] =	sst s10  }
0x35: {  	s10 =	sld [smem:$0x3FA6];
	_ =	sdelay $0x3  }
0x36: {  	p1 =	seq.s32 s10, $0x1;
	s10 =	sld [smem:$0x3FA7];
	_ =	sdelay $0x3  }
0x37: {  	[smem:$0x3FA7] =	sst s10  }
0x38: {  	s10 =	sld [smem:$0x3FA8]  }
0x39: {  	_ = 	snop;
	(pc) =	sbr.ind lr, $3  }
0x3a: {  	_ = 	snop  }
0x3b: {  	_ = 	snop  }
0x3c: {  	p2 =	seq.s32 s10, $0x1;
	s10 =	sld [smem:$0x3FA7]  }
0x3d: {  	_ =	shalt  }
0x3e: {  	_ =	shalt  }
0x3f: {  	_ =	shalt  }
0x40: {  	_ =	shalt  }
0x41: {  	_ =	shalt  }
0x42: {  	_ =	shalt  }
0x43: {  	_ =	shalt  }
0x44: {  	_ =	shalt  }
0x45: {  	_ =	shalt  }
0x46: {  	_ =	shalt  }
0x47: {  	_ =	shalt  }
0x48: {  	_ =	shalt  }
0x49: {  	_ =	shalt  }
0x4a: {  	_ =	shalt  }
0x4b: {  	_ =	shalt  }
0x4c: {  	_ =	shalt  }
0x4d: {  	_ =	shalt  }
0x4e: {  	_ =	shalt  }
0x4f: {  	_ =	shalt  }
0x50: {  	_ =	shalt  }
0x51: {  	_ =	shalt  }
0x52: {  	_ =	shalt  }
0x53: {  	_ =	shalt  }
0x54: {  	_ =	shalt  }
0x55: {  	_ =	shalt  }
0x56: {  	_ =	shalt  }
0x57: {  	_ =	shalt  }
0x58: {  	_ =	shalt  }
0x59: {  	_ =	shalt  }
0x5a: {  	_ =	shalt  }
0x5b: {  	_ =	shalt  }
0x5c: {  	_ =	shalt  }
0x5d: {  	_ =	shalt  }
0x5e: {  	_ =	shalt  }
0x5f: {  	_ =	shalt  }
0x60: {  	_ =	shalt  }
0x61: {  	_ =	shalt  }
0x62: {  	_ =	shalt  }
0x63: {  	_ =	shalt  }
0x64: {  	_ =	shalt  }
0x65: {  	_ =	shalt  }
0x66: {  	_ =	shalt  }
0x67: {  	_ =	shalt  }
0x68: {  	_ =	shalt  }
0x69: {  	_ =	shalt  }
0x6a: {  	_ =	shalt  }
0x6b: {  	_ =	shalt  }
0x6c: {  	_ =	shalt  }
0x6d: {  	_ =	shalt  }
0x6e: {  	_ =	shalt  }
0x6f: {  	_ =	shalt  }
0x70: {  	_ =	shalt  }
0x71: {  	_ =	shalt  }
0x72: {  	_ =	shalt  }
0x73: {  	_ =	shalt  }
0x74: {  	_ =	shalt  }
0x75: {  	_ =	shalt  }
0x76: {  	_ =	shalt  }
0x77: {  	_ =	shalt  }
0x78: {  	_ =	shalt  }
0x79: {  	_ =	shalt  }
0x7a: {  	_ =	shalt  }
0x7b: {  	_ =	shalt  }
0x7c: {  	_ =	shalt  }
0x7d: {  	_ =	shalt  }
0x7e: {  	_ =	shalt  }
0x7f: {  	_ =	shalt  }
0x80: {  	_ =	shalt  }
0x81: {  	_ =	shalt  }
0x82: {  	_ =	shalt  }
0x83: {  	_ =	shalt  }
0x84: {  	_ =	shalt  }
0x85: {  	_ =	shalt  }
0x86: {  	_ =	shalt  }
0x87: {  	_ =	shalt  }
.Lfunc_end0:
.L_simem_size_0:
called_computation_lowered:
.L_overlay_start_0:
0x88: {  	s2 =	sld [smem:$0x3FD9]  }
0x89: {  	s3 =	sld [smem:$0x3FFE];
	_ =	sdelay $0x1  }
0x8a: {  	s1 =	srdreg.scid  }
0x8b: {  	s0 =	sand.u32 $0x1, s1  }
0x8c: {  	s17 =	sshll.u32 s0, $0xA;
	s2 =	sadd.s32 s3, s2  }
0x8d: {  	s2 =	sadd.s32 s2, s17  }
0x8e: {  	[smem:$0x3FB3] =	sst s2  }
0x8f: {  	_ = 	snop  }
0x90: {  	s2 =	sld [smem:$0x3FD0];
	(tm) =	ssettm $0x1  }
0x91: {  	s18 =	sld [smem:$0x3FFB];
	_ =	sdelay $0x3  }
0x92: {  	_ =	strace s18  }
0x93: {  	s3 =	sld [smem:$0x3FFC];
	_ =	sdelay $0x3  }
0x94: {  	_ =	strace s3  }
0x95: {  	s3 =	sld [smem:$0x3FFD];
	_ =	sdelay $0x3  }
0x96: {  	_ =	strace s3  }
0x97: {  	_ =	strace $0x8FFFFFFF  }
0x98: {  	s19 =	sld [smem:$0x3FDB];
	_ =	sdelay $0x1  }
0x99: {  	s4 =	simm.s32 $_scs_section_size  }
0x9a: {  	s5 =	simm.s32 $_size__tile_overlayer_lowered;
	s6 =	simm.s32 $_tile_overlayer_lowered  }
0x9b: {  	s22 =	simm.s32 $0x1BFF;
	s21 =	sshll.u32 s6, $0x1;
	s3 =	sadd.s32 s4, s19  }
0x9c: {  	s7 =	simm.s32 $0x0;
	s20 =	sshll.u32 s5, $0x1;
	s5 =	sadd.s32 s21, s3  }
0x9d: {  	[timem:s7], [sflag:s22] =	dma.local [hbm:s5], s20  }
0x9e: {  	_ =	swait.ge [sflag:s22], s20  }
0x9f: {  	s4 =	ssub.s32 $0x0, s20;
	[sflag:s22] =	ssyncset.done $0x0  }
0xa0: {  	[sflag:s22] =	ssyncadd.s32 s4;
	_ =	sdelay $0x1  }
0xa1: {  	s23 =	simm.s32 $0x1B8B  }
0xa2: {  	_ =	swait.ge [sflag:s23], $0x1  }
0xa3: {  	[sflag:s23] =	ssyncset.done $0x0  }
0xa4: {  	s25 =	simm.s32 $0x1B8E;
	s24 =	sld [smem:$0x3FFE];
	[sflag:s23] =	ssyncadd.s32 $0xFFFFFFFF  }
0xa5: {  	s26 =	simm.s32 $execute0_lowered;
	[smem:$0x3FD2] =	sst s25  }
0xa6: {  	s5 =	sshll.u32 s26, $0x1;
	_ =	strace $0x80000046;
	[dreg:$0x1] =	wrdreg $0xFFFFFFFF  }
0xa7: {  	s28 =	simm.s32 $_size_execute0_lowered;
	s3 =	sadd.s32 s3, s5;
	[dreg:$0x0] =	wrdreg $0x0  }
0xa8: {  	s5 =	sshll.u32 s28, $0x1;
	[dreg:$0x2] =	wrdreg s3  }
0xa9: {  	[dreg:$0x3] =	wrdreg s5  }
0xaa: {  	[dreg:$0x4] =	wrdreg $0xC0  }
0xab: {  	_ =	task [dreg:s7], $0x5FFFF  }
0xac: {  	[dreg:$0x1] =	wrdreg $0xFFFFFFFF  }
0xad: {  	[dreg:$0x0] =	wrdreg $0x60  }
0xae: {  	[dreg:$0x2] =	wrdreg s24  }
0xaf: {  	[dreg:$0x3] =	wrdreg s2  }
0xb0: {  	[dreg:$0x4] =	wrdreg $0x0  }
0xb1: {  	[dreg:$0x5] =	wrdreg $0x140000  }
0xb2: {  	[dreg:$0x6] =	wrdreg $0x9  }
0xb3: {  	_ =	task.clear_ibuf [dreg:s7], $0x7FFFF;
	_ =	strace $0x90000046  }
0xb4: {  	s29 =	simm.s32 $0x9;
	_ =	strace $0x80000048  }
0xb5: {  	_ =	swait.ge [sflag:s29], $0x1  }
0xb6: {  	[sflag:s29] =	ssyncadd.s32 $0xFFFFFFFF  }
0xb7: {  	_ =	strace $0x90000048  }
0xb8: {  	_ =	sfence  }
0xb9: {  	s30 =	sld [smem:$0x0];
	_ =	sdelay $0x2  }
0xba: {  	s31 =	sshll.u32 s1, $0xD;
	s1 =	sshrl.u32 s1, $0x2  }
0xbb: {  	s3 =	sand.u32 $0x4000, s31;
	s1 =	sadd.s32 s1, s30  }
0xbc: {  	s0 =	sor.u32 s3, s0;
	s1 =	sshll.u32 s1, $0x11  }
0xbd: {  	s0 =	sor.u32 s1, s0  }
0xbe: {  	s0 =	sadd.s32 $0x8F2B, s0  }
0xbf: {  	[sflag:s0] =	ssyncadd.remote.s32 $0x1  }
0xc0: {  	_ =	sfence.sel $0xFFFF  }
0xc1: {  	[dreg:$0x0] =	wrdreg $0xFFFFFFFF;
	(pc) =	sbr.abs _section_cstart, $3  }
0xc2: {  	[dreg:$0x1] =	wrdreg $0xFFFFFFFF  }
0xc3: {  	_ =	task.clear_ibuf [dreg:s7], $0x2FFFF;
	_ =	strace $0x9FFFFFFF  }
0xc4: {  	(tm) =	ssettm $0x7FFFFFFF  }
0xc5: {  	_ =	shalt  }
tec
execute0_lowered:
.L_overlay_start_1:
0x0: {  	(tag) =	ssettag $0x1  }
0x1: {  	s0 =	rddreg [dreg:$0x0]  }
0x2: {  	s3 =	rddreg [dreg:$0x2]  }
0x3: {  	s4 =	rddreg [dreg:$0x3]  }
0x4: {  	s1 =	srdreg.scid;
	s13 =	stileid.u32;
	s5 =	simm.s32 $0x0  }
0x5: {  	s15 =	simm.s32 $0x14300;
	s18 =	simm.s32 $0x14380;
	s20 =	simm.s32 $0x14400  }
0x6: {  	s21 =	simm.s32 $0x14480;
	s22 =	simm.s32 $0x14500;
	[smem:$0x7FF] =	sst s5  }
0x7: {  	s1 =	sand.u32 $0x1, s1;
	_ =	strace $0x80000047;
	[dreg:$0x7] =	wrdreg s15  }
0x8: {  	s2 =	smul.u32 $0x280, s13;
	s8 =	sadd.s32 $0x116200, s0;
	[dreg:$0x8] =	wrdreg s18  }
0x9: {  	s9 =	sadd.s32 $0x136400, s0;
	s12 =	smul.u32 $0x50000, s13;
	[dreg:$0x9] =	wrdreg s20  }
0xa: {  	s24 =	sshll.u32 s13, $0xC;
	s7 =	smul.u32 $0x2800, s1;
	[dreg:$0xa] =	wrdreg s21  }
0xb: {  	s23 =	ssub.s32 $0x2, s1;
	[dreg:$0xb] =	wrdreg s22;
	s18 =	simm.s32 $0x14900  }
0xc: {  	s1 =	sshll.u32 s1, $0x10;
	s20 =	simm.s32 $0x14980;
	[dreg:$0x12] =	wrdreg s18  }
0xd: {  	s22 =	simm.s32 $0x14A00;
	s25 =	sadd.s32 s1, s9;
	[dreg:$0x13] =	wrdreg s20  }
0xe: {  	s14 =	sadd.s32 s1, s8;
	[dreg:$0x14] =	wrdreg s22;
	s13 =	sadd.s32 s24, s25  }
0xf: {  	s1 =	sor.u32 s24, s1;
	s26 =	sadd.s32 s24, s14;
	[dreg:$0x5] =	wrdreg s13  }
0x10: {  	s7 =	sadd.s32 s2, s7;
	s2 =	sadd.s32 s2, s4;
	[dreg:$0x6] =	wrdreg s26  }
0x11: {  	s8 =	sadd.s32 s8, s1;
	[dreg:$0x1b] =	wrdreg s2  }
0x12: {  	s24 =	simm.s32 $0x14600;
	[dreg:$0x1c] =	wrdreg s8  }
0x13: {  	s6 =	sadd.s32 $0x4A00, s0;
	s1 =	sadd.s32 s9, s1;
	[dreg:$0xd] =	wrdreg s24  }
0x14: {  	s12 =	sshrl.u32 s12, $0x2;
	s25 =	simm.s32 $0x14700;
	[dreg:$0x1d] =	wrdreg s1  }
0x15: {  	s16 =	sadd.s32 s12, s3;
	s9 =	simm.s32 $0x14800;
	[dreg:$0xe] =	wrdreg s25  }
0x16: {  	s11 =	sshrl.u32 s23, $0x1;
	s14 =	sadd.s32 $0x2800, s16;
	[dreg:$0x10] =	wrdreg s9  }
0x17: {  	s10 =	sshll.u32 s7, $0x4;
	s17 =	sadd.s32 $0x5000, s16;
	[dreg:$0x16] =	wrdreg s14  }
0x18: {  	s7 =	sshrl.u32 s7, $0x3;
	s19 =	sadd.s32 $0x7800, s16;
	[dreg:$0x17] =	wrdreg s17  }
0x19: {  	s15 =	sadd.s32 $0xA000, s16;
	s26 =	simm.s32 $0x14780;
	[dreg:$0x18] =	wrdreg s19  }
0x1a: {  	s13 =	sadd.s32 $0xC800, s16;
	s28 =	sadd.s32 $0xF000, s16;
	[dreg:$0xf] =	wrdreg s26  }
0x1b: {  	s10 =	sadd.s32 s10, s0;
	s0 =	sadd.s32 s7, s0;
	[dreg:$0x1a] =	wrdreg s13  }
0x1c: {  	s7 =	ssub.s32 s23, s11;
	s23 =	simm.s32 $0x14580;
	[smem:$0x7FC] =	sst s28  }
0x1d: {  	s12 =	smov.u32 s15;
	s15 =	simm.s32 $0x14880;
	[dreg:$0xc] =	wrdreg s23  }
0x1e: {  	s14 =	smov.u32 s16;
	[dreg:$0x11] =	wrdreg s15  }
0x1f: {  	[dreg:$0x15] =	wrdreg s14  }
0x20: {  	s8 =	sadd.s32 $0x2C600, s10;
	[dreg:$0x19] =	wrdreg s12  }
0x21: {  	s29 =	simm.s32 $0x15280;
	s11 =	sadd.s32 $0x2CB00, s10;
	[dreg:$0x1e] =	wrdreg s8  }
0x22: {  	s30 =	simm.s32 $0x9;
	s17 =	sadd.s32 $0x2D000, s10;
	[dreg:$0x1f] =	wrdreg s11  }
0x23: {  	s31 =	simm.s32 $0x5;
	s19 =	sadd.s32 $0x2D500, s10;
	[smem:$0x7F4] =	sst s17  }
0x24: {  	s18 =	simm.s32 $0x17A80;
	s21 =	sadd.s32 $0x2DA00, s10;
	[smem:$0x7F5] =	sst s19  }
0x25: {  	s20 =	simm.s32 $0x1;
	s23 =	sadd.s32 $0x2DF00, s10;
	[smem:$0x7F6] =	sst s21  }
0x26: {  	s22 =	simm.s32 $0x6;
	s24 =	sadd.s32 $0x2E400, s10;
	[smem:$0x7F7] =	sst s23  }
0x27: {  	s1 =	simm.s32 $0x14A80;
	s25 =	sadd.s32 $0x2E900, s10;
	[smem:$0x7F8] =	sst s24  }
0x28: {  	s9 =	simm.s32 $0x8;
	s0 =	sadd.s32 $0x2BC00, s0;
	[smem:$0x7F9] =	sst s25  }
0x29: {  	s2 =	simm.s32 $0x0;
	s26 =	smax.u32 s7, $0x1;
	[smem:$0x7FA] =	sst s0  }
0x2a: {  	s15 =	simm.s32 $0x14E80;
	s10 =	simm.s32 $0x15200;
	[smem:$0x7FB] =	sst s26  }
0x2b: {  	s26 =	sadd.s32 $0x11800, s16;
	s11 =	simm.s32 $0x1CB00;
	s0 =	simm.s32 $0x3  }
0x2c: {  	s16 =	simm.s32 $0x4;
	s17 =	simm.s32 $0x50;
	s19 =	simm.s32 $0x1A280  }
0x2d: {  	s21 =	simm.s32 $0x1CA80;
	s23 =	simm.s32 $0x2;
	s25 =	simm.s32 $0x7  }
0x2e: {  	v0 =	vimm.f32 $0.0e+00;
	v1 =	vimm.f32 $1.000000000e+00;
	s24 =	simm.s32 $0x15100;
	s8 =	simm.s32 $0x15180;
	[smem:$0x7FD] =	sst s26  }
.LBB2_1:
0x2f: {  	[smem:$0x7F3] =	sst s2  }
0x30: {  	s7 =	rddreg [dreg:$0x1]  }
0x31: {  	[tilespmem:s29], [sflag:$0x9] =	stream.linear.gather [hbm4b:s7+s5], $0x2800, $0x38;
	[tilespmem:$0x1CD80] =	vst v63  }
0x32: {  	_ =	swait.ge [sflag:s30], $0x2800  }
0x33: {  	[sflag:s30] =	ssyncset.done $0x0  }
0x34: {  	[sflag:s30] =	ssyncadd.s32 $0xFFFFD800  }
0x35: {  	[spmem:s14] =	stream.linear.scatter [tilespmem:s29], [sflag:$0x3], $0x2800, $0x38;
	[tilespmem:$0x1CD80] =	vst v63  }
0x36: {  	s7 =	rddreg [dreg:$0x16]  }
0x37: {  	[spmem:s7] =	stream.linear.scatter [tilespmem:s29], [sflag:$0x3], $0x2800, $0x38;
	[tilespmem:$0x1CD80] =	vst v63  }
0x38: {  	s14 =	rddreg [dreg:$0x17]  }
0x39: {  	[spmem:s14] =	stream.linear.scatter [tilespmem:s29], [sflag:$0x3], $0x2800, $0x38;
	[tilespmem:$0x1CD80] =	vst v63  }
0x3a: {  	s7 =	rddreg [dreg:$0x18]  }
0x3b: {  	[spmem:s7] =	stream.linear.scatter [tilespmem:s29], [sflag:$0x3], $0x2800, $0x38;
	[tilespmem:$0x1CD80] =	vst v63  }
0x3c: {  	_ = 	snop  }
0x3d: {  	[spmem:s12] =	stream.linear.scatter [tilespmem:s29], [sflag:$0x3], $0x2800, $0x38;
	[tilespmem:$0x1CD80] =	vst v63  }
0x3e: {  	_ = 	snop  }
0x3f: {  	[spmem:s13] =	stream.linear.scatter [tilespmem:s29], [sflag:$0x3], $0x2800, $0x38;
	[tilespmem:$0x1CD80] =	vst v63  }
0x40: {  	_ = 	snop  }
0x41: {  	[spmem:s28] =	stream.linear.scatter [tilespmem:s29], [sflag:$0x3], $0x2800, $0x38;
	[tilespmem:$0x1CD80] =	vst v63  }
0x42: {  	_ = 	snop  }
0x43: {  	[spmem:s26] =	stream.linear.scatter [tilespmem:s29], [sflag:$0x3], $0x2800, $0x38;
	[tilespmem:$0x1CD80] =	vst v63  }
0x44: {  	[tilespmem:$0x1CB00] =	vst v0  }
0x45: {  	[tilespmem:$0x1CB10] =	vst v0  }
0x46: {  	[tilespmem:$0x1CB20] =	vst v0  }
0x47: {  	[tilespmem:$0x1CB30] =	vst v0  }
0x48: {  	[tilespmem:$0x1CB40] =	vst v0  }
0x49: {  	[tilespmem:$0x1CB50] =	vst v0  }
0x4a: {  	[tilespmem:$0x1CB60] =	vst v0  }
0x4b: {  	[tilespmem:$0x1CB70] =	vst v0  }
0x4c: {  	[tilespmem:$0x1CB80] =	vst v0  }
0x4d: {  	[tilespmem:$0x1CB90] =	vst v0  }
0x4e: {  	[tilespmem:$0x1CBA0] =	vst v0  }
0x4f: {  	[tilespmem:$0x1CBB0] =	vst v0  }
0x50: {  	[tilespmem:$0x1CBC0] =	vst v0  }
0x51: {  	[tilespmem:$0x1CBD0] =	vst v0  }
0x52: {  	[tilespmem:$0x1CBE0] =	vst v0  }
0x53: {  	[tilespmem:$0x1CBF0] =	vst v0  }
0x54: {  	[tilespmem:$0x1CC00] =	vst v0  }
0x55: {  	[tilespmem:$0x1CC10] =	vst v0  }
0x56: {  	[tilespmem:$0x1CC20] =	vst v0  }
0x57: {  	[tilespmem:$0x1CC30] =	vst v0  }
0x58: {  	[tilespmem:$0x1CC40] =	vst v0  }
0x59: {  	[tilespmem:$0x1CC50] =	vst v0  }
0x5a: {  	[tilespmem:$0x1CC60] =	vst v0  }
0x5b: {  	[tilespmem:$0x1CC70] =	vst v0  }
0x5c: {  	[tilespmem:$0x1CC80] =	vst v0  }
0x5d: {  	[tilespmem:$0x1CC90] =	vst v0  }
0x5e: {  	[tilespmem:$0x1CCA0] =	vst v0  }
0x5f: {  	[tilespmem:$0x1CCB0] =	vst v0  }
0x60: {  	[tilespmem:$0x1CCC0] =	vst v0  }
0x61: {  	[tilespmem:$0x1CCD0] =	vst v0  }
0x62: {  	[tilespmem:$0x1CCE0] =	vst v0  }
0x63: {  	[tilespmem:$0x1CCF0] =	vst v0  }
0x64: {  	[tilespmem:$0x1CD00] =	vst v0  }
0x65: {  	[tilespmem:$0x1CD10] =	vst v0  }
0x66: {  	[tilespmem:$0x1CD20] =	vst v0  }
0x67: {  	[tilespmem:$0x1CD30] =	vst v0  }
0x68: {  	[tilespmem:$0x1CD40] =	vst v0  }
0x69: {  	[tilespmem:$0x1CD50] =	vst v0  }
0x6a: {  	[tilespmem:$0x1CD60] =	vst v0  }
0x6b: {  	s13 =	rddreg [dreg:$0x1b];
	[tilespmem:$0x1CD70] =	vst v0  }
0x6c: {  	[spmem:s13] =	stream.linear.scatter [tilespmem:s11], [sflag:$0x9], $0x280, $0x38;
	[tilespmem:$0x1CD80] =	vst v63  }
0x6d: {  	_ =	swait.ge [sflag:s30], $0x280  }
0x6e: {  	[sflag:s30] =	ssyncset.done $0x0  }
0x6f: {  	[sflag:s30] =	ssyncadd.s32 $0xFFFFFD80  }
0x70: {  	[tilespmem:$0x1CA80] =	vst v1  }
0x71: {  	[tilespmem:$0x1CA90] =	vst v1  }
0x72: {  	[tilespmem:$0x1CAA0] =	vst v1  }
0x73: {  	[tilespmem:$0x1CAB0] =	vst v1  }
0x74: {  	[tilespmem:$0x1CAC0] =	vst v1  }
0x75: {  	_ =	swait.ge [sflag:s0], $0x2800  }
0x76: {  	[sflag:s0] =	ssyncset.done $0x0  }
0x77: {  	[sflag:s0] =	ssyncadd.s32 $0xFFFFD800  }
0x78: {  	_ =	swait.ge [sflag:s0], $0x2800  }
0x79: {  	[sflag:s0] =	ssyncset.done $0x0  }
0x7a: {  	[sflag:s0] =	ssyncadd.s32 $0xFFFFD800  }
0x7b: {  	_ =	swait.ge [sflag:s0], $0x2800  }
0x7c: {  	[sflag:s0] =	ssyncset.done $0x0  }
0x7d: {  	[sflag:s0] =	ssyncadd.s32 $0xFFFFD800  }
0x7e: {  	_ =	swait.ge [sflag:s0], $0x2800  }
0x7f: {  	[sflag:s0] =	ssyncset.done $0x0  }
0x80: {  	[sflag:s0] =	ssyncadd.s32 $0xFFFFD800  }
0x81: {  	_ =	swait.ge [sflag:s0], $0x2800  }
0x82: {  	[sflag:s0] =	ssyncset.done $0x0  }
0x83: {  	[sflag:s0] =	ssyncadd.s32 $0xFFFFD800  }
0x84: {  	_ =	swait.ge [sflag:s0], $0x2800  }
0x85: {  	[sflag:s0] =	ssyncset.done $0x0  }
0x86: {  	[sflag:s0] =	ssyncadd.s32 $0xFFFFD800  }
0x87: {  	_ =	swait.ge [sflag:s0], $0x2800  }
0x88: {  	[sflag:s0] =	ssyncset.done $0x0  }
0x89: {  	[sflag:s0] =	ssyncadd.s32 $0xFFFFD800  }
0x8a: {  	_ =	swait.ge [sflag:s0], $0x2800  }
0x8b: {  	[sflag:s0] =	ssyncset.done $0x0  }
0x8c: {  	[sflag:s0] =	ssyncadd.s32 $0xFFFFD800  }
0x8d: {  	[bflag:$0x0] =	sbarrier.arrive $0xFFFF  }
0x8e: {  	s14 =	rddreg [dreg:$0x1c]  }
0x8f: {  	s2 =	simm.s32 $0x14280;
	s26 =	rddreg [dreg:$0x6]  }
0x90: {  	[tilespmem:s2], [sflag:$0x3] =	stream.linear.gather [hbm4b:s14+s5], $0x400, $0x38;
	[tilespmem:$0x1CD80] =	vst v63  }
0x91: {  	s12 =	rddreg [dreg:$0x1d]  }
0x92: {  	[tilespmem:s1], [sflag:$0x4] =	stream.linear.gather [hbm4b:s12+s5], $0x400, $0x38;
	[tilespmem:$0x1CD80] =	vst v63  }
0x93: {  	s28 =	rddreg [dreg:$0x5];
	s12 =	sadd.s32 $0x0, s26  }
0x94: {  	s7 =	simm.s32 $0x14680;
	s11 =	sadd.s32 $0x0, s28;
	s14 =	sadd.s32 $0x80, s12  }
0x95: {  	[tilespmem:s7], [sflag:$0x3] =	stream.linear.gather [hbm4b:s14+s5], $0x400, $0x38;
	[tilespmem:$0x1CD80] =	vst v63  }
0x96: {  	s13 =	sadd.s32 $0x80, s11  }
0x97: {  	[tilespmem:s15], [sflag:$0x4] =	stream.linear.gather [hbm4b:s13+s5], $0x400, $0x38;
	[tilespmem:$0x1CD80] =	vst v63  }
0x98: {  	_ =	swait.ge [sflag:s0], $0x400  }
0x99: {  	[sflag:s0] =	ssyncset.done $0x0  }
0x9a: {  	[sflag:s0] =	ssyncadd.s32 $0xFFFFFC00  }
0x9b: {  	_ =	swait.ge [sflag:s16], $0x400  }
0x9c: {  	[sflag:s16] =	ssyncset.done $0x0  }
0x9d: {  	[sflag:s16] =	ssyncadd.s32 $0xFFFFFC00  }
0x9e: {  	[tilespmem:s29], [sflag:$0x1] =	stream.indirect.gather [hbm4b:s6+s17], $0x80, s2, s17, $0xb8;
	[tilespmem:$0x1CD80] =	vst v63  }
0x9f: {  	s26 =	rddreg [dreg:$0x7]  }
0xa0: {  	[tilespmem:s18], [sflag:$0x2] =	stream.indirect.gather [hbm4b:s6+s17], $0x80, s26, s17, $0xb8;
	[tilespmem:$0x1CD80] =	vst v63  }
0xa1: {  	s28 =	rddreg [dreg:$0x8]  }
0xa2: {  	[tilespmem:s19], [sflag:$0x5] =	stream.indirect.gather [hbm4b:s6+s17], $0x80, s28, s17, $0xb8;
	[tilespmem:$0x1CD80] =	vst v63  }
0xa3: {  	_ =	swait.ge [sflag:s20], $0x2800  }
0xa4: {  	[sflag:s20] =	ssyncset.done $0x0  }
0xa5: {  	[sflag:s20] =	ssyncadd.s32 $0xFFFFD800  }
0xa6: {  	[spmem:s3] =	stream.indirect.scatter.add.f32 [tilespmem:s29], [sflag:$0x6], $0x80, s1, s17, $0xb8;
	[tilespmem:$0x1CD80] =	vst v63  }
0xa7: {  	_ = 	snop  }
0xa8: {  	[spmem:s4] =	stream.indirect.scatter.add.f32 [tilespmem:s21], [sflag:$0x9], $0x1, s1, s17, $0xb8;
	[tilespmem:$0x1CD80] =	vst v63  }
0xa9: {  	_ =	swait.ge [sflag:s30], $0x50  }
0xaa: {  	[sflag:s30] =	ssyncset.done $0x0  }
0xab: {  	[sflag:s30] =	ssyncadd.s32 $0xFFFFFFB0  }
0xac: {  	_ =	swait.ge [sflag:s22], $0x2800  }
0xad: {  	[sflag:s22] =	ssyncset.done $0x0  }
0xae: {  	s14 =	rddreg [dreg:$0x9];
	[sflag:s22] =	ssyncadd.s32 $0xFFFFD800  }
0xaf: {  	[tilespmem:s29], [sflag:$0x1] =	stream.indirect.gather [hbm4b:s6+s17], $0x80, s14, s17, $0xb8;
	[tilespmem:$0x1CD80] =	vst v63  }
0xb0: {  	_ =	swait.ge [sflag:s23], $0x2800  }
0xb1: {  	[sflag:s23] =	ssyncset.done $0x0  }
0xb2: {  	s26 =	simm.s32 $0x14B00;
	[sflag:s23] =	ssyncadd.s32 $0xFFFFD800  }
0xb3: {  	[spmem:s3] =	stream.indirect.scatter.add.f32 [tilespmem:s18], [sflag:$0x7], $0x80, s26, s17, $0xb8;
	[tilespmem:$0x1CD80] =	vst v63  }
0xb4: {  	_ = 	snop  }
0xb5: {  	[spmem:s4] =	stream.indirect.scatter.add.f32 [tilespmem:s21], [sflag:$0x9], $0x1, s26, s17, $0xb8;
	[tilespmem:$0x1CD80] =	vst v63  }
0xb6: {  	_ =	swait.ge [sflag:s30], $0x50  }
0xb7: {  	[sflag:s30] =	ssyncset.done $0x0  }
0xb8: {  	[sflag:s30] =	ssyncadd.s32 $0xFFFFFFB0  }
0xb9: {  	_ =	swait.ge [sflag:s25], $0x2800  }
0xba: {  	[sflag:s25] =	ssyncset.done $0x0  }
0xbb: {  	s28 =	rddreg [dreg:$0xa];
	[sflag:s25] =	ssyncadd.s32 $0xFFFFD800  }
0xbc: {  	[tilespmem:s18], [sflag:$0x2] =	stream.indirect.gather [hbm4b:s6+s17], $0x80, s28, s17, $0xb8;
	[tilespmem:$0x1CD80] =	vst v63  }
0xbd: {  	_ =	swait.ge [sflag:s31], $0x2800  }
0xbe: {  	[sflag:s31] =	ssyncset.done $0x0  }
0xbf: {  	s14 =	simm.s32 $0x14B80;
	[sflag:s31] =	ssyncadd.s32 $0xFFFFD800  }
0xc0: {  	[spmem:s3] =	stream.indirect.scatter.add.f32 [tilespmem:s19], [sflag:$0x8], $0x80, s14, s17, $0xb8;
	[tilespmem:$0x1CD80] =	vst v63  }
0xc1: {  	_ = 	snop  }
0xc2: {  	[spmem:s4] =	stream.indirect.scatter.add.f32 [tilespmem:s21], [sflag:$0x9], $0x1, s14, s17, $0xb8;
	[tilespmem:$0x1CD80] =	vst v63  }
0xc3: {  	_ =	swait.ge [sflag:s30], $0x50  }
0xc4: {  	[sflag:s30] =	ssyncset.done $0x0  }
0xc5: {  	[sflag:s30] =	ssyncadd.s32 $0xFFFFFFB0  }
0xc6: {  	_ =	swait.ge [sflag:s9], $0x2800  }
0xc7: {  	[sflag:s9] =	ssyncset.done $0x0  }
0xc8: {  	s26 =	rddreg [dreg:$0xb];
	[sflag:s9] =	ssyncadd.s32 $0xFFFFD800  }
0xc9: {  	[tilespmem:s19], [sflag:$0x5] =	stream.indirect.gather [hbm4b:s6+s17], $0x80, s26, s17, $0xb8;
	[tilespmem:$0x1CD80] =	vst v63  }
0xca: {  	_ =	swait.ge [sflag:s20], $0x2800  }
0xcb: {  	[sflag:s20] =	ssyncset.done $0x0  }
0xcc: {  	s28 =	simm.s32 $0x14C00;
	[sflag:s20] =	ssyncadd.s32 $0xFFFFD800  }
0xcd: {  	[spmem:s3] =	stream.indirect.scatter.add.f32 [tilespmem:s29], [sflag:$0x6], $0x80, s28, s17, $0xb8;
	[tilespmem:$0x1CD80] =	vst v63  }
0xce: {  	_ = 	snop  }
0xcf: {  	[spmem:s4] =	stream.indirect.scatter.add.f32 [tilespmem:s21], [sflag:$0x9], $0x1, s28, s17, $0xb8;
	[tilespmem:$0x1CD80] =	vst v63  }
0xd0: {  	_ =	swait.ge [sflag:s30], $0x50  }
0xd1: {  	[sflag:s30] =	ssyncset.done $0x0  }
0xd2: {  	[sflag:s30] =	ssyncadd.s32 $0xFFFFFFB0  }
0xd3: {  	_ =	swait.ge [sflag:s22], $0x2800  }
0xd4: {  	[sflag:s22] =	ssyncset.done $0x0  }
0xd5: {  	s14 =	rddreg [dreg:$0xc];
	[sflag:s22] =	ssyncadd.s32 $0xFFFFD800  }
0xd6: {  	[tilespmem:s29], [sflag:$0x1] =	stream.indirect.gather [hbm4b:s6+s17], $0x80, s14, s17, $0xb8;
	[tilespmem:$0x1CD80] =	vst v63  }
0xd7: {  	_ =	swait.ge [sflag:s23], $0x2800  }
0xd8: {  	[sflag:s23] =	ssyncset.done $0x0  }
0xd9: {  	s26 =	simm.s32 $0x14C80;
	[sflag:s23] =	ssyncadd.s32 $0xFFFFD800  }
0xda: {  	[spmem:s3] =	stream.indirect.scatter.add.f32 [tilespmem:s18], [sflag:$0x7], $0x80, s26, s17, $0xb8;
	[tilespmem:$0x1CD80] =	vst v63  }
0xdb: {  	_ = 	snop  }
0xdc: {  	[spmem:s4] =	stream.indirect.scatter.add.f32 [tilespmem:s21], [sflag:$0x9], $0x1, s26, s17, $0xb8;
	[tilespmem:$0x1CD80] =	vst v63  }
0xdd: {  	_ =	swait.ge [sflag:s30], $0x50  }
0xde: {  	[sflag:s30] =	ssyncset.done $0x0  }
0xdf: {  	[sflag:s30] =	ssyncadd.s32 $0xFFFFFFB0  }
0xe0: {  	_ =	swait.ge [sflag:s25], $0x2800  }
0xe1: {  	[sflag:s25] =	ssyncset.done $0x0  }
0xe2: {  	s28 =	rddreg [dreg:$0xd];
	[sflag:s25] =	ssyncadd.s32 $0xFFFFD800  }
0xe3: {  	[tilespmem:s18], [sflag:$0x2] =	stream.indirect.gather [hbm4b:s6+s17], $0x80, s28, s17, $0xb8;
	[tilespmem:$0x1CD80] =	vst v63  }
0xe4: {  	_ =	swait.ge [sflag:s31], $0x2800  }
0xe5: {  	[sflag:s31] =	ssyncset.done $0x0  }
0xe6: {  	s14 =	simm.s32 $0x14D00;
	[sflag:s31] =	ssyncadd.s32 $0xFFFFD800  }
0xe7: {  	[spmem:s3] =	stream.indirect.scatter.add.f32 [tilespmem:s19], [sflag:$0x8], $0x80, s14, s17, $0xb8;
	[tilespmem:$0x1CD80] =	vst v63  }
0xe8: {  	_ = 	snop  }
0xe9: {  	[spmem:s4] =	stream.indirect.scatter.add.f32 [tilespmem:s21], [sflag:$0x9], $0x1, s14, s17, $0xb8;
	[tilespmem:$0x1CD80] =	vst v63  }
0xea: {  	_ =	swait.ge [sflag:s30], $0x50  }
0xeb: {  	[sflag:s30] =	ssyncset.done $0x0  }
0xec: {  	[sflag:s30] =	ssyncadd.s32 $0xFFFFFFB0  }
0xed: {  	_ =	swait.ge [sflag:s20], $0x2800  }
0xee: {  	[sflag:s20] =	ssyncset.done $0x0  }
0xef: {  	s26 =	simm.s32 $0x14D80;
	[sflag:s20] =	ssyncadd.s32 $0xFFFFD800  }
0xf0: {  	[spmem:s3] =	stream.indirect.scatter.add.f32 [tilespmem:s29], [sflag:$0x6], $0x80, s26, s17, $0xb8;
	[tilespmem:$0x1CD80] =	vst v63  }
0xf1: {  	_ = 	snop  }
0xf2: {  	[spmem:s4] =	stream.indirect.scatter.add.f32 [tilespmem:s21], [sflag:$0x9], $0x1, s26, s17, $0xb8;
	[tilespmem:$0x1CD80] =	vst v63  }
0xf3: {  	_ =	swait.ge [sflag:s30], $0x50  }
0xf4: {  	[sflag:s30] =	ssyncset.done $0x0  }
0xf5: {  	[sflag:s30] =	ssyncadd.s32 $0xFFFFFFB0  }
0xf6: {  	_ =	swait.ge [sflag:s23], $0x2800  }
0xf7: {  	[sflag:s23] =	ssyncset.done $0x0  }
0xf8: {  	s28 =	simm.s32 $0x14E00;
	[sflag:s23] =	ssyncadd.s32 $0xFFFFD800  }
0xf9: {  	[spmem:s3] =	stream.indirect.scatter.add.f32 [tilespmem:s18], [sflag:$0x7], $0x80, s28, s17, $0xb8;
	[tilespmem:$0x1CD80] =	vst v63  }
0xfa: {  	_ = 	snop  }
0xfb: {  	[spmem:s4] =	stream.indirect.scatter.add.f32 [tilespmem:s21], [sflag:$0x9], $0x1, s28, s17, $0xb8;
	[tilespmem:$0x1CD80] =	vst v63  }
0xfc: {  	_ =	swait.ge [sflag:s30], $0x50  }
0xfd: {  	[sflag:s30] =	ssyncset.done $0x0  }
0xfe: {  	[sflag:s30] =	ssyncadd.s32 $0xFFFFFFB0  }
0xff: {  	_ =	swait.ge [sflag:s9], $0x2800  }
0x100: {  	[sflag:s9] =	ssyncset.done $0x0  }
0x101: {  	[sflag:s9] =	ssyncadd.s32 $0xFFFFD800  }
0x102: {  	_ =	swait.ge [sflag:s22], $0x2800  }
0x103: {  	[sflag:s22] =	ssyncset.done $0x0  }
0x104: {  	[sflag:s22] =	ssyncadd.s32 $0xFFFFD800  }
0x105: {  	_ =	swait.ge [sflag:s25], $0x2800  }
0x106: {  	[sflag:s25] =	ssyncset.done $0x0  }
0x107: {  	s12 =	sadd.s32 $0x100, s12;
	[sflag:s25] =	ssyncadd.s32 $0xFFFFD800  }
0x108: {  	[tilespmem:s2], [sflag:$0x3] =	stream.linear.gather [hbm4b:s12+s5], $0x400, $0x38;
	[tilespmem:$0x1CD80] =	vst v63  }
0x109: {  	s11 =	sadd.s32 $0x100, s11  }
0x10a: {  	[tilespmem:s1], [sflag:$0x4] =	stream.linear.gather [hbm4b:s11+s5], $0x400, $0x38;
	[tilespmem:$0x1CD80] =	vst v63  }
0x10b: {  	_ =	swait.ge [sflag:s0], $0x400  }
0x10c: {  	[sflag:s0] =	ssyncset.done $0x0  }
0x10d: {  	[sflag:s0] =	ssyncadd.s32 $0xFFFFFC00  }
0x10e: {  	_ =	swait.ge [sflag:s16], $0x400  }
0x10f: {  	[sflag:s16] =	ssyncset.done $0x0  }
0x110: {  	[sflag:s16] =	ssyncadd.s32 $0xFFFFFC00  }
0x111: {  	[tilespmem:s29], [sflag:$0x1] =	stream.indirect.gather [hbm4b:s6+s17], $0x80, s7, s17, $0xb8;
	[tilespmem:$0x1CD80] =	vst v63  }
0x112: {  	s13 =	rddreg [dreg:$0xe]  }
0x113: {  	[tilespmem:s18], [sflag:$0x2] =	stream.indirect.gather [hbm4b:s6+s17], $0x80, s13, s17, $0xb8;
	[tilespmem:$0x1CD80] =	vst v63  }
0x114: {  	s14 =	rddreg [dreg:$0xf]  }
0x115: {  	[tilespmem:s19], [sflag:$0x5] =	stream.indirect.gather [hbm4b:s6+s17], $0x80, s14, s17, $0xb8;
	[tilespmem:$0x1CD80] =	vst v63  }
0x116: {  	_ =	swait.ge [sflag:s20], $0x2800  }
0x117: {  	[sflag:s20] =	ssyncset.done $0x0  }
0x118: {  	[sflag:s20] =	ssyncadd.s32 $0xFFFFD800  }
0x119: {  	[spmem:s3] =	stream.indirect.scatter.add.f32 [tilespmem:s29], [sflag:$0x6], $0x80, s15, s17, $0xb8;
	[tilespmem:$0x1CD80] =	vst v63  }
0x11a: {  	_ = 	snop  }
0x11b: {  	[spmem:s4] =	stream.indirect.scatter.add.f32 [tilespmem:s21], [sflag:$0x9], $0x1, s15, s17, $0xb8;
	[tilespmem:$0x1CD80] =	vst v63  }
0x11c: {  	_ =	swait.ge [sflag:s30], $0x50  }
0x11d: {  	[sflag:s30] =	ssyncset.done $0x0  }
0x11e: {  	[sflag:s30] =	ssyncadd.s32 $0xFFFFFFB0  }
0x11f: {  	_ =	swait.ge [sflag:s22], $0x2800  }
0x120: {  	[sflag:s22] =	ssyncset.done $0x0  }
0x121: {  	s26 =	rddreg [dreg:$0x10];
	[sflag:s22] =	ssyncadd.s32 $0xFFFFD800  }
0x122: {  	[tilespmem:s29], [sflag:$0x1] =	stream.indirect.gather [hbm4b:s6+s17], $0x80, s26, s17, $0xb8;
	[tilespmem:$0x1CD80] =	vst v63  }
0x123: {  	_ =	swait.ge [sflag:s23], $0x2800  }
0x124: {  	[sflag:s23] =	ssyncset.done $0x0  }
0x125: {  	s28 =	simm.s32 $0x14F00;
	[sflag:s23] =	ssyncadd.s32 $0xFFFFD800  }
0x126: {  	[spmem:s3] =	stream.indirect.scatter.add.f32 [tilespmem:s18], [sflag:$0x7], $0x80, s28, s17, $0xb8;
	[tilespmem:$0x1CD80] =	vst v63  }
0x127: {  	_ = 	snop  }
0x128: {  	[spmem:s4] =	stream.indirect.scatter.add.f32 [tilespmem:s21], [sflag:$0x9], $0x1, s28, s17, $0xb8;
	[tilespmem:$0x1CD80] =	vst v63  }
0x129: {  	_ =	swait.ge [sflag:s30], $0x50  }
0x12a: {  	[sflag:s30] =	ssyncset.done $0x0  }
0x12b: {  	[sflag:s30] =	ssyncadd.s32 $0xFFFFFFB0  }
0x12c: {  	_ =	swait.ge [sflag:s25], $0x2800  }
0x12d: {  	[sflag:s25] =	ssyncset.done $0x0  }
0x12e: {  	s7 =	rddreg [dreg:$0x11];
	[sflag:s25] =	ssyncadd.s32 $0xFFFFD800  }
0x12f: {  	[tilespmem:s18], [sflag:$0x2] =	stream.indirect.gather [hbm4b:s6+s17], $0x80, s7, s17, $0xb8;
	[tilespmem:$0x1CD80] =	vst v63  }
0x130: {  	_ =	swait.ge [sflag:s31], $0x2800  }
0x131: {  	[sflag:s31] =	ssyncset.done $0x0  }
0x132: {  	s11 =	simm.s32 $0x14F80;
	[sflag:s31] =	ssyncadd.s32 $0xFFFFD800  }
0x133: {  	[spmem:s3] =	stream.indirect.scatter.add.f32 [tilespmem:s19], [sflag:$0x8], $0x80, s11, s17, $0xb8;
	[tilespmem:$0x1CD80] =	vst v63  }
0x134: {  	_ = 	snop  }
0x135: {  	[spmem:s4] =	stream.indirect.scatter.add.f32 [tilespmem:s21], [sflag:$0x9], $0x1, s11, s17, $0xb8;
	[tilespmem:$0x1CD80] =	vst v63  }
0x136: {  	_ =	swait.ge [sflag:s30], $0x50  }
0x137: {  	[sflag:s30] =	ssyncset.done $0x0  }
0x138: {  	[sflag:s30] =	ssyncadd.s32 $0xFFFFFFB0  }
0x139: {  	_ =	swait.ge [sflag:s9], $0x2800  }
0x13a: {  	[sflag:s9] =	ssyncset.done $0x0  }
0x13b: {  	s12 =	rddreg [dreg:$0x12];
	[sflag:s9] =	ssyncadd.s32 $0xFFFFD800  }
0x13c: {  	[tilespmem:s19], [sflag:$0x5] =	stream.indirect.gather [hbm4b:s6+s17], $0x80, s12, s17, $0xb8;
	[tilespmem:$0x1CD80] =	vst v63  }
0x13d: {  	_ =	swait.ge [sflag:s20], $0x2800  }
0x13e: {  	[sflag:s20] =	ssyncset.done $0x0  }
0x13f: {  	s13 =	simm.s32 $0x15000;
	[sflag:s20] =	ssyncadd.s32 $0xFFFFD800  }
0x140: {  	[spmem:s3] =	stream.indirect.scatter.add.f32 [tilespmem:s29], [sflag:$0x6], $0x80, s13, s17, $0xb8;
	[tilespmem:$0x1CD80] =	vst v63  }
0x141: {  	_ = 	snop  }
0x142: {  	[spmem:s4] =	stream.indirect.scatter.add.f32 [tilespmem:s21], [sflag:$0x9], $0x1, s13, s17, $0xb8;
	[tilespmem:$0x1CD80] =	vst v63  }
0x143: {  	_ =	swait.ge [sflag:s30], $0x50  }
0x144: {  	[sflag:s30] =	ssyncset.done $0x0  }
0x145: {  	[sflag:s30] =	ssyncadd.s32 $0xFFFFFFB0  }
0x146: {  	_ =	swait.ge [sflag:s22], $0x2800  }
0x147: {  	[sflag:s22] =	ssyncset.done $0x0  }
0x148: {  	s14 =	rddreg [dreg:$0x13];
	[sflag:s22] =	ssyncadd.s32 $0xFFFFD800  }
0x149: {  	[tilespmem:s29], [sflag:$0x1] =	stream.indirect.gather [hbm4b:s6+s17], $0x80, s14, s17, $0xb8;
	[tilespmem:$0x1CD80] =	vst v63  }
0x14a: {  	_ =	swait.ge [sflag:s23], $0x2800  }
0x14b: {  	[sflag:s23] =	ssyncset.done $0x0  }
0x14c: {  	s26 =	simm.s32 $0x15080;
	[sflag:s23] =	ssyncadd.s32 $0xFFFFD800  }
0x14d: {  	[spmem:s3] =	stream.indirect.scatter.add.f32 [tilespmem:s18], [sflag:$0x7], $0x80, s26, s17, $0xb8;
	[tilespmem:$0x1CD80] =	vst v63  }
0x14e: {  	_ = 	snop  }
0x14f: {  	[spmem:s4] =	stream.indirect.scatter.add.f32 [tilespmem:s21], [sflag:$0x9], $0x1, s26, s17, $0xb8;
	[tilespmem:$0x1CD80] =	vst v63  }
0x150: {  	_ =	swait.ge [sflag:s30], $0x50  }
0x151: {  	[sflag:s30] =	ssyncset.done $0x0  }
0x152: {  	[sflag:s30] =	ssyncadd.s32 $0xFFFFFFB0  }
0x153: {  	_ =	swait.ge [sflag:s25], $0x2800  }
0x154: {  	[sflag:s25] =	ssyncset.done $0x0  }
0x155: {  	s28 =	rddreg [dreg:$0x14];
	[sflag:s25] =	ssyncadd.s32 $0xFFFFD800  }
0x156: {  	[tilespmem:s18], [sflag:$0x2] =	stream.indirect.gather [hbm4b:s6+s17], $0x80, s28, s17, $0xb8;
	[tilespmem:$0x1CD80] =	vst v63  }
0x157: {  	_ =	swait.ge [sflag:s31], $0x2800  }
0x158: {  	[sflag:s31] =	ssyncset.done $0x0  }
0x159: {  	[sflag:s31] =	ssyncadd.s32 $0xFFFFD800  }
0x15a: {  	[spmem:s3] =	stream.indirect.scatter.add.f32 [tilespmem:s19], [sflag:$0x8], $0x80, s24, s17, $0xb8;
	[tilespmem:$0x1CD80] =	vst v63  }
0x15b: {  	_ = 	snop  }
0x15c: {  	[spmem:s4] =	stream.indirect.scatter.add.f32 [tilespmem:s21], [sflag:$0x9], $0x1, s24, s17, $0xb8;
	[tilespmem:$0x1CD80] =	vst v63  }
0x15d: {  	_ =	swait.ge [sflag:s30], $0x50  }
0x15e: {  	[sflag:s30] =	ssyncset.done $0x0  }
0x15f: {  	[sflag:s30] =	ssyncadd.s32 $0xFFFFFFB0  }
0x160: {  	_ =	swait.ge [sflag:s20], $0x2800  }
0x161: {  	[sflag:s20] =	ssyncset.done $0x0  }
0x162: {  	[sflag:s20] =	ssyncadd.s32 $0xFFFFD800  }
0x163: {  	[spmem:s3] =	stream.indirect.scatter.add.f32 [tilespmem:s29], [sflag:$0x6], $0x80, s8, s17, $0xb8;
	[tilespmem:$0x1CD80] =	vst v63  }
0x164: {  	_ = 	snop  }
0x165: {  	[spmem:s4] =	stream.indirect.scatter.add.f32 [tilespmem:s21], [sflag:$0x9], $0x1, s8, s17, $0xb8;
	[tilespmem:$0x1CD80] =	vst v63  }
0x166: {  	_ =	swait.ge [sflag:s30], $0x50  }
0x167: {  	[sflag:s30] =	ssyncset.done $0x0  }
0x168: {  	[sflag:s30] =	ssyncadd.s32 $0xFFFFFFB0  }
0x169: {  	_ =	swait.ge [sflag:s23], $0x2800  }
0x16a: {  	[sflag:s23] =	ssyncset.done $0x0  }
0x16b: {  	[sflag:s23] =	ssyncadd.s32 $0xFFFFD800  }
0x16c: {  	[spmem:s3] =	stream.indirect.scatter.add.f32 [tilespmem:s18], [sflag:$0x7], $0x80, s10, s17, $0xb8;
	[tilespmem:$0x1CD80] =	vst v63  }
0x16d: {  	_ = 	snop  }
0x16e: {  	[spmem:s4] =	stream.indirect.scatter.add.f32 [tilespmem:s21], [sflag:$0x9], $0x1, s10, s17, $0xb8;
	[tilespmem:$0x1CD80] =	vst v63  }
0x16f: {  	_ =	swait.ge [sflag:s30], $0x50  }
0x170: {  	[sflag:s30] =	ssyncset.done $0x0  }
0x171: {  	[sflag:s30] =	ssyncadd.s32 $0xFFFFFFB0  }
0x172: {  	_ =	swait.ge [sflag:s9], $0x2800  }
0x173: {  	[sflag:s9] =	ssyncset.done $0x0  }
0x174: {  	[sflag:s9] =	ssyncadd.s32 $0xFFFFD800  }
0x175: {  	_ =	swait.ge [sflag:s22], $0x2800  }
0x176: {  	[sflag:s22] =	ssyncset.done $0x0  }
0x177: {  	[sflag:s22] =	ssyncadd.s32 $0xFFFFD800  }
0x178: {  	s11 =	simm.s32 $0x100;
	s12 =	simm.s32 $0x200;
	_ =	swait.ge [sflag:s25], $0x2800  }
.LBB2_2:
0x179: {  	s13 =	rddreg [dreg:$0x6];
	[sflag:s25] =	ssyncset.done $0x0  }
0x17a: {  	s26 =	rddreg [dreg:$0x5];
	s14 =	simm.s32 $0x14680;
	s13 =	sadd.s32 s11, s13  }
0x17b: {  	[sflag:s25] =	ssyncadd.s32 $0xFFFFD800;
	s26 =	sadd.s32 s11, s26;
	s7 =	sadd.s32 $0x80, s13  }
0x17c: {  	[tilespmem:s14], [sflag:$0x3] =	stream.linear.gather [hbm4b:s7+s5], $0x400, $0x38;
	[tilespmem:$0x1CD80] =	vst v63  }
0x17d: {  	s2 =	sadd.s32 $0x80, s26  }
0x17e: {  	[tilespmem:s15], [sflag:$0x4] =	stream.linear.gather [hbm4b:s2+s5], $0x400, $0x38;
	[tilespmem:$0x1CD80] =	vst v63  }
0x17f: {  	_ =	swait.ge [sflag:s0], $0x400  }
0x180: {  	[sflag:s0] =	ssyncset.done $0x0  }
0x181: {  	[sflag:s0] =	ssyncadd.s32 $0xFFFFFC00  }
0x182: {  	_ =	swait.ge [sflag:s16], $0x400  }
0x183: {  	[sflag:s16] =	ssyncset.done $0x0  }
0x184: {  	s2 =	simm.s32 $0x14280;
	[sflag:s16] =	ssyncadd.s32 $0xFFFFFC00  }
0x185: {  	[tilespmem:s29], [sflag:$0x1] =	stream.indirect.gather [hbm4b:s6+s17], $0x80, s2, s17, $0xb8;
	[tilespmem:$0x1CD80] =	vst v63  }
0x186: {  	s28 =	smov.u32 s12;
	s7 =	rddreg [dreg:$0x7]  }
0x187: {  	[tilespmem:s18], [sflag:$0x2] =	stream.indirect.gather [hbm4b:s6+s17], $0x80, s7, s17, $0xb8;
	[tilespmem:$0x1CD80] =	vst v63  }
0x188: {  	s11 =	smov.u32 s28;
	s28 =	rddreg [dreg:$0x8]  }
0x189: {  	[tilespmem:s19], [sflag:$0x5] =	stream.indirect.gather [hbm4b:s6+s17], $0x80, s28, s17, $0xb8;
	[tilespmem:$0x1CD80] =	vst v63  }
0x18a: {  	_ =	swait.ge [sflag:s20], $0x2800  }
0x18b: {  	[sflag:s20] =	ssyncset.done $0x0  }
0x18c: {  	[sflag:s20] =	ssyncadd.s32 $0xFFFFD800  }
0x18d: {  	[spmem:s3] =	stream.indirect.scatter.add.f32 [tilespmem:s29], [sflag:$0x6], $0x80, s1, s17, $0xb8;
	[tilespmem:$0x1CD80] =	vst v63  }
0x18e: {  	_ = 	snop  }
0x18f: {  	[spmem:s4] =	stream.indirect.scatter.add.f32 [tilespmem:s21], [sflag:$0x9], $0x1, s1, s17, $0xb8;
	[tilespmem:$0x1CD80] =	vst v63  }
0x190: {  	_ =	swait.ge [sflag:s30], $0x50  }
0x191: {  	[sflag:s30] =	ssyncset.done $0x0  }
0x192: {  	[sflag:s30] =	ssyncadd.s32 $0xFFFFFFB0  }
0x193: {  	_ =	swait.ge [sflag:s22], $0x2800  }
0x194: {  	[sflag:s22] =	ssyncset.done $0x0  }
0x195: {  	s28 =	rddreg [dreg:$0x9];
	[sflag:s22] =	ssyncadd.s32 $0xFFFFD800  }
0x196: {  	[tilespmem:s29], [sflag:$0x1] =	stream.indirect.gather [hbm4b:s6+s17], $0x80, s28, s17, $0xb8;
	[tilespmem:$0x1CD80] =	vst v63  }
0x197: {  	_ =	swait.ge [sflag:s23], $0x2800  }
0x198: {  	[sflag:s23] =	ssyncset.done $0x0  }
0x199: {  	s28 =	simm.s32 $0x14B00;
	[sflag:s23] =	ssyncadd.s32 $0xFFFFD800  }
0x19a: {  	[spmem:s3] =	stream.indirect.scatter.add.f32 [tilespmem:s18], [sflag:$0x7], $0x80, s28, s17, $0xb8;
	[tilespmem:$0x1CD80] =	vst v63  }
0x19b: {  	_ = 	snop  }
0x19c: {  	[spmem:s4] =	stream.indirect.scatter.add.f32 [tilespmem:s21], [sflag:$0x9], $0x1, s28, s17, $0xb8;
	[tilespmem:$0x1CD80] =	vst v63  }
0x19d: {  	_ =	swait.ge [sflag:s30], $0x50  }
0x19e: {  	[sflag:s30] =	ssyncset.done $0x0  }
0x19f: {  	[sflag:s30] =	ssyncadd.s32 $0xFFFFFFB0  }
0x1a0: {  	_ =	swait.ge [sflag:s25], $0x2800  }
0x1a1: {  	[sflag:s25] =	ssyncset.done $0x0  }
0x1a2: {  	s28 =	rddreg [dreg:$0xa];
	[sflag:s25] =	ssyncadd.s32 $0xFFFFD800  }
0x1a3: {  	[tilespmem:s18], [sflag:$0x2] =	stream.indirect.gather [hbm4b:s6+s17], $0x80, s28, s17, $0xb8;
	[tilespmem:$0x1CD80] =	vst v63  }
0x1a4: {  	_ =	swait.ge [sflag:s31], $0x2800  }
0x1a5: {  	[sflag:s31] =	ssyncset.done $0x0  }
0x1a6: {  	s28 =	simm.s32 $0x14B80;
	[sflag:s31] =	ssyncadd.s32 $0xFFFFD800  }
0x1a7: {  	[spmem:s3] =	stream.indirect.scatter.add.f32 [tilespmem:s19], [sflag:$0x8], $0x80, s28, s17, $0xb8;
	[tilespmem:$0x1CD80] =	vst v63  }
0x1a8: {  	_ = 	snop  }
0x1a9: {  	[spmem:s4] =	stream.indirect.scatter.add.f32 [tilespmem:s21], [sflag:$0x9], $0x1, s28, s17, $0xb8;
	[tilespmem:$0x1CD80] =	vst v63  }
0x1aa: {  	_ =	swait.ge [sflag:s30], $0x50  }
0x1ab: {  	[sflag:s30] =	ssyncset.done $0x0  }
0x1ac: {  	[sflag:s30] =	ssyncadd.s32 $0xFFFFFFB0  }
0x1ad: {  	_ =	swait.ge [sflag:s9], $0x2800  }
0x1ae: {  	[sflag:s9] =	ssyncset.done $0x0  }
0x1af: {  	s28 =	rddreg [dreg:$0xb];
	[sflag:s9] =	ssyncadd.s32 $0xFFFFD800  }
0x1b0: {  	[tilespmem:s19], [sflag:$0x5] =	stream.indirect.gather [hbm4b:s6+s17], $0x80, s28, s17, $0xb8;
	[tilespmem:$0x1CD80] =	vst v63  }
0x1b1: {  	_ =	swait.ge [sflag:s20], $0x2800  }
0x1b2: {  	[sflag:s20] =	ssyncset.done $0x0  }
0x1b3: {  	s28 =	simm.s32 $0x14C00;
	[sflag:s20] =	ssyncadd.s32 $0xFFFFD800  }
0x1b4: {  	[spmem:s3] =	stream.indirect.scatter.add.f32 [tilespmem:s29], [sflag:$0x6], $0x80, s28, s17, $0xb8;
	[tilespmem:$0x1CD80] =	vst v63  }
0x1b5: {  	_ = 	snop  }
0x1b6: {  	[spmem:s4] =	stream.indirect.scatter.add.f32 [tilespmem:s21], [sflag:$0x9], $0x1, s28, s17, $0xb8;
	[tilespmem:$0x1CD80] =	vst v63  }
0x1b7: {  	_ =	swait.ge [sflag:s30], $0x50  }
0x1b8: {  	[sflag:s30] =	ssyncset.done $0x0  }
0x1b9: {  	[sflag:s30] =	ssyncadd.s32 $0xFFFFFFB0  }
0x1ba: {  	_ =	swait.ge [sflag:s22], $0x2800  }
0x1bb: {  	[sflag:s22] =	ssyncset.done $0x0  }
0x1bc: {  	s28 =	rddreg [dreg:$0xc];
	[sflag:s22] =	ssyncadd.s32 $0xFFFFD800  }
0x1bd: {  	[tilespmem:s29], [sflag:$0x1] =	stream.indirect.gather [hbm4b:s6+s17], $0x80, s28, s17, $0xb8;
	[tilespmem:$0x1CD80] =	vst v63  }
0x1be: {  	_ =	swait.ge [sflag:s23], $0x2800  }
0x1bf: {  	[sflag:s23] =	ssyncset.done $0x0  }
0x1c0: {  	s28 =	simm.s32 $0x14C80;
	[sflag:s23] =	ssyncadd.s32 $0xFFFFD800  }
0x1c1: {  	[spmem:s3] =	stream.indirect.scatter.add.f32 [tilespmem:s18], [sflag:$0x7], $0x80, s28, s17, $0xb8;
	[tilespmem:$0x1CD80] =	vst v63  }
0x1c2: {  	_ = 	snop  }
0x1c3: {  	[spmem:s4] =	stream.indirect.scatter.add.f32 [tilespmem:s21], [sflag:$0x9], $0x1, s28, s17, $0xb8;
	[tilespmem:$0x1CD80] =	vst v63  }
0x1c4: {  	_ =	swait.ge [sflag:s30], $0x50  }
0x1c5: {  	[sflag:s30] =	ssyncset.done $0x0  }
0x1c6: {  	[sflag:s30] =	ssyncadd.s32 $0xFFFFFFB0  }
0x1c7: {  	_ =	swait.ge [sflag:s25], $0x2800  }
0x1c8: {  	[sflag:s25] =	ssyncset.done $0x0  }
0x1c9: {  	s28 =	rddreg [dreg:$0xd];
	[sflag:s25] =	ssyncadd.s32 $0xFFFFD800  }
0x1ca: {  	[tilespmem:s18], [sflag:$0x2] =	stream.indirect.gather [hbm4b:s6+s17], $0x80, s28, s17, $0xb8;
	[tilespmem:$0x1CD80] =	vst v63  }
0x1cb: {  	_ =	swait.ge [sflag:s31], $0x2800  }
0x1cc: {  	[sflag:s31] =	ssyncset.done $0x0  }
0x1cd: {  	s28 =	simm.s32 $0x14D00;
	[sflag:s31] =	ssyncadd.s32 $0xFFFFD800  }
0x1ce: {  	[spmem:s3] =	stream.indirect.scatter.add.f32 [tilespmem:s19], [sflag:$0x8], $0x80, s28, s17, $0xb8;
	[tilespmem:$0x1CD80] =	vst v63  }
0x1cf: {  	_ = 	snop  }
0x1d0: {  	[spmem:s4] =	stream.indirect.scatter.add.f32 [tilespmem:s21], [sflag:$0x9], $0x1, s28, s17, $0xb8;
	[tilespmem:$0x1CD80] =	vst v63  }
0x1d1: {  	_ =	swait.ge [sflag:s30], $0x50  }
0x1d2: {  	[sflag:s30] =	ssyncset.done $0x0  }
0x1d3: {  	[sflag:s30] =	ssyncadd.s32 $0xFFFFFFB0  }
0x1d4: {  	_ =	swait.ge [sflag:s20], $0x2800  }
0x1d5: {  	[sflag:s20] =	ssyncset.done $0x0  }
0x1d6: {  	s28 =	simm.s32 $0x14D80;
	[sflag:s20] =	ssyncadd.s32 $0xFFFFD800  }
0x1d7: {  	[spmem:s3] =	stream.indirect.scatter.add.f32 [tilespmem:s29], [sflag:$0x6], $0x80, s28, s17, $0xb8;
	[tilespmem:$0x1CD80] =	vst v63  }
0x1d8: {  	_ = 	snop  }
0x1d9: {  	[spmem:s4] =	stream.indirect.scatter.add.f32 [tilespmem:s21], [sflag:$0x9], $0x1, s28, s17, $0xb8;
	[tilespmem:$0x1CD80] =	vst v63  }
0x1da: {  	_ =	swait.ge [sflag:s30], $0x50  }
0x1db: {  	[sflag:s30] =	ssyncset.done $0x0  }
0x1dc: {  	[sflag:s30] =	ssyncadd.s32 $0xFFFFFFB0  }
0x1dd: {  	_ =	swait.ge [sflag:s23], $0x2800  }
0x1de: {  	[sflag:s23] =	ssyncset.done $0x0  }
0x1df: {  	s28 =	simm.s32 $0x14E00;
	[sflag:s23] =	ssyncadd.s32 $0xFFFFD800  }
0x1e0: {  	[spmem:s3] =	stream.indirect.scatter.add.f32 [tilespmem:s18], [sflag:$0x7], $0x80, s28, s17, $0xb8;
	[tilespmem:$0x1CD80] =	vst v63  }
0x1e1: {  	_ = 	snop  }
0x1e2: {  	[spmem:s4] =	stream.indirect.scatter.add.f32 [tilespmem:s21], [sflag:$0x9], $0x1, s28, s17, $0xb8;
	[tilespmem:$0x1CD80] =	vst v63  }
0x1e3: {  	_ =	swait.ge [sflag:s30], $0x50  }
0x1e4: {  	[sflag:s30] =	ssyncset.done $0x0  }
0x1e5: {  	[sflag:s30] =	ssyncadd.s32 $0xFFFFFFB0  }
0x1e6: {  	_ =	swait.ge [sflag:s9], $0x2800  }
0x1e7: {  	[sflag:s9] =	ssyncset.done $0x0  }
0x1e8: {  	[sflag:s9] =	ssyncadd.s32 $0xFFFFD800  }
0x1e9: {  	_ =	swait.ge [sflag:s22], $0x2800  }
0x1ea: {  	[sflag:s22] =	ssyncset.done $0x0  }
0x1eb: {  	[sflag:s22] =	ssyncadd.s32 $0xFFFFD800  }
0x1ec: {  	_ =	swait.ge [sflag:s25], $0x2800  }
0x1ed: {  	[sflag:s25] =	ssyncset.done $0x0  }
0x1ee: {  	s13 =	sadd.s32 $0x100, s13;
	[sflag:s25] =	ssyncadd.s32 $0xFFFFD800  }
0x1ef: {  	[tilespmem:s2], [sflag:$0x3] =	stream.linear.gather [hbm4b:s13+s5], $0x400, $0x38;
	[tilespmem:$0x1CD80] =	vst v63  }
0x1f0: {  	s26 =	sadd.s32 $0x100, s26  }
0x1f1: {  	[tilespmem:s1], [sflag:$0x4] =	stream.linear.gather [hbm4b:s26+s5], $0x400, $0x38;
	[tilespmem:$0x1CD80] =	vst v63  }
0x1f2: {  	_ =	swait.ge [sflag:s0], $0x400  }
0x1f3: {  	[sflag:s0] =	ssyncset.done $0x0  }
0x1f4: {  	[sflag:s0] =	ssyncadd.s32 $0xFFFFFC00  }
0x1f5: {  	_ =	swait.ge [sflag:s16], $0x400  }
0x1f6: {  	[sflag:s16] =	ssyncset.done $0x0  }
0x1f7: {  	[sflag:s16] =	ssyncadd.s32 $0xFFFFFC00  }
0x1f8: {  	[tilespmem:s29], [sflag:$0x1] =	stream.indirect.gather [hbm4b:s6+s17], $0x80, s14, s17, $0xb8;
	[tilespmem:$0x1CD80] =	vst v63  }
0x1f9: {  	s28 =	rddreg [dreg:$0xe]  }
0x1fa: {  	[tilespmem:s18], [sflag:$0x2] =	stream.indirect.gather [hbm4b:s6+s17], $0x80, s28, s17, $0xb8;
	[tilespmem:$0x1CD80] =	vst v63  }
0x1fb: {  	s2 =	rddreg [dreg:$0xf]  }
0x1fc: {  	[tilespmem:s19], [sflag:$0x5] =	stream.indirect.gather [hbm4b:s6+s17], $0x80, s2, s17, $0xb8;
	[tilespmem:$0x1CD80] =	vst v63  }
0x1fd: {  	_ =	swait.ge [sflag:s20], $0x2800  }
0x1fe: {  	[sflag:s20] =	ssyncset.done $0x0  }
0x1ff: {  	[sflag:s20] =	ssyncadd.s32 $0xFFFFD800  }
0x200: {  	[spmem:s3] =	stream.indirect.scatter.add.f32 [tilespmem:s29], [sflag:$0x6], $0x80, s15, s17, $0xb8;
	[tilespmem:$0x1CD80] =	vst v63  }
0x201: {  	_ = 	snop  }
0x202: {  	[spmem:s4] =	stream.indirect.scatter.add.f32 [tilespmem:s21], [sflag:$0x9], $0x1, s15, s17, $0xb8;
	[tilespmem:$0x1CD80] =	vst v63  }
0x203: {  	_ =	swait.ge [sflag:s30], $0x50  }
0x204: {  	[sflag:s30] =	ssyncset.done $0x0  }
0x205: {  	[sflag:s30] =	ssyncadd.s32 $0xFFFFFFB0  }
0x206: {  	_ =	swait.ge [sflag:s22], $0x2800  }
0x207: {  	[sflag:s22] =	ssyncset.done $0x0  }
0x208: {  	s13 =	rddreg [dreg:$0x10];
	[sflag:s22] =	ssyncadd.s32 $0xFFFFD800  }
0x209: {  	[tilespmem:s29], [sflag:$0x1] =	stream.indirect.gather [hbm4b:s6+s17], $0x80, s13, s17, $0xb8;
	[tilespmem:$0x1CD80] =	vst v63  }
0x20a: {  	_ =	swait.ge [sflag:s23], $0x2800  }
0x20b: {  	[sflag:s23] =	ssyncset.done $0x0  }
0x20c: {  	s14 =	simm.s32 $0x14F00;
	[sflag:s23] =	ssyncadd.s32 $0xFFFFD800  }
0x20d: {  	[spmem:s3] =	stream.indirect.scatter.add.f32 [tilespmem:s18], [sflag:$0x7], $0x80, s14, s17, $0xb8;
	[tilespmem:$0x1CD80] =	vst v63  }
0x20e: {  	_ = 	snop  }
0x20f: {  	[spmem:s4] =	stream.indirect.scatter.add.f32 [tilespmem:s21], [sflag:$0x9], $0x1, s14, s17, $0xb8;
	[tilespmem:$0x1CD80] =	vst v63  }
0x210: {  	_ =	swait.ge [sflag:s30], $0x50  }
0x211: {  	[sflag:s30] =	ssyncset.done $0x0  }
0x212: {  	[sflag:s30] =	ssyncadd.s32 $0xFFFFFFB0  }
0x213: {  	_ =	swait.ge [sflag:s25], $0x2800  }
0x214: {  	[sflag:s25] =	ssyncset.done $0x0  }
0x215: {  	s26 =	rddreg [dreg:$0x11];
	[sflag:s25] =	ssyncadd.s32 $0xFFFFD800  }
0x216: {  	[tilespmem:s18], [sflag:$0x2] =	stream.indirect.gather [hbm4b:s6+s17], $0x80, s26, s17, $0xb8;
	[tilespmem:$0x1CD80] =	vst v63  }
0x217: {  	_ =	swait.ge [sflag:s31], $0x2800  }
0x218: {  	[sflag:s31] =	ssyncset.done $0x0  }
0x219: {  	s28 =	simm.s32 $0x14F80;
	[sflag:s31] =	ssyncadd.s32 $0xFFFFD800  }
0x21a: {  	[spmem:s3] =	stream.indirect.scatter.add.f32 [tilespmem:s19], [sflag:$0x8], $0x80, s28, s17, $0xb8;
	[tilespmem:$0x1CD80] =	vst v63  }
0x21b: {  	_ = 	snop  }
0x21c: {  	[spmem:s4] =	stream.indirect.scatter.add.f32 [tilespmem:s21], [sflag:$0x9], $0x1, s28, s17, $0xb8;
	[tilespmem:$0x1CD80] =	vst v63  }
0x21d: {  	_ =	swait.ge [sflag:s30], $0x50  }
0x21e: {  	[sflag:s30] =	ssyncset.done $0x0  }
0x21f: {  	[sflag:s30] =	ssyncadd.s32 $0xFFFFFFB0  }
0x220: {  	_ =	swait.ge [sflag:s9], $0x2800  }
0x221: {  	[sflag:s9] =	ssyncset.done $0x0  }
0x222: {  	s2 =	rddreg [dreg:$0x12];
	[sflag:s9] =	ssyncadd.s32 $0xFFFFD800  }
0x223: {  	[tilespmem:s19], [sflag:$0x5] =	stream.indirect.gather [hbm4b:s6+s17], $0x80, s2, s17, $0xb8;
	[tilespmem:$0x1CD80] =	vst v63  }
0x224: {  	_ =	swait.ge [sflag:s20], $0x2800  }
0x225: {  	[sflag:s20] =	ssyncset.done $0x0  }
0x226: {  	s13 =	simm.s32 $0x15000;
	[sflag:s20] =	ssyncadd.s32 $0xFFFFD800  }
0x227: {  	[spmem:s3] =	stream.indirect.scatter.add.f32 [tilespmem:s29], [sflag:$0x6], $0x80, s13, s17, $0xb8;
	[tilespmem:$0x1CD80] =	vst v63  }
0x228: {  	_ = 	snop  }
0x229: {  	[spmem:s4] =	stream.indirect.scatter.add.f32 [tilespmem:s21], [sflag:$0x9], $0x1, s13, s17, $0xb8;
	[tilespmem:$0x1CD80] =	vst v63  }
0x22a: {  	_ =	swait.ge [sflag:s30], $0x50  }
0x22b: {  	[sflag:s30] =	ssyncset.done $0x0  }
0x22c: {  	[sflag:s30] =	ssyncadd.s32 $0xFFFFFFB0  }
0x22d: {  	_ =	swait.ge [sflag:s22], $0x2800  }
0x22e: {  	[sflag:s22] =	ssyncset.done $0x0  }
0x22f: {  	s14 =	rddreg [dreg:$0x13];
	[sflag:s22] =	ssyncadd.s32 $0xFFFFD800  }
0x230: {  	[tilespmem:s29], [sflag:$0x1] =	stream.indirect.gather [hbm4b:s6+s17], $0x80, s14, s17, $0xb8;
	[tilespmem:$0x1CD80] =	vst v63  }
0x231: {  	_ =	swait.ge [sflag:s23], $0x2800  }
0x232: {  	[sflag:s23] =	ssyncset.done $0x0  }
0x233: {  	s26 =	simm.s32 $0x15080;
	[sflag:s23] =	ssyncadd.s32 $0xFFFFD800  }
0x234: {  	[spmem:s3] =	stream.indirect.scatter.add.f32 [tilespmem:s18], [sflag:$0x7], $0x80, s26, s17, $0xb8;
	[tilespmem:$0x1CD80] =	vst v63  }
0x235: {  	_ = 	snop  }
0x236: {  	[spmem:s4] =	stream.indirect.scatter.add.f32 [tilespmem:s21], [sflag:$0x9], $0x1, s26, s17, $0xb8;
	[tilespmem:$0x1CD80] =	vst v63  }
0x237: {  	_ =	swait.ge [sflag:s30], $0x50  }
0x238: {  	[sflag:s30] =	ssyncset.done $0x0  }
0x239: {  	[sflag:s30] =	ssyncadd.s32 $0xFFFFFFB0  }
0x23a: {  	_ =	swait.ge [sflag:s25], $0x2800  }
0x23b: {  	[sflag:s25] =	ssyncset.done $0x0  }
0x23c: {  	s28 =	rddreg [dreg:$0x14];
	[sflag:s25] =	ssyncadd.s32 $0xFFFFD800  }
0x23d: {  	[tilespmem:s18], [sflag:$0x2] =	stream.indirect.gather [hbm4b:s6+s17], $0x80, s28, s17, $0xb8;
	[tilespmem:$0x1CD80] =	vst v63  }
0x23e: {  	_ =	swait.ge [sflag:s31], $0x2800  }
0x23f: {  	[sflag:s31] =	ssyncset.done $0x0  }
0x240: {  	[sflag:s31] =	ssyncadd.s32 $0xFFFFD800  }
0x241: {  	[spmem:s3] =	stream.indirect.scatter.add.f32 [tilespmem:s19], [sflag:$0x8], $0x80, s24, s17, $0xb8;
	[tilespmem:$0x1CD80] =	vst v63  }
0x242: {  	_ = 	snop  }
0x243: {  	[spmem:s4] =	stream.indirect.scatter.add.f32 [tilespmem:s21], [sflag:$0x9], $0x1, s24, s17, $0xb8;
	[tilespmem:$0x1CD80] =	vst v63  }
0x244: {  	_ =	swait.ge [sflag:s30], $0x50  }
0x245: {  	[sflag:s30] =	ssyncset.done $0x0  }
0x246: {  	[sflag:s30] =	ssyncadd.s32 $0xFFFFFFB0  }
0x247: {  	_ =	swait.ge [sflag:s20], $0x2800  }
0x248: {  	[sflag:s20] =	ssyncset.done $0x0  }
0x249: {  	[sflag:s20] =	ssyncadd.s32 $0xFFFFD800  }
0x24a: {  	[spmem:s3] =	stream.indirect.scatter.add.f32 [tilespmem:s29], [sflag:$0x6], $0x80, s8, s17, $0xb8;
	[tilespmem:$0x1CD80] =	vst v63  }
0x24b: {  	_ = 	snop  }
0x24c: {  	[spmem:s4] =	stream.indirect.scatter.add.f32 [tilespmem:s21], [sflag:$0x9], $0x1, s8, s17, $0xb8;
	[tilespmem:$0x1CD80] =	vst v63  }
0x24d: {  	_ =	swait.ge [sflag:s30], $0x50  }
0x24e: {  	[sflag:s30] =	ssyncset.done $0x0  }
0x24f: {  	[sflag:s30] =	ssyncadd.s32 $0xFFFFFFB0  }
0x250: {  	_ =	swait.ge [sflag:s23], $0x2800  }
0x251: {  	[sflag:s23] =	ssyncset.done $0x0  }
0x252: {  	[sflag:s23] =	ssyncadd.s32 $0xFFFFD800  }
0x253: {  	[spmem:s3] =	stream.indirect.scatter.add.f32 [tilespmem:s18], [sflag:$0x7], $0x80, s10, s17, $0xb8;
	[tilespmem:$0x1CD80] =	vst v63  }
0x254: {  	_ = 	snop  }
0x255: {  	[spmem:s4] =	stream.indirect.scatter.add.f32 [tilespmem:s21], [sflag:$0x9], $0x1, s10, s17, $0xb8;
	[tilespmem:$0x1CD80] =	vst v63  }
0x256: {  	_ =	swait.ge [sflag:s30], $0x50  }
0x257: {  	[sflag:s30] =	ssyncset.done $0x0  }
0x258: {  	[sflag:s30] =	ssyncadd.s32 $0xFFFFFFB0  }
0x259: {  	_ =	swait.ge [sflag:s9], $0x2800  }
0x25a: {  	p0 =	sne.s32 s12, $0xF00;
	[sflag:s9] =	ssyncset.done $0x0  }
.Ltmp0:
0x25b: {  	[sflag:s9] =	ssyncadd.s32 $0xFFFFD800;
	(pc) =	sbr.rel @p0 .LBB2_2-.Ltmp0, $4  }
0x25c: {  	_ =	swait.ge [sflag:s22], $0x2800  }
0x25d: {  	[sflag:s22] =	ssyncset.done $0x0  }
0x25e: {  	[sflag:s22] =	ssyncadd.s32 $0xFFFFD800  }
0x25f: {  	s12 =	sadd.s32 $0x100, s12;
	_ =	swait.ge [sflag:s25], $0x2800  }
0x260: {  	s7 =	rddreg [dreg:$0x6]  }
0x261: {  	s13 =	rddreg [dreg:$0x5]  }
0x262: {  	[sflag:s25] =	ssyncset.done $0x0;
	s14 =	simm.s32 $0x14680;
	s12 =	sadd.s32 s11, s7  }
0x263: {  	[sflag:s25] =	ssyncadd.s32 $0xFFFFD800;
	s11 =	sadd.s32 s11, s13;
	s7 =	sadd.s32 $0x80, s12  }
0x264: {  	[tilespmem:s14], [sflag:$0x3] =	stream.linear.gather [hbm4b:s7+s5], $0x400, $0x38;
	[tilespmem:$0x1CD80] =	vst v63  }
0x265: {  	s2 =	sadd.s32 $0x80, s11  }
0x266: {  	[tilespmem:s15], [sflag:$0x4] =	stream.linear.gather [hbm4b:s2+s5], $0x400, $0x38;
	[tilespmem:$0x1CD80] =	vst v63  }
0x267: {  	_ =	swait.ge [sflag:s0], $0x400  }
0x268: {  	[sflag:s0] =	ssyncset.done $0x0  }
0x269: {  	[sflag:s0] =	ssyncadd.s32 $0xFFFFFC00  }
0x26a: {  	_ =	swait.ge [sflag:s16], $0x400  }
0x26b: {  	[sflag:s16] =	ssyncset.done $0x0  }
0x26c: {  	s2 =	simm.s32 $0x14280;
	[sflag:s16] =	ssyncadd.s32 $0xFFFFFC00  }
0x26d: {  	[tilespmem:s29], [sflag:$0x1] =	stream.indirect.gather [hbm4b:s6+s17], $0x80, s2, s17, $0xb8;
	[tilespmem:$0x1CD80] =	vst v63  }
0x26e: {  	s13 =	rddreg [dreg:$0x7]  }
0x26f: {  	[tilespmem:s18], [sflag:$0x2] =	stream.indirect.gather [hbm4b:s6+s17], $0x80, s13, s17, $0xb8;
	[tilespmem:$0x1CD80] =	vst v63  }
0x270: {  	s26 =	rddreg [dreg:$0x8]  }
0x271: {  	[tilespmem:s19], [sflag:$0x5] =	stream.indirect.gather [hbm4b:s6+s17], $0x80, s26, s17, $0xb8;
	[tilespmem:$0x1CD80] =	vst v63  }
0x272: {  	_ =	swait.ge [sflag:s20], $0x2800  }
0x273: {  	[sflag:s20] =	ssyncset.done $0x0  }
0x274: {  	[sflag:s20] =	ssyncadd.s32 $0xFFFFD800  }
0x275: {  	[spmem:s3] =	stream.indirect.scatter.add.f32 [tilespmem:s29], [sflag:$0x6], $0x80, s1, s17, $0xb8;
	[tilespmem:$0x1CD80] =	vst v63  }
0x276: {  	_ = 	snop  }
0x277: {  	[spmem:s4] =	stream.indirect.scatter.add.f32 [tilespmem:s21], [sflag:$0x9], $0x1, s1, s17, $0xb8;
	[tilespmem:$0x1CD80] =	vst v63  }
0x278: {  	_ =	swait.ge [sflag:s30], $0x50  }
0x279: {  	[sflag:s30] =	ssyncset.done $0x0  }
0x27a: {  	[sflag:s30] =	ssyncadd.s32 $0xFFFFFFB0  }
0x27b: {  	_ =	swait.ge [sflag:s22], $0x2800  }
0x27c: {  	[sflag:s22] =	ssyncset.done $0x0  }
0x27d: {  	s26 =	rddreg [dreg:$0x9];
	[sflag:s22] =	ssyncadd.s32 $0xFFFFD800  }
0x27e: {  	[tilespmem:s29], [sflag:$0x1] =	stream.indirect.gather [hbm4b:s6+s17], $0x80, s26, s17, $0xb8;
	[tilespmem:$0x1CD80] =	vst v63  }
0x27f: {  	_ =	swait.ge [sflag:s23], $0x2800  }
0x280: {  	[sflag:s23] =	ssyncset.done $0x0  }
0x281: {  	s13 =	simm.s32 $0x14B00;
	[sflag:s23] =	ssyncadd.s32 $0xFFFFD800  }
0x282: {  	[spmem:s3] =	stream.indirect.scatter.add.f32 [tilespmem:s18], [sflag:$0x7], $0x80, s13, s17, $0xb8;
	[tilespmem:$0x1CD80] =	vst v63  }
0x283: {  	_ = 	snop  }
0x284: {  	[spmem:s4] =	stream.indirect.scatter.add.f32 [tilespmem:s21], [sflag:$0x9], $0x1, s13, s17, $0xb8;
	[tilespmem:$0x1CD80] =	vst v63  }
0x285: {  	_ =	swait.ge [sflag:s30], $0x50  }
0x286: {  	[sflag:s30] =	ssyncset.done $0x0  }
0x287: {  	[sflag:s30] =	ssyncadd.s32 $0xFFFFFFB0  }
0x288: {  	_ =	swait.ge [sflag:s25], $0x2800  }
0x289: {  	[sflag:s25] =	ssyncset.done $0x0  }
0x28a: {  	s26 =	rddreg [dreg:$0xa];
	[sflag:s25] =	ssyncadd.s32 $0xFFFFD800  }
0x28b: {  	[tilespmem:s18], [sflag:$0x2] =	stream.indirect.gather [hbm4b:s6+s17], $0x80, s26, s17, $0xb8;
	[tilespmem:$0x1CD80] =	vst v63  }
0x28c: {  	_ =	swait.ge [sflag:s31], $0x2800  }
0x28d: {  	[sflag:s31] =	ssyncset.done $0x0  }
0x28e: {  	s13 =	simm.s32 $0x14B80;
	[sflag:s31] =	ssyncadd.s32 $0xFFFFD800  }
0x28f: {  	[spmem:s3] =	stream.indirect.scatter.add.f32 [tilespmem:s19], [sflag:$0x8], $0x80, s13, s17, $0xb8;
	[tilespmem:$0x1CD80] =	vst v63  }
0x290: {  	_ = 	snop  }
0x291: {  	[spmem:s4] =	stream.indirect.scatter.add.f32 [tilespmem:s21], [sflag:$0x9], $0x1, s13, s17, $0xb8;
	[tilespmem:$0x1CD80] =	vst v63  }
0x292: {  	_ =	swait.ge [sflag:s30], $0x50  }
0x293: {  	[sflag:s30] =	ssyncset.done $0x0  }
0x294: {  	[sflag:s30] =	ssyncadd.s32 $0xFFFFFFB0  }
0x295: {  	_ =	swait.ge [sflag:s9], $0x2800  }
0x296: {  	[sflag:s9] =	ssyncset.done $0x0  }
0x297: {  	s26 =	rddreg [dreg:$0xb];
	[sflag:s9] =	ssyncadd.s32 $0xFFFFD800  }
0x298: {  	[tilespmem:s19], [sflag:$0x5] =	stream.indirect.gather [hbm4b:s6+s17], $0x80, s26, s17, $0xb8;
	[tilespmem:$0x1CD80] =	vst v63  }
0x299: {  	_ =	swait.ge [sflag:s20], $0x2800  }
0x29a: {  	[sflag:s20] =	ssyncset.done $0x0  }
0x29b: {  	s13 =	simm.s32 $0x14C00;
	[sflag:s20] =	ssyncadd.s32 $0xFFFFD800  }
0x29c: {  	[spmem:s3] =	stream.indirect.scatter.add.f32 [tilespmem:s29], [sflag:$0x6], $0x80, s13, s17, $0xb8;
	[tilespmem:$0x1CD80] =	vst v63  }
0x29d: {  	_ = 	snop  }
0x29e: {  	[spmem:s4] =	stream.indirect.scatter.add.f32 [tilespmem:s21], [sflag:$0x9], $0x1, s13, s17, $0xb8;
	[tilespmem:$0x1CD80] =	vst v63  }
0x29f: {  	_ =	swait.ge [sflag:s30], $0x50  }
0x2a0: {  	[sflag:s30] =	ssyncset.done $0x0  }
0x2a1: {  	[sflag:s30] =	ssyncadd.s32 $0xFFFFFFB0  }
0x2a2: {  	_ =	swait.ge [sflag:s22], $0x2800  }
0x2a3: {  	[sflag:s22] =	ssyncset.done $0x0  }
0x2a4: {  	s26 =	rddreg [dreg:$0xc];
	[sflag:s22] =	ssyncadd.s32 $0xFFFFD800  }
0x2a5: {  	[tilespmem:s29], [sflag:$0x1] =	stream.indirect.gather [hbm4b:s6+s17], $0x80, s26, s17, $0xb8;
	[tilespmem:$0x1CD80] =	vst v63  }
0x2a6: {  	_ =	swait.ge [sflag:s23], $0x2800  }
0x2a7: {  	[sflag:s23] =	ssyncset.done $0x0  }
0x2a8: {  	s13 =	simm.s32 $0x14C80;
	[sflag:s23] =	ssyncadd.s32 $0xFFFFD800  }
0x2a9: {  	[spmem:s3] =	stream.indirect.scatter.add.f32 [tilespmem:s18], [sflag:$0x7], $0x80, s13, s17, $0xb8;
	[tilespmem:$0x1CD80] =	vst v63  }
0x2aa: {  	_ = 	snop  }
0x2ab: {  	[spmem:s4] =	stream.indirect.scatter.add.f32 [tilespmem:s21], [sflag:$0x9], $0x1, s13, s17, $0xb8;
	[tilespmem:$0x1CD80] =	vst v63  }
0x2ac: {  	_ =	swait.ge [sflag:s30], $0x50  }
0x2ad: {  	[sflag:s30] =	ssyncset.done $0x0  }
0x2ae: {  	[sflag:s30] =	ssyncadd.s32 $0xFFFFFFB0  }
0x2af: {  	_ =	swait.ge [sflag:s25], $0x2800  }
0x2b0: {  	[sflag:s25] =	ssyncset.done $0x0  }
0x2b1: {  	s26 =	rddreg [dreg:$0xd];
	[sflag:s25] =	ssyncadd.s32 $0xFFFFD800  }
0x2b2: {  	[tilespmem:s18], [sflag:$0x2] =	stream.indirect.gather [hbm4b:s6+s17], $0x80, s26, s17, $0xb8;
	[tilespmem:$0x1CD80] =	vst v63  }
0x2b3: {  	_ =	swait.ge [sflag:s31], $0x2800  }
0x2b4: {  	[sflag:s31] =	ssyncset.done $0x0  }
0x2b5: {  	s13 =	simm.s32 $0x14D00;
	[sflag:s31] =	ssyncadd.s32 $0xFFFFD800  }
0x2b6: {  	[spmem:s3] =	stream.indirect.scatter.add.f32 [tilespmem:s19], [sflag:$0x8], $0x80, s13, s17, $0xb8;
	[tilespmem:$0x1CD80] =	vst v63  }
0x2b7: {  	_ = 	snop  }
0x2b8: {  	[spmem:s4] =	stream.indirect.scatter.add.f32 [tilespmem:s21], [sflag:$0x9], $0x1, s13, s17, $0xb8;
	[tilespmem:$0x1CD80] =	vst v63  }
0x2b9: {  	_ =	swait.ge [sflag:s30], $0x50  }
0x2ba: {  	[sflag:s30] =	ssyncset.done $0x0  }
0x2bb: {  	[sflag:s30] =	ssyncadd.s32 $0xFFFFFFB0  }
0x2bc: {  	_ =	swait.ge [sflag:s20], $0x2800  }
0x2bd: {  	[sflag:s20] =	ssyncset.done $0x0  }
0x2be: {  	s26 =	simm.s32 $0x14D80;
	[sflag:s20] =	ssyncadd.s32 $0xFFFFD800  }
0x2bf: {  	[spmem:s3] =	stream.indirect.scatter.add.f32 [tilespmem:s29], [sflag:$0x6], $0x80, s26, s17, $0xb8;
	[tilespmem:$0x1CD80] =	vst v63  }
0x2c0: {  	_ = 	snop  }
0x2c1: {  	[spmem:s4] =	stream.indirect.scatter.add.f32 [tilespmem:s21], [sflag:$0x9], $0x1, s26, s17, $0xb8;
	[tilespmem:$0x1CD80] =	vst v63  }
0x2c2: {  	_ =	swait.ge [sflag:s30], $0x50  }
0x2c3: {  	[sflag:s30] =	ssyncset.done $0x0  }
0x2c4: {  	[sflag:s30] =	ssyncadd.s32 $0xFFFFFFB0  }
0x2c5: {  	_ =	swait.ge [sflag:s23], $0x2800  }
0x2c6: {  	[sflag:s23] =	ssyncset.done $0x0  }
0x2c7: {  	s13 =	simm.s32 $0x14E00;
	[sflag:s23] =	ssyncadd.s32 $0xFFFFD800  }
0x2c8: {  	[spmem:s3] =	stream.indirect.scatter.add.f32 [tilespmem:s18], [sflag:$0x7], $0x80, s13, s17, $0xb8;
	[tilespmem:$0x1CD80] =	vst v63  }
0x2c9: {  	_ = 	snop  }
0x2ca: {  	[spmem:s4] =	stream.indirect.scatter.add.f32 [tilespmem:s21], [sflag:$0x9], $0x1, s13, s17, $0xb8;
	[tilespmem:$0x1CD80] =	vst v63  }
0x2cb: {  	_ =	swait.ge [sflag:s30], $0x50  }
0x2cc: {  	[sflag:s30] =	ssyncset.done $0x0  }
0x2cd: {  	[sflag:s30] =	ssyncadd.s32 $0xFFFFFFB0  }
0x2ce: {  	_ =	swait.ge [sflag:s9], $0x2800  }
0x2cf: {  	[sflag:s9] =	ssyncset.done $0x0  }
0x2d0: {  	[sflag:s9] =	ssyncadd.s32 $0xFFFFD800  }
0x2d1: {  	_ =	swait.ge [sflag:s22], $0x2800  }
0x2d2: {  	[sflag:s22] =	ssyncset.done $0x0  }
0x2d3: {  	[sflag:s22] =	ssyncadd.s32 $0xFFFFD800  }
0x2d4: {  	_ =	swait.ge [sflag:s25], $0x2800  }
0x2d5: {  	[sflag:s25] =	ssyncset.done $0x0  }
0x2d6: {  	s26 =	sadd.s32 $0x100, s12;
	[sflag:s25] =	ssyncadd.s32 $0xFFFFD800  }
0x2d7: {  	[tilespmem:s2], [sflag:$0x3] =	stream.linear.gather [hbm4b:s26+s5], $0x400, $0x38;
	[tilespmem:$0x1CD80] =	vst v63  }
0x2d8: {  	s12 =	sadd.s32 $0x100, s11  }
0x2d9: {  	[tilespmem:s1], [sflag:$0x4] =	stream.linear.gather [hbm4b:s12+s5], $0x400, $0x38;
	[tilespmem:$0x1CD80] =	vst v63  }
0x2da: {  	_ =	swait.ge [sflag:s0], $0x400  }
0x2db: {  	[sflag:s0] =	ssyncset.done $0x0  }
0x2dc: {  	[sflag:s0] =	ssyncadd.s32 $0xFFFFFC00  }
0x2dd: {  	_ =	swait.ge [sflag:s16], $0x400  }
0x2de: {  	[sflag:s16] =	ssyncset.done $0x0  }
0x2df: {  	[sflag:s16] =	ssyncadd.s32 $0xFFFFFC00  }
0x2e0: {  	[tilespmem:s29], [sflag:$0x1] =	stream.indirect.gather [hbm4b:s6+s17], $0x80, s14, s17, $0xb8;
	[tilespmem:$0x1CD80] =	vst v63  }
0x2e1: {  	s13 =	rddreg [dreg:$0xe]  }
0x2e2: {  	[tilespmem:s18], [sflag:$0x2] =	stream.indirect.gather [hbm4b:s6+s17], $0x80, s13, s17, $0xb8;
	[tilespmem:$0x1CD80] =	vst v63  }
0x2e3: {  	s26 =	rddreg [dreg:$0xf]  }
0x2e4: {  	[tilespmem:s19], [sflag:$0x5] =	stream.indirect.gather [hbm4b:s6+s17], $0x80, s26, s17, $0xb8;
	[tilespmem:$0x1CD80] =	vst v63  }
0x2e5: {  	_ =	swait.ge [sflag:s20], $0x2800  }
0x2e6: {  	[sflag:s20] =	ssyncset.done $0x0  }
0x2e7: {  	[sflag:s20] =	ssyncadd.s32 $0xFFFFD800  }
0x2e8: {  	[spmem:s3] =	stream.indirect.scatter.add.f32 [tilespmem:s29], [sflag:$0x6], $0x80, s15, s17, $0xb8;
	[tilespmem:$0x1CD80] =	vst v63  }
0x2e9: {  	_ = 	snop  }
0x2ea: {  	[spmem:s4] =	stream.indirect.scatter.add.f32 [tilespmem:s21], [sflag:$0x9], $0x1, s15, s17, $0xb8;
	[tilespmem:$0x1CD80] =	vst v63  }
0x2eb: {  	_ =	swait.ge [sflag:s30], $0x50  }
0x2ec: {  	[sflag:s30] =	ssyncset.done $0x0  }
0x2ed: {  	[sflag:s30] =	ssyncadd.s32 $0xFFFFFFB0  }
0x2ee: {  	_ =	swait.ge [sflag:s22], $0x2800  }
0x2ef: {  	[sflag:s22] =	ssyncset.done $0x0  }
0x2f0: {  	s2 =	rddreg [dreg:$0x10];
	[sflag:s22] =	ssyncadd.s32 $0xFFFFD800  }
0x2f1: {  	[tilespmem:s29], [sflag:$0x1] =	stream.indirect.gather [hbm4b:s6+s17], $0x80, s2, s17, $0xb8;
	[tilespmem:$0x1CD80] =	vst v63  }
0x2f2: {  	_ =	swait.ge [sflag:s23], $0x2800  }
0x2f3: {  	[sflag:s23] =	ssyncset.done $0x0  }
0x2f4: {  	s11 =	simm.s32 $0x14F00;
	[sflag:s23] =	ssyncadd.s32 $0xFFFFD800  }
0x2f5: {  	[spmem:s3] =	stream.indirect.scatter.add.f32 [tilespmem:s18], [sflag:$0x7], $0x80, s11, s17, $0xb8;
	[tilespmem:$0x1CD80] =	vst v63  }
0x2f6: {  	_ = 	snop  }
0x2f7: {  	[spmem:s4] =	stream.indirect.scatter.add.f32 [tilespmem:s21], [sflag:$0x9], $0x1, s11, s17, $0xb8;
	[tilespmem:$0x1CD80] =	vst v63  }
0x2f8: {  	_ =	swait.ge [sflag:s30], $0x50  }
0x2f9: {  	[sflag:s30] =	ssyncset.done $0x0  }
0x2fa: {  	[sflag:s30] =	ssyncadd.s32 $0xFFFFFFB0  }
0x2fb: {  	_ =	swait.ge [sflag:s25], $0x2800  }
0x2fc: {  	[sflag:s25] =	ssyncset.done $0x0  }
0x2fd: {  	s12 =	rddreg [dreg:$0x11];
	[sflag:s25] =	ssyncadd.s32 $0xFFFFD800  }
0x2fe: {  	[tilespmem:s18], [sflag:$0x2] =	stream.indirect.gather [hbm4b:s6+s17], $0x80, s12, s17, $0xb8;
	[tilespmem:$0x1CD80] =	vst v63  }
0x2ff: {  	_ =	swait.ge [sflag:s31], $0x2800  }
0x300: {  	[sflag:s31] =	ssyncset.done $0x0  }
0x301: {  	s13 =	simm.s32 $0x14F80;
	[sflag:s31] =	ssyncadd.s32 $0xFFFFD800  }
0x302: {  	[spmem:s3] =	stream.indirect.scatter.add.f32 [tilespmem:s19], [sflag:$0x8], $0x80, s13, s17, $0xb8;
	[tilespmem:$0x1CD80] =	vst v63  }
0x303: {  	_ = 	snop  }
0x304: {  	[spmem:s4] =	stream.indirect.scatter.add.f32 [tilespmem:s21], [sflag:$0x9], $0x1, s13, s17, $0xb8;
	[tilespmem:$0x1CD80] =	vst v63  }
0x305: {  	_ =	swait.ge [sflag:s30], $0x50  }
0x306: {  	[sflag:s30] =	ssyncset.done $0x0  }
0x307: {  	[sflag:s30] =	ssyncadd.s32 $0xFFFFFFB0  }
0x308: {  	_ =	swait.ge [sflag:s9], $0x2800  }
0x309: {  	[sflag:s9] =	ssyncset.done $0x0  }
0x30a: {  	s14 =	rddreg [dreg:$0x12];
	[sflag:s9] =	ssyncadd.s32 $0xFFFFD800  }
0x30b: {  	[tilespmem:s19], [sflag:$0x5] =	stream.indirect.gather [hbm4b:s6+s17], $0x80, s14, s17, $0xb8;
	[tilespmem:$0x1CD80] =	vst v63  }
0x30c: {  	_ =	swait.ge [sflag:s20], $0x2800  }
0x30d: {  	[sflag:s20] =	ssyncset.done $0x0  }
0x30e: {  	s26 =	simm.s32 $0x15000;
	[sflag:s20] =	ssyncadd.s32 $0xFFFFD800  }
0x30f: {  	[spmem:s3] =	stream.indirect.scatter.add.f32 [tilespmem:s29], [sflag:$0x6], $0x80, s26, s17, $0xb8;
	[tilespmem:$0x1CD80] =	vst v63  }
0x310: {  	_ = 	snop  }
0x311: {  	[spmem:s4] =	stream.indirect.scatter.add.f32 [tilespmem:s21], [sflag:$0x9], $0x1, s26, s17, $0xb8;
	[tilespmem:$0x1CD80] =	vst v63  }
0x312: {  	_ =	swait.ge [sflag:s30], $0x50  }
0x313: {  	[sflag:s30] =	ssyncset.done $0x0  }
0x314: {  	[sflag:s30] =	ssyncadd.s32 $0xFFFFFFB0  }
0x315: {  	_ =	swait.ge [sflag:s22], $0x2800  }
0x316: {  	[sflag:s22] =	ssyncset.done $0x0  }
0x317: {  	s2 =	rddreg [dreg:$0x13];
	[sflag:s22] =	ssyncadd.s32 $0xFFFFD800  }
0x318: {  	[tilespmem:s29], [sflag:$0x1] =	stream.indirect.gather [hbm4b:s6+s17], $0x80, s2, s17, $0xb8;
	[tilespmem:$0x1CD80] =	vst v63  }
0x319: {  	_ =	swait.ge [sflag:s23], $0x2800  }
0x31a: {  	[sflag:s23] =	ssyncset.done $0x0  }
0x31b: {  	s7 =	simm.s32 $0x15080;
	[sflag:s23] =	ssyncadd.s32 $0xFFFFD800  }
0x31c: {  	[spmem:s3] =	stream.indirect.scatter.add.f32 [tilespmem:s18], [sflag:$0x7], $0x80, s7, s17, $0xb8;
	[tilespmem:$0x1CD80] =	vst v63  }
0x31d: {  	_ = 	snop  }
0x31e: {  	[spmem:s4] =	stream.indirect.scatter.add.f32 [tilespmem:s21], [sflag:$0x9], $0x1, s7, s17, $0xb8;
	[tilespmem:$0x1CD80] =	vst v63  }
0x31f: {  	_ =	swait.ge [sflag:s30], $0x50  }
0x320: {  	[sflag:s30] =	ssyncset.done $0x0  }
0x321: {  	[sflag:s30] =	ssyncadd.s32 $0xFFFFFFB0  }
0x322: {  	_ =	swait.ge [sflag:s25], $0x2800  }
0x323: {  	[sflag:s25] =	ssyncset.done $0x0  }
0x324: {  	s11 =	rddreg [dreg:$0x14];
	[sflag:s25] =	ssyncadd.s32 $0xFFFFD800  }
0x325: {  	[tilespmem:s18], [sflag:$0x2] =	stream.indirect.gather [hbm4b:s6+s17], $0x80, s11, s17, $0xb8;
	[tilespmem:$0x1CD80] =	vst v63  }
0x326: {  	_ =	swait.ge [sflag:s31], $0x2800  }
0x327: {  	[sflag:s31] =	ssyncset.done $0x0  }
0x328: {  	[sflag:s31] =	ssyncadd.s32 $0xFFFFD800  }
0x329: {  	[spmem:s3] =	stream.indirect.scatter.add.f32 [tilespmem:s19], [sflag:$0x8], $0x80, s24, s17, $0xb8;
	[tilespmem:$0x1CD80] =	vst v63  }
0x32a: {  	_ = 	snop  }
0x32b: {  	[spmem:s4] =	stream.indirect.scatter.add.f32 [tilespmem:s21], [sflag:$0x9], $0x1, s24, s17, $0xb8;
	[tilespmem:$0x1CD80] =	vst v63  }
0x32c: {  	_ =	swait.ge [sflag:s30], $0x50  }
0x32d: {  	[sflag:s30] =	ssyncset.done $0x0  }
0x32e: {  	[sflag:s30] =	ssyncadd.s32 $0xFFFFFFB0  }
0x32f: {  	_ =	swait.ge [sflag:s20], $0x2800  }
0x330: {  	[sflag:s20] =	ssyncset.done $0x0  }
0x331: {  	[sflag:s20] =	ssyncadd.s32 $0xFFFFD800  }
0x332: {  	[spmem:s3] =	stream.indirect.scatter.add.f32 [tilespmem:s29], [sflag:$0x6], $0x80, s8, s17, $0xb8;
	[tilespmem:$0x1CD80] =	vst v63  }
0x333: {  	_ = 	snop  }
0x334: {  	[spmem:s4] =	stream.indirect.scatter.add.f32 [tilespmem:s21], [sflag:$0x9], $0x1, s8, s17, $0xb8;
	[tilespmem:$0x1CD80] =	vst v63  }
0x335: {  	_ =	swait.ge [sflag:s30], $0x50  }
0x336: {  	[sflag:s30] =	ssyncset.done $0x0  }
0x337: {  	[sflag:s30] =	ssyncadd.s32 $0xFFFFFFB0  }
0x338: {  	_ =	swait.ge [sflag:s23], $0x2800  }
0x339: {  	[sflag:s23] =	ssyncset.done $0x0  }
0x33a: {  	[sflag:s23] =	ssyncadd.s32 $0xFFFFD800  }
0x33b: {  	[spmem:s3] =	stream.indirect.scatter.add.f32 [tilespmem:s18], [sflag:$0x7], $0x80, s10, s17, $0xb8;
	[tilespmem:$0x1CD80] =	vst v63  }
0x33c: {  	_ = 	snop  }
0x33d: {  	[spmem:s4] =	stream.indirect.scatter.add.f32 [tilespmem:s21], [sflag:$0x9], $0x1, s10, s17, $0xb8;
	[tilespmem:$0x1CD80] =	vst v63  }
0x33e: {  	_ =	swait.ge [sflag:s30], $0x50  }
0x33f: {  	[sflag:s30] =	ssyncset.done $0x0  }
0x340: {  	[sflag:s30] =	ssyncadd.s32 $0xFFFFFFB0  }
0x341: {  	_ =	swait.ge [sflag:s9], $0x2800  }
0x342: {  	[sflag:s9] =	ssyncset.done $0x0  }
0x343: {  	[sflag:s9] =	ssyncadd.s32 $0xFFFFD800  }
0x344: {  	_ =	swait.ge [sflag:s22], $0x2800  }
0x345: {  	[sflag:s22] =	ssyncset.done $0x0  }
0x346: {  	[sflag:s22] =	ssyncadd.s32 $0xFFFFD800  }
0x347: {  	_ =	swait.ge [sflag:s25], $0x2800  }
0x348: {  	[sflag:s25] =	ssyncset.done $0x0  }
0x349: {  	[sflag:s25] =	ssyncadd.s32 $0xFFFFD800  }
0x34a: {  	_ =	swait.ge [sflag:s0], $0x400  }
0x34b: {  	[sflag:s0] =	ssyncset.done $0x0  }
0x34c: {  	[sflag:s0] =	ssyncadd.s32 $0xFFFFFC00  }
0x34d: {  	_ =	swait.ge [sflag:s16], $0x400  }
0x34e: {  	[sflag:s16] =	ssyncset.done $0x0  }
0x34f: {  	[sflag:s16] =	ssyncadd.s32 $0xFFFFFC00  }
0x350: {  	[bflag:$0x0] =	sbarrier.arrive $0xFFFF  }
0x351: {  	s14 =	rddreg [dreg:$0x15]  }
0x352: {  	[tilespmem:s29], [sflag:$0x1] =	stream.linear.gather [spmem:s14], $0x2800, $0x38;
	[tilespmem:$0x1CD80] =	vst v63  }
0x353: {  	s12 =	rddreg [dreg:$0x16]  }
0x354: {  	[tilespmem:s18], [sflag:$0x2] =	stream.linear.gather [spmem:s12], $0x2800, $0x38;
	[tilespmem:$0x1CD80] =	vst v63  }
0x355: {  	_ =	swait.ge [sflag:s20], $0x2800  }
0x356: {  	[sflag:s20] =	ssyncset.done $0x0  }
0x357: {  	s13 =	rddreg [dreg:$0x1e];
	[sflag:s20] =	ssyncadd.s32 $0xFFFFD800  }
0x358: {  	[hbm4b:s13+s5] =	stream.linear.scatter [tilespmem:s29], [sflag:$0x3], $0x2800, $0x38;
	[tilespmem:$0x1CD80] =	vst v63  }
0x359: {  	_ =	swait.ge [sflag:s0], $0x2800  }
0x35a: {  	[sflag:s0] =	ssyncset.done $0x0  }
0x35b: {  	s26 =	rddreg [dreg:$0x17];
	[sflag:s0] =	ssyncadd.s32 $0xFFFFD800  }
0x35c: {  	[tilespmem:s29], [sflag:$0x1] =	stream.linear.gather [spmem:s26], $0x2800, $0x38;
	[tilespmem:$0x1CD80] =	vst v63  }
0x35d: {  	_ =	swait.ge [sflag:s23], $0x2800  }
0x35e: {  	[sflag:s23] =	ssyncset.done $0x0  }
0x35f: {  	s2 =	rddreg [dreg:$0x1f];
	[sflag:s23] =	ssyncadd.s32 $0xFFFFD800  }
0x360: {  	[hbm4b:s2+s5] =	stream.linear.scatter [tilespmem:s18], [sflag:$0x4], $0x2800, $0x38;
	[tilespmem:$0x1CD80] =	vst v63  }
0x361: {  	_ =	swait.ge [sflag:s16], $0x2800  }
0x362: {  	[sflag:s16] =	ssyncset.done $0x0  }
0x363: {  	s11 =	rddreg [dreg:$0x18];
	[sflag:s16] =	ssyncadd.s32 $0xFFFFD800  }
0x364: {  	[tilespmem:s18], [sflag:$0x2] =	stream.linear.gather [spmem:s11], $0x2800, $0x38;
	[tilespmem:$0x1CD80] =	vst v63  }
0x365: {  	_ =	swait.ge [sflag:s20], $0x2800  }
0x366: {  	s12 =	sld [smem:$0x7F4]  }
0x367: {  	[sflag:s20] =	ssyncset.done $0x0  }
0x368: {  	[sflag:s20] =	ssyncadd.s32 $0xFFFFD800  }
0x369: {  	[hbm4b:s12+s5] =	stream.linear.scatter [tilespmem:s29], [sflag:$0x3], $0x2800, $0x38;
	[tilespmem:$0x1CD80] =	vst v63  }
0x36a: {  	_ =	swait.ge [sflag:s0], $0x2800  }
0x36b: {  	[sflag:s0] =	ssyncset.done $0x0  }
0x36c: {  	s12 =	rddreg [dreg:$0x19];
	[sflag:s0] =	ssyncadd.s32 $0xFFFFD800  }
0x36d: {  	[tilespmem:s29], [sflag:$0x1] =	stream.linear.gather [spmem:s12], $0x2800, $0x38;
	[tilespmem:$0x1CD80] =	vst v63  }
0x36e: {  	_ =	swait.ge [sflag:s23], $0x2800  }
0x36f: {  	s13 =	sld [smem:$0x7F5]  }
0x370: {  	[sflag:s23] =	ssyncset.done $0x0  }
0x371: {  	[sflag:s23] =	ssyncadd.s32 $0xFFFFD800  }
0x372: {  	[hbm4b:s13+s5] =	stream.linear.scatter [tilespmem:s18], [sflag:$0x4], $0x2800, $0x38;
	[tilespmem:$0x1CD80] =	vst v63  }
0x373: {  	_ =	swait.ge [sflag:s16], $0x2800  }
0x374: {  	[sflag:s16] =	ssyncset.done $0x0  }
0x375: {  	s13 =	rddreg [dreg:$0x1a];
	[sflag:s16] =	ssyncadd.s32 $0xFFFFD800  }
0x376: {  	[tilespmem:s18], [sflag:$0x2] =	stream.linear.gather [spmem:s13], $0x2800, $0x38;
	[tilespmem:$0x1CD80] =	vst v63  }
0x377: {  	_ =	swait.ge [sflag:s20], $0x2800  }
0x378: {  	s26 =	sld [smem:$0x7F6]  }
0x379: {  	[sflag:s20] =	ssyncset.done $0x0  }
0x37a: {  	[sflag:s20] =	ssyncadd.s32 $0xFFFFD800  }
0x37b: {  	[hbm4b:s26+s5] =	stream.linear.scatter [tilespmem:s29], [sflag:$0x3], $0x2800, $0x38;
	[tilespmem:$0x1CD80] =	vst v63  }
0x37c: {  	_ =	swait.ge [sflag:s0], $0x2800  }
0x37d: {  	s28 =	sld [smem:$0x7FC]  }
0x37e: {  	[sflag:s0] =	ssyncset.done $0x0  }
0x37f: {  	[sflag:s0] =	ssyncadd.s32 $0xFFFFD800  }
0x380: {  	[tilespmem:s29], [sflag:$0x1] =	stream.linear.gather [spmem:s28], $0x2800, $0x38;
	[tilespmem:$0x1CD80] =	vst v63  }
0x381: {  	_ =	swait.ge [sflag:s23], $0x2800  }
0x382: {  	s2 =	sld [smem:$0x7F7]  }
0x383: {  	[sflag:s23] =	ssyncset.done $0x0  }
0x384: {  	[sflag:s23] =	ssyncadd.s32 $0xFFFFD800  }
0x385: {  	[hbm4b:s2+s5] =	stream.linear.scatter [tilespmem:s18], [sflag:$0x4], $0x2800, $0x38;
	[tilespmem:$0x1CD80] =	vst v63  }
0x386: {  	_ =	swait.ge [sflag:s16], $0x2800  }
0x387: {  	s26 =	sld [smem:$0x7FD]  }
0x388: {  	[sflag:s16] =	ssyncset.done $0x0  }
0x389: {  	[sflag:s16] =	ssyncadd.s32 $0xFFFFD800  }
0x38a: {  	[tilespmem:s18], [sflag:$0x2] =	stream.linear.gather [spmem:s26], $0x2800, $0x38;
	[tilespmem:$0x1CD80] =	vst v63  }
0x38b: {  	_ =	swait.ge [sflag:s20], $0x2800  }
0x38c: {  	s11 =	sld [smem:$0x7F8]  }
0x38d: {  	[sflag:s20] =	ssyncset.done $0x0  }
0x38e: {  	[sflag:s20] =	ssyncadd.s32 $0xFFFFD800  }
0x38f: {  	[hbm4b:s11+s5] =	stream.linear.scatter [tilespmem:s29], [sflag:$0x3], $0x2800, $0x38;
	[tilespmem:$0x1CD80] =	vst v63  }
0x390: {  	_ =	swait.ge [sflag:s23], $0x2800  }
0x391: {  	s2 =	sld [smem:$0x7F9]  }
0x392: {  	[sflag:s23] =	ssyncset.done $0x0  }
0x393: {  	[sflag:s23] =	ssyncadd.s32 $0xFFFFD800  }
0x394: {  	[hbm4b:s2+s5] =	stream.linear.scatter [tilespmem:s18], [sflag:$0x4], $0x2800, $0x38;
	[tilespmem:$0x1CD80] =	vst v63  }
0x395: {  	_ =	swait.ge [sflag:s0], $0x2800  }
0x396: {  	[sflag:s0] =	ssyncset.done $0x0  }
0x397: {  	[sflag:s0] =	ssyncadd.s32 $0xFFFFD800  }
0x398: {  	_ =	swait.ge [sflag:s16], $0x2800  }
0x399: {  	[sflag:s16] =	ssyncset.done $0x0  }
0x39a: {  	s11 =	simm.s32 $0x1CB00;
	s7 =	rddreg [dreg:$0x1b];
	[sflag:s16] =	ssyncadd.s32 $0xFFFFD800  }
0x39b: {  	[tilespmem:s11], [sflag:$0x9] =	stream.linear.gather [spmem:s7], $0x280, $0x38;
	[tilespmem:$0x1CD80] =	vst v63  }
0x39c: {  	_ =	swait.ge [sflag:s30], $0x280  }
0x39d: {  	s2 =	sld [smem:$0x7FA]  }
0x39e: {  	[sflag:s30] =	ssyncset.done $0x0  }
0x39f: {  	[sflag:s30] =	ssyncadd.s32 $0xFFFFFD80  }
0x3a0: {  	[hbm4b:s2+s5] =	stream.linear.scatter [tilespmem:s11], [sflag:$0x9], $0x280, $0x38;
	[tilespmem:$0x1CD80] =	vst v63  }
0x3a1: {  	_ =	swait.ge [sflag:s30], $0x280  }
0x3a2: {  	s7 =	sld [smem:$0x7F3];
	_ =	sdelay $0x2  }
0x3a3: {  	s2 =	sadd.s32 $0x1, s7;
	s7 =	sld [smem:$0x7FB];
	_ =	sdelay $0x2  }
0x3a4: {  	p0 =	sne.s32 s2, s7  }
.Ltmp1:
0x3a5: {  	_ = 	snop;
	(pc) =	sbr.rel @p0 .LBB2_1-.Ltmp1, $3  }
0x3a6: {  	_ =	sdelay $0x1  }
0x3a7: {  	[sflag:s30] =	ssyncset.done $0x0  }
0x3a8: {  	[sflag:s30] =	ssyncadd.s32 $0xFFFFFD80  }
0x3a9: {  	_ =	sfence.sel $0x180000  }
0x3aa: {  	[bflag:$0x0] =	sbarrier.arrive $0xFFFF  }
0x3ab: {  	_ =	strace $0x90000047  }
0x3ac: {  	s0 =	stileid.u32;
	[bflag:$0x2] =	sbarrier.arrive $0xFFFF  }
0x3ad: {  	p0 =	sne.s32 s0, $0x0;
	s0 =	rddreg [dreg:$0x4]  }
0x3ae: {  	s0 =	sadd.s32 @!p0 $0x100000, s0  }
0x3af: {  	[sflag:s0] =	ssyncadd.tile.s32 @!p0 $0x1;
	_ =	shalt  }
.Lfunc_end2:
_tile_overlayer_lowered:
.L_overlay_start_2:
0x3b0: {  	(tag) =	ssettag $0x2  }
0x3b1: {  	s0 =	rddreg [dreg:$0x0];
	s2 =	stileid.u32  }
0x3b2: {  	s1 =	rddreg [dreg:$0x1];
	p0 =	sne.s32 s2, $0x0  }
0x3b3: {  	s3 =	rddreg [dreg:$0x2];
	[bflag:$0x3] =	sbarrier.arrive $0xFFFF;
	s2 =	simm.s32 @!p0 $0x1C09  }
0x3b4: {  	[timem:s3], [sflag:s2] =	dma.local @!p0 [hbm:s0], s1  }
0x3b5: {  	s0 =	simm.s32 @!p0 $0x9  }
0x3b6: {  	_ =	swait.ge @!p0 [sflag:s0], s1  }
0x3b7: {  	s1 =	ssub.s32 @!p0 $0x0, s1;
	[sflag:s0] =	ssyncset.done @!p0 $0x0  }
0x3b8: {  	[sflag:s0] =	ssyncadd.s32 @!p0 s1  }
0x3b9: {  	[bflag:$0x3] =	sbarrier.arrive $0xFFFF  }
0x3ba: {  	_ =	shalt  }

</sc_bundles>
